<compile_context>
chip_gen: v7x
topology: tpu7x:2x2x1
jax: 0.10.2.dev20260603
libtpu: 0.0.44.dev20260713+nightly
codegen_flags: <defaults>
</compile_context>

<pallas_src>
import functools

import jax
import jax.numpy as jnp
from jax import lax
from jax.experimental import pallas as pl
from jax.experimental.pallas import tpu as pltpu
from jax.experimental.pallas import tpu_sc as plsc

NC = 2
NS = 16
LANES = 128
MC = 16


def _sc_mesh():
    return plsc.VectorSubcoreMesh(
        core_axis_name="c", subcore_axis_name="s", num_cores=NC, num_subcores=NS
    )


def _make_deg_kernel(m, na):
    zchunk = na // NS

    @functools.partial(
        pl.kernel,
        out_type=jax.ShapeDtypeStruct((NC, na), jnp.float32),
        mesh=_sc_mesh(),
        scratch_types=[
            pltpu.VMEM((m, LANES), jnp.int32),
            pltpu.VMEM((LANES,), jnp.float32),
            pltpu.VMEM((zchunk,), jnp.float32),
            pltpu.VMEM_SHARED((na,), jnp.float32),
            pltpu.SemaphoreType.DMA,
        ],
    )
    def k(dst_hbm, out_hbm, idx_d, ones, zbuf, dacc, sem):
        c = lax.axis_index("c")
        s = lax.axis_index("s")
        wid = c * NS + s
        z16 = jnp.zeros((16,), jnp.float32)
        o16 = jnp.ones((16,), jnp.float32)

        def zb(i, carry):
            zbuf[pl.ds(i * 16, 16)] = z16
            return carry

        lax.fori_loop(0, zchunk // 16, zb, 0)
        for jj in range(LANES // 16):
            ones[pl.ds(jj * 16, 16)] = o16
        pltpu.sync_copy(zbuf, dacc.at[pl.ds(s * zchunk, zchunk)])
        pltpu.sync_copy(dst_hbm.at[pl.ds(wid * m, m)], idx_d)
        plsc.subcore_barrier()

        def body(jj, carry):
            for b in range(8):
                pltpu.async_copy(ones, dacc.at[idx_d.at[jj * 8 + b]], sem, add=True)
            for b in range(8):
                pltpu.make_async_copy(ones, dacc.at[idx_d.at[jj * 8]], sem).wait()
            return carry

        lax.fori_loop(0, m // 8, body, 0)
        plsc.subcore_barrier()
        pltpu.sync_copy(
            dacc.at[pl.ds(s * zchunk, zchunk)],
            out_hbm.at[c, pl.ds(s * zchunk, zchunk)],
        )

    return k


def _make_row_scatter_kernel(n, d, m, na):
    rows_out = na // NS
    zrows = na // NS // 16

    nch = m // MC

    @functools.partial(
        pl.kernel,
        out_type=jax.ShapeDtypeStruct((NC, na, d), jnp.float32),
        mesh=_sc_mesh(),
        scratch_types=[
            pltpu.VMEM((MC + 2, LANES), jnp.int32),
            pltpu.VMEM((MC, LANES), jnp.int32),
            pltpu.VMEM((2, LANES, d), jnp.float32),
            pltpu.VMEM((16, d), jnp.float32),
            pltpu.VMEM_SHARED((na, d), jnp.float32),
            pltpu.SemaphoreType.DMA,
            pltpu.SemaphoreType.DMA,
        ],
    )
    def k(g_hbm, src_hbm, dst_hbm, out_hbm, idx_s, idx_d, rows, zbuf, acc, sem0, sem1):
        c = lax.axis_index("c")
        s = lax.axis_index("s")
        wid = c * NS + s
        z16 = jnp.zeros((16,), jnp.float32)
        for i in range(16):
            for jj in range(d // 16):
                zbuf[i, pl.ds(jj * 16, 16)] = z16

        def zbody(i, carry):
            pltpu.sync_copy(zbuf, acc.at[pl.ds(s * (na // NS) + i * 16, 16), :])
            return carry

        lax.fori_loop(0, zrows, zbody, 0)
        zi = jnp.zeros((16,), jnp.int32)
        for i in range(2):
            for jj in range(LANES // 16):
                idx_s[MC + i, pl.ds(jj * 16, 16)] = zi
        plsc.subcore_barrier()

        sems = (sem0, sem1)

        def chunk(kk, carry):
            base = wid * m + kk * MC
            pltpu.sync_copy(src_hbm.at[pl.ds(base, MC)], idx_s.at[pl.ds(0, MC)])
            pltpu.sync_copy(dst_hbm.at[pl.ds(base, MC)], idx_d)
            pltpu.async_copy(g_hbm.at[idx_s.at[0]], rows.at[0], sem0)
            pltpu.async_copy(g_hbm.at[idx_s.at[1]], rows.at[1], sem1)

            def body(jj, carry2):
                for b in range(2):
                    j = jj * 2 + b
                    pltpu.make_async_copy(
                        g_hbm.at[idx_s.at[j]], rows.at[b], sems[b]
                    ).wait()
                    pltpu.sync_copy(rows.at[b], acc.at[idx_d.at[j]], add=True)
                    pltpu.async_copy(g_hbm.at[idx_s.at[j + 2]], rows.at[b], sems[b])
                return carry2

            lax.fori_loop(0, MC // 2, body, 0)
            pltpu.make_async_copy(g_hbm.at[idx_s.at[MC]], rows.at[0], sem0).wait()
            pltpu.make_async_copy(g_hbm.at[idx_s.at[MC + 1]], rows.at[1], sem1).wait()
            return carry

        lax.fori_loop(0, nch, chunk, 0)
        plsc.subcore_barrier()
        pltpu.sync_copy(
            acc.at[pl.ds(s * rows_out, rows_out), :],
            out_hbm.at[c, pl.ds(s * rows_out, rows_out), :],
        )

    return k


def _matmul(x, w, bn):
    n, d_in = x.shape
    d_out = w.shape[1]

    def body(x_ref, w_ref, o_ref):
        o_ref[...] = jnp.dot(x_ref[...], w_ref[...], preferred_element_type=jnp.float32)

    return pl.pallas_call(
        body,
        grid=(n // bn,),
        in_specs=[
            pl.BlockSpec((bn, d_in), lambda i: (i, 0)),
            pl.BlockSpec((d_in, d_out), lambda i: (0, 0)),
        ],
        out_specs=pl.BlockSpec((bn, d_out), lambda i: (i, 0)),
        out_shape=jax.ShapeDtypeStruct((n, d_out), jnp.float32),
    )(x, w)


def _scale1(h1, deg_t, bn):
    n, d = h1.shape

    def body(h_ref, dg_ref, g_ref, dinv_ref):
        dg = dg_ref[...]
        deg = dg[:, 0:1] + dg[:, 1:2] + 1.0
        dinv = lax.rsqrt(jnp.maximum(deg, 1.0))
        dinv_ref[...] = dinv
        g_ref[...] = dinv * h_ref[...]

    return pl.pallas_call(
        body,
        grid=(n // bn,),
        in_specs=[
            pl.BlockSpec((bn, d), lambda i: (i, 0)),
            pl.BlockSpec((bn, 2), lambda i: (i, 0)),
        ],
        out_specs=[
            pl.BlockSpec((bn, d), lambda i: (i, 0)),
            pl.BlockSpec((bn, 1), lambda i: (i, 0)),
        ],
        out_shape=[
            jax.ShapeDtypeStruct((n, d), jnp.float32),
            jax.ShapeDtypeStruct((n, 1), jnp.float32),
        ],
    )(h1, deg_t)


def _layer2_head(s1, g1, dinv, b1, w2, bn):
    n, d = g1.shape

    def body(sa_ref, sb_ref, g_ref, dinv_ref, b_ref, w_ref, o_ref):
        dinv = dinv_ref[...]
        z = dinv * (sa_ref[0] + sb_ref[0] + g_ref[...]) + b_ref[...][None, :]
        z = jnp.maximum(z, 0.0)
        o_ref[...] = dinv * jnp.dot(z, w_ref[...], preferred_element_type=jnp.float32)

    return pl.pallas_call(
        body,
        grid=(n // bn,),
        in_specs=[
            pl.BlockSpec((1, bn, d), lambda i: (0, i, 0)),
            pl.BlockSpec((1, bn, d), lambda i: (1, i, 0)),
            pl.BlockSpec((bn, d), lambda i: (i, 0)),
            pl.BlockSpec((bn, 1), lambda i: (i, 0)),
            pl.BlockSpec((d,), lambda i: (0,)),
            pl.BlockSpec((d, d), lambda i: (0, 0)),
        ],
        out_specs=pl.BlockSpec((bn, d), lambda i: (i, 0)),
        out_shape=jax.ShapeDtypeStruct((n, d), jnp.float32),
    )(s1, s1, g1, dinv, b1, w2)


def _final_combine(s2, g2, dinv, b2, bn):
    n, d = g2.shape

    def body(sa_ref, sb_ref, g_ref, dinv_ref, b_ref, o_ref):
        o_ref[...] = (
            dinv_ref[...] * (sa_ref[0] + sb_ref[0] + g_ref[...])
            + b_ref[...][None, :]
        )

    return pl.pallas_call(
        body,
        grid=(n // bn,),
        in_specs=[
            pl.BlockSpec((1, bn, d), lambda i: (0, i, 0)),
            pl.BlockSpec((1, bn, d), lambda i: (1, i, 0)),
            pl.BlockSpec((bn, d), lambda i: (i, 0)),
            pl.BlockSpec((bn, 1), lambda i: (i, 0)),
            pl.BlockSpec((d,), lambda i: (0,)),
        ],
        out_specs=pl.BlockSpec((bn, d), lambda i: (i, 0)),
        out_shape=jax.ShapeDtypeStruct((n, d), jnp.float32),
    )(s2, s2, g2, dinv, b2)


def kernel(x, edge_index, W1, b1, W2, b2):
    n, d = x.shape
    e = edge_index.shape[1]
    nw = NC * NS
    m = -(-e // (nw * LANES))
    if m % MC:
        m += MC - (m % MC)
    ep = nw * LANES * m
    na = -(-(n + 1) // (NS * 16)) * (NS * 16)

    pad = ep - e
    src = jnp.concatenate([edge_index[0], jnp.zeros((pad,), jnp.int32)])
    dst = jnp.concatenate([edge_index[1], jnp.full((pad,), n, jnp.int32)])
    srcm = src.reshape(nw * m, LANES)
    dstm = dst.reshape(nw * m, LANES)

    degp = _make_deg_kernel(m, na)(dstm)
    deg_t = degp.T[:n]

    bn = 2000
    h1 = _matmul(x, W1, bn)
    g1, dinv = _scale1(h1, deg_t, bn)
    s1 = _make_row_scatter_kernel(n, d, m, na)(g1, srcm, dstm)
    g2 = _layer2_head(s1, g1, dinv, b1, W2, bn)
    s2 = _make_row_scatter_kernel(n, d, m, na)(g2, srcm, dstm)
    return _final_combine(s2, g2, dinv, b2, bn)

# --- scband reference (transcript-rebuilt; emitter-appended) ---
"""Pipeline reference for scband-gnnretriever-71760313581919 (READ-ONLY COPY).

The authoritative reference and input builder live on the scoring server;
editing this copy changes nothing except your own understanding.
"""

import jax, jax.numpy as jnp
import numpy as np

N = 10000
E = 320000
D_IN = 128
D_H = 128
D_OUT = 128


def setup_inputs(seed: int = 0) -> dict:
    key = jax.random.key(seed)
    k1, k2, k3, k4, k5 = jax.random.split(key, 5)
    x = jax.random.normal(k1, (N, D_IN), dtype=jnp.float32)
    edge_index = jax.random.randint(k2, (2, E), 0, N, dtype=jnp.int32)
    # GCNConv layer 1 params (glorot-ish init)
    W1 = jax.random.normal(k3, (D_IN, D_H), dtype=jnp.float32) * (1.0 / np.sqrt(D_IN))
    b1 = jnp.zeros((D_H,), dtype=jnp.float32)
    # GCNConv layer 2 params
    W2 = jax.random.normal(k4, (D_H, D_OUT), dtype=jnp.float32) * (1.0 / np.sqrt(D_H))
    b2 = jnp.zeros((D_OUT,), dtype=jnp.float32)
    return {"x": x, "edge_index": edge_index, "W1": W1, "b1": b1, "W2": W2, "b2": b2}


def _gcn_conv(x, edge_index, W, b):
    # PyG-style GCNConv: add self-loops, symmetric normalization D^-1/2 A D^-1/2, linear, bias
    n = x.shape[0]
    loop = jnp.arange(n, dtype=edge_index.dtype)
    src = jnp.concatenate([edge_index[0], loop])
    dst = jnp.concatenate([edge_index[1], loop])
    deg = jnp.zeros((n,), dtype=x.dtype).at[dst].add(1.0)
    dinv = jax.lax.rsqrt(jnp.maximum(deg, 1.0))
    norm = dinv[src] * dinv[dst]
    h = x @ W
    msg = jnp.take(h, src, axis=0) * norm[:, None]
    out = jnp.zeros((n, h.shape[1]), dtype=h.dtype).at[dst].add(msg)
    return out + b


def reference(x, edge_index, W1, b1, W2, b2):
    h = _gcn_conv(x, edge_index, W1, b1)
    h = jax.nn.relu(h)
    out = _gcn_conv(h, edge_index, W2, b2)
    return out

if __name__ == "__main__":
    import jax
    _d = setup_inputs()
    print(jax.jit(kernel)(*tuple(_d.values())))

</pallas_src>

<mosaic_0001>
#map = affine_map<(d0, d1) -> (0, 0)>
#map1 = affine_map<(d0, d1) -> (0, 0, 0)>
module attributes {stable_mosaic.version = 14 : i64} {
  func.func @k(%arg0: i32, %arg1: i32, %arg2: memref<10000x128xf32, #tpu.memory_space<hbm>>, %arg3: memref<2560x128xi32, #tpu.memory_space<hbm>>, %arg4: memref<2560x128xi32, #tpu.memory_space<hbm>>, %arg5: memref<2x10240x128xf32, #tpu.memory_space<hbm>>, %arg6: memref<18x128xi32, #tpu.memory_space<vmem>>, %arg7: memref<16x128xi32, #tpu.memory_space<vmem>>, %arg8: memref<2x128x128xf32, #tpu.memory_space<vmem>>, %arg9: memref<16x128xf32, #tpu.memory_space<vmem>>, %arg10: memref<10240x128xf32, #tpu.memory_space<vmem_shared>>, %arg11: memref<!tpu.dma_semaphore, #tpu.memory_space<semaphore_mem>>, %arg12: memref<!tpu.dma_semaphore, #tpu.memory_space<semaphore_mem>>) attributes {dimension_semantics = [#tpu.dimension_semantics<core_parallel>, #tpu.dimension_semantics<subcore_parallel>], iteration_bounds = array<i64: 2, 16>, scalar_prefetch = 0 : i64, scratch_operands = 7 : i64, tpu.core_type = #tpu.core_type<sc_vector_subcore>, window_params = [{transform_indices = #map}, {transform_indices = #map}, {transform_indices = #map}, {transform_indices = #map1}]} {
    %mul3A = arith.constant 16 : i32
    %mul3A_0 = arith.muli %arg0, %mul3A : i32
    %add3A = arith.addi %mul3A_0, %arg1 : i32
    %broadcast_in_dim3A = arith.constant 0.000000e+00 : f32
    %broadcast_in_dim3A_1 = vector.broadcast %broadcast_in_dim3A : f32 to vector<16xf32>
    %swap3A = arith.constant 0 : i32
    %swap3A_2 = arith.index_cast %swap3A : i32 to index
    %swap3A_3 = arith.constant 0 : index
    %swap3A_4 = tpu.vector_load %arg9[%swap3A_2, %swap3A_3] {strides = array<i32>} : memref<16x128xf32, #tpu.memory_space<vmem>>, vector<1x16xf32>,
    %swap3A_5 = vector.shape_cast %swap3A_4 : vector<1x16xf32> to vector<16xf32>
    %swap3A_6 = vector.shape_cast %broadcast_in_dim3A_1 : vector<16xf32> to vector<1x16xf32>
    tpu.vector_store %arg9[%swap3A_2, %swap3A_3], %swap3A_6 {strides = array<i32>} : memref<16x128xf32, #tpu.memory_space<vmem>>, vector<1x16xf32>,
    %swap3A_7 = arith.constant 0 : i32
    %swap3A_8 = arith.index_cast %swap3A_7 : i32 to index
    %swap3A_9 = arith.constant 16 : index
    %swap3A_10 = tpu.vector_load %arg9[%swap3A_8, %swap3A_9] {strides = array<i32>} : memref<16x128xf32, #tpu.memory_space<vmem>>, vector<1x16xf32>,
    %swap3A_11 = vector.shape_cast %swap3A_10 : vector<1x16xf32> to vector<16xf32>
    %swap3A_12 = vector.shape_cast %broadcast_in_dim3A_1 : vector<16xf32> to vector<1x16xf32>
    tpu.vector_store %arg9[%swap3A_8, %swap3A_9], %swap3A_12 {strides = array<i32>} : memref<16x128xf32, #tpu.memory_space<vmem>>, vector<1x16xf32>,
    %swap3A_13 = arith.constant 0 : i32
    %swap3A_14 = arith.index_cast %swap3A_13 : i32 to index
    %swap3A_15 = arith.constant 32 : index
    %swap3A_16 = tpu.vector_load %arg9[%swap3A_14, %swap3A_15] {strides = array<i32>} : memref<16x128xf32, #tpu.memory_space<vmem>>, vector<1x16xf32>,
    %swap3A_17 = vector.shape_cast %swap3A_16 : vector<1x16xf32> to vector<16xf32>
    %swap3A_18 = vector.shape_cast %broadcast_in_dim3A_1 : vector<16xf32> to vector<1x16xf32>
    tpu.vector_store %arg9[%swap3A_14, %swap3A_15], %swap3A_18 {strides = array<i32>} : memref<16x128xf32, #tpu.memory_space<vmem>>, vector<1x16xf32>,
    %swap3A_19 = arith.constant 0 : i32
    %swap3A_20 = arith.index_cast %swap3A_19 : i32 to index
    %swap3A_21 = arith.constant 48 : index
    %swap3A_22 = tpu.vector_load %arg9[%swap3A_20, %swap3A_21] {strides = array<i32>} : memref<16x128xf32, #tpu.memory_space<vmem>>, vector<1x16xf32>,
    %swap3A_23 = vector.shape_cast %swap3A_22 : vector<1x16xf32> to vector<16xf32>
    %swap3A_24 = vector.shape_cast %broadcast_in_dim3A_1 : vector<16xf32> to vector<1x16xf32>
    tpu.vector_store %arg9[%swap3A_20, %swap3A_21], %swap3A_24 {strides = array<i32>} : memref<16x128xf32, #tpu.memory_space<vmem>>, vector<1x16xf32>,
    %swap3A_25 = arith.constant 0 : i32
    %swap3A_26 = arith.index_cast %swap3A_25 : i32 to index
    %swap3A_27 = arith.constant 64 : index
    %swap3A_28 = tpu.vector_load %arg9[%swap3A_26, %swap3A_27] {strides = array<i32>} : memref<16x128xf32, #tpu.memory_space<vmem>>, vector<1x16xf32>,
    %swap3A_29 = vector.shape_cast %swap3A_28 : vector<1x16xf32> to vector<16xf32>
    %swap3A_30 = vector.shape_cast %broadcast_in_dim3A_1 : vector<16xf32> to vector<1x16xf32>
    tpu.vector_store %arg9[%swap3A_26, %swap3A_27], %swap3A_30 {strides = array<i32>} : memref<16x128xf32, #tpu.memory_space<vmem>>, vector<1x16xf32>,
    %swap3A_31 = arith.constant 0 : i32
    %swap3A_32 = arith.index_cast %swap3A_31 : i32 to index
    %swap3A_33 = arith.constant 80 : index
    %swap3A_34 = tpu.vector_load %arg9[%swap3A_32, %swap3A_33] {strides = array<i32>} : memref<16x128xf32, #tpu.memory_space<vmem>>, vector<1x16xf32>,
    %swap3A_35 = vector.shape_cast %swap3A_34 : vector<1x16xf32> to vector<16xf32>
    %swap3A_36 = vector.shape_cast %broadcast_in_dim3A_1 : vector<16xf32> to vector<1x16xf32>
    tpu.vector_store %arg9[%swap3A_32, %swap3A_33], %swap3A_36 {strides = array<i32>} : memref<16x128xf32, #tpu.memory_space<vmem>>, vector<1x16xf32>,
    %swap3A_37 = arith.constant 0 : i32
    %swap3A_38 = arith.index_cast %swap3A_37 : i32 to index
    %swap3A_39 = arith.constant 96 : index
    %swap3A_40 = tpu.vector_load %arg9[%swap3A_38, %swap3A_39] {strides = array<i32>} : memref<16x128xf32, #tpu.memory_space<vmem>>, vector<1x16xf32>,
    %swap3A_41 = vector.shape_cast %swap3A_40 : vector<1x16xf32> to vector<16xf32>
    %swap3A_42 = vector.shape_cast %broadcast_in_dim3A_1 : vector<16xf32> to vector<1x16xf32>
    tpu.vector_store %arg9[%swap3A_38, %swap3A_39], %swap3A_42 {strides = array<i32>} : memref<16x128xf32, #tpu.memory_space<vmem>>, vector<1x16xf32>,
    %swap3A_43 = arith.constant 0 : i32
    %swap3A_44 = arith.index_cast %swap3A_43 : i32 to index
    %swap3A_45 = arith.constant 112 : index
    %swap3A_46 = tpu.vector_load %arg9[%swap3A_44, %swap3A_45] {strides = array<i32>} : memref<16x128xf32, #tpu.memory_space<vmem>>, vector<1x16xf32>,
    %swap3A_47 = vector.shape_cast %swap3A_46 : vector<1x16xf32> to vector<16xf32>
    %swap3A_48 = vector.shape_cast %broadcast_in_dim3A_1 : vector<16xf32> to vector<1x16xf32>
    tpu.vector_store %arg9[%swap3A_44, %swap3A_45], %swap3A_48 {strides = array<i32>} : memref<16x128xf32, #tpu.memory_space<vmem>>, vector<1x16xf32>,
    %swap3A_49 = arith.constant 1 : i32
    %swap3A_50 = arith.index_cast %swap3A_49 : i32 to index
    %swap3A_51 = arith.constant 0 : index
    %swap3A_52 = tpu.vector_load %arg9[%swap3A_50, %swap3A_51] {strides = array<i32>} : memref<16x128xf32, #tpu.memory_space<vmem>>, vector<1x16xf32>,
    %swap3A_53 = vector.shape_cast %swap3A_52 : vector<1x16xf32> to vector<16xf32>
    %swap3A_54 = vector.shape_cast %broadcast_in_dim3A_1 : vector<16xf32> to vector<1x16xf32>
    tpu.vector_store %arg9[%swap3A_50, %swap3A_51], %swap3A_54 {strides = array<i32>} : memref<16x128xf32, #tpu.memory_space<vmem>>, vector<1x16xf32>,
    %swap3A_55 = arith.constant 1 : i32
    %swap3A_56 = arith.index_cast %swap3A_55 : i32 to index
    %swap3A_57 = arith.constant 16 : index
    %swap3A_58 = tpu.vector_load %arg9[%swap3A_56, %swap3A_57] {strides = array<i32>} : memref<16x128xf32, #tpu.memory_space<vmem>>, vector<1x16xf32>,
    %swap3A_59 = vector.shape_cast %swap3A_58 : vector<1x16xf32> to vector<16xf32>
    %swap3A_60 = vector.shape_cast %broadcast_in_dim3A_1 : vector<16xf32> to vector<1x16xf32>
    tpu.vector_store %arg9[%swap3A_56, %swap3A_57], %swap3A_60 {strides = array<i32>} : memref<16x128xf32, #tpu.memory_space<vmem>>, vector<1x16xf32>,
    %swap3A_61 = arith.constant 1 : i32
    %swap3A_62 = arith.index_cast %swap3A_61 : i32 to index
    %swap3A_63 = arith.constant 32 : index
    %swap3A_64 = tpu.vector_load %arg9[%swap3A_62, %swap3A_63] {strides = array<i32>} : memref<16x128xf32, #tpu.memory_space<vmem>>, vector<1x16xf32>,
    %swap3A_65 = vector.shape_cast %swap3A_64 : vector<1x16xf32> to vector<16xf32>
    %swap3A_66 = vector.shape_cast %broadcast_in_dim3A_1 : vector<16xf32> to vector<1x16xf32>
    tpu.vector_store %arg9[%swap3A_62, %swap3A_63], %swap3A_66 {strides = array<i32>} : memref<16x128xf32, #tpu.memory_space<vmem>>, vector<1x16xf32>,
    %swap3A_67 = arith.constant 1 : i32
    %swap3A_68 = arith.index_cast %swap3A_67 : i32 to index
    %swap3A_69 = arith.constant 48 : index
    %swap3A_70 = tpu.vector_load %arg9[%swap3A_68, %swap3A_69] {strides = array<i32>} : memref<16x128xf32, #tpu.memory_space<vmem>>, vector<1x16xf32>,
    %swap3A_71 = vector.shape_cast %swap3A_70 : vector<1x16xf32> to vector<16xf32>
    %swap3A_72 = vector.shape_cast %broadcast_in_dim3A_1 : vector<16xf32> to vector<1x16xf32>
    tpu.vector_store %arg9[%swap3A_68, %swap3A_69], %swap3A_72 {strides = array<i32>} : memref<16x128xf32, #tpu.memory_space<vmem>>, vector<1x16xf32>,
    %swap3A_73 = arith.constant 1 : i32
    %swap3A_74 = arith.index_cast %swap3A_73 : i32 to index
    %swap3A_75 = arith.constant 64 : index
    %swap3A_76 = tpu.vector_load %arg9[%swap3A_74, %swap3A_75] {strides = array<i32>} : memref<16x128xf32, #tpu.memory_space<vmem>>, vector<1x16xf32>,
    %swap3A_77 = vector.shape_cast %swap3A_76 : vector<1x16xf32> to vector<16xf32>
    %swap3A_78 = vector.shape_cast %broadcast_in_dim3A_1 : vector<16xf32> to vector<1x16xf32>
    tpu.vector_store %arg9[%swap3A_74, %swap3A_75], %swap3A_78 {strides = array<i32>} : memref<16x128xf32, #tpu.memory_space<vmem>>, vector<1x16xf32>,
    %swap3A_79 = arith.constant 1 : i32
    %swap3A_80 = arith.index_cast %swap3A_79 : i32 to index
    %swap3A_81 = arith.constant 80 : index
    %swap3A_82 = tpu.vector_load %arg9[%swap3A_80, %swap3A_81] {strides = array<i32>} : memref<16x128xf32, #tpu.memory_space<vmem>>, vector<1x16xf32>,
    %swap3A_83 = vector.shape_cast %swap3A_82 : vector<1x16xf32> to vector<16xf32>
    %swap3A_84 = vector.shape_cast %broadcast_in_dim3A_1 : vector<16xf32> to vector<1x16xf32>
    tpu.vector_store %arg9[%swap3A_80, %swap3A_81], %swap3A_84 {strides = array<i32>} : memref<16x128xf32, #tpu.memory_space<vmem>>, vector<1x16xf32>,
    %swap3A_85 = arith.constant 1 : i32
    %swap3A_86 = arith.index_cast %swap3A_85 : i32 to index
    %swap3A_87 = arith.constant 96 : index
    %swap3A_88 = tpu.vector_load %arg9[%swap3A_86, %swap3A_87] {strides = array<i32>} : memref<16x128xf32, #tpu.memory_space<vmem>>, vector<1x16xf32>,
    %swap3A_89 = vector.shape_cast %swap3A_88 : vector<1x16xf32> to vector<16xf32>
    %swap3A_90 = vector.shape_cast %broadcast_in_dim3A_1 : vector<16xf32> to vector<1x16xf32>
    tpu.vector_store %arg9[%swap3A_86, %swap3A_87], %swap3A_90 {strides = array<i32>} : memref<16x128xf32, #tpu.memory_space<vmem>>, vector<1x16xf32>,
    %swap3A_91 = arith.constant 1 : i32
    %swap3A_92 = arith.index_cast %swap3A_91 : i32 to index
    %swap3A_93 = arith.constant 112 : index
    %swap3A_94 = tpu.vector_load %arg9[%swap3A_92, %swap3A_93] {strides = array<i32>} : memref<16x128xf32, #tpu.memory_space<vmem>>, vector<1x16xf32>,
    %swap3A_95 = vector.shape_cast %swap3A_94 : vector<1x16xf32> to vector<16xf32>
    %swap3A_96 = vector.shape_cast %broadcast_in_dim3A_1 : vector<16xf32> to vector<1x16xf32>
    tpu.vector_store %arg9[%swap3A_92, %swap3A_93], %swap3A_96 {strides = array<i32>} : memref<16x128xf32, #tpu.memory_space<vmem>>, vector<1x16xf32>,
    %swap3A_97 = arith.constant 2 : i32
    %swap3A_98 = arith.index_cast %swap3A_97 : i32 to index
    %swap3A_99 = arith.constant 0 : index
    %swap3A_100 = tpu.vector_load %arg9[%swap3A_98, %swap3A_99] {strides = array<i32>} : memref<16x128xf32, #tpu.memory_space<vmem>>, vector<1x16xf32>,
    %swap3A_101 = vector.shape_cast %swap3A_100 : vector<1x16xf32> to vector<16xf32>
    %swap3A_102 = vector.shape_cast %broadcast_in_dim3A_1 : vector<16xf32> to vector<1x16xf32>
    tpu.vector_store %arg9[%swap3A_98, %swap3A_99], %swap3A_102 {strides = array<i32>} : memref<16x128xf32, #tpu.memory_space<vmem>>, vector<1x16xf32>,
    %swap3A_103 = arith.constant 2 : i32
    %swap3A_104 = arith.index_cast %swap3A_103 : i32 to index
    %swap3A_105 = arith.constant 16 : index
    %swap3A_106 = tpu.vector_load %arg9[%swap3A_104, %swap3A_105] {strides = array<i32>} : memref<16x128xf32, #tpu.memory_space<vmem>>, vector<1x16xf32>,
    %swap3A_107 = vector.shape_cast %swap3A_106 : vector<1x16xf32> to vector<16xf32>
    %swap3A_108 = vector.shape_cast %broadcast_in_dim3A_1 : vector<16xf32> to vector<1x16xf32>
    tpu.vector_store %arg9[%swap3A_104, %swap3A_105], %swap3A_108 {strides = array<i32>} : memref<16x128xf32, #tpu.memory_space<vmem>>, vector<1x16xf32>,
    %swap3A_109 = arith.constant 2 : i32
    %swap3A_110 = arith.index_cast %swap3A_109 : i32 to index
    %swap3A_111 = arith.constant 32 : index
    %swap3A_112 = tpu.vector_load %arg9[%swap3A_110, %swap3A_111] {strides = array<i32>} : memref<16x128xf32, #tpu.memory_space<vmem>>, vector<1x16xf32>,
    %swap3A_113 = vector.shape_cast %swap3A_112 : vector<1x16xf32> to vector<16xf32>
    %swap3A_114 = vector.shape_cast %broadcast_in_dim3A_1 : vector<16xf32> to vector<1x16xf32>
    tpu.vector_store %arg9[%swap3A_110, %swap3A_111], %swap3A_114 {strides = array<i32>} : memref<16x128xf32, #tpu.memory_space<vmem>>, vector<1x16xf32>,
    %swap3A_115 = arith.constant 2 : i32
    %swap3A_116 = arith.index_cast %swap3A_115 : i32 to index
    %swap3A_117 = arith.constant 48 : index
    %swap3A_118 = tpu.vector_load %arg9[%swap3A_116, %swap3A_117] {strides = array<i32>} : memref<16x128xf32, #tpu.memory_space<vmem>>, vector<1x16xf32>,
    %swap3A_119 = vector.shape_cast %swap3A_118 : vector<1x16xf32> to vector<16xf32>
    %swap3A_120 = vector.shape_cast %broadcast_in_dim3A_1 : vector<16xf32> to vector<1x16xf32>
    tpu.vector_store %arg9[%swap3A_116, %swap3A_117], %swap3A_120 {strides = array<i32>} : memref<16x128xf32, #tpu.memory_space<vmem>>, vector<1x16xf32>,
    %swap3A_121 = arith.constant 2 : i32
    %swap3A_122 = arith.index_cast %swap3A_121 : i32 to index
    %swap3A_123 = arith.constant 64 : index
    %swap3A_124 = tpu.vector_load %arg9[%swap3A_122, %swap3A_123] {strides = array<i32>} : memref<16x128xf32, #tpu.memory_space<vmem>>, vector<1x16xf32>,
    %swap3A_125 = vector.shape_cast %swap3A_124 : vector<1x16xf32> to vector<16xf32>
    %swap3A_126 = vector.shape_cast %broadcast_in_dim3A_1 : vector<16xf32> to vector<1x16xf32>
    tpu.vector_store %arg9[%swap3A_122, %swap3A_123], %swap3A_126 {strides = array<i32>} : memref<16x128xf32, #tpu.memory_space<vmem>>, vector<1x16xf32>,
    %swap3A_127 = arith.constant 2 : i32
    %swap3A_128 = arith.index_cast %swap3A_127 : i32 to index
    %swap3A_129 = arith.constant 80 : index
    %swap3A_130 = tpu.vector_load %arg9[%swap3A_128, %swap3A_129] {strides = array<i32>} : memref<16x128xf32, #tpu.memory_space<vmem>>, vector<1x16xf32>,
    %swap3A_131 = vector.shape_cast %swap3A_130 : vector<1x16xf32> to vector<16xf32>
    %swap3A_132 = vector.shape_cast %broadcast_in_dim3A_1 : vector<16xf32> to vector<1x16xf32>
    tpu.vector_store %arg9[%swap3A_128, %swap3A_129], %swap3A_132 {strides = array<i32>} : memref<16x128xf32, #tpu.memory_space<vmem>>, vector<1x16xf32>,
    %swap3A_133 = arith.constant 2 : i32
    %swap3A_134 = arith.index_cast %swap3A_133 : i32 to index
    %swap3A_135 = arith.constant 96 : index
    %swap3A_136 = tpu.vector_load %arg9[%swap3A_134, %swap3A_135] {strides = array<i32>} : memref<16x128xf32, #tpu.memory_space<vmem>>, vector<1x16xf32>,
    %swap3A_137 = vector.shape_cast %swap3A_136 : vector<1x16xf32> to vector<16xf32>
    %swap3A_138 = vector.shape_cast %broadcast_in_dim3A_1 : vector<16xf32> to vector<1x16xf32>
    tpu.vector_store %arg9[%swap3A_134, %swap3A_135], %swap3A_138 {strides = array<i32>} : memref<16x128xf32, #tpu.memory_space<vmem>>, vector<1x16xf32>,
    %swap3A_139 = arith.constant 2 : i32
    %swap3A_140 = arith.index_cast %swap3A_139 : i32 to index
    %swap3A_141 = arith.constant 112 : index
    %swap3A_142 = tpu.vector_load %arg9[%swap3A_140, %swap3A_141] {strides = array<i32>} : memref<16x128xf32, #tpu.memory_space<vmem>>, vector<1x16xf32>,
    %swap3A_143 = vector.shape_cast %swap3A_142 : vector<1x16xf32> to vector<16xf32>
    %swap3A_144 = vector.shape_cast %broadcast_in_dim3A_1 : vector<16xf32> to vector<1x16xf32>
    tpu.vector_store %arg9[%swap3A_140, %swap3A_141], %swap3A_144 {strides = array<i32>} : memref<16x128xf32, #tpu.memory_space<vmem>>, vector<1x16xf32>,
    %swap3A_145 = arith.constant 3 : i32
    %swap3A_146 = arith.index_cast %swap3A_145 : i32 to index
    %swap3A_147 = arith.constant 0 : index
    %swap3A_148 = tpu.vector_load %arg9[%swap3A_146, %swap3A_147] {strides = array<i32>} : memref<16x128xf32, #tpu.memory_space<vmem>>, vector<1x16xf32>,
    %swap3A_149 = vector.shape_cast %swap3A_148 : vector<1x16xf32> to vector<16xf32>
    %swap3A_150 = vector.shape_cast %broadcast_in_dim3A_1 : vector<16xf32> to vector<1x16xf32>
    tpu.vector_store %arg9[%swap3A_146, %swap3A_147], %swap3A_150 {strides = array<i32>} : memref<16x128xf32, #tpu.memory_space<vmem>>, vector<1x16xf32>,
    %swap3A_151 = arith.constant 3 : i32
    %swap3A_152 = arith.index_cast %swap3A_151 : i32 to index
    %swap3A_153 = arith.constant 16 : index
    %swap3A_154 = tpu.vector_load %arg9[%swap3A_152, %swap3A_153] {strides = array<i32>} : memref<16x128xf32, #tpu.memory_space<vmem>>, vector<1x16xf32>,
    %swap3A_155 = vector.shape_cast %swap3A_154 : vector<1x16xf32> to vector<16xf32>
    %swap3A_156 = vector.shape_cast %broadcast_in_dim3A_1 : vector<16xf32> to vector<1x16xf32>
    tpu.vector_store %arg9[%swap3A_152, %swap3A_153], %swap3A_156 {strides = array<i32>} : memref<16x128xf32, #tpu.memory_space<vmem>>, vector<1x16xf32>,
    %swap3A_157 = arith.constant 3 : i32
    %swap3A_158 = arith.index_cast %swap3A_157 : i32 to index
    %swap3A_159 = arith.constant 32 : index
    %swap3A_160 = tpu.vector_load %arg9[%swap3A_158, %swap3A_159] {strides = array<i32>} : memref<16x128xf32, #tpu.memory_space<vmem>>, vector<1x16xf32>,
    %swap3A_161 = vector.shape_cast %swap3A_160 : vector<1x16xf32> to vector<16xf32>
    %swap3A_162 = vector.shape_cast %broadcast_in_dim3A_1 : vector<16xf32> to vector<1x16xf32>
    tpu.vector_store %arg9[%swap3A_158, %swap3A_159], %swap3A_162 {strides = array<i32>} : memref<16x128xf32, #tpu.memory_space<vmem>>, vector<1x16xf32>,
    %swap3A_163 = arith.constant 3 : i32
    %swap3A_164 = arith.index_cast %swap3A_163 : i32 to index
    %swap3A_165 = arith.constant 48 : index
    %swap3A_166 = tpu.vector_load %arg9[%swap3A_164, %swap3A_165] {strides = array<i32>} : memref<16x128xf32, #tpu.memory_space<vmem>>, vector<1x16xf32>,
    %swap3A_167 = vector.shape_cast %swap3A_166 : vector<1x16xf32> to vector<16xf32>
    %swap3A_168 = vector.shape_cast %broadcast_in_dim3A_1 : vector<16xf32> to vector<1x16xf32>
    tpu.vector_store %arg9[%swap3A_164, %swap3A_165], %swap3A_168 {strides = array<i32>} : memref<16x128xf32, #tpu.memory_space<vmem>>, vector<1x16xf32>,
    %swap3A_169 = arith.constant 3 : i32
    %swap3A_170 = arith.index_cast %swap3A_169 : i32 to index
    %swap3A_171 = arith.constant 64 : index
    %swap3A_172 = tpu.vector_load %arg9[%swap3A_170, %swap3A_171] {strides = array<i32>} : memref<16x128xf32, #tpu.memory_space<vmem>>, vector<1x16xf32>,
    %swap3A_173 = vector.shape_cast %swap3A_172 : vector<1x16xf32> to vector<16xf32>
    %swap3A_174 = vector.shape_cast %broadcast_in_dim3A_1 : vector<16xf32> to vector<1x16xf32>
    tpu.vector_store %arg9[%swap3A_170, %swap3A_171], %swap3A_174 {strides = array<i32>} : memref<16x128xf32, #tpu.memory_space<vmem>>, vector<1x16xf32>,
    %swap3A_175 = arith.constant 3 : i32
    %swap3A_176 = arith.index_cast %swap3A_175 : i32 to index
    %swap3A_177 = arith.constant 80 : index
    %swap3A_178 = tpu.vector_load %arg9[%swap3A_176, %swap3A_177] {strides = array<i32>} : memref<16x128xf32, #tpu.memory_space<vmem>>, vector<1x16xf32>,
    %swap3A_179 = vector.shape_cast %swap3A_178 : vector<1x16xf32> to vector<16xf32>
    %swap3A_180 = vector.shape_cast %broadcast_in_dim3A_1 : vector<16xf32> to vector<1x16xf32>
    tpu.vector_store %arg9[%swap3A_176, %swap3A_177], %swap3A_180 {strides = array<i32>} : memref<16x128xf32, #tpu.memory_space<vmem>>, vector<1x16xf32>,
    %swap3A_181 = arith.constant 3 : i32
    %swap3A_182 = arith.index_cast %swap3A_181 : i32 to index
    %swap3A_183 = arith.constant 96 : index
    %swap3A_184 = tpu.vector_load %arg9[%swap3A_182, %swap3A_183] {strides = array<i32>} : memref<16x128xf32, #tpu.memory_space<vmem>>, vector<1x16xf32>,
    %swap3A_185 = vector.shape_cast %swap3A_184 : vector<1x16xf32> to vector<16xf32>
    %swap3A_186 = vector.shape_cast %broadcast_in_dim3A_1 : vector<16xf32> to vector<1x16xf32>
    tpu.vector_store %arg9[%swap3A_182, %swap3A_183], %swap3A_186 {strides = array<i32>} : memref<16x128xf32, #tpu.memory_space<vmem>>, vector<1x16xf32>,
    %swap3A_187 = arith.constant 3 : i32
    %swap3A_188 = arith.index_cast %swap3A_187 : i32 to index
    %swap3A_189 = arith.constant 112 : index
    %swap3A_190 = tpu.vector_load %arg9[%swap3A_188, %swap3A_189] {strides = array<i32>} : memref<16x128xf32, #tpu.memory_space<vmem>>, vector<1x16xf32>,
    %swap3A_191 = vector.shape_cast %swap3A_190 : vector<1x16xf32> to vector<16xf32>
    %swap3A_192 = vector.shape_cast %broadcast_in_dim3A_1 : vector<16xf32> to vector<1x16xf32>
    tpu.vector_store %arg9[%swap3A_188, %swap3A_189], %swap3A_192 {strides = array<i32>} : memref<16x128xf32, #tpu.memory_space<vmem>>, vector<1x16xf32>,
    %swap3A_193 = arith.constant 4 : i32
    %swap3A_194 = arith.index_cast %swap3A_193 : i32 to index
    %swap3A_195 = arith.constant 0 : index
    %swap3A_196 = tpu.vector_load %arg9[%swap3A_194, %swap3A_195] {strides = array<i32>} : memref<16x128xf32, #tpu.memory_space<vmem>>, vector<1x16xf32>,
    %swap3A_197 = vector.shape_cast %swap3A_196 : vector<1x16xf32> to vector<16xf32>
    %swap3A_198 = vector.shape_cast %broadcast_in_dim3A_1 : vector<16xf32> to vector<1x16xf32>
    tpu.vector_store %arg9[%swap3A_194, %swap3A_195], %swap3A_198 {strides = array<i32>} : memref<16x128xf32, #tpu.memory_space<vmem>>, vector<1x16xf32>,
    %swap3A_199 = arith.constant 4 : i32
    %swap3A_200 = arith.index_cast %swap3A_199 : i32 to index
    %swap3A_201 = arith.constant 16 : index
    %swap3A_202 = tpu.vector_load %arg9[%swap3A_200, %swap3A_201] {strides = array<i32>} : memref<16x128xf32, #tpu.memory_space<vmem>>, vector<1x16xf32>,
    %swap3A_203 = vector.shape_cast %swap3A_202 : vector<1x16xf32> to vector<16xf32>
    %swap3A_204 = vector.shape_cast %broadcast_in_dim3A_1 : vector<16xf32> to vector<1x16xf32>
    tpu.vector_store %arg9[%swap3A_200, %swap3A_201], %swap3A_204 {strides = array<i32>} : memref<16x128xf32, #tpu.memory_space<vmem>>, vector<1x16xf32>,
    %swap3A_205 = arith.constant 4 : i32
    %swap3A_206 = arith.index_cast %swap3A_205 : i32 to index
    %swap3A_207 = arith.constant 32 : index
    %swap3A_208 = tpu.vector_load %arg9[%swap3A_206, %swap3A_207] {strides = array<i32>} : memref<16x128xf32, #tpu.memory_space<vmem>>, vector<1x16xf32>,
    %swap3A_209 = vector.shape_cast %swap3A_208 : vector<1x16xf32> to vector<16xf32>
    %swap3A_210 = vector.shape_cast %broadcast_in_dim3A_1 : vector<16xf32> to vector<1x16xf32>
    tpu.vector_store %arg9[%swap3A_206, %swap3A_207], %swap3A_210 {strides = array<i32>} : memref<16x128xf32, #tpu.memory_space<vmem>>, vector<1x16xf32>,
    %swap3A_211 = arith.constant 4 : i32
    %swap3A_212 = arith.index_cast %swap3A_211 : i32 to index
    %swap3A_213 = arith.constant 48 : index
    %swap3A_214 = tpu.vector_load %arg9[%swap3A_212, %swap3A_213] {strides = array<i32>} : memref<16x128xf32, #tpu.memory_space<vmem>>, vector<1x16xf32>,
    %swap3A_215 = vector.shape_cast %swap3A_214 : vector<1x16xf32> to vector<16xf32>
    %swap3A_216 = vector.shape_cast %broadcast_in_dim3A_1 : vector<16xf32> to vector<1x16xf32>
    tpu.vector_store %arg9[%swap3A_212, %swap3A_213], %swap3A_216 {strides = array<i32>} : memref<16x128xf32, #tpu.memory_space<vmem>>, vector<1x16xf32>,
    %swap3A_217 = arith.constant 4 : i32
    %swap3A_218 = arith.index_cast %swap3A_217 : i32 to index
    %swap3A_219 = arith.constant 64 : index
    %swap3A_220 = tpu.vector_load %arg9[%swap3A_218, %swap3A_219] {strides = array<i32>} : memref<16x128xf32, #tpu.memory_space<vmem>>, vector<1x16xf32>,
    %swap3A_221 = vector.shape_cast %swap3A_220 : vector<1x16xf32> to vector<16xf32>
    %swap3A_222 = vector.shape_cast %broadcast_in_dim3A_1 : vector<16xf32> to vector<1x16xf32>
    tpu.vector_store %arg9[%swap3A_218, %swap3A_219], %swap3A_222 {strides = array<i32>} : memref<16x128xf32, #tpu.memory_space<vmem>>, vector<1x16xf32>,
    %swap3A_223 = arith.constant 4 : i32
    %swap3A_224 = arith.index_cast %swap3A_223 : i32 to index
    %swap3A_225 = arith.constant 80 : index
    %swap3A_226 = tpu.vector_load %arg9[%swap3A_224, %swap3A_225] {strides = array<i32>} : memref<16x128xf32, #tpu.memory_space<vmem>>, vector<1x16xf32>,
    %swap3A_227 = vector.shape_cast %swap3A_226 : vector<1x16xf32> to vector<16xf32>
    %swap3A_228 = vector.shape_cast %broadcast_in_dim3A_1 : vector<16xf32> to vector<1x16xf32>
    tpu.vector_store %arg9[%swap3A_224, %swap3A_225], %swap3A_228 {strides = array<i32>} : memref<16x128xf32, #tpu.memory_space<vmem>>, vector<1x16xf32>,
    %swap3A_229 = arith.constant 4 : i32
    %swap3A_230 = arith.index_cast %swap3A_229 : i32 to index
    %swap3A_231 = arith.constant 96 : index
    %swap3A_232 = tpu.vector_load %arg9[%swap3A_230, %swap3A_231] {strides = array<i32>} : memref<16x128xf32, #tpu.memory_space<vmem>>, vector<1x16xf32>,
    %swap3A_233 = vector.shape_cast %swap3A_232 : vector<1x16xf32> to vector<16xf32>
    %swap3A_234 = vector.shape_cast %broadcast_in_dim3A_1 : vector<16xf32> to vector<1x16xf32>
    tpu.vector_store %arg9[%swap3A_230, %swap3A_231], %swap3A_234 {strides = array<i32>} : memref<16x128xf32, #tpu.memory_space<vmem>>, vector<1x16xf32>,
    %swap3A_235 = arith.constant 4 : i32
    %swap3A_236 = arith.index_cast %swap3A_235 : i32 to index
    %swap3A_237 = arith.constant 112 : index
    %swap3A_238 = tpu.vector_load %arg9[%swap3A_236, %swap3A_237] {strides = array<i32>} : memref<16x128xf32, #tpu.memory_space<vmem>>, vector<1x16xf32>,
    %swap3A_239 = vector.shape_cast %swap3A_238 : vector<1x16xf32> to vector<16xf32>
    %swap3A_240 = vector.shape_cast %broadcast_in_dim3A_1 : vector<16xf32> to vector<1x16xf32>
    tpu.vector_store %arg9[%swap3A_236, %swap3A_237], %swap3A_240 {strides = array<i32>} : memref<16x128xf32, #tpu.memory_space<vmem>>, vector<1x16xf32>,
    %swap3A_241 = arith.constant 5 : i32
    %swap3A_242 = arith.index_cast %swap3A_241 : i32 to index
    %swap3A_243 = arith.constant 0 : index
    %swap3A_244 = tpu.vector_load %arg9[%swap3A_242, %swap3A_243] {strides = array<i32>} : memref<16x128xf32, #tpu.memory_space<vmem>>, vector<1x16xf32>,
    %swap3A_245 = vector.shape_cast %swap3A_244 : vector<1x16xf32> to vector<16xf32>
    %swap3A_246 = vector.shape_cast %broadcast_in_dim3A_1 : vector<16xf32> to vector<1x16xf32>
    tpu.vector_store %arg9[%swap3A_242, %swap3A_243], %swap3A_246 {strides = array<i32>} : memref<16x128xf32, #tpu.memory_space<vmem>>, vector<1x16xf32>,
    %swap3A_247 = arith.constant 5 : i32
    %swap3A_248 = arith.index_cast %swap3A_247 : i32 to index
    %swap3A_249 = arith.constant 16 : index
    %swap3A_250 = tpu.vector_load %arg9[%swap3A_248, %swap3A_249] {strides = array<i32>} : memref<16x128xf32, #tpu.memory_space<vmem>>, vector<1x16xf32>,
    %swap3A_251 = vector.shape_cast %swap3A_250 : vector<1x16xf32> to vector<16xf32>
    %swap3A_252 = vector.shape_cast %broadcast_in_dim3A_1 : vector<16xf32> to vector<1x16xf32>
    tpu.vector_store %arg9[%swap3A_248, %swap3A_249], %swap3A_252 {strides = array<i32>} : memref<16x128xf32, #tpu.memory_space<vmem>>, vector<1x16xf32>,
    %swap3A_253 = arith.constant 5 : i32
    %swap3A_254 = arith.index_cast %swap3A_253 : i32 to index
    %swap3A_255 = arith.constant 32 : index
    %swap3A_256 = tpu.vector_load %arg9[%swap3A_254, %swap3A_255] {strides = array<i32>} : memref<16x128xf32, #tpu.memory_space<vmem>>, vector<1x16xf32>,
    %swap3A_257 = vector.shape_cast %swap3A_256 : vector<1x16xf32> to vector<16xf32>
    %swap3A_258 = vector.shape_cast %broadcast_in_dim3A_1 : vector<16xf32> to vector<1x16xf32>
    tpu.vector_store %arg9[%swap3A_254, %swap3A_255], %swap3A_258 {strides = array<i32>} : memref<16x128xf32, #tpu.memory_space<vmem>>, vector<1x16xf32>,
    %swap3A_259 = arith.constant 5 : i32
    %swap3A_260 = arith.index_cast %swap3A_259 : i32 to index
    %swap3A_261 = arith.constant 48 : index
    %swap3A_262 = tpu.vector_load %arg9[%swap3A_260, %swap3A_261] {strides = array<i32>} : memref<16x128xf32, #tpu.memory_space<vmem>>, vector<1x16xf32>,
    %swap3A_263 = vector.shape_cast %swap3A_262 : vector<1x16xf32> to vector<16xf32>
    %swap3A_264 = vector.shape_cast %broadcast_in_dim3A_1 : vector<16xf32> to vector<1x16xf32>
    tpu.vector_store %arg9[%swap3A_260, %swap3A_261], %swap3A_264 {strides = array<i32>} : memref<16x128xf32, #tpu.memory_space<vmem>>, vector<1x16xf32>,
    %swap3A_265 = arith.constant 5 : i32
    %swap3A_266 = arith.index_cast %swap3A_265 : i32 to index
    %swap3A_267 = arith.constant 64 : index
    %swap3A_268 = tpu.vector_load %arg9[%swap3A_266, %swap3A_267] {strides = array<i32>} : memref<16x128xf32, #tpu.memory_space<vmem>>, vector<1x16xf32>,
    %swap3A_269 = vector.shape_cast %swap3A_268 : vector<1x16xf32> to vector<16xf32>
    %swap3A_270 = vector.shape_cast %broadcast_in_dim3A_1 : vector<16xf32> to vector<1x16xf32>
    tpu.vector_store %arg9[%swap3A_266, %swap3A_267], %swap3A_270 {strides = array<i32>} : memref<16x128xf32, #tpu.memory_space<vmem>>, vector<1x16xf32>,
    %swap3A_271 = arith.constant 5 : i32
    %swap3A_272 = arith.index_cast %swap3A_271 : i32 to index
    %swap3A_273 = arith.constant 80 : index
    %swap3A_274 = tpu.vector_load %arg9[%swap3A_272, %swap3A_273] {strides = array<i32>} : memref<16x128xf32, #tpu.memory_space<vmem>>, vector<1x16xf32>,
    %swap3A_275 = vector.shape_cast %swap3A_274 : vector<1x16xf32> to vector<16xf32>
    %swap3A_276 = vector.shape_cast %broadcast_in_dim3A_1 : vector<16xf32> to vector<1x16xf32>
    tpu.vector_store %arg9[%swap3A_272, %swap3A_273], %swap3A_276 {strides = array<i32>} : memref<16x128xf32, #tpu.memory_space<vmem>>, vector<1x16xf32>,
    %swap3A_277 = arith.constant 5 : i32
    %swap3A_278 = arith.index_cast %swap3A_277 : i32 to index
    %swap3A_279 = arith.constant 96 : index
    %swap3A_280 = tpu.vector_load %arg9[%swap3A_278, %swap3A_279] {strides = array<i32>} : memref<16x128xf32, #tpu.memory_space<vmem>>, vector<1x16xf32>,
    %swap3A_281 = vector.shape_cast %swap3A_280 : vector<1x16xf32> to vector<16xf32>
    %swap3A_282 = vector.shape_cast %broadcast_in_dim3A_1 : vector<16xf32> to vector<1x16xf32>
    tpu.vector_store %arg9[%swap3A_278, %swap3A_279], %swap3A_282 {strides = array<i32>} : memref<16x128xf32, #tpu.memory_space<vmem>>, vector<1x16xf32>,
    %swap3A_283 = arith.constant 5 : i32
    %swap3A_284 = arith.index_cast %swap3A_283 : i32 to index
    %swap3A_285 = arith.constant 112 : index
    %swap3A_286 = tpu.vector_load %arg9[%swap3A_284, %swap3A_285] {strides = array<i32>} : memref<16x128xf32, #tpu.memory_space<vmem>>, vector<1x16xf32>,
    %swap3A_287 = vector.shape_cast %swap3A_286 : vector<1x16xf32> to vector<16xf32>
    %swap3A_288 = vector.shape_cast %broadcast_in_dim3A_1 : vector<16xf32> to vector<1x16xf32>
    tpu.vector_store %arg9[%swap3A_284, %swap3A_285], %swap3A_288 {strides = array<i32>} : memref<16x128xf32, #tpu.memory_space<vmem>>, vector<1x16xf32>,
    %swap3A_289 = arith.constant 6 : i32
    %swap3A_290 = arith.index_cast %swap3A_289 : i32 to index
    %swap3A_291 = arith.constant 0 : index
    %swap3A_292 = tpu.vector_load %arg9[%swap3A_290, %swap3A_291] {strides = array<i32>} : memref<16x128xf32, #tpu.memory_space<vmem>>, vector<1x16xf32>,
    %swap3A_293 = vector.shape_cast %swap3A_292 : vector<1x16xf32> to vector<16xf32>
    %swap3A_294 = vector.shape_cast %broadcast_in_dim3A_1 : vector<16xf32> to vector<1x16xf32>
    tpu.vector_store %arg9[%swap3A_290, %swap3A_291], %swap3A_294 {strides = array<i32>} : memref<16x128xf32, #tpu.memory_space<vmem>>, vector<1x16xf32>,
    %swap3A_295 = arith.constant 6 : i32
    %swap3A_296 = arith.index_cast %swap3A_295 : i32 to index
    %swap3A_297 = arith.constant 16 : index
    %swap3A_298 = tpu.vector_load %arg9[%swap3A_296, %swap3A_297] {strides = array<i32>} : memref<16x128xf32, #tpu.memory_space<vmem>>, vector<1x16xf32>,
    %swap3A_299 = vector.shape_cast %swap3A_298 : vector<1x16xf32> to vector<16xf32>
    %swap3A_300 = vector.shape_cast %broadcast_in_dim3A_1 : vector<16xf32> to vector<1x16xf32>
    tpu.vector_store %arg9[%swap3A_296, %swap3A_297], %swap3A_300 {strides = array<i32>} : memref<16x128xf32, #tpu.memory_space<vmem>>, vector<1x16xf32>,
    %swap3A_301 = arith.constant 6 : i32
    %swap3A_302 = arith.index_cast %swap3A_301 : i32 to index
    %swap3A_303 = arith.constant 32 : index
    %swap3A_304 = tpu.vector_load %arg9[%swap3A_302, %swap3A_303] {strides = array<i32>} : memref<16x128xf32, #tpu.memory_space<vmem>>, vector<1x16xf32>,
    %swap3A_305 = vector.shape_cast %swap3A_304 : vector<1x16xf32> to vector<16xf32>
    %swap3A_306 = vector.shape_cast %broadcast_in_dim3A_1 : vector<16xf32> to vector<1x16xf32>
    tpu.vector_store %arg9[%swap3A_302, %swap3A_303], %swap3A_306 {strides = array<i32>} : memref<16x128xf32, #tpu.memory_space<vmem>>, vector<1x16xf32>,
    %swap3A_307 = arith.constant 6 : i32
    %swap3A_308 = arith.index_cast %swap3A_307 : i32 to index
    %swap3A_309 = arith.constant 48 : index
    %swap3A_310 = tpu.vector_load %arg9[%swap3A_308, %swap3A_309] {strides = array<i32>} : memref<16x128xf32, #tpu.memory_space<vmem>>, vector<1x16xf32>,
    %swap3A_311 = vector.shape_cast %swap3A_310 : vector<1x16xf32> to vector<16xf32>
    %swap3A_312 = vector.shape_cast %broadcast_in_dim3A_1 : vector<16xf32> to vector<1x16xf32>
    tpu.vector_store %arg9[%swap3A_308, %swap3A_309], %swap3A_312 {strides = array<i32>} : memref<16x128xf32, #tpu.memory_space<vmem>>, vector<1x16xf32>,
    %swap3A_313 = arith.constant 6 : i32
    %swap3A_314 = arith.index_cast %swap3A_313 : i32 to index
    %swap3A_315 = arith.constant 64 : index
    %swap3A_316 = tpu.vector_load %arg9[%swap3A_314, %swap3A_315] {strides = array<i32>} : memref<16x128xf32, #tpu.memory_space<vmem>>, vector<1x16xf32>,
    %swap3A_317 = vector.shape_cast %swap3A_316 : vector<1x16xf32> to vector<16xf32>
    %swap3A_318 = vector.shape_cast %broadcast_in_dim3A_1 : vector<16xf32> to vector<1x16xf32>
    tpu.vector_store %arg9[%swap3A_314, %swap3A_315], %swap3A_318 {strides = array<i32>} : memref<16x128xf32, #tpu.memory_space<vmem>>, vector<1x16xf32>,
    %swap3A_319 = arith.constant 6 : i32
    %swap3A_320 = arith.index_cast %swap3A_319 : i32 to index
    %swap3A_321 = arith.constant 80 : index
    %swap3A_322 = tpu.vector_load %arg9[%swap3A_320, %swap3A_321] {strides = array<i32>} : memref<16x128xf32, #tpu.memory_space<vmem>>, vector<1x16xf32>,
    %swap3A_323 = vector.shape_cast %swap3A_322 : vector<1x16xf32> to vector<16xf32>
    %swap3A_324 = vector.shape_cast %broadcast_in_dim3A_1 : vector<16xf32> to vector<1x16xf32>
    tpu.vector_store %arg9[%swap3A_320, %swap3A_321], %swap3A_324 {strides = array<i32>} : memref<16x128xf32, #tpu.memory_space<vmem>>, vector<1x16xf32>,
    %swap3A_325 = arith.constant 6 : i32
    %swap3A_326 = arith.index_cast %swap3A_325 : i32 to index
    %swap3A_327 = arith.constant 96 : index
    %swap3A_328 = tpu.vector_load %arg9[%swap3A_326, %swap3A_327] {strides = array<i32>} : memref<16x128xf32, #tpu.memory_space<vmem>>, vector<1x16xf32>,
    %swap3A_329 = vector.shape_cast %swap3A_328 : vector<1x16xf32> to vector<16xf32>
    %swap3A_330 = vector.shape_cast %broadcast_in_dim3A_1 : vector<16xf32> to vector<1x16xf32>
    tpu.vector_store %arg9[%swap3A_326, %swap3A_327], %swap3A_330 {strides = array<i32>} : memref<16x128xf32, #tpu.memory_space<vmem>>, vector<1x16xf32>,
    %swap3A_331 = arith.constant 6 : i32
    %swap3A_332 = arith.index_cast %swap3A_331 : i32 to index
    %swap3A_333 = arith.constant 112 : index
    %swap3A_334 = tpu.vector_load %arg9[%swap3A_332, %swap3A_333] {strides = array<i32>} : memref<16x128xf32, #tpu.memory_space<vmem>>, vector<1x16xf32>,
    %swap3A_335 = vector.shape_cast %swap3A_334 : vector<1x16xf32> to vector<16xf32>
    %swap3A_336 = vector.shape_cast %broadcast_in_dim3A_1 : vector<16xf32> to vector<1x16xf32>
    tpu.vector_store %arg9[%swap3A_332, %swap3A_333], %swap3A_336 {strides = array<i32>} : memref<16x128xf32, #tpu.memory_space<vmem>>, vector<1x16xf32>,
    %swap3A_337 = arith.constant 7 : i32
    %swap3A_338 = arith.index_cast %swap3A_337 : i32 to index
    %swap3A_339 = arith.constant 0 : index
    %swap3A_340 = tpu.vector_load %arg9[%swap3A_338, %swap3A_339] {strides = array<i32>} : memref<16x128xf32, #tpu.memory_space<vmem>>, vector<1x16xf32>,
    %swap3A_341 = vector.shape_cast %swap3A_340 : vector<1x16xf32> to vector<16xf32>
    %swap3A_342 = vector.shape_cast %broadcast_in_dim3A_1 : vector<16xf32> to vector<1x16xf32>
    tpu.vector_store %arg9[%swap3A_338, %swap3A_339], %swap3A_342 {strides = array<i32>} : memref<16x128xf32, #tpu.memory_space<vmem>>, vector<1x16xf32>,
    %swap3A_343 = arith.constant 7 : i32
    %swap3A_344 = arith.index_cast %swap3A_343 : i32 to index
    %swap3A_345 = arith.constant 16 : index
    %swap3A_346 = tpu.vector_load %arg9[%swap3A_344, %swap3A_345] {strides = array<i32>} : memref<16x128xf32, #tpu.memory_space<vmem>>, vector<1x16xf32>,
    %swap3A_347 = vector.shape_cast %swap3A_346 : vector<1x16xf32> to vector<16xf32>
    %swap3A_348 = vector.shape_cast %broadcast_in_dim3A_1 : vector<16xf32> to vector<1x16xf32>
    tpu.vector_store %arg9[%swap3A_344, %swap3A_345], %swap3A_348 {strides = array<i32>} : memref<16x128xf32, #tpu.memory_space<vmem>>, vector<1x16xf32>,
    %swap3A_349 = arith.constant 7 : i32
    %swap3A_350 = arith.index_cast %swap3A_349 : i32 to index
    %swap3A_351 = arith.constant 32 : index
    %swap3A_352 = tpu.vector_load %arg9[%swap3A_350, %swap3A_351] {strides = array<i32>} : memref<16x128xf32, #tpu.memory_space<vmem>>, vector<1x16xf32>,
    %swap3A_353 = vector.shape_cast %swap3A_352 : vector<1x16xf32> to vector<16xf32>
    %swap3A_354 = vector.shape_cast %broadcast_in_dim3A_1 : vector<16xf32> to vector<1x16xf32>
    tpu.vector_store %arg9[%swap3A_350, %swap3A_351], %swap3A_354 {strides = array<i32>} : memref<16x128xf32, #tpu.memory_space<vmem>>, vector<1x16xf32>,
    %swap3A_355 = arith.constant 7 : i32
    %swap3A_356 = arith.index_cast %swap3A_355 : i32 to index
    %swap3A_357 = arith.constant 48 : index
    %swap3A_358 = tpu.vector_load %arg9[%swap3A_356, %swap3A_357] {strides = array<i32>} : memref<16x128xf32, #tpu.memory_space<vmem>>, vector<1x16xf32>,
    %swap3A_359 = vector.shape_cast %swap3A_358 : vector<1x16xf32> to vector<16xf32>
    %swap3A_360 = vector.shape_cast %broadcast_in_dim3A_1 : vector<16xf32> to vector<1x16xf32>
    tpu.vector_store %arg9[%swap3A_356, %swap3A_357], %swap3A_360 {strides = array<i32>} : memref<16x128xf32, #tpu.memory_space<vmem>>, vector<1x16xf32>,
    %swap3A_361 = arith.constant 7 : i32
    %swap3A_362 = arith.index_cast %swap3A_361 : i32 to index
    %swap3A_363 = arith.constant 64 : index
    %swap3A_364 = tpu.vector_load %arg9[%swap3A_362, %swap3A_363] {strides = array<i32>} : memref<16x128xf32, #tpu.memory_space<vmem>>, vector<1x16xf32>,
    %swap3A_365 = vector.shape_cast %swap3A_364 : vector<1x16xf32> to vector<16xf32>
    %swap3A_366 = vector.shape_cast %broadcast_in_dim3A_1 : vector<16xf32> to vector<1x16xf32>
    tpu.vector_store %arg9[%swap3A_362, %swap3A_363], %swap3A_366 {strides = array<i32>} : memref<16x128xf32, #tpu.memory_space<vmem>>, vector<1x16xf32>,
    %swap3A_367 = arith.constant 7 : i32
    %swap3A_368 = arith.index_cast %swap3A_367 : i32 to index
    %swap3A_369 = arith.constant 80 : index
    %swap3A_370 = tpu.vector_load %arg9[%swap3A_368, %swap3A_369] {strides = array<i32>} : memref<16x128xf32, #tpu.memory_space<vmem>>, vector<1x16xf32>,
    %swap3A_371 = vector.shape_cast %swap3A_370 : vector<1x16xf32> to vector<16xf32>
    %swap3A_372 = vector.shape_cast %broadcast_in_dim3A_1 : vector<16xf32> to vector<1x16xf32>
    tpu.vector_store %arg9[%swap3A_368, %swap3A_369], %swap3A_372 {strides = array<i32>} : memref<16x128xf32, #tpu.memory_space<vmem>>, vector<1x16xf32>,
    %swap3A_373 = arith.constant 7 : i32
    %swap3A_374 = arith.index_cast %swap3A_373 : i32 to index
    %swap3A_375 = arith.constant 96 : index
    %swap3A_376 = tpu.vector_load %arg9[%swap3A_374, %swap3A_375] {strides = array<i32>} : memref<16x128xf32, #tpu.memory_space<vmem>>, vector<1x16xf32>,
    %swap3A_377 = vector.shape_cast %swap3A_376 : vector<1x16xf32> to vector<16xf32>
    %swap3A_378 = vector.shape_cast %broadcast_in_dim3A_1 : vector<16xf32> to vector<1x16xf32>
    tpu.vector_store %arg9[%swap3A_374, %swap3A_375], %swap3A_378 {strides = array<i32>} : memref<16x128xf32, #tpu.memory_space<vmem>>, vector<1x16xf32>,
    %swap3A_379 = arith.constant 7 : i32
    %swap3A_380 = arith.index_cast %swap3A_379 : i32 to index
    %swap3A_381 = arith.constant 112 : index
    %swap3A_382 = tpu.vector_load %arg9[%swap3A_380, %swap3A_381] {strides = array<i32>} : memref<16x128xf32, #tpu.memory_space<vmem>>, vector<1x16xf32>,
    %swap3A_383 = vector.shape_cast %swap3A_382 : vector<1x16xf32> to vector<16xf32>
    %swap3A_384 = vector.shape_cast %broadcast_in_dim3A_1 : vector<16xf32> to vector<1x16xf32>
    tpu.vector_store %arg9[%swap3A_380, %swap3A_381], %swap3A_384 {strides = array<i32>} : memref<16x128xf32, #tpu.memory_space<vmem>>, vector<1x16xf32>,
    %swap3A_385 = arith.constant 8 : i32
    %swap3A_386 = arith.index_cast %swap3A_385 : i32 to index
    %swap3A_387 = arith.constant 0 : index
    %swap3A_388 = tpu.vector_load %arg9[%swap3A_386, %swap3A_387] {strides = array<i32>} : memref<16x128xf32, #tpu.memory_space<vmem>>, vector<1x16xf32>,
    %swap3A_389 = vector.shape_cast %swap3A_388 : vector<1x16xf32> to vector<16xf32>
    %swap3A_390 = vector.shape_cast %broadcast_in_dim3A_1 : vector<16xf32> to vector<1x16xf32>
    tpu.vector_store %arg9[%swap3A_386, %swap3A_387], %swap3A_390 {strides = array<i32>} : memref<16x128xf32, #tpu.memory_space<vmem>>, vector<1x16xf32>,
    %swap3A_391 = arith.constant 8 : i32
    %swap3A_392 = arith.index_cast %swap3A_391 : i32 to index
    %swap3A_393 = arith.constant 16 : index
    %swap3A_394 = tpu.vector_load %arg9[%swap3A_392, %swap3A_393] {strides = array<i32>} : memref<16x128xf32, #tpu.memory_space<vmem>>, vector<1x16xf32>,
    %swap3A_395 = vector.shape_cast %swap3A_394 : vector<1x16xf32> to vector<16xf32>
    %swap3A_396 = vector.shape_cast %broadcast_in_dim3A_1 : vector<16xf32> to vector<1x16xf32>
    tpu.vector_store %arg9[%swap3A_392, %swap3A_393], %swap3A_396 {strides = array<i32>} : memref<16x128xf32, #tpu.memory_space<vmem>>, vector<1x16xf32>,
    %swap3A_397 = arith.constant 8 : i32
    %swap3A_398 = arith.index_cast %swap3A_397 : i32 to index
    %swap3A_399 = arith.constant 32 : index
    %swap3A_400 = tpu.vector_load %arg9[%swap3A_398, %swap3A_399] {strides = array<i32>} : memref<16x128xf32, #tpu.memory_space<vmem>>, vector<1x16xf32>,
    %swap3A_401 = vector.shape_cast %swap3A_400 : vector<1x16xf32> to vector<16xf32>
    %swap3A_402 = vector.shape_cast %broadcast_in_dim3A_1 : vector<16xf32> to vector<1x16xf32>
    tpu.vector_store %arg9[%swap3A_398, %swap3A_399], %swap3A_402 {strides = array<i32>} : memref<16x128xf32, #tpu.memory_space<vmem>>, vector<1x16xf32>,
    %swap3A_403 = arith.constant 8 : i32
    %swap3A_404 = arith.index_cast %swap3A_403 : i32 to index
    %swap3A_405 = arith.constant 48 : index
    %swap3A_406 = tpu.vector_load %arg9[%swap3A_404, %swap3A_405] {strides = array<i32>} : memref<16x128xf32, #tpu.memory_space<vmem>>, vector<1x16xf32>,
    %swap3A_407 = vector.shape_cast %swap3A_406 : vector<1x16xf32> to vector<16xf32>
    %swap3A_408 = vector.shape_cast %broadcast_in_dim3A_1 : vector<16xf32> to vector<1x16xf32>
    tpu.vector_store %arg9[%swap3A_404, %swap3A_405], %swap3A_408 {strides = array<i32>} : memref<16x128xf32, #tpu.memory_space<vmem>>, vector<1x16xf32>,
    %swap3A_409 = arith.constant 8 : i32
    %swap3A_410 = arith.index_cast %swap3A_409 : i32 to index
    %swap3A_411 = arith.constant 64 : index
    %swap3A_412 = tpu.vector_load %arg9[%swap3A_410, %swap3A_411] {strides = array<i32>} : memref<16x128xf32, #tpu.memory_space<vmem>>, vector<1x16xf32>,
    %swap3A_413 = vector.shape_cast %swap3A_412 : vector<1x16xf32> to vector<16xf32>
    %swap3A_414 = vector.shape_cast %broadcast_in_dim3A_1 : vector<16xf32> to vector<1x16xf32>
    tpu.vector_store %arg9[%swap3A_410, %swap3A_411], %swap3A_414 {strides = array<i32>} : memref<16x128xf32, #tpu.memory_space<vmem>>, vector<1x16xf32>,
    %swap3A_415 = arith.constant 8 : i32
    %swap3A_416 = arith.index_cast %swap3A_415 : i32 to index
    %swap3A_417 = arith.constant 80 : index
    %swap3A_418 = tpu.vector_load %arg9[%swap3A_416, %swap3A_417] {strides = array<i32>} : memref<16x128xf32, #tpu.memory_space<vmem>>, vector<1x16xf32>,
    %swap3A_419 = vector.shape_cast %swap3A_418 : vector<1x16xf32> to vector<16xf32>
    %swap3A_420 = vector.shape_cast %broadcast_in_dim3A_1 : vector<16xf32> to vector<1x16xf32>
    tpu.vector_store %arg9[%swap3A_416, %swap3A_417], %swap3A_420 {strides = array<i32>} : memref<16x128xf32, #tpu.memory_space<vmem>>, vector<1x16xf32>,
    %swap3A_421 = arith.constant 8 : i32
    %swap3A_422 = arith.index_cast %swap3A_421 : i32 to index
    %swap3A_423 = arith.constant 96 : index
    %swap3A_424 = tpu.vector_load %arg9[%swap3A_422, %swap3A_423] {strides = array<i32>} : memref<16x128xf32, #tpu.memory_space<vmem>>, vector<1x16xf32>,
    %swap3A_425 = vector.shape_cast %swap3A_424 : vector<1x16xf32> to vector<16xf32>
    %swap3A_426 = vector.shape_cast %broadcast_in_dim3A_1 : vector<16xf32> to vector<1x16xf32>
    tpu.vector_store %arg9[%swap3A_422, %swap3A_423], %swap3A_426 {strides = array<i32>} : memref<16x128xf32, #tpu.memory_space<vmem>>, vector<1x16xf32>,
    %swap3A_427 = arith.constant 8 : i32
    %swap3A_428 = arith.index_cast %swap3A_427 : i32 to index
    %swap3A_429 = arith.constant 112 : index
    %swap3A_430 = tpu.vector_load %arg9[%swap3A_428, %swap3A_429] {strides = array<i32>} : memref<16x128xf32, #tpu.memory_space<vmem>>, vector<1x16xf32>,
    %swap3A_431 = vector.shape_cast %swap3A_430 : vector<1x16xf32> to vector<16xf32>
    %swap3A_432 = vector.shape_cast %broadcast_in_dim3A_1 : vector<16xf32> to vector<1x16xf32>
    tpu.vector_store %arg9[%swap3A_428, %swap3A_429], %swap3A_432 {strides = array<i32>} : memref<16x128xf32, #tpu.memory_space<vmem>>, vector<1x16xf32>,
    %swap3A_433 = arith.constant 9 : i32
    %swap3A_434 = arith.index_cast %swap3A_433 : i32 to index
    %swap3A_435 = arith.constant 0 : index
    %swap3A_436 = tpu.vector_load %arg9[%swap3A_434, %swap3A_435] {strides = array<i32>} : memref<16x128xf32, #tpu.memory_space<vmem>>, vector<1x16xf32>,
    %swap3A_437 = vector.shape_cast %swap3A_436 : vector<1x16xf32> to vector<16xf32>
    %swap3A_438 = vector.shape_cast %broadcast_in_dim3A_1 : vector<16xf32> to vector<1x16xf32>
    tpu.vector_store %arg9[%swap3A_434, %swap3A_435], %swap3A_438 {strides = array<i32>} : memref<16x128xf32, #tpu.memory_space<vmem>>, vector<1x16xf32>,
    %swap3A_439 = arith.constant 9 : i32
    %swap3A_440 = arith.index_cast %swap3A_439 : i32 to index
    %swap3A_441 = arith.constant 16 : index
    %swap3A_442 = tpu.vector_load %arg9[%swap3A_440, %swap3A_441] {strides = array<i32>} : memref<16x128xf32, #tpu.memory_space<vmem>>, vector<1x16xf32>,
    %swap3A_443 = vector.shape_cast %swap3A_442 : vector<1x16xf32> to vector<16xf32>
    %swap3A_444 = vector.shape_cast %broadcast_in_dim3A_1 : vector<16xf32> to vector<1x16xf32>
    tpu.vector_store %arg9[%swap3A_440, %swap3A_441], %swap3A_444 {strides = array<i32>} : memref<16x128xf32, #tpu.memory_space<vmem>>, vector<1x16xf32>,
    %swap3A_445 = arith.constant 9 : i32
    %swap3A_446 = arith.index_cast %swap3A_445 : i32 to index
    %swap3A_447 = arith.constant 32 : index
    %swap3A_448 = tpu.vector_load %arg9[%swap3A_446, %swap3A_447] {strides = array<i32>} : memref<16x128xf32, #tpu.memory_space<vmem>>, vector<1x16xf32>,
    %swap3A_449 = vector.shape_cast %swap3A_448 : vector<1x16xf32> to vector<16xf32>
    %swap3A_450 = vector.shape_cast %broadcast_in_dim3A_1 : vector<16xf32> to vector<1x16xf32>
    tpu.vector_store %arg9[%swap3A_446, %swap3A_447], %swap3A_450 {strides = array<i32>} : memref<16x128xf32, #tpu.memory_space<vmem>>, vector<1x16xf32>,
    %swap3A_451 = arith.constant 9 : i32
    %swap3A_452 = arith.index_cast %swap3A_451 : i32 to index
    %swap3A_453 = arith.constant 48 : index
    %swap3A_454 = tpu.vector_load %arg9[%swap3A_452, %swap3A_453] {strides = array<i32>} : memref<16x128xf32, #tpu.memory_space<vmem>>, vector<1x16xf32>,
    %swap3A_455 = vector.shape_cast %swap3A_454 : vector<1x16xf32> to vector<16xf32>
    %swap3A_456 = vector.shape_cast %broadcast_in_dim3A_1 : vector<16xf32> to vector<1x16xf32>
    tpu.vector_store %arg9[%swap3A_452, %swap3A_453], %swap3A_456 {strides = array<i32>} : memref<16x128xf32, #tpu.memory_space<vmem>>, vector<1x16xf32>,
    %swap3A_457 = arith.constant 9 : i32
    %swap3A_458 = arith.index_cast %swap3A_457 : i32 to index
    %swap3A_459 = arith.constant 64 : index
    %swap3A_460 = tpu.vector_load %arg9[%swap3A_458, %swap3A_459] {strides = array<i32>} : memref<16x128xf32, #tpu.memory_space<vmem>>, vector<1x16xf32>,
    %swap3A_461 = vector.shape_cast %swap3A_460 : vector<1x16xf32> to vector<16xf32>
    %swap3A_462 = vector.shape_cast %broadcast_in_dim3A_1 : vector<16xf32> to vector<1x16xf32>
    tpu.vector_store %arg9[%swap3A_458, %swap3A_459], %swap3A_462 {strides = array<i32>} : memref<16x128xf32, #tpu.memory_space<vmem>>, vector<1x16xf32>,
    %swap3A_463 = arith.constant 9 : i32
    %swap3A_464 = arith.index_cast %swap3A_463 : i32 to index
    %swap3A_465 = arith.constant 80 : index
    %swap3A_466 = tpu.vector_load %arg9[%swap3A_464, %swap3A_465] {strides = array<i32>} : memref<16x128xf32, #tpu.memory_space<vmem>>, vector<1x16xf32>,
    %swap3A_467 = vector.shape_cast %swap3A_466 : vector<1x16xf32> to vector<16xf32>
    %swap3A_468 = vector.shape_cast %broadcast_in_dim3A_1 : vector<16xf32> to vector<1x16xf32>
    tpu.vector_store %arg9[%swap3A_464, %swap3A_465], %swap3A_468 {strides = array<i32>} : memref<16x128xf32, #tpu.memory_space<vmem>>, vector<1x16xf32>,
    %swap3A_469 = arith.constant 9 : i32
    %swap3A_470 = arith.index_cast %swap3A_469 : i32 to index
    %swap3A_471 = arith.constant 96 : index
    %swap3A_472 = tpu.vector_load %arg9[%swap3A_470, %swap3A_471] {strides = array<i32>} : memref<16x128xf32, #tpu.memory_space<vmem>>, vector<1x16xf32>,
    %swap3A_473 = vector.shape_cast %swap3A_472 : vector<1x16xf32> to vector<16xf32>
    %swap3A_474 = vector.shape_cast %broadcast_in_dim3A_1 : vector<16xf32> to vector<1x16xf32>
    tpu.vector_store %arg9[%swap3A_470, %swap3A_471], %swap3A_474 {strides = array<i32>} : memref<16x128xf32, #tpu.memory_space<vmem>>, vector<1x16xf32>,
    %swap3A_475 = arith.constant 9 : i32
    %swap3A_476 = arith.index_cast %swap3A_475 : i32 to index
    %swap3A_477 = arith.constant 112 : index
    %swap3A_478 = tpu.vector_load %arg9[%swap3A_476, %swap3A_477] {strides = array<i32>} : memref<16x128xf32, #tpu.memory_space<vmem>>, vector<1x16xf32>,
    %swap3A_479 = vector.shape_cast %swap3A_478 : vector<1x16xf32> to vector<16xf32>
    %swap3A_480 = vector.shape_cast %broadcast_in_dim3A_1 : vector<16xf32> to vector<1x16xf32>
    tpu.vector_store %arg9[%swap3A_476, %swap3A_477], %swap3A_480 {strides = array<i32>} : memref<16x128xf32, #tpu.memory_space<vmem>>, vector<1x16xf32>,
    %swap3A_481 = arith.constant 10 : i32
    %swap3A_482 = arith.index_cast %swap3A_481 : i32 to index
    %swap3A_483 = arith.constant 0 : index
    %swap3A_484 = tpu.vector_load %arg9[%swap3A_482, %swap3A_483] {strides = array<i32>} : memref<16x128xf32, #tpu.memory_space<vmem>>, vector<1x16xf32>,
    %swap3A_485 = vector.shape_cast %swap3A_484 : vector<1x16xf32> to vector<16xf32>
    %swap3A_486 = vector.shape_cast %broadcast_in_dim3A_1 : vector<16xf32> to vector<1x16xf32>
    tpu.vector_store %arg9[%swap3A_482, %swap3A_483], %swap3A_486 {strides = array<i32>} : memref<16x128xf32, #tpu.memory_space<vmem>>, vector<1x16xf32>,
    %swap3A_487 = arith.constant 10 : i32
    %swap3A_488 = arith.index_cast %swap3A_487 : i32 to index
    %swap3A_489 = arith.constant 16 : index
    %swap3A_490 = tpu.vector_load %arg9[%swap3A_488, %swap3A_489] {strides = array<i32>} : memref<16x128xf32, #tpu.memory_space<vmem>>, vector<1x16xf32>,
    %swap3A_491 = vector.shape_cast %swap3A_490 : vector<1x16xf32> to vector<16xf32>
    %swap3A_492 = vector.shape_cast %broadcast_in_dim3A_1 : vector<16xf32> to vector<1x16xf32>
    tpu.vector_store %arg9[%swap3A_488, %swap3A_489], %swap3A_492 {strides = array<i32>} : memref<16x128xf32, #tpu.memory_space<vmem>>, vector<1x16xf32>,
    %swap3A_493 = arith.constant 10 : i32
    %swap3A_494 = arith.index_cast %swap3A_493 : i32 to index
    %swap3A_495 = arith.constant 32 : index
    %swap3A_496 = tpu.vector_load %arg9[%swap3A_494, %swap3A_495] {strides = array<i32>} : memref<16x128xf32, #tpu.memory_space<vmem>>, vector<1x16xf32>,
    %swap3A_497 = vector.shape_cast %swap3A_496 : vector<1x16xf32> to vector<16xf32>
    %swap3A_498 = vector.shape_cast %broadcast_in_dim3A_1 : vector<16xf32> to vector<1x16xf32>
    tpu.vector_store %arg9[%swap3A_494, %swap3A_495], %swap3A_498 {strides = array<i32>} : memref<16x128xf32, #tpu.memory_space<vmem>>, vector<1x16xf32>,
    %swap3A_499 = arith.constant 10 : i32
    %swap3A_500 = arith.index_cast %swap3A_499 : i32 to index
    %swap3A_501 = arith.constant 48 : index
    %swap3A_502 = tpu.vector_load %arg9[%swap3A_500, %swap3A_501] {strides = array<i32>} : memref<16x128xf32, #tpu.memory_space<vmem>>, vector<1x16xf32>,
    %swap3A_503 = vector.shape_cast %swap3A_502 : vector<1x16xf32> to vector<16xf32>
    %swap3A_504 = vector.shape_cast %broadcast_in_dim3A_1 : vector<16xf32> to vector<1x16xf32>
    tpu.vector_store %arg9[%swap3A_500, %swap3A_501], %swap3A_504 {strides = array<i32>} : memref<16x128xf32, #tpu.memory_space<vmem>>, vector<1x16xf32>,
    %swap3A_505 = arith.constant 10 : i32
    %swap3A_506 = arith.index_cast %swap3A_505 : i32 to index
    %swap3A_507 = arith.constant 64 : index
    %swap3A_508 = tpu.vector_load %arg9[%swap3A_506, %swap3A_507] {strides = array<i32>} : memref<16x128xf32, #tpu.memory_space<vmem>>, vector<1x16xf32>,
    %swap3A_509 = vector.shape_cast %swap3A_508 : vector<1x16xf32> to vector<16xf32>
    %swap3A_510 = vector.shape_cast %broadcast_in_dim3A_1 : vector<16xf32> to vector<1x16xf32>
    tpu.vector_store %arg9[%swap3A_506, %swap3A_507], %swap3A_510 {strides = array<i32>} : memref<16x128xf32, #tpu.memory_space<vmem>>, vector<1x16xf32>,
    %swap3A_511 = arith.constant 10 : i32
    %swap3A_512 = arith.index_cast %swap3A_511 : i32 to index
    %swap3A_513 = arith.constant 80 : index
    %swap3A_514 = tpu.vector_load %arg9[%swap3A_512, %swap3A_513] {strides = array<i32>} : memref<16x128xf32, #tpu.memory_space<vmem>>, vector<1x16xf32>,
    %swap3A_515 = vector.shape_cast %swap3A_514 : vector<1x16xf32> to vector<16xf32>
    %swap3A_516 = vector.shape_cast %broadcast_in_dim3A_1 : vector<16xf32> to vector<1x16xf32>
    tpu.vector_store %arg9[%swap3A_512, %swap3A_513], %swap3A_516 {strides = array<i32>} : memref<16x128xf32, #tpu.memory_space<vmem>>, vector<1x16xf32>,
    %swap3A_517 = arith.constant 10 : i32
    %swap3A_518 = arith.index_cast %swap3A_517 : i32 to index
    %swap3A_519 = arith.constant 96 : index
    %swap3A_520 = tpu.vector_load %arg9[%swap3A_518, %swap3A_519] {strides = array<i32>} : memref<16x128xf32, #tpu.memory_space<vmem>>, vector<1x16xf32>,
    %swap3A_521 = vector.shape_cast %swap3A_520 : vector<1x16xf32> to vector<16xf32>
    %swap3A_522 = vector.shape_cast %broadcast_in_dim3A_1 : vector<16xf32> to vector<1x16xf32>
    tpu.vector_store %arg9[%swap3A_518, %swap3A_519], %swap3A_522 {strides = array<i32>} : memref<16x128xf32, #tpu.memory_space<vmem>>, vector<1x16xf32>,
    %swap3A_523 = arith.constant 10 : i32
    %swap3A_524 = arith.index_cast %swap3A_523 : i32 to index
    %swap3A_525 = arith.constant 112 : index
    %swap3A_526 = tpu.vector_load %arg9[%swap3A_524, %swap3A_525] {strides = array<i32>} : memref<16x128xf32, #tpu.memory_space<vmem>>, vector<1x16xf32>,
    %swap3A_527 = vector.shape_cast %swap3A_526 : vector<1x16xf32> to vector<16xf32>
    %swap3A_528 = vector.shape_cast %broadcast_in_dim3A_1 : vector<16xf32> to vector<1x16xf32>
    tpu.vector_store %arg9[%swap3A_524, %swap3A_525], %swap3A_528 {strides = array<i32>} : memref<16x128xf32, #tpu.memory_space<vmem>>, vector<1x16xf32>,
    %swap3A_529 = arith.constant 11 : i32
    %swap3A_530 = arith.index_cast %swap3A_529 : i32 to index
    %swap3A_531 = arith.constant 0 : index
    %swap3A_532 = tpu.vector_load %arg9[%swap3A_530, %swap3A_531] {strides = array<i32>} : memref<16x128xf32, #tpu.memory_space<vmem>>, vector<1x16xf32>,
    %swap3A_533 = vector.shape_cast %swap3A_532 : vector<1x16xf32> to vector<16xf32>
    %swap3A_534 = vector.shape_cast %broadcast_in_dim3A_1 : vector<16xf32> to vector<1x16xf32>
    tpu.vector_store %arg9[%swap3A_530, %swap3A_531], %swap3A_534 {strides = array<i32>} : memref<16x128xf32, #tpu.memory_space<vmem>>, vector<1x16xf32>,
    %swap3A_535 = arith.constant 11 : i32
    %swap3A_536 = arith.index_cast %swap3A_535 : i32 to index
    %swap3A_537 = arith.constant 16 : index
    %swap3A_538 = tpu.vector_load %arg9[%swap3A_536, %swap3A_537] {strides = array<i32>} : memref<16x128xf32, #tpu.memory_space<vmem>>, vector<1x16xf32>,
    %swap3A_539 = vector.shape_cast %swap3A_538 : vector<1x16xf32> to vector<16xf32>
    %swap3A_540 = vector.shape_cast %broadcast_in_dim3A_1 : vector<16xf32> to vector<1x16xf32>
    tpu.vector_store %arg9[%swap3A_536, %swap3A_537], %swap3A_540 {strides = array<i32>} : memref<16x128xf32, #tpu.memory_space<vmem>>, vector<1x16xf32>,
    %swap3A_541 = arith.constant 11 : i32
    %swap3A_542 = arith.index_cast %swap3A_541 : i32 to index
    %swap3A_543 = arith.constant 32 : index
    %swap3A_544 = tpu.vector_load %arg9[%swap3A_542, %swap3A_543] {strides = array<i32>} : memref<16x128xf32, #tpu.memory_space<vmem>>, vector<1x16xf32>,
    %swap3A_545 = vector.shape_cast %swap3A_544 : vector<1x16xf32> to vector<16xf32>
    %swap3A_546 = vector.shape_cast %broadcast_in_dim3A_1 : vector<16xf32> to vector<1x16xf32>
    tpu.vector_store %arg9[%swap3A_542, %swap3A_543], %swap3A_546 {strides = array<i32>} : memref<16x128xf32, #tpu.memory_space<vmem>>, vector<1x16xf32>,
    %swap3A_547 = arith.constant 11 : i32
    %swap3A_548 = arith.index_cast %swap3A_547 : i32 to index
    %swap3A_549 = arith.constant 48 : index
    %swap3A_550 = tpu.vector_load %arg9[%swap3A_548, %swap3A_549] {strides = array<i32>} : memref<16x128xf32, #tpu.memory_space<vmem>>, vector<1x16xf32>,
    %swap3A_551 = vector.shape_cast %swap3A_550 : vector<1x16xf32> to vector<16xf32>
    %swap3A_552 = vector.shape_cast %broadcast_in_dim3A_1 : vector<16xf32> to vector<1x16xf32>
    tpu.vector_store %arg9[%swap3A_548, %swap3A_549], %swap3A_552 {strides = array<i32>} : memref<16x128xf32, #tpu.memory_space<vmem>>, vector<1x16xf32>,
    %swap3A_553 = arith.constant 11 : i32
    %swap3A_554 = arith.index_cast %swap3A_553 : i32 to index
    %swap3A_555 = arith.constant 64 : index
    %swap3A_556 = tpu.vector_load %arg9[%swap3A_554, %swap3A_555] {strides = array<i32>} : memref<16x128xf32, #tpu.memory_space<vmem>>, vector<1x16xf32>,
    %swap3A_557 = vector.shape_cast %swap3A_556 : vector<1x16xf32> to vector<16xf32>
    %swap3A_558 = vector.shape_cast %broadcast_in_dim3A_1 : vector<16xf32> to vector<1x16xf32>
    tpu.vector_store %arg9[%swap3A_554, %swap3A_555], %swap3A_558 {strides = array<i32>} : memref<16x128xf32, #tpu.memory_space<vmem>>, vector<1x16xf32>,
    %swap3A_559 = arith.constant 11 : i32
    %swap3A_560 = arith.index_cast %swap3A_559 : i32 to index
    %swap3A_561 = arith.constant 80 : index
    %swap3A_562 = tpu.vector_load %arg9[%swap3A_560, %swap3A_561] {strides = array<i32>} : memref<16x128xf32, #tpu.memory_space<vmem>>, vector<1x16xf32>,
    %swap3A_563 = vector.shape_cast %swap3A_562 : vector<1x16xf32> to vector<16xf32>
    %swap3A_564 = vector.shape_cast %broadcast_in_dim3A_1 : vector<16xf32> to vector<1x16xf32>
    tpu.vector_store %arg9[%swap3A_560, %swap3A_561], %swap3A_564 {strides = array<i32>} : memref<16x128xf32, #tpu.memory_space<vmem>>, vector<1x16xf32>,
    %swap3A_565 = arith.constant 11 : i32
    %swap3A_566 = arith.index_cast %swap3A_565 : i32 to index
    %swap3A_567 = arith.constant 96 : index
    %swap3A_568 = tpu.vector_load %arg9[%swap3A_566, %swap3A_567] {strides = array<i32>} : memref<16x128xf32, #tpu.memory_space<vmem>>, vector<1x16xf32>,
    %swap3A_569 = vector.shape_cast %swap3A_568 : vector<1x16xf32> to vector<16xf32>
    %swap3A_570 = vector.shape_cast %broadcast_in_dim3A_1 : vector<16xf32> to vector<1x16xf32>
    tpu.vector_store %arg9[%swap3A_566, %swap3A_567], %swap3A_570 {strides = array<i32>} : memref<16x128xf32, #tpu.memory_space<vmem>>, vector<1x16xf32>,
    %swap3A_571 = arith.constant 11 : i32
    %swap3A_572 = arith.index_cast %swap3A_571 : i32 to index
    %swap3A_573 = arith.constant 112 : index
    %swap3A_574 = tpu.vector_load %arg9[%swap3A_572, %swap3A_573] {strides = array<i32>} : memref<16x128xf32, #tpu.memory_space<vmem>>, vector<1x16xf32>,
    %swap3A_575 = vector.shape_cast %swap3A_574 : vector<1x16xf32> to vector<16xf32>
    %swap3A_576 = vector.shape_cast %broadcast_in_dim3A_1 : vector<16xf32> to vector<1x16xf32>
    tpu.vector_store %arg9[%swap3A_572, %swap3A_573], %swap3A_576 {strides = array<i32>} : memref<16x128xf32, #tpu.memory_space<vmem>>, vector<1x16xf32>,
    %swap3A_577 = arith.constant 12 : i32
    %swap3A_578 = arith.index_cast %swap3A_577 : i32 to index
    %swap3A_579 = arith.constant 0 : index
    %swap3A_580 = tpu.vector_load %arg9[%swap3A_578, %swap3A_579] {strides = array<i32>} : memref<16x128xf32, #tpu.memory_space<vmem>>, vector<1x16xf32>,
    %swap3A_581 = vector.shape_cast %swap3A_580 : vector<1x16xf32> to vector<16xf32>
    %swap3A_582 = vector.shape_cast %broadcast_in_dim3A_1 : vector<16xf32> to vector<1x16xf32>
    tpu.vector_store %arg9[%swap3A_578, %swap3A_579], %swap3A_582 {strides = array<i32>} : memref<16x128xf32, #tpu.memory_space<vmem>>, vector<1x16xf32>,
    %swap3A_583 = arith.constant 12 : i32
    %swap3A_584 = arith.index_cast %swap3A_583 : i32 to index
    %swap3A_585 = arith.constant 16 : index
    %swap3A_586 = tpu.vector_load %arg9[%swap3A_584, %swap3A_585] {strides = array<i32>} : memref<16x128xf32, #tpu.memory_space<vmem>>, vector<1x16xf32>,
    %swap3A_587 = vector.shape_cast %swap3A_586 : vector<1x16xf32> to vector<16xf32>
    %swap3A_588 = vector.shape_cast %broadcast_in_dim3A_1 : vector<16xf32> to vector<1x16xf32>
    tpu.vector_store %arg9[%swap3A_584, %swap3A_585], %swap3A_588 {strides = array<i32>} : memref<16x128xf32, #tpu.memory_space<vmem>>, vector<1x16xf32>,
    %swap3A_589 = arith.constant 12 : i32
    %swap3A_590 = arith.index_cast %swap3A_589 : i32 to index
    %swap3A_591 = arith.constant 32 : index
    %swap3A_592 = tpu.vector_load %arg9[%swap3A_590, %swap3A_591] {strides = array<i32>} : memref<16x128xf32, #tpu.memory_space<vmem>>, vector<1x16xf32>,
    %swap3A_593 = vector.shape_cast %swap3A_592 : vector<1x16xf32> to vector<16xf32>
    %swap3A_594 = vector.shape_cast %broadcast_in_dim3A_1 : vector<16xf32> to vector<1x16xf32>
    tpu.vector_store %arg9[%swap3A_590, %swap3A_591], %swap3A_594 {strides = array<i32>} : memref<16x128xf32, #tpu.memory_space<vmem>>, vector<1x16xf32>,
    %swap3A_595 = arith.constant 12 : i32
    %swap3A_596 = arith.index_cast %swap3A_595 : i32 to index
    %swap3A_597 = arith.constant 48 : index
    %swap3A_598 = tpu.vector_load %arg9[%swap3A_596, %swap3A_597] {strides = array<i32>} : memref<16x128xf32, #tpu.memory_space<vmem>>, vector<1x16xf32>,
    %swap3A_599 = vector.shape_cast %swap3A_598 : vector<1x16xf32> to vector<16xf32>
    %swap3A_600 = vector.shape_cast %broadcast_in_dim3A_1 : vector<16xf32> to vector<1x16xf32>
    tpu.vector_store %arg9[%swap3A_596, %swap3A_597], %swap3A_600 {strides = array<i32>} : memref<16x128xf32, #tpu.memory_space<vmem>>, vector<1x16xf32>,
    %swap3A_601 = arith.constant 12 : i32
    %swap3A_602 = arith.index_cast %swap3A_601 : i32 to index
    %swap3A_603 = arith.constant 64 : index
    %swap3A_604 = tpu.vector_load %arg9[%swap3A_602, %swap3A_603] {strides = array<i32>} : memref<16x128xf32, #tpu.memory_space<vmem>>, vector<1x16xf32>,
    %swap3A_605 = vector.shape_cast %swap3A_604 : vector<1x16xf32> to vector<16xf32>
    %swap3A_606 = vector.shape_cast %broadcast_in_dim3A_1 : vector<16xf32> to vector<1x16xf32>
    tpu.vector_store %arg9[%swap3A_602, %swap3A_603], %swap3A_606 {strides = array<i32>} : memref<16x128xf32, #tpu.memory_space<vmem>>, vector<1x16xf32>,
    %swap3A_607 = arith.constant 12 : i32
    %swap3A_608 = arith.index_cast %swap3A_607 : i32 to index
    %swap3A_609 = arith.constant 80 : index
    %swap3A_610 = tpu.vector_load %arg9[%swap3A_608, %swap3A_609] {strides = array<i32>} : memref<16x128xf32, #tpu.memory_space<vmem>>, vector<1x16xf32>,
    %swap3A_611 = vector.shape_cast %swap3A_610 : vector<1x16xf32> to vector<16xf32>
    %swap3A_612 = vector.shape_cast %broadcast_in_dim3A_1 : vector<16xf32> to vector<1x16xf32>
    tpu.vector_store %arg9[%swap3A_608, %swap3A_609], %swap3A_612 {strides = array<i32>} : memref<16x128xf32, #tpu.memory_space<vmem>>, vector<1x16xf32>,
    %swap3A_613 = arith.constant 12 : i32
    %swap3A_614 = arith.index_cast %swap3A_613 : i32 to index
    %swap3A_615 = arith.constant 96 : index
    %swap3A_616 = tpu.vector_load %arg9[%swap3A_614, %swap3A_615] {strides = array<i32>} : memref<16x128xf32, #tpu.memory_space<vmem>>, vector<1x16xf32>,
    %swap3A_617 = vector.shape_cast %swap3A_616 : vector<1x16xf32> to vector<16xf32>
    %swap3A_618 = vector.shape_cast %broadcast_in_dim3A_1 : vector<16xf32> to vector<1x16xf32>
    tpu.vector_store %arg9[%swap3A_614, %swap3A_615], %swap3A_618 {strides = array<i32>} : memref<16x128xf32, #tpu.memory_space<vmem>>, vector<1x16xf32>,
    %swap3A_619 = arith.constant 12 : i32
    %swap3A_620 = arith.index_cast %swap3A_619 : i32 to index
    %swap3A_621 = arith.constant 112 : index
    %swap3A_622 = tpu.vector_load %arg9[%swap3A_620, %swap3A_621] {strides = array<i32>} : memref<16x128xf32, #tpu.memory_space<vmem>>, vector<1x16xf32>,
    %swap3A_623 = vector.shape_cast %swap3A_622 : vector<1x16xf32> to vector<16xf32>
    %swap3A_624 = vector.shape_cast %broadcast_in_dim3A_1 : vector<16xf32> to vector<1x16xf32>
    tpu.vector_store %arg9[%swap3A_620, %swap3A_621], %swap3A_624 {strides = array<i32>} : memref<16x128xf32, #tpu.memory_space<vmem>>, vector<1x16xf32>,
    %swap3A_625 = arith.constant 13 : i32
    %swap3A_626 = arith.index_cast %swap3A_625 : i32 to index
    %swap3A_627 = arith.constant 0 : index
    %swap3A_628 = tpu.vector_load %arg9[%swap3A_626, %swap3A_627] {strides = array<i32>} : memref<16x128xf32, #tpu.memory_space<vmem>>, vector<1x16xf32>,
    %swap3A_629 = vector.shape_cast %swap3A_628 : vector<1x16xf32> to vector<16xf32>
    %swap3A_630 = vector.shape_cast %broadcast_in_dim3A_1 : vector<16xf32> to vector<1x16xf32>
    tpu.vector_store %arg9[%swap3A_626, %swap3A_627], %swap3A_630 {strides = array<i32>} : memref<16x128xf32, #tpu.memory_space<vmem>>, vector<1x16xf32>,
    %swap3A_631 = arith.constant 13 : i32
    %swap3A_632 = arith.index_cast %swap3A_631 : i32 to index
    %swap3A_633 = arith.constant 16 : index
    %swap3A_634 = tpu.vector_load %arg9[%swap3A_632, %swap3A_633] {strides = array<i32>} : memref<16x128xf32, #tpu.memory_space<vmem>>, vector<1x16xf32>,
    %swap3A_635 = vector.shape_cast %swap3A_634 : vector<1x16xf32> to vector<16xf32>
    %swap3A_636 = vector.shape_cast %broadcast_in_dim3A_1 : vector<16xf32> to vector<1x16xf32>
    tpu.vector_store %arg9[%swap3A_632, %swap3A_633], %swap3A_636 {strides = array<i32>} : memref<16x128xf32, #tpu.memory_space<vmem>>, vector<1x16xf32>,
    %swap3A_637 = arith.constant 13 : i32
    %swap3A_638 = arith.index_cast %swap3A_637 : i32 to index
    %swap3A_639 = arith.constant 32 : index
    %swap3A_640 = tpu.vector_load %arg9[%swap3A_638, %swap3A_639] {strides = array<i32>} : memref<16x128xf32, #tpu.memory_space<vmem>>, vector<1x16xf32>,
    %swap3A_641 = vector.shape_cast %swap3A_640 : vector<1x16xf32> to vector<16xf32>
    %swap3A_642 = vector.shape_cast %broadcast_in_dim3A_1 : vector<16xf32> to vector<1x16xf32>
    tpu.vector_store %arg9[%swap3A_638, %swap3A_639], %swap3A_642 {strides = array<i32>} : memref<16x128xf32, #tpu.memory_space<vmem>>, vector<1x16xf32>,
    %swap3A_643 = arith.constant 13 : i32
    %swap3A_644 = arith.index_cast %swap3A_643 : i32 to index
    %swap3A_645 = arith.constant 48 : index
    %swap3A_646 = tpu.vector_load %arg9[%swap3A_644, %swap3A_645] {strides = array<i32>} : memref<16x128xf32, #tpu.memory_space<vmem>>, vector<1x16xf32>,
    %swap3A_647 = vector.shape_cast %swap3A_646 : vector<1x16xf32> to vector<16xf32>
    %swap3A_648 = vector.shape_cast %broadcast_in_dim3A_1 : vector<16xf32> to vector<1x16xf32>
    tpu.vector_store %arg9[%swap3A_644, %swap3A_645], %swap3A_648 {strides = array<i32>} : memref<16x128xf32, #tpu.memory_space<vmem>>, vector<1x16xf32>,
    %swap3A_649 = arith.constant 13 : i32
    %swap3A_650 = arith.index_cast %swap3A_649 : i32 to index
    %swap3A_651 = arith.constant 64 : index
    %swap3A_652 = tpu.vector_load %arg9[%swap3A_650, %swap3A_651] {strides = array<i32>} : memref<16x128xf32, #tpu.memory_space<vmem>>, vector<1x16xf32>,
    %swap3A_653 = vector.shape_cast %swap3A_652 : vector<1x16xf32> to vector<16xf32>
    %swap3A_654 = vector.shape_cast %broadcast_in_dim3A_1 : vector<16xf32> to vector<1x16xf32>
    tpu.vector_store %arg9[%swap3A_650, %swap3A_651], %swap3A_654 {strides = array<i32>} : memref<16x128xf32, #tpu.memory_space<vmem>>, vector<1x16xf32>,
    %swap3A_655 = arith.constant 13 : i32
    %swap3A_656 = arith.index_cast %swap3A_655 : i32 to index
    %swap3A_657 = arith.constant 80 : index
    %swap3A_658 = tpu.vector_load %arg9[%swap3A_656, %swap3A_657] {strides = array<i32>} : memref<16x128xf32, #tpu.memory_space<vmem>>, vector<1x16xf32>,
    %swap3A_659 = vector.shape_cast %swap3A_658 : vector<1x16xf32> to vector<16xf32>
    %swap3A_660 = vector.shape_cast %broadcast_in_dim3A_1 : vector<16xf32> to vector<1x16xf32>
    tpu.vector_store %arg9[%swap3A_656, %swap3A_657], %swap3A_660 {strides = array<i32>} : memref<16x128xf32, #tpu.memory_space<vmem>>, vector<1x16xf32>,
    %swap3A_661 = arith.constant 13 : i32
    %swap3A_662 = arith.index_cast %swap3A_661 : i32 to index
    %swap3A_663 = arith.constant 96 : index
    %swap3A_664 = tpu.vector_load %arg9[%swap3A_662, %swap3A_663] {strides = array<i32>} : memref<16x128xf32, #tpu.memory_space<vmem>>, vector<1x16xf32>,
    %swap3A_665 = vector.shape_cast %swap3A_664 : vector<1x16xf32> to vector<16xf32>
    %swap3A_666 = vector.shape_cast %broadcast_in_dim3A_1 : vector<16xf32> to vector<1x16xf32>
    tpu.vector_store %arg9[%swap3A_662, %swap3A_663], %swap3A_666 {strides = array<i32>} : memref<16x128xf32, #tpu.memory_space<vmem>>, vector<1x16xf32>,
    %swap3A_667 = arith.constant 13 : i32
    %swap3A_668 = arith.index_cast %swap3A_667 : i32 to index
    %swap3A_669 = arith.constant 112 : index
    %swap3A_670 = tpu.vector_load %arg9[%swap3A_668, %swap3A_669] {strides = array<i32>} : memref<16x128xf32, #tpu.memory_space<vmem>>, vector<1x16xf32>,
    %swap3A_671 = vector.shape_cast %swap3A_670 : vector<1x16xf32> to vector<16xf32>
    %swap3A_672 = vector.shape_cast %broadcast_in_dim3A_1 : vector<16xf32> to vector<1x16xf32>
    tpu.vector_store %arg9[%swap3A_668, %swap3A_669], %swap3A_672 {strides = array<i32>} : memref<16x128xf32, #tpu.memory_space<vmem>>, vector<1x16xf32>,
    %swap3A_673 = arith.constant 14 : i32
    %swap3A_674 = arith.index_cast %swap3A_673 : i32 to index
    %swap3A_675 = arith.constant 0 : index
    %swap3A_676 = tpu.vector_load %arg9[%swap3A_674, %swap3A_675] {strides = array<i32>} : memref<16x128xf32, #tpu.memory_space<vmem>>, vector<1x16xf32>,
    %swap3A_677 = vector.shape_cast %swap3A_676 : vector<1x16xf32> to vector<16xf32>
    %swap3A_678 = vector.shape_cast %broadcast_in_dim3A_1 : vector<16xf32> to vector<1x16xf32>
    tpu.vector_store %arg9[%swap3A_674, %swap3A_675], %swap3A_678 {strides = array<i32>} : memref<16x128xf32, #tpu.memory_space<vmem>>, vector<1x16xf32>,
    %swap3A_679 = arith.constant 14 : i32
    %swap3A_680 = arith.index_cast %swap3A_679 : i32 to index
    %swap3A_681 = arith.constant 16 : index
    %swap3A_682 = tpu.vector_load %arg9[%swap3A_680, %swap3A_681] {strides = array<i32>} : memref<16x128xf32, #tpu.memory_space<vmem>>, vector<1x16xf32>,
    %swap3A_683 = vector.shape_cast %swap3A_682 : vector<1x16xf32> to vector<16xf32>
    %swap3A_684 = vector.shape_cast %broadcast_in_dim3A_1 : vector<16xf32> to vector<1x16xf32>
    tpu.vector_store %arg9[%swap3A_680, %swap3A_681], %swap3A_684 {strides = array<i32>} : memref<16x128xf32, #tpu.memory_space<vmem>>, vector<1x16xf32>,
    %swap3A_685 = arith.constant 14 : i32
    %swap3A_686 = arith.index_cast %swap3A_685 : i32 to index
    %swap3A_687 = arith.constant 32 : index
    %swap3A_688 = tpu.vector_load %arg9[%swap3A_686, %swap3A_687] {strides = array<i32>} : memref<16x128xf32, #tpu.memory_space<vmem>>, vector<1x16xf32>,
    %swap3A_689 = vector.shape_cast %swap3A_688 : vector<1x16xf32> to vector<16xf32>
    %swap3A_690 = vector.shape_cast %broadcast_in_dim3A_1 : vector<16xf32> to vector<1x16xf32>
    tpu.vector_store %arg9[%swap3A_686, %swap3A_687], %swap3A_690 {strides = array<i32>} : memref<16x128xf32, #tpu.memory_space<vmem>>, vector<1x16xf32>,
    %swap3A_691 = arith.constant 14 : i32
    %swap3A_692 = arith.index_cast %swap3A_691 : i32 to index
    %swap3A_693 = arith.constant 48 : index
    %swap3A_694 = tpu.vector_load %arg9[%swap3A_692, %swap3A_693] {strides = array<i32>} : memref<16x128xf32, #tpu.memory_space<vmem>>, vector<1x16xf32>,
    %swap3A_695 = vector.shape_cast %swap3A_694 : vector<1x16xf32> to vector<16xf32>
    %swap3A_696 = vector.shape_cast %broadcast_in_dim3A_1 : vector<16xf32> to vector<1x16xf32>
    tpu.vector_store %arg9[%swap3A_692, %swap3A_693], %swap3A_696 {strides = array<i32>} : memref<16x128xf32, #tpu.memory_space<vmem>>, vector<1x16xf32>,
    %swap3A_697 = arith.constant 14 : i32
    %swap3A_698 = arith.index_cast %swap3A_697 : i32 to index
    %swap3A_699 = arith.constant 64 : index
    %swap3A_700 = tpu.vector_load %arg9[%swap3A_698, %swap3A_699] {strides = array<i32>} : memref<16x128xf32, #tpu.memory_space<vmem>>, vector<1x16xf32>,
    %swap3A_701 = vector.shape_cast %swap3A_700 : vector<1x16xf32> to vector<16xf32>
    %swap3A_702 = vector.shape_cast %broadcast_in_dim3A_1 : vector<16xf32> to vector<1x16xf32>
    tpu.vector_store %arg9[%swap3A_698, %swap3A_699], %swap3A_702 {strides = array<i32>} : memref<16x128xf32, #tpu.memory_space<vmem>>, vector<1x16xf32>,
    %swap3A_703 = arith.constant 14 : i32
    %swap3A_704 = arith.index_cast %swap3A_703 : i32 to index
    %swap3A_705 = arith.constant 80 : index
    %swap3A_706 = tpu.vector_load %arg9[%swap3A_704, %swap3A_705] {strides = array<i32>} : memref<16x128xf32, #tpu.memory_space<vmem>>, vector<1x16xf32>,
    %swap3A_707 = vector.shape_cast %swap3A_706 : vector<1x16xf32> to vector<16xf32>
    %swap3A_708 = vector.shape_cast %broadcast_in_dim3A_1 : vector<16xf32> to vector<1x16xf32>
    tpu.vector_store %arg9[%swap3A_704, %swap3A_705], %swap3A_708 {strides = array<i32>} : memref<16x128xf32, #tpu.memory_space<vmem>>, vector<1x16xf32>,
    %swap3A_709 = arith.constant 14 : i32
    %swap3A_710 = arith.index_cast %swap3A_709 : i32 to index
    %swap3A_711 = arith.constant 96 : index
    %swap3A_712 = tpu.vector_load %arg9[%swap3A_710, %swap3A_711] {strides = array<i32>} : memref<16x128xf32, #tpu.memory_space<vmem>>, vector<1x16xf32>,
    %swap3A_713 = vector.shape_cast %swap3A_712 : vector<1x16xf32> to vector<16xf32>
    %swap3A_714 = vector.shape_cast %broadcast_in_dim3A_1 : vector<16xf32> to vector<1x16xf32>
    tpu.vector_store %arg9[%swap3A_710, %swap3A_711], %swap3A_714 {strides = array<i32>} : memref<16x128xf32, #tpu.memory_space<vmem>>, vector<1x16xf32>,
    %swap3A_715 = arith.constant 14 : i32
    %swap3A_716 = arith.index_cast %swap3A_715 : i32 to index
    %swap3A_717 = arith.constant 112 : index
    %swap3A_718 = tpu.vector_load %arg9[%swap3A_716, %swap3A_717] {strides = array<i32>} : memref<16x128xf32, #tpu.memory_space<vmem>>, vector<1x16xf32>,
    %swap3A_719 = vector.shape_cast %swap3A_718 : vector<1x16xf32> to vector<16xf32>
    %swap3A_720 = vector.shape_cast %broadcast_in_dim3A_1 : vector<16xf32> to vector<1x16xf32>
    tpu.vector_store %arg9[%swap3A_716, %swap3A_717], %swap3A_720 {strides = array<i32>} : memref<16x128xf32, #tpu.memory_space<vmem>>, vector<1x16xf32>,
    %swap3A_721 = arith.constant 15 : i32
    %swap3A_722 = arith.index_cast %swap3A_721 : i32 to index
    %swap3A_723 = arith.constant 0 : index
    %swap3A_724 = tpu.vector_load %arg9[%swap3A_722, %swap3A_723] {strides = array<i32>} : memref<16x128xf32, #tpu.memory_space<vmem>>, vector<1x16xf32>,
    %swap3A_725 = vector.shape_cast %swap3A_724 : vector<1x16xf32> to vector<16xf32>
    %swap3A_726 = vector.shape_cast %broadcast_in_dim3A_1 : vector<16xf32> to vector<1x16xf32>
    tpu.vector_store %arg9[%swap3A_722, %swap3A_723], %swap3A_726 {strides = array<i32>} : memref<16x128xf32, #tpu.memory_space<vmem>>, vector<1x16xf32>,
    %swap3A_727 = arith.constant 15 : i32
    %swap3A_728 = arith.index_cast %swap3A_727 : i32 to index
    %swap3A_729 = arith.constant 16 : index
    %swap3A_730 = tpu.vector_load %arg9[%swap3A_728, %swap3A_729] {strides = array<i32>} : memref<16x128xf32, #tpu.memory_space<vmem>>, vector<1x16xf32>,
    %swap3A_731 = vector.shape_cast %swap3A_730 : vector<1x16xf32> to vector<16xf32>
    %swap3A_732 = vector.shape_cast %broadcast_in_dim3A_1 : vector<16xf32> to vector<1x16xf32>
    tpu.vector_store %arg9[%swap3A_728, %swap3A_729], %swap3A_732 {strides = array<i32>} : memref<16x128xf32, #tpu.memory_space<vmem>>, vector<1x16xf32>,
    %swap3A_733 = arith.constant 15 : i32
    %swap3A_734 = arith.index_cast %swap3A_733 : i32 to index
    %swap3A_735 = arith.constant 32 : index
    %swap3A_736 = tpu.vector_load %arg9[%swap3A_734, %swap3A_735] {strides = array<i32>} : memref<16x128xf32, #tpu.memory_space<vmem>>, vector<1x16xf32>,
    %swap3A_737 = vector.shape_cast %swap3A_736 : vector<1x16xf32> to vector<16xf32>
    %swap3A_738 = vector.shape_cast %broadcast_in_dim3A_1 : vector<16xf32> to vector<1x16xf32>
    tpu.vector_store %arg9[%swap3A_734, %swap3A_735], %swap3A_738 {strides = array<i32>} : memref<16x128xf32, #tpu.memory_space<vmem>>, vector<1x16xf32>,
    %swap3A_739 = arith.constant 15 : i32
    %swap3A_740 = arith.index_cast %swap3A_739 : i32 to index
    %swap3A_741 = arith.constant 48 : index
    %swap3A_742 = tpu.vector_load %arg9[%swap3A_740, %swap3A_741] {strides = array<i32>} : memref<16x128xf32, #tpu.memory_space<vmem>>, vector<1x16xf32>,
    %swap3A_743 = vector.shape_cast %swap3A_742 : vector<1x16xf32> to vector<16xf32>
    %swap3A_744 = vector.shape_cast %broadcast_in_dim3A_1 : vector<16xf32> to vector<1x16xf32>
    tpu.vector_store %arg9[%swap3A_740, %swap3A_741], %swap3A_744 {strides = array<i32>} : memref<16x128xf32, #tpu.memory_space<vmem>>, vector<1x16xf32>,
    %swap3A_745 = arith.constant 15 : i32
    %swap3A_746 = arith.index_cast %swap3A_745 : i32 to index
    %swap3A_747 = arith.constant 64 : index
    %swap3A_748 = tpu.vector_load %arg9[%swap3A_746, %swap3A_747] {strides = array<i32>} : memref<16x128xf32, #tpu.memory_space<vmem>>, vector<1x16xf32>,
    %swap3A_749 = vector.shape_cast %swap3A_748 : vector<1x16xf32> to vector<16xf32>
    %swap3A_750 = vector.shape_cast %broadcast_in_dim3A_1 : vector<16xf32> to vector<1x16xf32>
    tpu.vector_store %arg9[%swap3A_746, %swap3A_747], %swap3A_750 {strides = array<i32>} : memref<16x128xf32, #tpu.memory_space<vmem>>, vector<1x16xf32>,
    %swap3A_751 = arith.constant 15 : i32
    %swap3A_752 = arith.index_cast %swap3A_751 : i32 to index
    %swap3A_753 = arith.constant 80 : index
    %swap3A_754 = tpu.vector_load %arg9[%swap3A_752, %swap3A_753] {strides = array<i32>} : memref<16x128xf32, #tpu.memory_space<vmem>>, vector<1x16xf32>,
    %swap3A_755 = vector.shape_cast %swap3A_754 : vector<1x16xf32> to vector<16xf32>
    %swap3A_756 = vector.shape_cast %broadcast_in_dim3A_1 : vector<16xf32> to vector<1x16xf32>
    tpu.vector_store %arg9[%swap3A_752, %swap3A_753], %swap3A_756 {strides = array<i32>} : memref<16x128xf32, #tpu.memory_space<vmem>>, vector<1x16xf32>,
    %swap3A_757 = arith.constant 15 : i32
    %swap3A_758 = arith.index_cast %swap3A_757 : i32 to index
    %swap3A_759 = arith.constant 96 : index
    %swap3A_760 = tpu.vector_load %arg9[%swap3A_758, %swap3A_759] {strides = array<i32>} : memref<16x128xf32, #tpu.memory_space<vmem>>, vector<1x16xf32>,
    %swap3A_761 = vector.shape_cast %swap3A_760 : vector<1x16xf32> to vector<16xf32>
    %swap3A_762 = vector.shape_cast %broadcast_in_dim3A_1 : vector<16xf32> to vector<1x16xf32>
    tpu.vector_store %arg9[%swap3A_758, %swap3A_759], %swap3A_762 {strides = array<i32>} : memref<16x128xf32, #tpu.memory_space<vmem>>, vector<1x16xf32>,
    %swap3A_763 = arith.constant 15 : i32
    %swap3A_764 = arith.index_cast %swap3A_763 : i32 to index
    %swap3A_765 = arith.constant 112 : index
    %swap3A_766 = tpu.vector_load %arg9[%swap3A_764, %swap3A_765] {strides = array<i32>} : memref<16x128xf32, #tpu.memory_space<vmem>>, vector<1x16xf32>,
    %swap3A_767 = vector.shape_cast %swap3A_766 : vector<1x16xf32> to vector<16xf32>
    %swap3A_768 = vector.shape_cast %broadcast_in_dim3A_1 : vector<16xf32> to vector<1x16xf32>
    tpu.vector_store %arg9[%swap3A_764, %swap3A_765], %swap3A_768 {strides = array<i32>} : memref<16x128xf32, #tpu.memory_space<vmem>>, vector<1x16xf32>,
    %scan3A = arith.constant 0 : i32
    %scan3A_769 = arith.constant 0 : i32
    %scan3A_770 = arith.constant 40 : i32
    %scan3A_771 = arith.addi %scan3A_769, %scan3A_770 : i32
    %scan3A_772 = arith.constant 1 : i32
    scf.for %scan3A_883 = %scan3A_769 to %scan3A_771 step %scan3A_772  : i32 {
      %mul3A_884 = arith.constant 640 : i32
      %mul3A_885 = arith.muli %arg1, %mul3A_884 : i32
      %mul3A_886 = arith.constant 16 : i32
      %mul3A_887 = arith.muli %scan3A_883, %mul3A_886 : i32
      %add3A_888 = arith.addi %mul3A_885, %mul3A_887 : i32
      "tpu.region"() ({
        %run_scoped3A = tpu.sem_alloc : memref<!tpu.dma_semaphore, #tpu.memory_space<semaphore_mem>>
        %dma_start3A = arith.constant 0 : i32
        %dma_start3A_889 = tpu.memref_slice %arg10[%add3A_888, %dma_start3A] : memref<10240x128xf32, #tpu.memory_space<vmem_shared>> -> memref<16x128xf32, #tpu.memory_space<vmem_shared>>
        %dma_start3A_890 = arith.constant 0 : i32
        %dma_start3A_891 = tpu.memref_slice %arg10[%add3A_888, %dma_start3A_890] : memref<10240x128xf32, #tpu.memory_space<vmem_shared>> -> memref<16x128xf32, #tpu.memory_space<vmem_shared>>
        tpu.enqueue_dma source(%arg9 : memref<16x128xf32, #tpu.memory_space<vmem>>) target(%dma_start3A_891 : memref<16x128xf32, #tpu.memory_space<vmem_shared>>) target_semaphore(%run_scoped3A : memref<!tpu.dma_semaphore, #tpu.memory_space<semaphore_mem>>)
        %dma_wait3A = arith.constant 0 : i32
        %dma_wait3A_892 = tpu.memref_slice %arg10[%add3A_888, %dma_wait3A] : memref<10240x128xf32, #tpu.memory_space<vmem_shared>> -> memref<16x128xf32, #tpu.memory_space<vmem_shared>>
        %dma_wait3A_893 = arith.constant 0 : i32
        %dma_wait3A_894 = tpu.memref_slice %arg10[%add3A_888, %dma_wait3A_893] : memref<10240x128xf32, #tpu.memory_space<vmem_shared>> -> memref<16x128xf32, #tpu.memory_space<vmem_shared>>
        tpu.wait_dma2 semaphore(%run_scoped3A : memref<!tpu.dma_semaphore, #tpu.memory_space<semaphore_mem>>) src(%arg9 : memref<16x128xf32, #tpu.memory_space<vmem>>) dst(%dma_wait3A_894 : memref<16x128xf32, #tpu.memory_space<vmem_shared>>)
        tpu.yield
      }) : () -> ()
    }
    %scan3A_773 = arith.constant 40 : i32
    %broadcast_in_dim3A_774 = arith.constant 0 : i32
    %broadcast_in_dim3A_775 = vector.broadcast %broadcast_in_dim3A_774 : i32 to vector<16xi32>
    %swap3A_776 = arith.constant 16 : i32
    %swap3A_777 = arith.index_cast %swap3A_776 : i32 to index
    %swap3A_778 = arith.constant 0 : index
    %swap3A_779 = tpu.vector_load %arg6[%swap3A_777, %swap3A_778] {strides = array<i32>} : memref<18x128xi32, #tpu.memory_space<vmem>>, vector<1x16xi32>,
    %swap3A_780 = vector.shape_cast %swap3A_779 : vector<1x16xi32> to vector<16xi32>
    %swap3A_781 = vector.shape_cast %broadcast_in_dim3A_775 : vector<16xi32> to vector<1x16xi32>
    tpu.vector_store %arg6[%swap3A_777, %swap3A_778], %swap3A_781 {strides = array<i32>} : memref<18x128xi32, #tpu.memory_space<vmem>>, vector<1x16xi32>,
    %swap3A_782 = arith.constant 16 : i32
    %swap3A_783 = arith.index_cast %swap3A_782 : i32 to index
    %swap3A_784 = arith.constant 16 : index
    %swap3A_785 = tpu.vector_load %arg6[%swap3A_783, %swap3A_784] {strides = array<i32>} : memref<18x128xi32, #tpu.memory_space<vmem>>, vector<1x16xi32>,
    %swap3A_786 = vector.shape_cast %swap3A_785 : vector<1x16xi32> to vector<16xi32>
    %swap3A_787 = vector.shape_cast %broadcast_in_dim3A_775 : vector<16xi32> to vector<1x16xi32>
    tpu.vector_store %arg6[%swap3A_783, %swap3A_784], %swap3A_787 {strides = array<i32>} : memref<18x128xi32, #tpu.memory_space<vmem>>, vector<1x16xi32>,
    %swap3A_788 = arith.constant 16 : i32
    %swap3A_789 = arith.index_cast %swap3A_788 : i32 to index
    %swap3A_790 = arith.constant 32 : index
    %swap3A_791 = tpu.vector_load %arg6[%swap3A_789, %swap3A_790] {strides = array<i32>} : memref<18x128xi32, #tpu.memory_space<vmem>>, vector<1x16xi32>,
    %swap3A_792 = vector.shape_cast %swap3A_791 : vector<1x16xi32> to vector<16xi32>
    %swap3A_793 = vector.shape_cast %broadcast_in_dim3A_775 : vector<16xi32> to vector<1x16xi32>
    tpu.vector_store %arg6[%swap3A_789, %swap3A_790], %swap3A_793 {strides = array<i32>} : memref<18x128xi32, #tpu.memory_space<vmem>>, vector<1x16xi32>,
    %swap3A_794 = arith.constant 16 : i32
    %swap3A_795 = arith.index_cast %swap3A_794 : i32 to index
    %swap3A_796 = arith.constant 48 : index
    %swap3A_797 = tpu.vector_load %arg6[%swap3A_795, %swap3A_796] {strides = array<i32>} : memref<18x128xi32, #tpu.memory_space<vmem>>, vector<1x16xi32>,
    %swap3A_798 = vector.shape_cast %swap3A_797 : vector<1x16xi32> to vector<16xi32>
    %swap3A_799 = vector.shape_cast %broadcast_in_dim3A_775 : vector<16xi32> to vector<1x16xi32>
    tpu.vector_store %arg6[%swap3A_795, %swap3A_796], %swap3A_799 {strides = array<i32>} : memref<18x128xi32, #tpu.memory_space<vmem>>, vector<1x16xi32>,
    %swap3A_800 = arith.constant 16 : i32
    %swap3A_801 = arith.index_cast %swap3A_800 : i32 to index
    %swap3A_802 = arith.constant 64 : index
    %swap3A_803 = tpu.vector_load %arg6[%swap3A_801, %swap3A_802] {strides = array<i32>} : memref<18x128xi32, #tpu.memory_space<vmem>>, vector<1x16xi32>,
    %swap3A_804 = vector.shape_cast %swap3A_803 : vector<1x16xi32> to vector<16xi32>
    %swap3A_805 = vector.shape_cast %broadcast_in_dim3A_775 : vector<16xi32> to vector<1x16xi32>
    tpu.vector_store %arg6[%swap3A_801, %swap3A_802], %swap3A_805 {strides = array<i32>} : memref<18x128xi32, #tpu.memory_space<vmem>>, vector<1x16xi32>,
    %swap3A_806 = arith.constant 16 : i32
    %swap3A_807 = arith.index_cast %swap3A_806 : i32 to index
    %swap3A_808 = arith.constant 80 : index
    %swap3A_809 = tpu.vector_load %arg6[%swap3A_807, %swap3A_808] {strides = array<i32>} : memref<18x128xi32, #tpu.memory_space<vmem>>, vector<1x16xi32>,
    %swap3A_810 = vector.shape_cast %swap3A_809 : vector<1x16xi32> to vector<16xi32>
    %swap3A_811 = vector.shape_cast %broadcast_in_dim3A_775 : vector<16xi32> to vector<1x16xi32>
    tpu.vector_store %arg6[%swap3A_807, %swap3A_808], %swap3A_811 {strides = array<i32>} : memref<18x128xi32, #tpu.memory_space<vmem>>, vector<1x16xi32>,
    %swap3A_812 = arith.constant 16 : i32
    %swap3A_813 = arith.index_cast %swap3A_812 : i32 to index
    %swap3A_814 = arith.constant 96 : index
    %swap3A_815 = tpu.vector_load %arg6[%swap3A_813, %swap3A_814] {strides = array<i32>} : memref<18x128xi32, #tpu.memory_space<vmem>>, vector<1x16xi32>,
    %swap3A_816 = vector.shape_cast %swap3A_815 : vector<1x16xi32> to vector<16xi32>
    %swap3A_817 = vector.shape_cast %broadcast_in_dim3A_775 : vector<16xi32> to vector<1x16xi32>
    tpu.vector_store %arg6[%swap3A_813, %swap3A_814], %swap3A_817 {strides = array<i32>} : memref<18x128xi32, #tpu.memory_space<vmem>>, vector<1x16xi32>,
    %swap3A_818 = arith.constant 16 : i32
    %swap3A_819 = arith.index_cast %swap3A_818 : i32 to index
    %swap3A_820 = arith.constant 112 : index
    %swap3A_821 = tpu.vector_load %arg6[%swap3A_819, %swap3A_820] {strides = array<i32>} : memref<18x128xi32, #tpu.memory_space<vmem>>, vector<1x16xi32>,
    %swap3A_822 = vector.shape_cast %swap3A_821 : vector<1x16xi32> to vector<16xi32>
    %swap3A_823 = vector.shape_cast %broadcast_in_dim3A_775 : vector<16xi32> to vector<1x16xi32>
    tpu.vector_store %arg6[%swap3A_819, %swap3A_820], %swap3A_823 {strides = array<i32>} : memref<18x128xi32, #tpu.memory_space<vmem>>, vector<1x16xi32>,
    %swap3A_824 = arith.constant 17 : i32
    %swap3A_825 = arith.index_cast %swap3A_824 : i32 to index
    %swap3A_826 = arith.constant 0 : index
    %swap3A_827 = tpu.vector_load %arg6[%swap3A_825, %swap3A_826] {strides = array<i32>} : memref<18x128xi32, #tpu.memory_space<vmem>>, vector<1x16xi32>,
    %swap3A_828 = vector.shape_cast %swap3A_827 : vector<1x16xi32> to vector<16xi32>
    %swap3A_829 = vector.shape_cast %broadcast_in_dim3A_775 : vector<16xi32> to vector<1x16xi32>
    tpu.vector_store %arg6[%swap3A_825, %swap3A_826], %swap3A_829 {strides = array<i32>} : memref<18x128xi32, #tpu.memory_space<vmem>>, vector<1x16xi32>,
    %swap3A_830 = arith.constant 17 : i32
    %swap3A_831 = arith.index_cast %swap3A_830 : i32 to index
    %swap3A_832 = arith.constant 16 : index
    %swap3A_833 = tpu.vector_load %arg6[%swap3A_831, %swap3A_832] {strides = array<i32>} : memref<18x128xi32, #tpu.memory_space<vmem>>, vector<1x16xi32>,
    %swap3A_834 = vector.shape_cast %swap3A_833 : vector<1x16xi32> to vector<16xi32>
    %swap3A_835 = vector.shape_cast %broadcast_in_dim3A_775 : vector<16xi32> to vector<1x16xi32>
    tpu.vector_store %arg6[%swap3A_831, %swap3A_832], %swap3A_835 {strides = array<i32>} : memref<18x128xi32, #tpu.memory_space<vmem>>, vector<1x16xi32>,
    %swap3A_836 = arith.constant 17 : i32
    %swap3A_837 = arith.index_cast %swap3A_836 : i32 to index
    %swap3A_838 = arith.constant 32 : index
    %swap3A_839 = tpu.vector_load %arg6[%swap3A_837, %swap3A_838] {strides = array<i32>} : memref<18x128xi32, #tpu.memory_space<vmem>>, vector<1x16xi32>,
    %swap3A_840 = vector.shape_cast %swap3A_839 : vector<1x16xi32> to vector<16xi32>
    %swap3A_841 = vector.shape_cast %broadcast_in_dim3A_775 : vector<16xi32> to vector<1x16xi32>
    tpu.vector_store %arg6[%swap3A_837, %swap3A_838], %swap3A_841 {strides = array<i32>} : memref<18x128xi32, #tpu.memory_space<vmem>>, vector<1x16xi32>,
    %swap3A_842 = arith.constant 17 : i32
    %swap3A_843 = arith.index_cast %swap3A_842 : i32 to index
    %swap3A_844 = arith.constant 48 : index
    %swap3A_845 = tpu.vector_load %arg6[%swap3A_843, %swap3A_844] {strides = array<i32>} : memref<18x128xi32, #tpu.memory_space<vmem>>, vector<1x16xi32>,
    %swap3A_846 = vector.shape_cast %swap3A_845 : vector<1x16xi32> to vector<16xi32>
    %swap3A_847 = vector.shape_cast %broadcast_in_dim3A_775 : vector<16xi32> to vector<1x16xi32>
    tpu.vector_store %arg6[%swap3A_843, %swap3A_844], %swap3A_847 {strides = array<i32>} : memref<18x128xi32, #tpu.memory_space<vmem>>, vector<1x16xi32>,
    %swap3A_848 = arith.constant 17 : i32
    %swap3A_849 = arith.index_cast %swap3A_848 : i32 to index
    %swap3A_850 = arith.constant 64 : index
    %swap3A_851 = tpu.vector_load %arg6[%swap3A_849, %swap3A_850] {strides = array<i32>} : memref<18x128xi32, #tpu.memory_space<vmem>>, vector<1x16xi32>,
    %swap3A_852 = vector.shape_cast %swap3A_851 : vector<1x16xi32> to vector<16xi32>
    %swap3A_853 = vector.shape_cast %broadcast_in_dim3A_775 : vector<16xi32> to vector<1x16xi32>
    tpu.vector_store %arg6[%swap3A_849, %swap3A_850], %swap3A_853 {strides = array<i32>} : memref<18x128xi32, #tpu.memory_space<vmem>>, vector<1x16xi32>,
    %swap3A_854 = arith.constant 17 : i32
    %swap3A_855 = arith.index_cast %swap3A_854 : i32 to index
    %swap3A_856 = arith.constant 80 : index
    %swap3A_857 = tpu.vector_load %arg6[%swap3A_855, %swap3A_856] {strides = array<i32>} : memref<18x128xi32, #tpu.memory_space<vmem>>, vector<1x16xi32>,
    %swap3A_858 = vector.shape_cast %swap3A_857 : vector<1x16xi32> to vector<16xi32>
    %swap3A_859 = vector.shape_cast %broadcast_in_dim3A_775 : vector<16xi32> to vector<1x16xi32>
    tpu.vector_store %arg6[%swap3A_855, %swap3A_856], %swap3A_859 {strides = array<i32>} : memref<18x128xi32, #tpu.memory_space<vmem>>, vector<1x16xi32>,
    %swap3A_860 = arith.constant 17 : i32
    %swap3A_861 = arith.index_cast %swap3A_860 : i32 to index
    %swap3A_862 = arith.constant 96 : index
    %swap3A_863 = tpu.vector_load %arg6[%swap3A_861, %swap3A_862] {strides = array<i32>} : memref<18x128xi32, #tpu.memory_space<vmem>>, vector<1x16xi32>,
    %swap3A_864 = vector.shape_cast %swap3A_863 : vector<1x16xi32> to vector<16xi32>
    %swap3A_865 = vector.shape_cast %broadcast_in_dim3A_775 : vector<16xi32> to vector<1x16xi32>
    tpu.vector_store %arg6[%swap3A_861, %swap3A_862], %swap3A_865 {strides = array<i32>} : memref<18x128xi32, #tpu.memory_space<vmem>>, vector<1x16xi32>,
    %swap3A_866 = arith.constant 17 : i32
    %swap3A_867 = arith.index_cast %swap3A_866 : i32 to index
    %swap3A_868 = arith.constant 112 : index
    %swap3A_869 = tpu.vector_load %arg6[%swap3A_867, %swap3A_868] {strides = array<i32>} : memref<18x128xi32, #tpu.memory_space<vmem>>, vector<1x16xi32>,
    %swap3A_870 = vector.shape_cast %swap3A_869 : vector<1x16xi32> to vector<16xi32>
    %swap3A_871 = vector.shape_cast %broadcast_in_dim3A_775 : vector<16xi32> to vector<1x16xi32>
    tpu.vector_store %arg6[%swap3A_867, %swap3A_868], %swap3A_871 {strides = array<i32>} : memref<18x128xi32, #tpu.memory_space<vmem>>, vector<1x16xi32>,
    %barrier3A = arith.constant 0 : index
    tpu.barrier barrier_id(%barrier3A)
    %scan3A_872 = arith.constant 0 : i32
    %scan3A_873 = arith.constant 0 : i32
    %scan3A_874 = arith.constant 5 : i32
    %scan3A_875 = arith.addi %scan3A_873, %scan3A_874 : i32
    %scan3A_876 = arith.constant 1 : i32
    scf.for %scan3A_883 = %scan3A_873 to %scan3A_875 step %scan3A_876  : i32 {
      %mul3A_884 = arith.constant 80 : i32
      %mul3A_885 = arith.muli %add3A, %mul3A_884 : i32
      %mul3A_886 = arith.constant 16 : i32
      %mul3A_887 = arith.muli %scan3A_883, %mul3A_886 : i32
      %add3A_888 = arith.addi %mul3A_885, %mul3A_887 : i32
      "tpu.region"() ({
        %run_scoped3A = tpu.sem_alloc : memref<!tpu.dma_semaphore, #tpu.memory_space<semaphore_mem>>
        %dma_start3A_941 = arith.constant 0 : i32
        %dma_start3A_942 = arith.constant 0 : i32
        %dma_start3A_943 = tpu.memref_slice %arg6[%dma_start3A_941, %dma_start3A_942] : memref<18x128xi32, #tpu.memory_space<vmem>> -> memref<16x128xi32, #tpu.memory_space<vmem>>
        %dma_start3A_944 = arith.constant 0 : i32
        %dma_start3A_945 = tpu.memref_slice %arg3[%add3A_888, %dma_start3A_944] : memref<2560x128xi32, #tpu.memory_space<hbm>> -> memref<16x128xi32, #tpu.memory_space<hbm>>
        %dma_start3A_946 = arith.constant 0 : i32
        %dma_start3A_947 = arith.constant 0 : i32
        %dma_start3A_948 = tpu.memref_slice %arg6[%dma_start3A_946, %dma_start3A_947] : memref<18x128xi32, #tpu.memory_space<vmem>> -> memref<16x128xi32, #tpu.memory_space<vmem>>
        %dma_start3A_949 = arith.constant 0 : i32
        %dma_start3A_950 = tpu.memref_slice %arg3[%add3A_888, %dma_start3A_949] : memref<2560x128xi32, #tpu.memory_space<hbm>> -> memref<16x128xi32, #tpu.memory_space<hbm>>
        tpu.enqueue_dma source(%dma_start3A_950 : memref<16x128xi32, #tpu.memory_space<hbm>>) target(%dma_start3A_948 : memref<16x128xi32, #tpu.memory_space<vmem>>) target_semaphore(%run_scoped3A : memref<!tpu.dma_semaphore, #tpu.memory_space<semaphore_mem>>)
        %dma_wait3A_951 = arith.constant 0 : i32
        %dma_wait3A_952 = arith.constant 0 : i32
        %dma_wait3A_953 = tpu.memref_slice %arg6[%dma_wait3A_951, %dma_wait3A_952] : memref<18x128xi32, #tpu.memory_space<vmem>> -> memref<16x128xi32, #tpu.memory_space<vmem>>
        %dma_wait3A_954 = arith.constant 0 : i32
        %dma_wait3A_955 = tpu.memref_slice %arg3[%add3A_888, %dma_wait3A_954] : memref<2560x128xi32, #tpu.memory_space<hbm>> -> memref<16x128xi32, #tpu.memory_space<hbm>>
        %dma_wait3A_956 = arith.constant 0 : i32
        %dma_wait3A_957 = arith.constant 0 : i32
        %dma_wait3A_958 = tpu.memref_slice %arg6[%dma_wait3A_956, %dma_wait3A_957] : memref<18x128xi32, #tpu.memory_space<vmem>> -> memref<16x128xi32, #tpu.memory_space<vmem>>
        %dma_wait3A_959 = arith.constant 0 : i32
        %dma_wait3A_960 = tpu.memref_slice %arg3[%add3A_888, %dma_wait3A_959] : memref<2560x128xi32, #tpu.memory_space<hbm>> -> memref<16x128xi32, #tpu.memory_space<hbm>>
        tpu.wait_dma2 semaphore(%run_scoped3A : memref<!tpu.dma_semaphore, #tpu.memory_space<semaphore_mem>>) src(%dma_wait3A_960 : memref<16x128xi32, #tpu.memory_space<hbm>>) dst(%dma_wait3A_958 : memref<16x128xi32, #tpu.memory_space<vmem>>)
        tpu.yield
      }) : () -> ()
      "tpu.region"() ({
        %run_scoped3A = tpu.sem_alloc : memref<!tpu.dma_semaphore, #tpu.memory_space<semaphore_mem>>
        %dma_start3A_941 = arith.constant 0 : i32
        %dma_start3A_942 = tpu.memref_slice %arg4[%add3A_888, %dma_start3A_941] : memref<2560x128xi32, #tpu.memory_space<hbm>> -> memref<16x128xi32, #tpu.memory_space<hbm>>
        %dma_start3A_943 = arith.constant 0 : i32
        %dma_start3A_944 = tpu.memref_slice %arg4[%add3A_888, %dma_start3A_943] : memref<2560x128xi32, #tpu.memory_space<hbm>> -> memref<16x128xi32, #tpu.memory_space<hbm>>
        tpu.enqueue_dma source(%dma_start3A_944 : memref<16x128xi32, #tpu.memory_space<hbm>>) target(%arg7 : memref<16x128xi32, #tpu.memory_space<vmem>>) target_semaphore(%run_scoped3A : memref<!tpu.dma_semaphore, #tpu.memory_space<semaphore_mem>>)
        %dma_wait3A_945 = arith.constant 0 : i32
        %dma_wait3A_946 = tpu.memref_slice %arg4[%add3A_888, %dma_wait3A_945] : memref<2560x128xi32, #tpu.memory_space<hbm>> -> memref<16x128xi32, #tpu.memory_space<hbm>>
        %dma_wait3A_947 = arith.constant 0 : i32
        %dma_wait3A_948 = tpu.memref_slice %arg4[%add3A_888, %dma_wait3A_947] : memref<2560x128xi32, #tpu.memory_space<hbm>> -> memref<16x128xi32, #tpu.memory_space<hbm>>
        tpu.wait_dma2 semaphore(%run_scoped3A : memref<!tpu.dma_semaphore, #tpu.memory_space<semaphore_mem>>) src(%dma_wait3A_948 : memref<16x128xi32, #tpu.memory_space<hbm>>) dst(%arg7 : memref<16x128xi32, #tpu.memory_space<vmem>>)
        tpu.yield
      }) : () -> ()
      %dma_start3A = arith.constant 0 : i32
      %dma_start3A_889 = arith.constant 0 : i32
      %dma_start3A_890 = arith.constant 0 : i32
      %dma_start3A_891 = arith.constant 0 : i32
      %dma_start3A_892 = tpu.memref_slice %arg8[%dma_start3A_889, %dma_start3A_890, %dma_start3A_891] : memref<2x128x128xf32, #tpu.memory_space<vmem>> -> memref<1x128x128xf32, #tpu.memory_space<vmem>>
      %dma_start3A_893 = tpu.memref_squeeze %dma_start3A_892 : memref<1x128x128xf32, #tpu.memory_space<vmem>> -> memref<128x128xf32, #tpu.memory_space<vmem>>
      %dma_start3A_894 = arith.constant 0 : i32
      %dma_start3A_895 = tpu.memref_slice %arg6[%dma_start3A, %dma_start3A_894] : memref<18x128xi32, #tpu.memory_space<vmem>> -> memref<1x128xi32, #tpu.memory_space<vmem>>
      %dma_start3A_896 = tpu.memref_squeeze %dma_start3A_895 : memref<1x128xi32, #tpu.memory_space<vmem>> -> memref<128xi32, #tpu.memory_space<vmem>>
      %dma_start3A_897 = arith.constant 0 : i32
      %dma_start3A_898 = arith.constant 0 : i32
      %dma_start3A_899 = tpu.memref_slice %arg2[%dma_start3A_897, %dma_start3A_898] : memref<10000x128xf32, #tpu.memory_space<hbm>> -> memref<10000x128xf32, #tpu.memory_space<hbm>>
      tpu.enqueue_indirect_dma source(%dma_start3A_899 : memref<10000x128xf32, #tpu.memory_space<hbm>>) target(%dma_start3A_893 : memref<128x128xf32, #tpu.memory_space<vmem>>) offsets(%dma_start3A_896 : memref<128xi32, #tpu.memory_space<vmem>>) semaphore(%arg11 : memref<!tpu.dma_semaphore, #tpu.memory_space<semaphore_mem>>)
      %dma_start3A_900 = arith.constant 1 : i32
      %dma_start3A_901 = arith.constant 1 : i32
      %dma_start3A_902 = arith.constant 0 : i32
      %dma_start3A_903 = arith.constant 0 : i32
      %dma_start3A_904 = tpu.memref_slice %arg8[%dma_start3A_901, %dma_start3A_902, %dma_start3A_903] : memref<2x128x128xf32, #tpu.memory_space<vmem>> -> memref<1x128x128xf32, #tpu.memory_space<vmem>>
      %dma_start3A_905 = tpu.memref_squeeze %dma_start3A_904 : memref<1x128x128xf32, #tpu.memory_space<vmem>> -> memref<128x128xf32, #tpu.memory_space<vmem>>
      %dma_start3A_906 = arith.constant 0 : i32
      %dma_start3A_907 = tpu.memref_slice %arg6[%dma_start3A_900, %dma_start3A_906] : memref<18x128xi32, #tpu.memory_space<vmem>> -> memref<1x128xi32, #tpu.memory_space<vmem>>
      %dma_start3A_908 = tpu.memref_squeeze %dma_start3A_907 : memref<1x128xi32, #tpu.memory_space<vmem>> -> memref<128xi32, #tpu.memory_space<vmem>>
      %dma_start3A_909 = arith.constant 0 : i32
      %dma_start3A_910 = arith.constant 0 : i32
      %dma_start3A_911 = tpu.memref_slice %arg2[%dma_start3A_909, %dma_start3A_910] : memref<10000x128xf32, #tpu.memory_space<hbm>> -> memref<10000x128xf32, #tpu.memory_space<hbm>>
      tpu.enqueue_indirect_dma source(%dma_start3A_911 : memref<10000x128xf32, #tpu.memory_space<hbm>>) target(%dma_start3A_905 : memref<128x128xf32, #tpu.memory_space<vmem>>) offsets(%dma_start3A_908 : memref<128xi32, #tpu.memory_space<vmem>>) semaphore(%arg12 : memref<!tpu.dma_semaphore, #tpu.memory_space<semaphore_mem>>)
      %scan3A_912 = arith.constant 0 : i32
      %scan3A_913 = arith.constant 0 : i32
      %scan3A_914 = arith.constant 8 : i32
      %scan3A_915 = arith.addi %scan3A_913, %scan3A_914 : i32
      %scan3A_916 = arith.constant 1 : i32
      scf.for %scan3A_941 = %scan3A_913 to %scan3A_915 step %scan3A_916  : i32 {
        %mul3A_942 = arith.constant 2 : i32
        %mul3A_943 = arith.muli %scan3A_941, %mul3A_942 : i32
        %add3A_944 = arith.constant 0 : i32
        %add3A_945 = arith.addi %mul3A_943, %add3A_944 : i32
        %dma_wait3A_946 = arith.constant 0 : i32
        %dma_wait3A_947 = arith.constant 0 : i32
        %dma_wait3A_948 = arith.constant 0 : i32
        %dma_wait3A_949 = tpu.memref_slice %arg8[%dma_wait3A_946, %dma_wait3A_947, %dma_wait3A_948] : memref<2x128x128xf32, #tpu.memory_space<vmem>> -> memref<1x128x128xf32, #tpu.memory_space<vmem>>
        %dma_wait3A_950 = tpu.memref_squeeze %dma_wait3A_949 : memref<1x128x128xf32, #tpu.memory_space<vmem>> -> memref<128x128xf32, #tpu.memory_space<vmem>>
        %dma_wait3A_951 = arith.constant 0 : i32
        %dma_wait3A_952 = tpu.memref_slice %arg6[%add3A_945, %dma_wait3A_951] : memref<18x128xi32, #tpu.memory_space<vmem>> -> memref<1x128xi32, #tpu.memory_space<vmem>>
        %dma_wait3A_953 = tpu.memref_squeeze %dma_wait3A_952 : memref<1x128xi32, #tpu.memory_space<vmem>> -> memref<128xi32, #tpu.memory_space<vmem>>
        %dma_wait3A_954 = arith.constant 0 : i32
        %dma_wait3A_955 = arith.constant 0 : i32
        %dma_wait3A_956 = tpu.memref_slice %arg2[%dma_wait3A_954, %dma_wait3A_955] : memref<10000x128xf32, #tpu.memory_space<hbm>> -> memref<10000x128xf32, #tpu.memory_space<hbm>>
        tpu.wait_indirect_dma semaphore(%arg11 : memref<!tpu.dma_semaphore, #tpu.memory_space<semaphore_mem>>) src(%dma_wait3A_956 : memref<10000x128xf32, #tpu.memory_space<hbm>>) dst(%dma_wait3A_950 : memref<128x128xf32, #tpu.memory_space<vmem>>)
        %run_scoped3A = arith.constant 0 : i32
        "tpu.region"() ({
          %run_scoped3A_999 = tpu.sem_alloc : memref<!tpu.dma_semaphore, #tpu.memory_space<semaphore_mem>>
          %dma_start3A_1000 = arith.constant 0 : i32
          %dma_start3A_1001 = arith.constant 0 : i32
          %dma_start3A_1002 = tpu.memref_slice %arg8[%run_scoped3A, %dma_start3A_1000, %dma_start3A_1001] : memref<2x128x128xf32, #tpu.memory_space<vmem>> -> memref<1x128x128xf32, #tpu.memory_space<vmem>>
          %dma_start3A_1003 = tpu.memref_squeeze %dma_start3A_1002 : memref<1x128x128xf32, #tpu.memory_space<vmem>> -> memref<128x128xf32, #tpu.memory_space<vmem>>
          %dma_start3A_1004 = arith.constant 0 : i32
          %dma_start3A_1005 = tpu.memref_slice %arg7[%add3A_945, %dma_start3A_1004] : memref<16x128xi32, #tpu.memory_space<vmem>> -> memref<1x128xi32, #tpu.memory_space<vmem>>
          %dma_start3A_1006 = tpu.memref_squeeze %dma_start3A_1005 : memref<1x128xi32, #tpu.memory_space<vmem>> -> memref<128xi32, #tpu.memory_space<vmem>>
          %dma_start3A_1007 = arith.constant 0 : i32
          %dma_start3A_1008 = arith.constant 0 : i32
          %dma_start3A_1009 = tpu.memref_slice %arg10[%dma_start3A_1007, %dma_start3A_1008] : memref<10240x128xf32, #tpu.memory_space<vmem_shared>> -> memref<10240x128xf32, #tpu.memory_space<vmem_shared>>
          tpu.enqueue_indirect_dma source(%dma_start3A_1003 : memref<128x128xf32, #tpu.memory_space<vmem>>) target(%dma_start3A_1009 : memref<10240x128xf32, #tpu.memory_space<vmem_shared>>) offsets(%dma_start3A_1006 : memref<128xi32, #tpu.memory_space<vmem>>) semaphore(%run_scoped3A_999 : memref<!tpu.dma_semaphore, #tpu.memory_space<semaphore_mem>>) {add = true}
          %dma_wait3A_1010 = arith.constant 0 : i32
          %dma_wait3A_1011 = arith.constant 0 : i32
          %dma_wait3A_1012 = tpu.memref_slice %arg8[%run_scoped3A, %dma_wait3A_1010, %dma_wait3A_1011] : memref<2x128x128xf32, #tpu.memory_space<vmem>> -> memref<1x128x128xf32, #tpu.memory_space<vmem>>
          %dma_wait3A_1013 = tpu.memref_squeeze %dma_wait3A_1012 : memref<1x128x128xf32, #tpu.memory_space<vmem>> -> memref<128x128xf32, #tpu.memory_space<vmem>>
          %dma_wait3A_1014 = arith.constant 0 : i32
          %dma_wait3A_1015 = tpu.memref_slice %arg7[%add3A_945, %dma_wait3A_1014] : memref<16x128xi32, #tpu.memory_space<vmem>> -> memref<1x128xi32, #tpu.memory_space<vmem>>
          %dma_wait3A_1016 = tpu.memref_squeeze %dma_wait3A_1015 : memref<1x128xi32, #tpu.memory_space<vmem>> -> memref<128xi32, #tpu.memory_space<vmem>>
          %dma_wait3A_1017 = arith.constant 0 : i32
          %dma_wait3A_1018 = arith.constant 0 : i32
          %dma_wait3A_1019 = tpu.memref_slice %arg10[%dma_wait3A_1017, %dma_wait3A_1018] : memref<10240x128xf32, #tpu.memory_space<vmem_shared>> -> memref<10240x128xf32, #tpu.memory_space<vmem_shared>>
          tpu.wait_indirect_dma semaphore(%run_scoped3A_999 : memref<!tpu.dma_semaphore, #tpu.memory_space<semaphore_mem>>) src(%dma_wait3A_1013 : memref<128x128xf32, #tpu.memory_space<vmem>>) dst(%dma_wait3A_1019 : memref<10240x128xf32, #tpu.memory_space<vmem_shared>>)
          tpu.yield
        }) : () -> ()
        %add3A_957 = arith.constant 2 : i32
        %add3A_958 = arith.addi %add3A_945, %add3A_957 : i32
        %dma_start3A_959 = arith.constant 0 : i32
        %dma_start3A_960 = arith.constant 0 : i32
        %dma_start3A_961 = arith.constant 0 : i32
        %dma_start3A_962 = tpu.memref_slice %arg8[%dma_start3A_959, %dma_start3A_960, %dma_start3A_961] : memref<2x128x128xf32, #tpu.memory_space<vmem>> -> memref<1x128x128xf32, #tpu.memory_space<vmem>>
        %dma_start3A_963 = tpu.memref_squeeze %dma_start3A_962 : memref<1x128x128xf32, #tpu.memory_space<vmem>> -> memref<128x128xf32, #tpu.memory_space<vmem>>
        %dma_start3A_964 = arith.constant 0 : i32
        %dma_start3A_965 = tpu.memref_slice %arg6[%add3A_958, %dma_start3A_964] : memref<18x128xi32, #tpu.memory_space<vmem>> -> memref<1x128xi32, #tpu.memory_space<vmem>>
        %dma_start3A_966 = tpu.memref_squeeze %dma_start3A_965 : memref<1x128xi32, #tpu.memory_space<vmem>> -> memref<128xi32, #tpu.memory_space<vmem>>
        %dma_start3A_967 = arith.constant 0 : i32
        %dma_start3A_968 = arith.constant 0 : i32
        %dma_start3A_969 = tpu.memref_slice %arg2[%dma_start3A_967, %dma_start3A_968] : memref<10000x128xf32, #tpu.memory_space<hbm>> -> memref<10000x128xf32, #tpu.memory_space<hbm>>
        tpu.enqueue_indirect_dma source(%dma_start3A_969 : memref<10000x128xf32, #tpu.memory_space<hbm>>) target(%dma_start3A_963 : memref<128x128xf32, #tpu.memory_space<vmem>>) offsets(%dma_start3A_966 : memref<128xi32, #tpu.memory_space<vmem>>) semaphore(%arg11 : memref<!tpu.dma_semaphore, #tpu.memory_space<semaphore_mem>>)
        %mul3A_970 = arith.constant 2 : i32
        %mul3A_971 = arith.muli %scan3A_941, %mul3A_970 : i32
        %add3A_972 = arith.constant 1 : i32
        %add3A_973 = arith.addi %mul3A_971, %add3A_972 : i32
        %dma_wait3A_974 = arith.constant 1 : i32
        %dma_wait3A_975 = arith.constant 0 : i32
        %dma_wait3A_976 = arith.constant 0 : i32
        %dma_wait3A_977 = tpu.memref_slice %arg8[%dma_wait3A_974, %dma_wait3A_975, %dma_wait3A_976] : memref<2x128x128xf32, #tpu.memory_space<vmem>> -> memref<1x128x128xf32, #tpu.memory_space<vmem>>
        %dma_wait3A_978 = tpu.memref_squeeze %dma_wait3A_977 : memref<1x128x128xf32, #tpu.memory_space<vmem>> -> memref<128x128xf32, #tpu.memory_space<vmem>>
        %dma_wait3A_979 = arith.constant 0 : i32
        %dma_wait3A_980 = tpu.memref_slice %arg6[%add3A_973, %dma_wait3A_979] : memref<18x128xi32, #tpu.memory_space<vmem>> -> memref<1x128xi32, #tpu.memory_space<vmem>>
        %dma_wait3A_981 = tpu.memref_squeeze %dma_wait3A_980 : memref<1x128xi32, #tpu.memory_space<vmem>> -> memref<128xi32, #tpu.memory_space<vmem>>
        %dma_wait3A_982 = arith.constant 0 : i32
        %dma_wait3A_983 = arith.constant 0 : i32
        %dma_wait3A_984 = tpu.memref_slice %arg2[%dma_wait3A_982, %dma_wait3A_983] : memref<10000x128xf32, #tpu.memory_space<hbm>> -> memref<10000x128xf32, #tpu.memory_space<hbm>>
        tpu.wait_indirect_dma semaphore(%arg12 : memref<!tpu.dma_semaphore, #tpu.memory_space<semaphore_mem>>) src(%dma_wait3A_984 : memref<10000x128xf32, #tpu.memory_space<hbm>>) dst(%dma_wait3A_978 : memref<128x128xf32, #tpu.memory_space<vmem>>)
        %run_scoped3A_985 = arith.constant 1 : i32
        "tpu.region"() ({
          %run_scoped3A_999 = tpu.sem_alloc : memref<!tpu.dma_semaphore, #tpu.memory_space<semaphore_mem>>
          %dma_start3A_1000 = arith.constant 0 : i32
          %dma_start3A_1001 = arith.constant 0 : i32
          %dma_start3A_1002 = tpu.memref_slice %arg8[%run_scoped3A_985, %dma_start3A_1000, %dma_start3A_1001] : memref<2x128x128xf32, #tpu.memory_space<vmem>> -> memref<1x128x128xf32, #tpu.memory_space<vmem>>
          %dma_start3A_1003 = tpu.memref_squeeze %dma_start3A_1002 : memref<1x128x128xf32, #tpu.memory_space<vmem>> -> memref<128x128xf32, #tpu.memory_space<vmem>>
          %dma_start3A_1004 = arith.constant 0 : i32
          %dma_start3A_1005 = tpu.memref_slice %arg7[%add3A_973, %dma_start3A_1004] : memref<16x128xi32, #tpu.memory_space<vmem>> -> memref<1x128xi32, #tpu.memory_space<vmem>>
          %dma_start3A_1006 = tpu.memref_squeeze %dma_start3A_1005 : memref<1x128xi32, #tpu.memory_space<vmem>> -> memref<128xi32, #tpu.memory_space<vmem>>
          %dma_start3A_1007 = arith.constant 0 : i32
          %dma_start3A_1008 = arith.constant 0 : i32
          %dma_start3A_1009 = tpu.memref_slice %arg10[%dma_start3A_1007, %dma_start3A_1008] : memref<10240x128xf32, #tpu.memory_space<vmem_shared>> -> memref<10240x128xf32, #tpu.memory_space<vmem_shared>>
          tpu.enqueue_indirect_dma source(%dma_start3A_1003 : memref<128x128xf32, #tpu.memory_space<vmem>>) target(%dma_start3A_1009 : memref<10240x128xf32, #tpu.memory_space<vmem_shared>>) offsets(%dma_start3A_1006 : memref<128xi32, #tpu.memory_space<vmem>>) semaphore(%run_scoped3A_999 : memref<!tpu.dma_semaphore, #tpu.memory_space<semaphore_mem>>) {add = true}
          %dma_wait3A_1010 = arith.constant 0 : i32
          %dma_wait3A_1011 = arith.constant 0 : i32
          %dma_wait3A_1012 = tpu.memref_slice %arg8[%run_scoped3A_985, %dma_wait3A_1010, %dma_wait3A_1011] : memref<2x128x128xf32, #tpu.memory_space<vmem>> -> memref<1x128x128xf32, #tpu.memory_space<vmem>>
          %dma_wait3A_1013 = tpu.memref_squeeze %dma_wait3A_1012 : memref<1x128x128xf32, #tpu.memory_space<vmem>> -> memref<128x128xf32, #tpu.memory_space<vmem>>
          %dma_wait3A_1014 = arith.constant 0 : i32
          %dma_wait3A_1015 = tpu.memref_slice %arg7[%add3A_973, %dma_wait3A_1014] : memref<16x128xi32, #tpu.memory_space<vmem>> -> memref<1x128xi32, #tpu.memory_space<vmem>>
          %dma_wait3A_1016 = tpu.memref_squeeze %dma_wait3A_1015 : memref<1x128xi32, #tpu.memory_space<vmem>> -> memref<128xi32, #tpu.memory_space<vmem>>
          %dma_wait3A_1017 = arith.constant 0 : i32
          %dma_wait3A_1018 = arith.constant 0 : i32
          %dma_wait3A_1019 = tpu.memref_slice %arg10[%dma_wait3A_1017, %dma_wait3A_1018] : memref<10240x128xf32, #tpu.memory_space<vmem_shared>> -> memref<10240x128xf32, #tpu.memory_space<vmem_shared>>
          tpu.wait_indirect_dma semaphore(%run_scoped3A_999 : memref<!tpu.dma_semaphore, #tpu.memory_space<semaphore_mem>>) src(%dma_wait3A_1013 : memref<128x128xf32, #tpu.memory_space<vmem>>) dst(%dma_wait3A_1019 : memref<10240x128xf32, #tpu.memory_space<vmem_shared>>)
          tpu.yield
        }) : () -> ()
        %add3A_986 = arith.constant 2 : i32
        %add3A_987 = arith.addi %add3A_973, %add3A_986 : i32
        %dma_start3A_988 = arith.constant 1 : i32
        %dma_start3A_989 = arith.constant 0 : i32
        %dma_start3A_990 = arith.constant 0 : i32
        %dma_start3A_991 = tpu.memref_slice %arg8[%dma_start3A_988, %dma_start3A_989, %dma_start3A_990] : memref<2x128x128xf32, #tpu.memory_space<vmem>> -> memref<1x128x128xf32, #tpu.memory_space<vmem>>
        %dma_start3A_992 = tpu.memref_squeeze %dma_start3A_991 : memref<1x128x128xf32, #tpu.memory_space<vmem>> -> memref<128x128xf32, #tpu.memory_space<vmem>>
        %dma_start3A_993 = arith.constant 0 : i32
        %dma_start3A_994 = tpu.memref_slice %arg6[%add3A_987, %dma_start3A_993] : memref<18x128xi32, #tpu.memory_space<vmem>> -> memref<1x128xi32, #tpu.memory_space<vmem>>
        %dma_start3A_995 = tpu.memref_squeeze %dma_start3A_994 : memref<1x128xi32, #tpu.memory_space<vmem>> -> memref<128xi32, #tpu.memory_space<vmem>>
        %dma_start3A_996 = arith.constant 0 : i32
        %dma_start3A_997 = arith.constant 0 : i32
        %dma_start3A_998 = tpu.memref_slice %arg2[%dma_start3A_996, %dma_start3A_997] : memref<10000x128xf32, #tpu.memory_space<hbm>> -> memref<10000x128xf32, #tpu.memory_space<hbm>>
        tpu.enqueue_indirect_dma source(%dma_start3A_998 : memref<10000x128xf32, #tpu.memory_space<hbm>>) target(%dma_start3A_992 : memref<128x128xf32, #tpu.memory_space<vmem>>) offsets(%dma_start3A_995 : memref<128xi32, #tpu.memory_space<vmem>>) semaphore(%arg12 : memref<!tpu.dma_semaphore, #tpu.memory_space<semaphore_mem>>)
      }
      %scan3A_917 = arith.constant 8 : i32
      %dma_wait3A = arith.constant 16 : i32
      %dma_wait3A_918 = arith.constant 0 : i32
      %dma_wait3A_919 = arith.constant 0 : i32
      %dma_wait3A_920 = arith.constant 0 : i32
      %dma_wait3A_921 = tpu.memref_slice %arg8[%dma_wait3A_918, %dma_wait3A_919, %dma_wait3A_920] : memref<2x128x128xf32, #tpu.memory_space<vmem>> -> memref<1x128x128xf32, #tpu.memory_space<vmem>>
      %dma_wait3A_922 = tpu.memref_squeeze %dma_wait3A_921 : memref<1x128x128xf32, #tpu.memory_space<vmem>> -> memref<128x128xf32, #tpu.memory_space<vmem>>
      %dma_wait3A_923 = arith.constant 0 : i32
      %dma_wait3A_924 = tpu.memref_slice %arg6[%dma_wait3A, %dma_wait3A_923] : memref<18x128xi32, #tpu.memory_space<vmem>> -> memref<1x128xi32, #tpu.memory_space<vmem>>
      %dma_wait3A_925 = tpu.memref_squeeze %dma_wait3A_924 : memref<1x128xi32, #tpu.memory_space<vmem>> -> memref<128xi32, #tpu.memory_space<vmem>>
      %dma_wait3A_926 = arith.constant 0 : i32
      %dma_wait3A_927 = arith.constant 0 : i32
      %dma_wait3A_928 = tpu.memref_slice %arg2[%dma_wait3A_926, %dma_wait3A_927] : memref<10000x128xf32, #tpu.memory_space<hbm>> -> memref<10000x128xf32, #tpu.memory_space<hbm>>
      tpu.wait_indirect_dma semaphore(%arg11 : memref<!tpu.dma_semaphore, #tpu.memory_space<semaphore_mem>>) src(%dma_wait3A_928 : memref<10000x128xf32, #tpu.memory_space<hbm>>) dst(%dma_wait3A_922 : memref<128x128xf32, #tpu.memory_space<vmem>>)
      %dma_wait3A_929 = arith.constant 17 : i32
      %dma_wait3A_930 = arith.constant 1 : i32
      %dma_wait3A_931 = arith.constant 0 : i32
      %dma_wait3A_932 = arith.constant 0 : i32
      %dma_wait3A_933 = tpu.memref_slice %arg8[%dma_wait3A_930, %dma_wait3A_931, %dma_wait3A_932] : memref<2x128x128xf32, #tpu.memory_space<vmem>> -> memref<1x128x128xf32, #tpu.memory_space<vmem>>
      %dma_wait3A_934 = tpu.memref_squeeze %dma_wait3A_933 : memref<1x128x128xf32, #tpu.memory_space<vmem>> -> memref<128x128xf32, #tpu.memory_space<vmem>>
      %dma_wait3A_935 = arith.constant 0 : i32
      %dma_wait3A_936 = tpu.memref_slice %arg6[%dma_wait3A_929, %dma_wait3A_935] : memref<18x128xi32, #tpu.memory_space<vmem>> -> memref<1x128xi32, #tpu.memory_space<vmem>>
      %dma_wait3A_937 = tpu.memref_squeeze %dma_wait3A_936 : memref<1x128xi32, #tpu.memory_space<vmem>> -> memref<128xi32, #tpu.memory_space<vmem>>
      %dma_wait3A_938 = arith.constant 0 : i32
      %dma_wait3A_939 = arith.constant 0 : i32
      %dma_wait3A_940 = tpu.memref_slice %arg2[%dma_wait3A_938, %dma_wait3A_939] : memref<10000x128xf32, #tpu.memory_space<hbm>> -> memref<10000x128xf32, #tpu.memory_space<hbm>>
      tpu.wait_indirect_dma semaphore(%arg12 : memref<!tpu.dma_semaphore, #tpu.memory_space<semaphore_mem>>) src(%dma_wait3A_940 : memref<10000x128xf32, #tpu.memory_space<hbm>>) dst(%dma_wait3A_934 : memref<128x128xf32, #tpu.memory_space<vmem>>)
    }
    %scan3A_877 = arith.constant 5 : i32
    %barrier3A_878 = arith.constant 0 : index
    tpu.barrier barrier_id(%barrier3A_878)
    %mul3A_879 = arith.constant 640 : i32
    %mul3A_880 = arith.muli %arg1, %mul3A_879 : i32
    %mul3A_881 = arith.constant 640 : i32
    %mul3A_882 = arith.muli %arg1, %mul3A_881 : i32
    "tpu.region"() ({
      %run_scoped3A = tpu.sem_alloc : memref<!tpu.dma_semaphore, #tpu.memory_space<semaphore_mem>>
      %dma_start3A = arith.constant 0 : i32
      %dma_start3A_883 = tpu.memref_slice %arg5[%arg0, %mul3A_882, %dma_start3A] : memref<2x10240x128xf32, #tpu.memory_space<hbm>> -> memref<1x640x128xf32, #tpu.memory_space<hbm>>
      %dma_start3A_884 = tpu.memref_squeeze %dma_start3A_883 : memref<1x640x128xf32, #tpu.memory_space<hbm>> -> memref<640x128xf32, #tpu.memory_space<hbm>>
      %dma_start3A_885 = arith.constant 0 : i32
      %dma_start3A_886 = tpu.memref_slice %arg10[%mul3A_880, %dma_start3A_885] : memref<10240x128xf32, #tpu.memory_space<vmem_shared>> -> memref<640x128xf32, #tpu.memory_space<vmem_shared>>
      tpu.enqueue_dma source(%dma_start3A_886 : memref<640x128xf32, #tpu.memory_space<vmem_shared>>) target(%dma_start3A_884 : memref<640x128xf32, #tpu.memory_space<hbm>>) target_semaphore(%run_scoped3A : memref<!tpu.dma_semaphore, #tpu.memory_space<semaphore_mem>>)
      %dma_wait3A = arith.constant 0 : i32
      %dma_wait3A_887 = tpu.memref_slice %arg5[%arg0, %mul3A_882, %dma_wait3A] : memref<2x10240x128xf32, #tpu.memory_space<hbm>> -> memref<1x640x128xf32, #tpu.memory_space<hbm>>
      %dma_wait3A_888 = tpu.memref_squeeze %dma_wait3A_887 : memref<1x640x128xf32, #tpu.memory_space<hbm>> -> memref<640x128xf32, #tpu.memory_space<hbm>>
      %dma_wait3A_889 = arith.constant 0 : i32
      %dma_wait3A_890 = tpu.memref_slice %arg10[%mul3A_880, %dma_wait3A_889] : memref<10240x128xf32, #tpu.memory_space<vmem_shared>> -> memref<640x128xf32, #tpu.memory_space<vmem_shared>>
      tpu.wait_dma2 semaphore(%run_scoped3A : memref<!tpu.dma_semaphore, #tpu.memory_space<semaphore_mem>>) src(%dma_wait3A_890 : memref<640x128xf32, #tpu.memory_space<vmem_shared>>) dst(%dma_wait3A_888 : memref<640x128xf32, #tpu.memory_space<hbm>>)
      tpu.yield
    }) : () -> ()
    return
  }
}

#map = affine_map<(d0, d1) -> (0, 0)>
module attributes {stable_mosaic.version = 14 : i64} {
  func.func @k(%arg0: i32, %arg1: i32, %arg2: memref<2560x128xi32, #tpu.memory_space<hbm>>, %arg3: memref<2x10240xf32, #tpu.memory_space<hbm>>, %arg4: memref<80x128xi32, #tpu.memory_space<vmem>>, %arg5: memref<128xf32, #tpu.memory_space<vmem>>, %arg6: memref<640xf32, #tpu.memory_space<vmem>>, %arg7: memref<10240xf32, #tpu.memory_space<vmem_shared>>, %arg8: memref<!tpu.dma_semaphore, #tpu.memory_space<semaphore_mem>>) attributes {dimension_semantics = [#tpu.dimension_semantics<core_parallel>, #tpu.dimension_semantics<subcore_parallel>], iteration_bounds = array<i64: 2, 16>, scalar_prefetch = 0 : i64, scratch_operands = 5 : i64, tpu.core_type = #tpu.core_type<sc_vector_subcore>, window_params = [{transform_indices = #map}, {transform_indices = #map}]} {
    %mul3A = arith.constant 16 : i32
    %mul3A_0 = arith.muli %arg0, %mul3A : i32
    %add3A = arith.addi %mul3A_0, %arg1 : i32
    %broadcast_in_dim3A = arith.constant 0.000000e+00 : f32
    %broadcast_in_dim3A_1 = vector.broadcast %broadcast_in_dim3A : f32 to vector<16xf32>
    %broadcast_in_dim3A_2 = arith.constant 1.000000e+00 : f32
    %broadcast_in_dim3A_3 = vector.broadcast %broadcast_in_dim3A_2 : f32 to vector<16xf32>
    %scan3A = arith.constant 0 : i32
    %scan3A_4 = arith.constant 0 : i32
    %scan3A_5 = arith.constant 40 : i32
    %scan3A_6 = arith.addi %scan3A_4, %scan3A_5 : i32
    %scan3A_7 = arith.constant 1 : i32
    scf.for %scan3A_55 = %scan3A_4 to %scan3A_6 step %scan3A_7  : i32 {
      %mul3A_56 = arith.constant 16 : i32
      %mul3A_57 = arith.muli %scan3A_55, %mul3A_56 : i32
      %swap3A_58 = arith.index_cast %mul3A_57 : i32 to index
      %swap3A_59 = tpu.vector_load %arg6[%swap3A_58] {strides = array<i32>} : memref<640xf32, #tpu.memory_space<vmem>>, vector<16xf32>,
      %swap3A_60 = vector.shape_cast %swap3A_59 : vector<16xf32> to vector<16xf32>
      %swap3A_61 = vector.shape_cast %broadcast_in_dim3A_1 : vector<16xf32> to vector<16xf32>
      tpu.vector_store %arg6[%swap3A_58], %swap3A_61 {strides = array<i32>} : memref<640xf32, #tpu.memory_space<vmem>>, vector<16xf32>,
    }
    %scan3A_8 = arith.constant 40 : i32
    %swap3A = arith.constant 0 : index
    %swap3A_9 = tpu.vector_load %arg5[%swap3A] {strides = array<i32>} : memref<128xf32, #tpu.memory_space<vmem>>, vector<16xf32>,
    %swap3A_10 = vector.shape_cast %swap3A_9 : vector<16xf32> to vector<16xf32>
    %swap3A_11 = vector.shape_cast %broadcast_in_dim3A_3 : vector<16xf32> to vector<16xf32>
    tpu.vector_store %arg5[%swap3A], %swap3A_11 {strides = array<i32>} : memref<128xf32, #tpu.memory_space<vmem>>, vector<16xf32>,
    %swap3A_12 = arith.constant 16 : index
    %swap3A_13 = tpu.vector_load %arg5[%swap3A_12] {strides = array<i32>} : memref<128xf32, #tpu.memory_space<vmem>>, vector<16xf32>,
    %swap3A_14 = vector.shape_cast %swap3A_13 : vector<16xf32> to vector<16xf32>
    %swap3A_15 = vector.shape_cast %broadcast_in_dim3A_3 : vector<16xf32> to vector<16xf32>
    tpu.vector_store %arg5[%swap3A_12], %swap3A_15 {strides = array<i32>} : memref<128xf32, #tpu.memory_space<vmem>>, vector<16xf32>,
    %swap3A_16 = arith.constant 32 : index
    %swap3A_17 = tpu.vector_load %arg5[%swap3A_16] {strides = array<i32>} : memref<128xf32, #tpu.memory_space<vmem>>, vector<16xf32>,
    %swap3A_18 = vector.shape_cast %swap3A_17 : vector<16xf32> to vector<16xf32>
    %swap3A_19 = vector.shape_cast %broadcast_in_dim3A_3 : vector<16xf32> to vector<16xf32>
    tpu.vector_store %arg5[%swap3A_16], %swap3A_19 {strides = array<i32>} : memref<128xf32, #tpu.memory_space<vmem>>, vector<16xf32>,
    %swap3A_20 = arith.constant 48 : index
    %swap3A_21 = tpu.vector_load %arg5[%swap3A_20] {strides = array<i32>} : memref<128xf32, #tpu.memory_space<vmem>>, vector<16xf32>,
    %swap3A_22 = vector.shape_cast %swap3A_21 : vector<16xf32> to vector<16xf32>
    %swap3A_23 = vector.shape_cast %broadcast_in_dim3A_3 : vector<16xf32> to vector<16xf32>
    tpu.vector_store %arg5[%swap3A_20], %swap3A_23 {strides = array<i32>} : memref<128xf32, #tpu.memory_space<vmem>>, vector<16xf32>,
    %swap3A_24 = arith.constant 64 : index
    %swap3A_25 = tpu.vector_load %arg5[%swap3A_24] {strides = array<i32>} : memref<128xf32, #tpu.memory_space<vmem>>, vector<16xf32>,
    %swap3A_26 = vector.shape_cast %swap3A_25 : vector<16xf32> to vector<16xf32>
    %swap3A_27 = vector.shape_cast %broadcast_in_dim3A_3 : vector<16xf32> to vector<16xf32>
    tpu.vector_store %arg5[%swap3A_24], %swap3A_27 {strides = array<i32>} : memref<128xf32, #tpu.memory_space<vmem>>, vector<16xf32>,
    %swap3A_28 = arith.constant 80 : index
    %swap3A_29 = tpu.vector_load %arg5[%swap3A_28] {strides = array<i32>} : memref<128xf32, #tpu.memory_space<vmem>>, vector<16xf32>,
    %swap3A_30 = vector.shape_cast %swap3A_29 : vector<16xf32> to vector<16xf32>
    %swap3A_31 = vector.shape_cast %broadcast_in_dim3A_3 : vector<16xf32> to vector<16xf32>
    tpu.vector_store %arg5[%swap3A_28], %swap3A_31 {strides = array<i32>} : memref<128xf32, #tpu.memory_space<vmem>>, vector<16xf32>,
    %swap3A_32 = arith.constant 96 : index
    %swap3A_33 = tpu.vector_load %arg5[%swap3A_32] {strides = array<i32>} : memref<128xf32, #tpu.memory_space<vmem>>, vector<16xf32>,
    %swap3A_34 = vector.shape_cast %swap3A_33 : vector<16xf32> to vector<16xf32>
    %swap3A_35 = vector.shape_cast %broadcast_in_dim3A_3 : vector<16xf32> to vector<16xf32>
    tpu.vector_store %arg5[%swap3A_32], %swap3A_35 {strides = array<i32>} : memref<128xf32, #tpu.memory_space<vmem>>, vector<16xf32>,
    %swap3A_36 = arith.constant 112 : index
    %swap3A_37 = tpu.vector_load %arg5[%swap3A_36] {strides = array<i32>} : memref<128xf32, #tpu.memory_space<vmem>>, vector<16xf32>,
    %swap3A_38 = vector.shape_cast %swap3A_37 : vector<16xf32> to vector<16xf32>
    %swap3A_39 = vector.shape_cast %broadcast_in_dim3A_3 : vector<16xf32> to vector<16xf32>
    tpu.vector_store %arg5[%swap3A_36], %swap3A_39 {strides = array<i32>} : memref<128xf32, #tpu.memory_space<vmem>>, vector<16xf32>,
    %mul3A_40 = arith.constant 640 : i32
    %mul3A_41 = arith.muli %arg1, %mul3A_40 : i32
    "tpu.region"() ({
      %run_scoped3A = tpu.sem_alloc : memref<!tpu.dma_semaphore, #tpu.memory_space<semaphore_mem>>
      %dma_start3A = tpu.memref_slice %arg7[%mul3A_41] : memref<10240xf32, #tpu.memory_space<vmem_shared>> -> memref<640xf32, #tpu.memory_space<vmem_shared>>
      %dma_start3A_55 = tpu.memref_slice %arg7[%mul3A_41] : memref<10240xf32, #tpu.memory_space<vmem_shared>> -> memref<640xf32, #tpu.memory_space<vmem_shared>>
      tpu.enqueue_dma source(%arg6 : memref<640xf32, #tpu.memory_space<vmem>>) target(%dma_start3A_55 : memref<640xf32, #tpu.memory_space<vmem_shared>>) target_semaphore(%run_scoped3A : memref<!tpu.dma_semaphore, #tpu.memory_space<semaphore_mem>>)
      %dma_wait3A = tpu.memref_slice %arg7[%mul3A_41] : memref<10240xf32, #tpu.memory_space<vmem_shared>> -> memref<640xf32, #tpu.memory_space<vmem_shared>>
      %dma_wait3A_56 = tpu.memref_slice %arg7[%mul3A_41] : memref<10240xf32, #tpu.memory_space<vmem_shared>> -> memref<640xf32, #tpu.memory_space<vmem_shared>>
      tpu.wait_dma2 semaphore(%run_scoped3A : memref<!tpu.dma_semaphore, #tpu.memory_space<semaphore_mem>>) src(%arg6 : memref<640xf32, #tpu.memory_space<vmem>>) dst(%dma_wait3A_56 : memref<640xf32, #tpu.memory_space<vmem_shared>>)
      tpu.yield
    }) : () -> ()
    %mul3A_42 = arith.constant 80 : i32
    %mul3A_43 = arith.muli %add3A, %mul3A_42 : i32
    "tpu.region"() ({
      %run_scoped3A = tpu.sem_alloc : memref<!tpu.dma_semaphore, #tpu.memory_space<semaphore_mem>>
      %dma_start3A = arith.constant 0 : i32
      %dma_start3A_55 = tpu.memref_slice %arg2[%mul3A_43, %dma_start3A] : memref<2560x128xi32, #tpu.memory_space<hbm>> -> memref<80x128xi32, #tpu.memory_space<hbm>>
      %dma_start3A_56 = arith.constant 0 : i32
      %dma_start3A_57 = tpu.memref_slice %arg2[%mul3A_43, %dma_start3A_56] : memref<2560x128xi32, #tpu.memory_space<hbm>> -> memref<80x128xi32, #tpu.memory_space<hbm>>
      tpu.enqueue_dma source(%dma_start3A_57 : memref<80x128xi32, #tpu.memory_space<hbm>>) target(%arg4 : memref<80x128xi32, #tpu.memory_space<vmem>>) target_semaphore(%run_scoped3A : memref<!tpu.dma_semaphore, #tpu.memory_space<semaphore_mem>>)
      %dma_wait3A = arith.constant 0 : i32
      %dma_wait3A_58 = tpu.memref_slice %arg2[%mul3A_43, %dma_wait3A] : memref<2560x128xi32, #tpu.memory_space<hbm>> -> memref<80x128xi32, #tpu.memory_space<hbm>>
      %dma_wait3A_59 = arith.constant 0 : i32
      %dma_wait3A_60 = tpu.memref_slice %arg2[%mul3A_43, %dma_wait3A_59] : memref<2560x128xi32, #tpu.memory_space<hbm>> -> memref<80x128xi32, #tpu.memory_space<hbm>>
      tpu.wait_dma2 semaphore(%run_scoped3A : memref<!tpu.dma_semaphore, #tpu.memory_space<semaphore_mem>>) src(%dma_wait3A_60 : memref<80x128xi32, #tpu.memory_space<hbm>>) dst(%arg4 : memref<80x128xi32, #tpu.memory_space<vmem>>)
      tpu.yield
    }) : () -> ()
    %barrier3A = arith.constant 0 : index
    tpu.barrier barrier_id(%barrier3A)
    %scan3A_44 = arith.constant 0 : i32
    %scan3A_45 = arith.constant 0 : i32
    %scan3A_46 = arith.constant 10 : i32
    %scan3A_47 = arith.addi %scan3A_45, %scan3A_46 : i32
    %scan3A_48 = arith.constant 1 : i32
    scf.for %scan3A_55 = %scan3A_45 to %scan3A_47 step %scan3A_48  : i32 {
      %mul3A_56 = arith.constant 8 : i32
      %mul3A_57 = arith.muli %scan3A_55, %mul3A_56 : i32
      %add3A_58 = arith.constant 0 : i32
      %add3A_59 = arith.addi %mul3A_57, %add3A_58 : i32
      %dma_start3A = arith.constant 0 : i32
      %dma_start3A_60 = tpu.memref_slice %arg4[%add3A_59, %dma_start3A] : memref<80x128xi32, #tpu.memory_space<vmem>> -> memref<1x128xi32, #tpu.memory_space<vmem>>
      %dma_start3A_61 = tpu.memref_squeeze %dma_start3A_60 : memref<1x128xi32, #tpu.memory_space<vmem>> -> memref<128xi32, #tpu.memory_space<vmem>>
      %dma_start3A_62 = arith.constant 0 : i32
      %dma_start3A_63 = tpu.memref_slice %arg7[%dma_start3A_62] : memref<10240xf32, #tpu.memory_space<vmem_shared>> -> memref<10240xf32, #tpu.memory_space<vmem_shared>>
      tpu.enqueue_indirect_dma source(%arg5 : memref<128xf32, #tpu.memory_space<vmem>>) target(%dma_start3A_63 : memref<10240xf32, #tpu.memory_space<vmem_shared>>) offsets(%dma_start3A_61 : memref<128xi32, #tpu.memory_space<vmem>>) semaphore(%arg8 : memref<!tpu.dma_semaphore, #tpu.memory_space<semaphore_mem>>) {add = true}
      %mul3A_64 = arith.constant 8 : i32
      %mul3A_65 = arith.muli %scan3A_55, %mul3A_64 : i32
      %add3A_66 = arith.constant 1 : i32
      %add3A_67 = arith.addi %mul3A_65, %add3A_66 : i32
      %dma_start3A_68 = arith.constant 0 : i32
      %dma_start3A_69 = tpu.memref_slice %arg4[%add3A_67, %dma_start3A_68] : memref<80x128xi32, #tpu.memory_space<vmem>> -> memref<1x128xi32, #tpu.memory_space<vmem>>
      %dma_start3A_70 = tpu.memref_squeeze %dma_start3A_69 : memref<1x128xi32, #tpu.memory_space<vmem>> -> memref<128xi32, #tpu.memory_space<vmem>>
      %dma_start3A_71 = arith.constant 0 : i32
      %dma_start3A_72 = tpu.memref_slice %arg7[%dma_start3A_71] : memref<10240xf32, #tpu.memory_space<vmem_shared>> -> memref<10240xf32, #tpu.memory_space<vmem_shared>>
      tpu.enqueue_indirect_dma source(%arg5 : memref<128xf32, #tpu.memory_space<vmem>>) target(%dma_start3A_72 : memref<10240xf32, #tpu.memory_space<vmem_shared>>) offsets(%dma_start3A_70 : memref<128xi32, #tpu.memory_space<vmem>>) semaphore(%arg8 : memref<!tpu.dma_semaphore, #tpu.memory_space<semaphore_mem>>) {add = true}
      %mul3A_73 = arith.constant 8 : i32
      %mul3A_74 = arith.muli %scan3A_55, %mul3A_73 : i32
      %add3A_75 = arith.constant 2 : i32
      %add3A_76 = arith.addi %mul3A_74, %add3A_75 : i32
      %dma_start3A_77 = arith.constant 0 : i32
      %dma_start3A_78 = tpu.memref_slice %arg4[%add3A_76, %dma_start3A_77] : memref<80x128xi32, #tpu.memory_space<vmem>> -> memref<1x128xi32, #tpu.memory_space<vmem>>
      %dma_start3A_79 = tpu.memref_squeeze %dma_start3A_78 : memref<1x128xi32, #tpu.memory_space<vmem>> -> memref<128xi32, #tpu.memory_space<vmem>>
      %dma_start3A_80 = arith.constant 0 : i32
      %dma_start3A_81 = tpu.memref_slice %arg7[%dma_start3A_80] : memref<10240xf32, #tpu.memory_space<vmem_shared>> -> memref<10240xf32, #tpu.memory_space<vmem_shared>>
      tpu.enqueue_indirect_dma source(%arg5 : memref<128xf32, #tpu.memory_space<vmem>>) target(%dma_start3A_81 : memref<10240xf32, #tpu.memory_space<vmem_shared>>) offsets(%dma_start3A_79 : memref<128xi32, #tpu.memory_space<vmem>>) semaphore(%arg8 : memref<!tpu.dma_semaphore, #tpu.memory_space<semaphore_mem>>) {add = true}
      %mul3A_82 = arith.constant 8 : i32
      %mul3A_83 = arith.muli %scan3A_55, %mul3A_82 : i32
      %add3A_84 = arith.constant 3 : i32
      %add3A_85 = arith.addi %mul3A_83, %add3A_84 : i32
      %dma_start3A_86 = arith.constant 0 : i32
      %dma_start3A_87 = tpu.memref_slice %arg4[%add3A_85, %dma_start3A_86] : memref<80x128xi32, #tpu.memory_space<vmem>> -> memref<1x128xi32, #tpu.memory_space<vmem>>
      %dma_start3A_88 = tpu.memref_squeeze %dma_start3A_87 : memref<1x128xi32, #tpu.memory_space<vmem>> -> memref<128xi32, #tpu.memory_space<vmem>>
      %dma_start3A_89 = arith.constant 0 : i32
      %dma_start3A_90 = tpu.memref_slice %arg7[%dma_start3A_89] : memref<10240xf32, #tpu.memory_space<vmem_shared>> -> memref<10240xf32, #tpu.memory_space<vmem_shared>>
      tpu.enqueue_indirect_dma source(%arg5 : memref<128xf32, #tpu.memory_space<vmem>>) target(%dma_start3A_90 : memref<10240xf32, #tpu.memory_space<vmem_shared>>) offsets(%dma_start3A_88 : memref<128xi32, #tpu.memory_space<vmem>>) semaphore(%arg8 : memref<!tpu.dma_semaphore, #tpu.memory_space<semaphore_mem>>) {add = true}
      %mul3A_91 = arith.constant 8 : i32
      %mul3A_92 = arith.muli %scan3A_55, %mul3A_91 : i32
      %add3A_93 = arith.constant 4 : i32
      %add3A_94 = arith.addi %mul3A_92, %add3A_93 : i32
      %dma_start3A_95 = arith.constant 0 : i32
      %dma_start3A_96 = tpu.memref_slice %arg4[%add3A_94, %dma_start3A_95] : memref<80x128xi32, #tpu.memory_space<vmem>> -> memref<1x128xi32, #tpu.memory_space<vmem>>
      %dma_start3A_97 = tpu.memref_squeeze %dma_start3A_96 : memref<1x128xi32, #tpu.memory_space<vmem>> -> memref<128xi32, #tpu.memory_space<vmem>>
      %dma_start3A_98 = arith.constant 0 : i32
      %dma_start3A_99 = tpu.memref_slice %arg7[%dma_start3A_98] : memref<10240xf32, #tpu.memory_space<vmem_shared>> -> memref<10240xf32, #tpu.memory_space<vmem_shared>>
      tpu.enqueue_indirect_dma source(%arg5 : memref<128xf32, #tpu.memory_space<vmem>>) target(%dma_start3A_99 : memref<10240xf32, #tpu.memory_space<vmem_shared>>) offsets(%dma_start3A_97 : memref<128xi32, #tpu.memory_space<vmem>>) semaphore(%arg8 : memref<!tpu.dma_semaphore, #tpu.memory_space<semaphore_mem>>) {add = true}
      %mul3A_100 = arith.constant 8 : i32
      %mul3A_101 = arith.muli %scan3A_55, %mul3A_100 : i32
      %add3A_102 = arith.constant 5 : i32
      %add3A_103 = arith.addi %mul3A_101, %add3A_102 : i32
      %dma_start3A_104 = arith.constant 0 : i32
      %dma_start3A_105 = tpu.memref_slice %arg4[%add3A_103, %dma_start3A_104] : memref<80x128xi32, #tpu.memory_space<vmem>> -> memref<1x128xi32, #tpu.memory_space<vmem>>
      %dma_start3A_106 = tpu.memref_squeeze %dma_start3A_105 : memref<1x128xi32, #tpu.memory_space<vmem>> -> memref<128xi32, #tpu.memory_space<vmem>>
      %dma_start3A_107 = arith.constant 0 : i32
      %dma_start3A_108 = tpu.memref_slice %arg7[%dma_start3A_107] : memref<10240xf32, #tpu.memory_space<vmem_shared>> -> memref<10240xf32, #tpu.memory_space<vmem_shared>>
      tpu.enqueue_indirect_dma source(%arg5 : memref<128xf32, #tpu.memory_space<vmem>>) target(%dma_start3A_108 : memref<10240xf32, #tpu.memory_space<vmem_shared>>) offsets(%dma_start3A_106 : memref<128xi32, #tpu.memory_space<vmem>>) semaphore(%arg8 : memref<!tpu.dma_semaphore, #tpu.memory_space<semaphore_mem>>) {add = true}
      %mul3A_109 = arith.constant 8 : i32
      %mul3A_110 = arith.muli %scan3A_55, %mul3A_109 : i32
      %add3A_111 = arith.constant 6 : i32
      %add3A_112 = arith.addi %mul3A_110, %add3A_111 : i32
      %dma_start3A_113 = arith.constant 0 : i32
      %dma_start3A_114 = tpu.memref_slice %arg4[%add3A_112, %dma_start3A_113] : memref<80x128xi32, #tpu.memory_space<vmem>> -> memref<1x128xi32, #tpu.memory_space<vmem>>
      %dma_start3A_115 = tpu.memref_squeeze %dma_start3A_114 : memref<1x128xi32, #tpu.memory_space<vmem>> -> memref<128xi32, #tpu.memory_space<vmem>>
      %dma_start3A_116 = arith.constant 0 : i32
      %dma_start3A_117 = tpu.memref_slice %arg7[%dma_start3A_116] : memref<10240xf32, #tpu.memory_space<vmem_shared>> -> memref<10240xf32, #tpu.memory_space<vmem_shared>>
      tpu.enqueue_indirect_dma source(%arg5 : memref<128xf32, #tpu.memory_space<vmem>>) target(%dma_start3A_117 : memref<10240xf32, #tpu.memory_space<vmem_shared>>) offsets(%dma_start3A_115 : memref<128xi32, #tpu.memory_space<vmem>>) semaphore(%arg8 : memref<!tpu.dma_semaphore, #tpu.memory_space<semaphore_mem>>) {add = true}
      %mul3A_118 = arith.constant 8 : i32
      %mul3A_119 = arith.muli %scan3A_55, %mul3A_118 : i32
      %add3A_120 = arith.constant 7 : i32
      %add3A_121 = arith.addi %mul3A_119, %add3A_120 : i32
      %dma_start3A_122 = arith.constant 0 : i32
      %dma_start3A_123 = tpu.memref_slice %arg4[%add3A_121, %dma_start3A_122] : memref<80x128xi32, #tpu.memory_space<vmem>> -> memref<1x128xi32, #tpu.memory_space<vmem>>
      %dma_start3A_124 = tpu.memref_squeeze %dma_start3A_123 : memref<1x128xi32, #tpu.memory_space<vmem>> -> memref<128xi32, #tpu.memory_space<vmem>>
      %dma_start3A_125 = arith.constant 0 : i32
      %dma_start3A_126 = tpu.memref_slice %arg7[%dma_start3A_125] : memref<10240xf32, #tpu.memory_space<vmem_shared>> -> memref<10240xf32, #tpu.memory_space<vmem_shared>>
      tpu.enqueue_indirect_dma source(%arg5 : memref<128xf32, #tpu.memory_space<vmem>>) target(%dma_start3A_126 : memref<10240xf32, #tpu.memory_space<vmem_shared>>) offsets(%dma_start3A_124 : memref<128xi32, #tpu.memory_space<vmem>>) semaphore(%arg8 : memref<!tpu.dma_semaphore, #tpu.memory_space<semaphore_mem>>) {add = true}
      %mul3A_127 = arith.constant 8 : i32
      %mul3A_128 = arith.muli %scan3A_55, %mul3A_127 : i32
      %dma_wait3A = arith.constant 0 : i32
      %dma_wait3A_129 = tpu.memref_slice %arg4[%mul3A_128, %dma_wait3A] : memref<80x128xi32, #tpu.memory_space<vmem>> -> memref<1x128xi32, #tpu.memory_space<vmem>>
      %dma_wait3A_130 = tpu.memref_squeeze %dma_wait3A_129 : memref<1x128xi32, #tpu.memory_space<vmem>> -> memref<128xi32, #tpu.memory_space<vmem>>
      %dma_wait3A_131 = arith.constant 0 : i32
      %dma_wait3A_132 = tpu.memref_slice %arg7[%dma_wait3A_131] : memref<10240xf32, #tpu.memory_space<vmem_shared>> -> memref<10240xf32, #tpu.memory_space<vmem_shared>>
      tpu.wait_indirect_dma semaphore(%arg8 : memref<!tpu.dma_semaphore, #tpu.memory_space<semaphore_mem>>) src(%arg5 : memref<128xf32, #tpu.memory_space<vmem>>) dst(%dma_wait3A_132 : memref<10240xf32, #tpu.memory_space<vmem_shared>>)
      %mul3A_133 = arith.constant 8 : i32
      %mul3A_134 = arith.muli %scan3A_55, %mul3A_133 : i32
      %dma_wait3A_135 = arith.constant 0 : i32
      %dma_wait3A_136 = tpu.memref_slice %arg4[%mul3A_134, %dma_wait3A_135] : memref<80x128xi32, #tpu.memory_space<vmem>> -> memref<1x128xi32, #tpu.memory_space<vmem>>
      %dma_wait3A_137 = tpu.memref_squeeze %dma_wait3A_136 : memref<1x128xi32, #tpu.memory_space<vmem>> -> memref<128xi32, #tpu.memory_space<vmem>>
      %dma_wait3A_138 = arith.constant 0 : i32
      %dma_wait3A_139 = tpu.memref_slice %arg7[%dma_wait3A_138] : memref<10240xf32, #tpu.memory_space<vmem_shared>> -> memref<10240xf32, #tpu.memory_space<vmem_shared>>
      tpu.wait_indirect_dma semaphore(%arg8 : memref<!tpu.dma_semaphore, #tpu.memory_space<semaphore_mem>>) src(%arg5 : memref<128xf32, #tpu.memory_space<vmem>>) dst(%dma_wait3A_139 : memref<10240xf32, #tpu.memory_space<vmem_shared>>)
      %mul3A_140 = arith.constant 8 : i32
      %mul3A_141 = arith.muli %scan3A_55, %mul3A_140 : i32
      %dma_wait3A_142 = arith.constant 0 : i32
      %dma_wait3A_143 = tpu.memref_slice %arg4[%mul3A_141, %dma_wait3A_142] : memref<80x128xi32, #tpu.memory_space<vmem>> -> memref<1x128xi32, #tpu.memory_space<vmem>>
      %dma_wait3A_144 = tpu.memref_squeeze %dma_wait3A_143 : memref<1x128xi32, #tpu.memory_space<vmem>> -> memref<128xi32, #tpu.memory_space<vmem>>
      %dma_wait3A_145 = arith.constant 0 : i32
      %dma_wait3A_146 = tpu.memref_slice %arg7[%dma_wait3A_145] : memref<10240xf32, #tpu.memory_space<vmem_shared>> -> memref<10240xf32, #tpu.memory_space<vmem_shared>>
      tpu.wait_indirect_dma semaphore(%arg8 : memref<!tpu.dma_semaphore, #tpu.memory_space<semaphore_mem>>) src(%arg5 : memref<128xf32, #tpu.memory_space<vmem>>) dst(%dma_wait3A_146 : memref<10240xf32, #tpu.memory_space<vmem_shared>>)
      %mul3A_147 = arith.constant 8 : i32
      %mul3A_148 = arith.muli %scan3A_55, %mul3A_147 : i32
      %dma_wait3A_149 = arith.constant 0 : i32
      %dma_wait3A_150 = tpu.memref_slice %arg4[%mul3A_148, %dma_wait3A_149] : memref<80x128xi32, #tpu.memory_space<vmem>> -> memref<1x128xi32, #tpu.memory_space<vmem>>
      %dma_wait3A_151 = tpu.memref_squeeze %dma_wait3A_150 : memref<1x128xi32, #tpu.memory_space<vmem>> -> memref<128xi32, #tpu.memory_space<vmem>>
      %dma_wait3A_152 = arith.constant 0 : i32
      %dma_wait3A_153 = tpu.memref_slice %arg7[%dma_wait3A_152] : memref<10240xf32, #tpu.memory_space<vmem_shared>> -> memref<10240xf32, #tpu.memory_space<vmem_shared>>
      tpu.wait_indirect_dma semaphore(%arg8 : memref<!tpu.dma_semaphore, #tpu.memory_space<semaphore_mem>>) src(%arg5 : memref<128xf32, #tpu.memory_space<vmem>>) dst(%dma_wait3A_153 : memref<10240xf32, #tpu.memory_space<vmem_shared>>)
      %mul3A_154 = arith.constant 8 : i32
      %mul3A_155 = arith.muli %scan3A_55, %mul3A_154 : i32
      %dma_wait3A_156 = arith.constant 0 : i32
      %dma_wait3A_157 = tpu.memref_slice %arg4[%mul3A_155, %dma_wait3A_156] : memref<80x128xi32, #tpu.memory_space<vmem>> -> memref<1x128xi32, #tpu.memory_space<vmem>>
      %dma_wait3A_158 = tpu.memref_squeeze %dma_wait3A_157 : memref<1x128xi32, #tpu.memory_space<vmem>> -> memref<128xi32, #tpu.memory_space<vmem>>
      %dma_wait3A_159 = arith.constant 0 : i32
      %dma_wait3A_160 = tpu.memref_slice %arg7[%dma_wait3A_159] : memref<10240xf32, #tpu.memory_space<vmem_shared>> -> memref<10240xf32, #tpu.memory_space<vmem_shared>>
      tpu.wait_indirect_dma semaphore(%arg8 : memref<!tpu.dma_semaphore, #tpu.memory_space<semaphore_mem>>) src(%arg5 : memref<128xf32, #tpu.memory_space<vmem>>) dst(%dma_wait3A_160 : memref<10240xf32, #tpu.memory_space<vmem_shared>>)
      %mul3A_161 = arith.constant 8 : i32
      %mul3A_162 = arith.muli %scan3A_55, %mul3A_161 : i32
      %dma_wait3A_163 = arith.constant 0 : i32
      %dma_wait3A_164 = tpu.memref_slice %arg4[%mul3A_162, %dma_wait3A_163] : memref<80x128xi32, #tpu.memory_space<vmem>> -> memref<1x128xi32, #tpu.memory_space<vmem>>
      %dma_wait3A_165 = tpu.memref_squeeze %dma_wait3A_164 : memref<1x128xi32, #tpu.memory_space<vmem>> -> memref<128xi32, #tpu.memory_space<vmem>>
      %dma_wait3A_166 = arith.constant 0 : i32
      %dma_wait3A_167 = tpu.memref_slice %arg7[%dma_wait3A_166] : memref<10240xf32, #tpu.memory_space<vmem_shared>> -> memref<10240xf32, #tpu.memory_space<vmem_shared>>
      tpu.wait_indirect_dma semaphore(%arg8 : memref<!tpu.dma_semaphore, #tpu.memory_space<semaphore_mem>>) src(%arg5 : memref<128xf32, #tpu.memory_space<vmem>>) dst(%dma_wait3A_167 : memref<10240xf32, #tpu.memory_space<vmem_shared>>)
      %mul3A_168 = arith.constant 8 : i32
      %mul3A_169 = arith.muli %scan3A_55, %mul3A_168 : i32
      %dma_wait3A_170 = arith.constant 0 : i32
      %dma_wait3A_171 = tpu.memref_slice %arg4[%mul3A_169, %dma_wait3A_170] : memref<80x128xi32, #tpu.memory_space<vmem>> -> memref<1x128xi32, #tpu.memory_space<vmem>>
      %dma_wait3A_172 = tpu.memref_squeeze %dma_wait3A_171 : memref<1x128xi32, #tpu.memory_space<vmem>> -> memref<128xi32, #tpu.memory_space<vmem>>
      %dma_wait3A_173 = arith.constant 0 : i32
      %dma_wait3A_174 = tpu.memref_slice %arg7[%dma_wait3A_173] : memref<10240xf32, #tpu.memory_space<vmem_shared>> -> memref<10240xf32, #tpu.memory_space<vmem_shared>>
      tpu.wait_indirect_dma semaphore(%arg8 : memref<!tpu.dma_semaphore, #tpu.memory_space<semaphore_mem>>) src(%arg5 : memref<128xf32, #tpu.memory_space<vmem>>) dst(%dma_wait3A_174 : memref<10240xf32, #tpu.memory_space<vmem_shared>>)
      %mul3A_175 = arith.constant 8 : i32
      %mul3A_176 = arith.muli %scan3A_55, %mul3A_175 : i32
      %dma_wait3A_177 = arith.constant 0 : i32
      %dma_wait3A_178 = tpu.memref_slice %arg4[%mul3A_176, %dma_wait3A_177] : memref<80x128xi32, #tpu.memory_space<vmem>> -> memref<1x128xi32, #tpu.memory_space<vmem>>
      %dma_wait3A_179 = tpu.memref_squeeze %dma_wait3A_178 : memref<1x128xi32, #tpu.memory_space<vmem>> -> memref<128xi32, #tpu.memory_space<vmem>>
      %dma_wait3A_180 = arith.constant 0 : i32
      %dma_wait3A_181 = tpu.memref_slice %arg7[%dma_wait3A_180] : memref<10240xf32, #tpu.memory_space<vmem_shared>> -> memref<10240xf32, #tpu.memory_space<vmem_shared>>
      tpu.wait_indirect_dma semaphore(%arg8 : memref<!tpu.dma_semaphore, #tpu.memory_space<semaphore_mem>>) src(%arg5 : memref<128xf32, #tpu.memory_space<vmem>>) dst(%dma_wait3A_181 : memref<10240xf32, #tpu.memory_space<vmem_shared>>)
    }
    %scan3A_49 = arith.constant 10 : i32
    %barrier3A_50 = arith.constant 0 : index
    tpu.barrier barrier_id(%barrier3A_50)
    %mul3A_51 = arith.constant 640 : i32
    %mul3A_52 = arith.muli %arg1, %mul3A_51 : i32
    %mul3A_53 = arith.constant 640 : i32
    %mul3A_54 = arith.muli %arg1, %mul3A_53 : i32
    "tpu.region"() ({
      %run_scoped3A = tpu.sem_alloc : memref<!tpu.dma_semaphore, #tpu.memory_space<semaphore_mem>>
      %dma_start3A = tpu.memref_slice %arg3[%arg0, %mul3A_54] : memref<2x10240xf32, #tpu.memory_space<hbm>> -> memref<1x640xf32, #tpu.memory_space<hbm>>
      %dma_start3A_55 = tpu.memref_squeeze %dma_start3A : memref<1x640xf32, #tpu.memory_space<hbm>> -> memref<640xf32, #tpu.memory_space<hbm>>
      %dma_start3A_56 = tpu.memref_slice %arg7[%mul3A_52] : memref<10240xf32, #tpu.memory_space<vmem_shared>> -> memref<640xf32, #tpu.memory_space<vmem_shared>>
      tpu.enqueue_dma source(%dma_start3A_56 : memref<640xf32, #tpu.memory_space<vmem_shared>>) target(%dma_start3A_55 : memref<640xf32, #tpu.memory_space<hbm>>) target_semaphore(%run_scoped3A : memref<!tpu.dma_semaphore, #tpu.memory_space<semaphore_mem>>)
      %dma_wait3A = tpu.memref_slice %arg3[%arg0, %mul3A_54] : memref<2x10240xf32, #tpu.memory_space<hbm>> -> memref<1x640xf32, #tpu.memory_space<hbm>>
      %dma_wait3A_57 = tpu.memref_squeeze %dma_wait3A : memref<1x640xf32, #tpu.memory_space<hbm>> -> memref<640xf32, #tpu.memory_space<hbm>>
      %dma_wait3A_58 = tpu.memref_slice %arg7[%mul3A_52] : memref<10240xf32, #tpu.memory_space<vmem_shared>> -> memref<640xf32, #tpu.memory_space<vmem_shared>>
      tpu.wait_dma2 semaphore(%run_scoped3A : memref<!tpu.dma_semaphore, #tpu.memory_space<semaphore_mem>>) src(%dma_wait3A_58 : memref<640xf32, #tpu.memory_space<vmem_shared>>) dst(%dma_wait3A_57 : memref<640xf32, #tpu.memory_space<hbm>>)
      tpu.yield
    }) : () -> ()
    return
  }
}

#map = affine_map<(d0, d1) -> (0, 0)>
#map1 = affine_map<(d0, d1) -> (0, 0, 0)>
module attributes {stable_mosaic.version = 14 : i64} {
  func.func @k(%arg0: i32, %arg1: i32, %arg2: memref<10000x128xf32, #tpu.memory_space<hbm>>, %arg3: memref<2560x128xi32, #tpu.memory_space<hbm>>, %arg4: memref<2560x128xi32, #tpu.memory_space<hbm>>, %arg5: memref<2x10240x128xf32, #tpu.memory_space<hbm>>, %arg6: memref<18x128xi32, #tpu.memory_space<vmem>>, %arg7: memref<16x128xi32, #tpu.memory_space<vmem>>, %arg8: memref<2x128x128xf32, #tpu.memory_space<vmem>>, %arg9: memref<16x128xf32, #tpu.memory_space<vmem>>, %arg10: memref<10240x128xf32, #tpu.memory_space<vmem_shared>>, %arg11: memref<!tpu.dma_semaphore, #tpu.memory_space<semaphore_mem>>, %arg12: memref<!tpu.dma_semaphore, #tpu.memory_space<semaphore_mem>>) attributes {dimension_semantics = [#tpu.dimension_semantics<core_parallel>, #tpu.dimension_semantics<subcore_parallel>], iteration_bounds = array<i64: 2, 16>, scalar_prefetch = 0 : i64, scratch_operands = 7 : i64, tpu.core_type = #tpu.core_type<sc_vector_subcore>, window_params = [{transform_indices = #map}, {transform_indices = #map}, {transform_indices = #map}, {transform_indices = #map1}]} {
    %mul3A = arith.constant 16 : i32
    %mul3A_0 = arith.muli %arg0, %mul3A : i32
    %add3A = arith.addi %mul3A_0, %arg1 : i32
    %broadcast_in_dim3A = arith.constant 0.000000e+00 : f32
    %broadcast_in_dim3A_1 = vector.broadcast %broadcast_in_dim3A : f32 to vector<16xf32>
    %swap3A = arith.constant 0 : i32
    %swap3A_2 = arith.index_cast %swap3A : i32 to index
    %swap3A_3 = arith.constant 0 : index
    %swap3A_4 = tpu.vector_load %arg9[%swap3A_2, %swap3A_3] {strides = array<i32>} : memref<16x128xf32, #tpu.memory_space<vmem>>, vector<1x16xf32>,
    %swap3A_5 = vector.shape_cast %swap3A_4 : vector<1x16xf32> to vector<16xf32>
    %swap3A_6 = vector.shape_cast %broadcast_in_dim3A_1 : vector<16xf32> to vector<1x16xf32>
    tpu.vector_store %arg9[%swap3A_2, %swap3A_3], %swap3A_6 {strides = array<i32>} : memref<16x128xf32, #tpu.memory_space<vmem>>, vector<1x16xf32>,
    %swap3A_7 = arith.constant 0 : i32
    %swap3A_8 = arith.index_cast %swap3A_7 : i32 to index
    %swap3A_9 = arith.constant 16 : index
    %swap3A_10 = tpu.vector_load %arg9[%swap3A_8, %swap3A_9] {strides = array<i32>} : memref<16x128xf32, #tpu.memory_space<vmem>>, vector<1x16xf32>,
    %swap3A_11 = vector.shape_cast %swap3A_10 : vector<1x16xf32> to vector<16xf32>
    %swap3A_12 = vector.shape_cast %broadcast_in_dim3A_1 : vector<16xf32> to vector<1x16xf32>
    tpu.vector_store %arg9[%swap3A_8, %swap3A_9], %swap3A_12 {strides = array<i32>} : memref<16x128xf32, #tpu.memory_space<vmem>>, vector<1x16xf32>,
    %swap3A_13 = arith.constant 0 : i32
    %swap3A_14 = arith.index_cast %swap3A_13 : i32 to index
    %swap3A_15 = arith.constant 32 : index
    %swap3A_16 = tpu.vector_load %arg9[%swap3A_14, %swap3A_15] {strides = array<i32>} : memref<16x128xf32, #tpu.memory_space<vmem>>, vector<1x16xf32>,
    %swap3A_17 = vector.shape_cast %swap3A_16 : vector<1x16xf32> to vector<16xf32>
    %swap3A_18 = vector.shape_cast %broadcast_in_dim3A_1 : vector<16xf32> to vector<1x16xf32>
    tpu.vector_store %arg9[%swap3A_14, %swap3A_15], %swap3A_18 {strides = array<i32>} : memref<16x128xf32, #tpu.memory_space<vmem>>, vector<1x16xf32>,
    %swap3A_19 = arith.constant 0 : i32
    %swap3A_20 = arith.index_cast %swap3A_19 : i32 to index
    %swap3A_21 = arith.constant 48 : index
    %swap3A_22 = tpu.vector_load %arg9[%swap3A_20, %swap3A_21] {strides = array<i32>} : memref<16x128xf32, #tpu.memory_space<vmem>>, vector<1x16xf32>,
    %swap3A_23 = vector.shape_cast %swap3A_22 : vector<1x16xf32> to vector<16xf32>
    %swap3A_24 = vector.shape_cast %broadcast_in_dim3A_1 : vector<16xf32> to vector<1x16xf32>
    tpu.vector_store %arg9[%swap3A_20, %swap3A_21], %swap3A_24 {strides = array<i32>} : memref<16x128xf32, #tpu.memory_space<vmem>>, vector<1x16xf32>,
    %swap3A_25 = arith.constant 0 : i32
    %swap3A_26 = arith.index_cast %swap3A_25 : i32 to index
    %swap3A_27 = arith.constant 64 : index
    %swap3A_28 = tpu.vector_load %arg9[%swap3A_26, %swap3A_27] {strides = array<i32>} : memref<16x128xf32, #tpu.memory_space<vmem>>, vector<1x16xf32>,
    %swap3A_29 = vector.shape_cast %swap3A_28 : vector<1x16xf32> to vector<16xf32>
    %swap3A_30 = vector.shape_cast %broadcast_in_dim3A_1 : vector<16xf32> to vector<1x16xf32>
    tpu.vector_store %arg9[%swap3A_26, %swap3A_27], %swap3A_30 {strides = array<i32>} : memref<16x128xf32, #tpu.memory_space<vmem>>, vector<1x16xf32>,
    %swap3A_31 = arith.constant 0 : i32
    %swap3A_32 = arith.index_cast %swap3A_31 : i32 to index
    %swap3A_33 = arith.constant 80 : index
    %swap3A_34 = tpu.vector_load %arg9[%swap3A_32, %swap3A_33] {strides = array<i32>} : memref<16x128xf32, #tpu.memory_space<vmem>>, vector<1x16xf32>,
    %swap3A_35 = vector.shape_cast %swap3A_34 : vector<1x16xf32> to vector<16xf32>
    %swap3A_36 = vector.shape_cast %broadcast_in_dim3A_1 : vector<16xf32> to vector<1x16xf32>
    tpu.vector_store %arg9[%swap3A_32, %swap3A_33], %swap3A_36 {strides = array<i32>} : memref<16x128xf32, #tpu.memory_space<vmem>>, vector<1x16xf32>,
    %swap3A_37 = arith.constant 0 : i32
    %swap3A_38 = arith.index_cast %swap3A_37 : i32 to index
    %swap3A_39 = arith.constant 96 : index
    %swap3A_40 = tpu.vector_load %arg9[%swap3A_38, %swap3A_39] {strides = array<i32>} : memref<16x128xf32, #tpu.memory_space<vmem>>, vector<1x16xf32>,
    %swap3A_41 = vector.shape_cast %swap3A_40 : vector<1x16xf32> to vector<16xf32>
    %swap3A_42 = vector.shape_cast %broadcast_in_dim3A_1 : vector<16xf32> to vector<1x16xf32>
    tpu.vector_store %arg9[%swap3A_38, %swap3A_39], %swap3A_42 {strides = array<i32>} : memref<16x128xf32, #tpu.memory_space<vmem>>, vector<1x16xf32>,
    %swap3A_43 = arith.constant 0 : i32
    %swap3A_44 = arith.index_cast %swap3A_43 : i32 to index
    %swap3A_45 = arith.constant 112 : index
    %swap3A_46 = tpu.vector_load %arg9[%swap3A_44, %swap3A_45] {strides = array<i32>} : memref<16x128xf32, #tpu.memory_space<vmem>>, vector<1x16xf32>,
    %swap3A_47 = vector.shape_cast %swap3A_46 : vector<1x16xf32> to vector<16xf32>
    %swap3A_48 = vector.shape_cast %broadcast_in_dim3A_1 : vector<16xf32> to vector<1x16xf32>
    tpu.vector_store %arg9[%swap3A_44, %swap3A_45], %swap3A_48 {strides = array<i32>} : memref<16x128xf32, #tpu.memory_space<vmem>>, vector<1x16xf32>,
    %swap3A_49 = arith.constant 1 : i32
    %swap3A_50 = arith.index_cast %swap3A_49 : i32 to index
    %swap3A_51 = arith.constant 0 : index
    %swap3A_52 = tpu.vector_load %arg9[%swap3A_50, %swap3A_51] {strides = array<i32>} : memref<16x128xf32, #tpu.memory_space<vmem>>, vector<1x16xf32>,
    %swap3A_53 = vector.shape_cast %swap3A_52 : vector<1x16xf32> to vector<16xf32>
    %swap3A_54 = vector.shape_cast %broadcast_in_dim3A_1 : vector<16xf32> to vector<1x16xf32>
    tpu.vector_store %arg9[%swap3A_50, %swap3A_51], %swap3A_54 {strides = array<i32>} : memref<16x128xf32, #tpu.memory_space<vmem>>, vector<1x16xf32>,
    %swap3A_55 = arith.constant 1 : i32
    %swap3A_56 = arith.index_cast %swap3A_55 : i32 to index
    %swap3A_57 = arith.constant 16 : index
    %swap3A_58 = tpu.vector_load %arg9[%swap3A_56, %swap3A_57] {strides = array<i32>} : memref<16x128xf32, #tpu.memory_space<vmem>>, vector<1x16xf32>,
    %swap3A_59 = vector.shape_cast %swap3A_58 : vector<1x16xf32> to vector<16xf32>
    %swap3A_60 = vector.shape_cast %broadcast_in_dim3A_1 : vector<16xf32> to vector<1x16xf32>
    tpu.vector_store %arg9[%swap3A_56, %swap3A_57], %swap3A_60 {strides = array<i32>} : memref<16x128xf32, #tpu.memory_space<vmem>>, vector<1x16xf32>,
    %swap3A_61 = arith.constant 1 : i32
    %swap3A_62 = arith.index_cast %swap3A_61 : i32 to index
    %swap3A_63 = arith.constant 32 : index
    %swap3A_64 = tpu.vector_load %arg9[%swap3A_62, %swap3A_63] {strides = array<i32>} : memref<16x128xf32, #tpu.memory_space<vmem>>, vector<1x16xf32>,
    %swap3A_65 = vector.shape_cast %swap3A_64 : vector<1x16xf32> to vector<16xf32>
    %swap3A_66 = vector.shape_cast %broadcast_in_dim3A_1 : vector<16xf32> to vector<1x16xf32>
    tpu.vector_store %arg9[%swap3A_62, %swap3A_63], %swap3A_66 {strides = array<i32>} : memref<16x128xf32, #tpu.memory_space<vmem>>, vector<1x16xf32>,
    %swap3A_67 = arith.constant 1 : i32
    %swap3A_68 = arith.index_cast %swap3A_67 : i32 to index
    %swap3A_69 = arith.constant 48 : index
    %swap3A_70 = tpu.vector_load %arg9[%swap3A_68, %swap3A_69] {strides = array<i32>} : memref<16x128xf32, #tpu.memory_space<vmem>>, vector<1x16xf32>,
    %swap3A_71 = vector.shape_cast %swap3A_70 : vector<1x16xf32> to vector<16xf32>
    %swap3A_72 = vector.shape_cast %broadcast_in_dim3A_1 : vector<16xf32> to vector<1x16xf32>
    tpu.vector_store %arg9[%swap3A_68, %swap3A_69], %swap3A_72 {strides = array<i32>} : memref<16x128xf32, #tpu.memory_space<vmem>>, vector<1x16xf32>,
    %swap3A_73 = arith.constant 1 : i32
    %swap3A_74 = arith.index_cast %swap3A_73 : i32 to index
    %swap3A_75 = arith.constant 64 : index
    %swap3A_76 = tpu.vector_load %arg9[%swap3A_74, %swap3A_75] {strides = array<i32>} : memref<16x128xf32, #tpu.memory_space<vmem>>, vector<1x16xf32>,
    %swap3A_77 = vector.shape_cast %swap3A_76 : vector<1x16xf32> to vector<16xf32>
    %swap3A_78 = vector.shape_cast %broadcast_in_dim3A_1 : vector<16xf32> to vector<1x16xf32>
    tpu.vector_store %arg9[%swap3A_74, %swap3A_75], %swap3A_78 {strides = array<i32>} : memref<16x128xf32, #tpu.memory_space<vmem>>, vector<1x16xf32>,
    %swap3A_79 = arith.constant 1 : i32
    %swap3A_80 = arith.index_cast %swap3A_79 : i32 to index
    %swap3A_81 = arith.constant 80 : index
    %swap3A_82 = tpu.vector_load %arg9[%swap3A_80, %swap3A_81] {strides = array<i32>} : memref<16x128xf32, #tpu.memory_space<vmem>>, vector<1x16xf32>,
    %swap3A_83 = vector.shape_cast %swap3A_82 : vector<1x16xf32> to vector<16xf32>
    %swap3A_84 = vector.shape_cast %broadcast_in_dim3A_1 : vector<16xf32> to vector<1x16xf32>
    tpu.vector_store %arg9[%swap3A_80, %swap3A_81], %swap3A_84 {strides = array<i32>} : memref<16x128xf32, #tpu.memory_space<vmem>>, vector<1x16xf32>,
    %swap3A_85 = arith.constant 1 : i32
    %swap3A_86 = arith.index_cast %swap3A_85 : i32 to index
    %swap3A_87 = arith.constant 96 : index
    %swap3A_88 = tpu.vector_load %arg9[%swap3A_86, %swap3A_87] {strides = array<i32>} : memref<16x128xf32, #tpu.memory_space<vmem>>, vector<1x16xf32>,
    %swap3A_89 = vector.shape_cast %swap3A_88 : vector<1x16xf32> to vector<16xf32>
    %swap3A_90 = vector.shape_cast %broadcast_in_dim3A_1 : vector<16xf32> to vector<1x16xf32>
    tpu.vector_store %arg9[%swap3A_86, %swap3A_87], %swap3A_90 {strides = array<i32>} : memref<16x128xf32, #tpu.memory_space<vmem>>, vector<1x16xf32>,
    %swap3A_91 = arith.constant 1 : i32
    %swap3A_92 = arith.index_cast %swap3A_91 : i32 to index
    %swap3A_93 = arith.constant 112 : index
    %swap3A_94 = tpu.vector_load %arg9[%swap3A_92, %swap3A_93] {strides = array<i32>} : memref<16x128xf32, #tpu.memory_space<vmem>>, vector<1x16xf32>,
    %swap3A_95 = vector.shape_cast %swap3A_94 : vector<1x16xf32> to vector<16xf32>
    %swap3A_96 = vector.shape_cast %broadcast_in_dim3A_1 : vector<16xf32> to vector<1x16xf32>
    tpu.vector_store %arg9[%swap3A_92, %swap3A_93], %swap3A_96 {strides = array<i32>} : memref<16x128xf32, #tpu.memory_space<vmem>>, vector<1x16xf32>,
    %swap3A_97 = arith.constant 2 : i32
    %swap3A_98 = arith.index_cast %swap3A_97 : i32 to index
    %swap3A_99 = arith.constant 0 : index
    %swap3A_100 = tpu.vector_load %arg9[%swap3A_98, %swap3A_99] {strides = array<i32>} : memref<16x128xf32, #tpu.memory_space<vmem>>, vector<1x16xf32>,
    %swap3A_101 = vector.shape_cast %swap3A_100 : vector<1x16xf32> to vector<16xf32>
    %swap3A_102 = vector.shape_cast %broadcast_in_dim3A_1 : vector<16xf32> to vector<1x16xf32>
    tpu.vector_store %arg9[%swap3A_98, %swap3A_99], %swap3A_102 {strides = array<i32>} : memref<16x128xf32, #tpu.memory_space<vmem>>, vector<1x16xf32>,
    %swap3A_103 = arith.constant 2 : i32
    %swap3A_104 = arith.index_cast %swap3A_103 : i32 to index
    %swap3A_105 = arith.constant 16 : index
    %swap3A_106 = tpu.vector_load %arg9[%swap3A_104, %swap3A_105] {strides = array<i32>} : memref<16x128xf32, #tpu.memory_space<vmem>>, vector<1x16xf32>,
    %swap3A_107 = vector.shape_cast %swap3A_106 : vector<1x16xf32> to vector<16xf32>
    %swap3A_108 = vector.shape_cast %broadcast_in_dim3A_1 : vector<16xf32> to vector<1x16xf32>
    tpu.vector_store %arg9[%swap3A_104, %swap3A_105], %swap3A_108 {strides = array<i32>} : memref<16x128xf32, #tpu.memory_space<vmem>>, vector<1x16xf32>,
    %swap3A_109 = arith.constant 2 : i32
    %swap3A_110 = arith.index_cast %swap3A_109 : i32 to index
    %swap3A_111 = arith.constant 32 : index
    %swap3A_112 = tpu.vector_load %arg9[%swap3A_110, %swap3A_111] {strides = array<i32>} : memref<16x128xf32, #tpu.memory_space<vmem>>, vector<1x16xf32>,
    %swap3A_113 = vector.shape_cast %swap3A_112 : vector<1x16xf32> to vector<16xf32>
    %swap3A_114 = vector.shape_cast %broadcast_in_dim3A_1 : vector<16xf32> to vector<1x16xf32>
    tpu.vector_store %arg9[%swap3A_110, %swap3A_111], %swap3A_114 {strides = array<i32>} : memref<16x128xf32, #tpu.memory_space<vmem>>, vector<1x16xf32>,
    %swap3A_115 = arith.constant 2 : i32
    %swap3A_116 = arith.index_cast %swap3A_115 : i32 to index
    %swap3A_117 = arith.constant 48 : index
    %swap3A_118 = tpu.vector_load %arg9[%swap3A_116, %swap3A_117] {strides = array<i32>} : memref<16x128xf32, #tpu.memory_space<vmem>>, vector<1x16xf32>,
    %swap3A_119 = vector.shape_cast %swap3A_118 : vector<1x16xf32> to vector<16xf32>
    %swap3A_120 = vector.shape_cast %broadcast_in_dim3A_1 : vector<16xf32> to vector<1x16xf32>
    tpu.vector_store %arg9[%swap3A_116, %swap3A_117], %swap3A_120 {strides = array<i32>} : memref<16x128xf32, #tpu.memory_space<vmem>>, vector<1x16xf32>,
    %swap3A_121 = arith.constant 2 : i32
    %swap3A_122 = arith.index_cast %swap3A_121 : i32 to index
    %swap3A_123 = arith.constant 64 : index
    %swap3A_124 = tpu.vector_load %arg9[%swap3A_122, %swap3A_123] {strides = array<i32>} : memref<16x128xf32, #tpu.memory_space<vmem>>, vector<1x16xf32>,
    %swap3A_125 = vector.shape_cast %swap3A_124 : vector<1x16xf32> to vector<16xf32>
    %swap3A_126 = vector.shape_cast %broadcast_in_dim3A_1 : vector<16xf32> to vector<1x16xf32>
    tpu.vector_store %arg9[%swap3A_122, %swap3A_123], %swap3A_126 {strides = array<i32>} : memref<16x128xf32, #tpu.memory_space<vmem>>, vector<1x16xf32>,
    %swap3A_127 = arith.constant 2 : i32
    %swap3A_128 = arith.index_cast %swap3A_127 : i32 to index
    %swap3A_129 = arith.constant 80 : index
    %swap3A_130 = tpu.vector_load %arg9[%swap3A_128, %swap3A_129] {strides = array<i32>} : memref<16x128xf32, #tpu.memory_space<vmem>>, vector<1x16xf32>,
    %swap3A_131 = vector.shape_cast %swap3A_130 : vector<1x16xf32> to vector<16xf32>
    %swap3A_132 = vector.shape_cast %broadcast_in_dim3A_1 : vector<16xf32> to vector<1x16xf32>
    tpu.vector_store %arg9[%swap3A_128, %swap3A_129], %swap3A_132 {strides = array<i32>} : memref<16x128xf32, #tpu.memory_space<vmem>>, vector<1x16xf32>,
    %swap3A_133 = arith.constant 2 : i32
    %swap3A_134 = arith.index_cast %swap3A_133 : i32 to index
    %swap3A_135 = arith.constant 96 : index
    %swap3A_136 = tpu.vector_load %arg9[%swap3A_134, %swap3A_135] {strides = array<i32>} : memref<16x128xf32, #tpu.memory_space<vmem>>, vector<1x16xf32>,
    %swap3A_137 = vector.shape_cast %swap3A_136 : vector<1x16xf32> to vector<16xf32>
    %swap3A_138 = vector.shape_cast %broadcast_in_dim3A_1 : vector<16xf32> to vector<1x16xf32>
    tpu.vector_store %arg9[%swap3A_134, %swap3A_135], %swap3A_138 {strides = array<i32>} : memref<16x128xf32, #tpu.memory_space<vmem>>, vector<1x16xf32>,
    %swap3A_139 = arith.constant 2 : i32
    %swap3A_140 = arith.index_cast %swap3A_139 : i32 to index
    %swap3A_141 = arith.constant 112 : index
    %swap3A_142 = tpu.vector_load %arg9[%swap3A_140, %swap3A_141] {strides = array<i32>} : memref<16x128xf32, #tpu.memory_space<vmem>>, vector<1x16xf32>,
    %swap3A_143 = vector.shape_cast %swap3A_142 : vector<1x16xf32> to vector<16xf32>
    %swap3A_144 = vector.shape_cast %broadcast_in_dim3A_1 : vector<16xf32> to vector<1x16xf32>
    tpu.vector_store %arg9[%swap3A_140, %swap3A_141], %swap3A_144 {strides = array<i32>} : memref<16x128xf32, #tpu.memory_space<vmem>>, vector<1x16xf32>,
    %swap3A_145 = arith.constant 3 : i32
    %swap3A_146 = arith.index_cast %swap3A_145 : i32 to index
    %swap3A_147 = arith.constant 0 : index
    %swap3A_148 = tpu.vector_load %arg9[%swap3A_146, %swap3A_147] {strides = array<i32>} : memref<16x128xf32, #tpu.memory_space<vmem>>, vector<1x16xf32>,
    %swap3A_149 = vector.shape_cast %swap3A_148 : vector<1x16xf32> to vector<16xf32>
    %swap3A_150 = vector.shape_cast %broadcast_in_dim3A_1 : vector<16xf32> to vector<1x16xf32>
    tpu.vector_store %arg9[%swap3A_146, %swap3A_147], %swap3A_150 {strides = array<i32>} : memref<16x128xf32, #tpu.memory_space<vmem>>, vector<1x16xf32>,
    %swap3A_151 = arith.constant 3 : i32
    %swap3A_152 = arith.index_cast %swap3A_151 : i32 to index
    %swap3A_153 = arith.constant 16 : index
    %swap3A_154 = tpu.vector_load %arg9[%swap3A_152, %swap3A_153] {strides = array<i32>} : memref<16x128xf32, #tpu.memory_space<vmem>>, vector<1x16xf32>,
    %swap3A_155 = vector.shape_cast %swap3A_154 : vector<1x16xf32> to vector<16xf32>
    %swap3A_156 = vector.shape_cast %broadcast_in_dim3A_1 : vector<16xf32> to vector<1x16xf32>
    tpu.vector_store %arg9[%swap3A_152, %swap3A_153], %swap3A_156 {strides = array<i32>} : memref<16x128xf32, #tpu.memory_space<vmem>>, vector<1x16xf32>,
    %swap3A_157 = arith.constant 3 : i32
    %swap3A_158 = arith.index_cast %swap3A_157 : i32 to index
    %swap3A_159 = arith.constant 32 : index
    %swap3A_160 = tpu.vector_load %arg9[%swap3A_158, %swap3A_159] {strides = array<i32>} : memref<16x128xf32, #tpu.memory_space<vmem>>, vector<1x16xf32>,
    %swap3A_161 = vector.shape_cast %swap3A_160 : vector<1x16xf32> to vector<16xf32>
    %swap3A_162 = vector.shape_cast %broadcast_in_dim3A_1 : vector<16xf32> to vector<1x16xf32>
    tpu.vector_store %arg9[%swap3A_158, %swap3A_159], %swap3A_162 {strides = array<i32>} : memref<16x128xf32, #tpu.memory_space<vmem>>, vector<1x16xf32>,
    %swap3A_163 = arith.constant 3 : i32
    %swap3A_164 = arith.index_cast %swap3A_163 : i32 to index
    %swap3A_165 = arith.constant 48 : index
    %swap3A_166 = tpu.vector_load %arg9[%swap3A_164, %swap3A_165] {strides = array<i32>} : memref<16x128xf32, #tpu.memory_space<vmem>>, vector<1x16xf32>,
    %swap3A_167 = vector.shape_cast %swap3A_166 : vector<1x16xf32> to vector<16xf32>
    %swap3A_168 = vector.shape_cast %broadcast_in_dim3A_1 : vector<16xf32> to vector<1x16xf32>
    tpu.vector_store %arg9[%swap3A_164, %swap3A_165], %swap3A_168 {strides = array<i32>} : memref<16x128xf32, #tpu.memory_space<vmem>>, vector<1x16xf32>,
    %swap3A_169 = arith.constant 3 : i32
    %swap3A_170 = arith.index_cast %swap3A_169 : i32 to index
    %swap3A_171 = arith.constant 64 : index
    %swap3A_172 = tpu.vector_load %arg9[%swap3A_170, %swap3A_171] {strides = array<i32>} : memref<16x128xf32, #tpu.memory_space<vmem>>, vector<1x16xf32>,
    %swap3A_173 = vector.shape_cast %swap3A_172 : vector<1x16xf32> to vector<16xf32>
    %swap3A_174 = vector.shape_cast %broadcast_in_dim3A_1 : vector<16xf32> to vector<1x16xf32>
    tpu.vector_store %arg9[%swap3A_170, %swap3A_171], %swap3A_174 {strides = array<i32>} : memref<16x128xf32, #tpu.memory_space<vmem>>, vector<1x16xf32>,
    %swap3A_175 = arith.constant 3 : i32
    %swap3A_176 = arith.index_cast %swap3A_175 : i32 to index
    %swap3A_177 = arith.constant 80 : index
    %swap3A_178 = tpu.vector_load %arg9[%swap3A_176, %swap3A_177] {strides = array<i32>} : memref<16x128xf32, #tpu.memory_space<vmem>>, vector<1x16xf32>,
    %swap3A_179 = vector.shape_cast %swap3A_178 : vector<1x16xf32> to vector<16xf32>
    %swap3A_180 = vector.shape_cast %broadcast_in_dim3A_1 : vector<16xf32> to vector<1x16xf32>
    tpu.vector_store %arg9[%swap3A_176, %swap3A_177], %swap3A_180 {strides = array<i32>} : memref<16x128xf32, #tpu.memory_space<vmem>>, vector<1x16xf32>,
    %swap3A_181 = arith.constant 3 : i32
    %swap3A_182 = arith.index_cast %swap3A_181 : i32 to index
    %swap3A_183 = arith.constant 96 : index
    %swap3A_184 = tpu.vector_load %arg9[%swap3A_182, %swap3A_183] {strides = array<i32>} : memref<16x128xf32, #tpu.memory_space<vmem>>, vector<1x16xf32>,
    %swap3A_185 = vector.shape_cast %swap3A_184 : vector<1x16xf32> to vector<16xf32>
    %swap3A_186 = vector.shape_cast %broadcast_in_dim3A_1 : vector<16xf32> to vector<1x16xf32>
    tpu.vector_store %arg9[%swap3A_182, %swap3A_183], %swap3A_186 {strides = array<i32>} : memref<16x128xf32, #tpu.memory_space<vmem>>, vector<1x16xf32>,
    %swap3A_187 = arith.constant 3 : i32
    %swap3A_188 = arith.index_cast %swap3A_187 : i32 to index
    %swap3A_189 = arith.constant 112 : index
    %swap3A_190 = tpu.vector_load %arg9[%swap3A_188, %swap3A_189] {strides = array<i32>} : memref<16x128xf32, #tpu.memory_space<vmem>>, vector<1x16xf32>,
    %swap3A_191 = vector.shape_cast %swap3A_190 : vector<1x16xf32> to vector<16xf32>
    %swap3A_192 = vector.shape_cast %broadcast_in_dim3A_1 : vector<16xf32> to vector<1x16xf32>
    tpu.vector_store %arg9[%swap3A_188, %swap3A_189], %swap3A_192 {strides = array<i32>} : memref<16x128xf32, #tpu.memory_space<vmem>>, vector<1x16xf32>,
    %swap3A_193 = arith.constant 4 : i32
    %swap3A_194 = arith.index_cast %swap3A_193 : i32 to index
    %swap3A_195 = arith.constant 0 : index
    %swap3A_196 = tpu.vector_load %arg9[%swap3A_194, %swap3A_195] {strides = array<i32>} : memref<16x128xf32, #tpu.memory_space<vmem>>, vector<1x16xf32>,
    %swap3A_197 = vector.shape_cast %swap3A_196 : vector<1x16xf32> to vector<16xf32>
    %swap3A_198 = vector.shape_cast %broadcast_in_dim3A_1 : vector<16xf32> to vector<1x16xf32>
    tpu.vector_store %arg9[%swap3A_194, %swap3A_195], %swap3A_198 {strides = array<i32>} : memref<16x128xf32, #tpu.memory_space<vmem>>, vector<1x16xf32>,
    %swap3A_199 = arith.constant 4 : i32
    %swap3A_200 = arith.index_cast %swap3A_199 : i32 to index
    %swap3A_201 = arith.constant 16 : index
    %swap3A_202 = tpu.vector_load %arg9[%swap3A_200, %swap3A_201] {strides = array<i32>} : memref<16x128xf32, #tpu.memory_space<vmem>>, vector<1x16xf32>,
    %swap3A_203 = vector.shape_cast %swap3A_202 : vector<1x16xf32> to vector<16xf32>
    %swap3A_204 = vector.shape_cast %broadcast_in_dim3A_1 : vector<16xf32> to vector<1x16xf32>
    tpu.vector_store %arg9[%swap3A_200, %swap3A_201], %swap3A_204 {strides = array<i32>} : memref<16x128xf32, #tpu.memory_space<vmem>>, vector<1x16xf32>,
    %swap3A_205 = arith.constant 4 : i32
    %swap3A_206 = arith.index_cast %swap3A_205 : i32 to index
    %swap3A_207 = arith.constant 32 : index
    %swap3A_208 = tpu.vector_load %arg9[%swap3A_206, %swap3A_207] {strides = array<i32>} : memref<16x128xf32, #tpu.memory_space<vmem>>, vector<1x16xf32>,
    %swap3A_209 = vector.shape_cast %swap3A_208 : vector<1x16xf32> to vector<16xf32>
    %swap3A_210 = vector.shape_cast %broadcast_in_dim3A_1 : vector<16xf32> to vector<1x16xf32>
    tpu.vector_store %arg9[%swap3A_206, %swap3A_207], %swap3A_210 {strides = array<i32>} : memref<16x128xf32, #tpu.memory_space<vmem>>, vector<1x16xf32>,
    %swap3A_211 = arith.constant 4 : i32
    %swap3A_212 = arith.index_cast %swap3A_211 : i32 to index
    %swap3A_213 = arith.constant 48 : index
    %swap3A_214 = tpu.vector_load %arg9[%swap3A_212, %swap3A_213] {strides = array<i32>} : memref<16x128xf32, #tpu.memory_space<vmem>>, vector<1x16xf32>,
    %swap3A_215 = vector.shape_cast %swap3A_214 : vector<1x16xf32> to vector<16xf32>
    %swap3A_216 = vector.shape_cast %broadcast_in_dim3A_1 : vector<16xf32> to vector<1x16xf32>
    tpu.vector_store %arg9[%swap3A_212, %swap3A_213], %swap3A_216 {strides = array<i32>} : memref<16x128xf32, #tpu.memory_space<vmem>>, vector<1x16xf32>,
    %swap3A_217 = arith.constant 4 : i32
    %swap3A_218 = arith.index_cast %swap3A_217 : i32 to index
    %swap3A_219 = arith.constant 64 : index
    %swap3A_220 = tpu.vector_load %arg9[%swap3A_218, %swap3A_219] {strides = array<i32>} : memref<16x128xf32, #tpu.memory_space<vmem>>, vector<1x16xf32>,
    %swap3A_221 = vector.shape_cast %swap3A_220 : vector<1x16xf32> to vector<16xf32>
    %swap3A_222 = vector.shape_cast %broadcast_in_dim3A_1 : vector<16xf32> to vector<1x16xf32>
    tpu.vector_store %arg9[%swap3A_218, %swap3A_219], %swap3A_222 {strides = array<i32>} : memref<16x128xf32, #tpu.memory_space<vmem>>, vector<1x16xf32>,
    %swap3A_223 = arith.constant 4 : i32
    %swap3A_224 = arith.index_cast %swap3A_223 : i32 to index
    %swap3A_225 = arith.constant 80 : index
    %swap3A_226 = tpu.vector_load %arg9[%swap3A_224, %swap3A_225] {strides = array<i32>} : memref<16x128xf32, #tpu.memory_space<vmem>>, vector<1x16xf32>,
    %swap3A_227 = vector.shape_cast %swap3A_226 : vector<1x16xf32> to vector<16xf32>
    %swap3A_228 = vector.shape_cast %broadcast_in_dim3A_1 : vector<16xf32> to vector<1x16xf32>
    tpu.vector_store %arg9[%swap3A_224, %swap3A_225], %swap3A_228 {strides = array<i32>} : memref<16x128xf32, #tpu.memory_space<vmem>>, vector<1x16xf32>,
    %swap3A_229 = arith.constant 4 : i32
    %swap3A_230 = arith.index_cast %swap3A_229 : i32 to index
    %swap3A_231 = arith.constant 96 : index
    %swap3A_232 = tpu.vector_load %arg9[%swap3A_230, %swap3A_231] {strides = array<i32>} : memref<16x128xf32, #tpu.memory_space<vmem>>, vector<1x16xf32>,
    %swap3A_233 = vector.shape_cast %swap3A_232 : vector<1x16xf32> to vector<16xf32>
    %swap3A_234 = vector.shape_cast %broadcast_in_dim3A_1 : vector<16xf32> to vector<1x16xf32>
    tpu.vector_store %arg9[%swap3A_230, %swap3A_231], %swap3A_234 {strides = array<i32>} : memref<16x128xf32, #tpu.memory_space<vmem>>, vector<1x16xf32>,
    %swap3A_235 = arith.constant 4 : i32
    %swap3A_236 = arith.index_cast %swap3A_235 : i32 to index
    %swap3A_237 = arith.constant 112 : index
    %swap3A_238 = tpu.vector_load %arg9[%swap3A_236, %swap3A_237] {strides = array<i32>} : memref<16x128xf32, #tpu.memory_space<vmem>>, vector<1x16xf32>,
    %swap3A_239 = vector.shape_cast %swap3A_238 : vector<1x16xf32> to vector<16xf32>
    %swap3A_240 = vector.shape_cast %broadcast_in_dim3A_1 : vector<16xf32> to vector<1x16xf32>
    tpu.vector_store %arg9[%swap3A_236, %swap3A_237], %swap3A_240 {strides = array<i32>} : memref<16x128xf32, #tpu.memory_space<vmem>>, vector<1x16xf32>,
    %swap3A_241 = arith.constant 5 : i32
    %swap3A_242 = arith.index_cast %swap3A_241 : i32 to index
    %swap3A_243 = arith.constant 0 : index
    %swap3A_244 = tpu.vector_load %arg9[%swap3A_242, %swap3A_243] {strides = array<i32>} : memref<16x128xf32, #tpu.memory_space<vmem>>, vector<1x16xf32>,
    %swap3A_245 = vector.shape_cast %swap3A_244 : vector<1x16xf32> to vector<16xf32>
    %swap3A_246 = vector.shape_cast %broadcast_in_dim3A_1 : vector<16xf32> to vector<1x16xf32>
    tpu.vector_store %arg9[%swap3A_242, %swap3A_243], %swap3A_246 {strides = array<i32>} : memref<16x128xf32, #tpu.memory_space<vmem>>, vector<1x16xf32>,
    %swap3A_247 = arith.constant 5 : i32
    %swap3A_248 = arith.index_cast %swap3A_247 : i32 to index
    %swap3A_249 = arith.constant 16 : index
    %swap3A_250 = tpu.vector_load %arg9[%swap3A_248, %swap3A_249] {strides = array<i32>} : memref<16x128xf32, #tpu.memory_space<vmem>>, vector<1x16xf32>,
    %swap3A_251 = vector.shape_cast %swap3A_250 : vector<1x16xf32> to vector<16xf32>
    %swap3A_252 = vector.shape_cast %broadcast_in_dim3A_1 : vector<16xf32> to vector<1x16xf32>
    tpu.vector_store %arg9[%swap3A_248, %swap3A_249], %swap3A_252 {strides = array<i32>} : memref<16x128xf32, #tpu.memory_space<vmem>>, vector<1x16xf32>,
    %swap3A_253 = arith.constant 5 : i32
    %swap3A_254 = arith.index_cast %swap3A_253 : i32 to index
    %swap3A_255 = arith.constant 32 : index
    %swap3A_256 = tpu.vector_load %arg9[%swap3A_254, %swap3A_255] {strides = array<i32>} : memref<16x128xf32, #tpu.memory_space<vmem>>, vector<1x16xf32>,
    %swap3A_257 = vector.shape_cast %swap3A_256 : vector<1x16xf32> to vector<16xf32>
    %swap3A_258 = vector.shape_cast %broadcast_in_dim3A_1 : vector<16xf32> to vector<1x16xf32>
    tpu.vector_store %arg9[%swap3A_254, %swap3A_255], %swap3A_258 {strides = array<i32>} : memref<16x128xf32, #tpu.memory_space<vmem>>, vector<1x16xf32>,
    %swap3A_259 = arith.constant 5 : i32
    %swap3A_260 = arith.index_cast %swap3A_259 : i32 to index
    %swap3A_261 = arith.constant 48 : index
    %swap3A_262 = tpu.vector_load %arg9[%swap3A_260, %swap3A_261] {strides = array<i32>} : memref<16x128xf32, #tpu.memory_space<vmem>>, vector<1x16xf32>,
    %swap3A_263 = vector.shape_cast %swap3A_262 : vector<1x16xf32> to vector<16xf32>
    %swap3A_264 = vector.shape_cast %broadcast_in_dim3A_1 : vector<16xf32> to vector<1x16xf32>
    tpu.vector_store %arg9[%swap3A_260, %swap3A_261], %swap3A_264 {strides = array<i32>} : memref<16x128xf32, #tpu.memory_space<vmem>>, vector<1x16xf32>,
    %swap3A_265 = arith.constant 5 : i32
    %swap3A_266 = arith.index_cast %swap3A_265 : i32 to index
    %swap3A_267 = arith.constant 64 : index
    %swap3A_268 = tpu.vector_load %arg9[%swap3A_266, %swap3A_267] {strides = array<i32>} : memref<16x128xf32, #tpu.memory_space<vmem>>, vector<1x16xf32>,
    %swap3A_269 = vector.shape_cast %swap3A_268 : vector<1x16xf32> to vector<16xf32>
    %swap3A_270 = vector.shape_cast %broadcast_in_dim3A_1 : vector<16xf32> to vector<1x16xf32>
    tpu.vector_store %arg9[%swap3A_266, %swap3A_267], %swap3A_270 {strides = array<i32>} : memref<16x128xf32, #tpu.memory_space<vmem>>, vector<1x16xf32>,
    %swap3A_271 = arith.constant 5 : i32
    %swap3A_272 = arith.index_cast %swap3A_271 : i32 to index
    %swap3A_273 = arith.constant 80 : index
    %swap3A_274 = tpu.vector_load %arg9[%swap3A_272, %swap3A_273] {strides = array<i32>} : memref<16x128xf32, #tpu.memory_space<vmem>>, vector<1x16xf32>,
    %swap3A_275 = vector.shape_cast %swap3A_274 : vector<1x16xf32> to vector<16xf32>
    %swap3A_276 = vector.shape_cast %broadcast_in_dim3A_1 : vector<16xf32> to vector<1x16xf32>
    tpu.vector_store %arg9[%swap3A_272, %swap3A_273], %swap3A_276 {strides = array<i32>} : memref<16x128xf32, #tpu.memory_space<vmem>>, vector<1x16xf32>,
    %swap3A_277 = arith.constant 5 : i32
    %swap3A_278 = arith.index_cast %swap3A_277 : i32 to index
    %swap3A_279 = arith.constant 96 : index
    %swap3A_280 = tpu.vector_load %arg9[%swap3A_278, %swap3A_279] {strides = array<i32>} : memref<16x128xf32, #tpu.memory_space<vmem>>, vector<1x16xf32>,
    %swap3A_281 = vector.shape_cast %swap3A_280 : vector<1x16xf32> to vector<16xf32>
    %swap3A_282 = vector.shape_cast %broadcast_in_dim3A_1 : vector<16xf32> to vector<1x16xf32>
    tpu.vector_store %arg9[%swap3A_278, %swap3A_279], %swap3A_282 {strides = array<i32>} : memref<16x128xf32, #tpu.memory_space<vmem>>, vector<1x16xf32>,
    %swap3A_283 = arith.constant 5 : i32
    %swap3A_284 = arith.index_cast %swap3A_283 : i32 to index
    %swap3A_285 = arith.constant 112 : index
    %swap3A_286 = tpu.vector_load %arg9[%swap3A_284, %swap3A_285] {strides = array<i32>} : memref<16x128xf32, #tpu.memory_space<vmem>>, vector<1x16xf32>,
    %swap3A_287 = vector.shape_cast %swap3A_286 : vector<1x16xf32> to vector<16xf32>
    %swap3A_288 = vector.shape_cast %broadcast_in_dim3A_1 : vector<16xf32> to vector<1x16xf32>
    tpu.vector_store %arg9[%swap3A_284, %swap3A_285], %swap3A_288 {strides = array<i32>} : memref<16x128xf32, #tpu.memory_space<vmem>>, vector<1x16xf32>,
    %swap3A_289 = arith.constant 6 : i32
    %swap3A_290 = arith.index_cast %swap3A_289 : i32 to index
    %swap3A_291 = arith.constant 0 : index
    %swap3A_292 = tpu.vector_load %arg9[%swap3A_290, %swap3A_291] {strides = array<i32>} : memref<16x128xf32, #tpu.memory_space<vmem>>, vector<1x16xf32>,
    %swap3A_293 = vector.shape_cast %swap3A_292 : vector<1x16xf32> to vector<16xf32>
    %swap3A_294 = vector.shape_cast %broadcast_in_dim3A_1 : vector<16xf32> to vector<1x16xf32>
    tpu.vector_store %arg9[%swap3A_290, %swap3A_291], %swap3A_294 {strides = array<i32>} : memref<16x128xf32, #tpu.memory_space<vmem>>, vector<1x16xf32>,
    %swap3A_295 = arith.constant 6 : i32
    %swap3A_296 = arith.index_cast %swap3A_295 : i32 to index
    %swap3A_297 = arith.constant 16 : index
    %swap3A_298 = tpu.vector_load %arg9[%swap3A_296, %swap3A_297] {strides = array<i32>} : memref<16x128xf32, #tpu.memory_space<vmem>>, vector<1x16xf32>,
    %swap3A_299 = vector.shape_cast %swap3A_298 : vector<1x16xf32> to vector<16xf32>
    %swap3A_300 = vector.shape_cast %broadcast_in_dim3A_1 : vector<16xf32> to vector<1x16xf32>
    tpu.vector_store %arg9[%swap3A_296, %swap3A_297], %swap3A_300 {strides = array<i32>} : memref<16x128xf32, #tpu.memory_space<vmem>>, vector<1x16xf32>,
    %swap3A_301 = arith.constant 6 : i32
    %swap3A_302 = arith.index_cast %swap3A_301 : i32 to index
    %swap3A_303 = arith.constant 32 : index
    %swap3A_304 = tpu.vector_load %arg9[%swap3A_302, %swap3A_303] {strides = array<i32>} : memref<16x128xf32, #tpu.memory_space<vmem>>, vector<1x16xf32>,
    %swap3A_305 = vector.shape_cast %swap3A_304 : vector<1x16xf32> to vector<16xf32>
    %swap3A_306 = vector.shape_cast %broadcast_in_dim3A_1 : vector<16xf32> to vector<1x16xf32>
    tpu.vector_store %arg9[%swap3A_302, %swap3A_303], %swap3A_306 {strides = array<i32>} : memref<16x128xf32, #tpu.memory_space<vmem>>, vector<1x16xf32>,
    %swap3A_307 = arith.constant 6 : i32
    %swap3A_308 = arith.index_cast %swap3A_307 : i32 to index
    %swap3A_309 = arith.constant 48 : index
    %swap3A_310 = tpu.vector_load %arg9[%swap3A_308, %swap3A_309] {strides = array<i32>} : memref<16x128xf32, #tpu.memory_space<vmem>>, vector<1x16xf32>,
    %swap3A_311 = vector.shape_cast %swap3A_310 : vector<1x16xf32> to vector<16xf32>
    %swap3A_312 = vector.shape_cast %broadcast_in_dim3A_1 : vector<16xf32> to vector<1x16xf32>
    tpu.vector_store %arg9[%swap3A_308, %swap3A_309], %swap3A_312 {strides = array<i32>} : memref<16x128xf32, #tpu.memory_space<vmem>>, vector<1x16xf32>,
    %swap3A_313 = arith.constant 6 : i32
    %swap3A_314 = arith.index_cast %swap3A_313 : i32 to index
    %swap3A_315 = arith.constant 64 : index
    %swap3A_316 = tpu.vector_load %arg9[%swap3A_314, %swap3A_315] {strides = array<i32>} : memref<16x128xf32, #tpu.memory_space<vmem>>, vector<1x16xf32>,
    %swap3A_317 = vector.shape_cast %swap3A_316 : vector<1x16xf32> to vector<16xf32>
    %swap3A_318 = vector.shape_cast %broadcast_in_dim3A_1 : vector<16xf32> to vector<1x16xf32>
    tpu.vector_store %arg9[%swap3A_314, %swap3A_315], %swap3A_318 {strides = array<i32>} : memref<16x128xf32, #tpu.memory_space<vmem>>, vector<1x16xf32>,
    %swap3A_319 = arith.constant 6 : i32
    %swap3A_320 = arith.index_cast %swap3A_319 : i32 to index
    %swap3A_321 = arith.constant 80 : index
    %swap3A_322 = tpu.vector_load %arg9[%swap3A_320, %swap3A_321] {strides = array<i32>} : memref<16x128xf32, #tpu.memory_space<vmem>>, vector<1x16xf32>,
    %swap3A_323 = vector.shape_cast %swap3A_322 : vector<1x16xf32> to vector<16xf32>
    %swap3A_324 = vector.shape_cast %broadcast_in_dim3A_1 : vector<16xf32> to vector<1x16xf32>
    tpu.vector_store %arg9[%swap3A_320, %swap3A_321], %swap3A_324 {strides = array<i32>} : memref<16x128xf32, #tpu.memory_space<vmem>>, vector<1x16xf32>,
    %swap3A_325 = arith.constant 6 : i32
    %swap3A_326 = arith.index_cast %swap3A_325 : i32 to index
    %swap3A_327 = arith.constant 96 : index
    %swap3A_328 = tpu.vector_load %arg9[%swap3A_326, %swap3A_327] {strides = array<i32>} : memref<16x128xf32, #tpu.memory_space<vmem>>, vector<1x16xf32>,
    %swap3A_329 = vector.shape_cast %swap3A_328 : vector<1x16xf32> to vector<16xf32>
    %swap3A_330 = vector.shape_cast %broadcast_in_dim3A_1 : vector<16xf32> to vector<1x16xf32>
    tpu.vector_store %arg9[%swap3A_326, %swap3A_327], %swap3A_330 {strides = array<i32>} : memref<16x128xf32, #tpu.memory_space<vmem>>, vector<1x16xf32>,
    %swap3A_331 = arith.constant 6 : i32
    %swap3A_332 = arith.index_cast %swap3A_331 : i32 to index
    %swap3A_333 = arith.constant 112 : index
    %swap3A_334 = tpu.vector_load %arg9[%swap3A_332, %swap3A_333] {strides = array<i32>} : memref<16x128xf32, #tpu.memory_space<vmem>>, vector<1x16xf32>,
    %swap3A_335 = vector.shape_cast %swap3A_334 : vector<1x16xf32> to vector<16xf32>
    %swap3A_336 = vector.shape_cast %broadcast_in_dim3A_1 : vector<16xf32> to vector<1x16xf32>
    tpu.vector_store %arg9[%swap3A_332, %swap3A_333], %swap3A_336 {strides = array<i32>} : memref<16x128xf32, #tpu.memory_space<vmem>>, vector<1x16xf32>,
    %swap3A_337 = arith.constant 7 : i32
    %swap3A_338 = arith.index_cast %swap3A_337 : i32 to index
    %swap3A_339 = arith.constant 0 : index
    %swap3A_340 = tpu.vector_load %arg9[%swap3A_338, %swap3A_339] {strides = array<i32>} : memref<16x128xf32, #tpu.memory_space<vmem>>, vector<1x16xf32>,
    %swap3A_341 = vector.shape_cast %swap3A_340 : vector<1x16xf32> to vector<16xf32>
    %swap3A_342 = vector.shape_cast %broadcast_in_dim3A_1 : vector<16xf32> to vector<1x16xf32>
    tpu.vector_store %arg9[%swap3A_338, %swap3A_339], %swap3A_342 {strides = array<i32>} : memref<16x128xf32, #tpu.memory_space<vmem>>, vector<1x16xf32>,
    %swap3A_343 = arith.constant 7 : i32
    %swap3A_344 = arith.index_cast %swap3A_343 : i32 to index
    %swap3A_345 = arith.constant 16 : index
    %swap3A_346 = tpu.vector_load %arg9[%swap3A_344, %swap3A_345] {strides = array<i32>} : memref<16x128xf32, #tpu.memory_space<vmem>>, vector<1x16xf32>,
    %swap3A_347 = vector.shape_cast %swap3A_346 : vector<1x16xf32> to vector<16xf32>
    %swap3A_348 = vector.shape_cast %broadcast_in_dim3A_1 : vector<16xf32> to vector<1x16xf32>
    tpu.vector_store %arg9[%swap3A_344, %swap3A_345], %swap3A_348 {strides = array<i32>} : memref<16x128xf32, #tpu.memory_space<vmem>>, vector<1x16xf32>,
    %swap3A_349 = arith.constant 7 : i32
    %swap3A_350 = arith.index_cast %swap3A_349 : i32 to index
    %swap3A_351 = arith.constant 32 : index
    %swap3A_352 = tpu.vector_load %arg9[%swap3A_350, %swap3A_351] {strides = array<i32>} : memref<16x128xf32, #tpu.memory_space<vmem>>, vector<1x16xf32>,
    %swap3A_353 = vector.shape_cast %swap3A_352 : vector<1x16xf32> to vector<16xf32>
    %swap3A_354 = vector.shape_cast %broadcast_in_dim3A_1 : vector<16xf32> to vector<1x16xf32>
    tpu.vector_store %arg9[%swap3A_350, %swap3A_351], %swap3A_354 {strides = array<i32>} : memref<16x128xf32, #tpu.memory_space<vmem>>, vector<1x16xf32>,
    %swap3A_355 = arith.constant 7 : i32
    %swap3A_356 = arith.index_cast %swap3A_355 : i32 to index
    %swap3A_357 = arith.constant 48 : index
    %swap3A_358 = tpu.vector_load %arg9[%swap3A_356, %swap3A_357] {strides = array<i32>} : memref<16x128xf32, #tpu.memory_space<vmem>>, vector<1x16xf32>,
    %swap3A_359 = vector.shape_cast %swap3A_358 : vector<1x16xf32> to vector<16xf32>
    %swap3A_360 = vector.shape_cast %broadcast_in_dim3A_1 : vector<16xf32> to vector<1x16xf32>
    tpu.vector_store %arg9[%swap3A_356, %swap3A_357], %swap3A_360 {strides = array<i32>} : memref<16x128xf32, #tpu.memory_space<vmem>>, vector<1x16xf32>,
    %swap3A_361 = arith.constant 7 : i32
    %swap3A_362 = arith.index_cast %swap3A_361 : i32 to index
    %swap3A_363 = arith.constant 64 : index
    %swap3A_364 = tpu.vector_load %arg9[%swap3A_362, %swap3A_363] {strides = array<i32>} : memref<16x128xf32, #tpu.memory_space<vmem>>, vector<1x16xf32>,
    %swap3A_365 = vector.shape_cast %swap3A_364 : vector<1x16xf32> to vector<16xf32>
    %swap3A_366 = vector.shape_cast %broadcast_in_dim3A_1 : vector<16xf32> to vector<1x16xf32>
    tpu.vector_store %arg9[%swap3A_362, %swap3A_363], %swap3A_366 {strides = array<i32>} : memref<16x128xf32, #tpu.memory_space<vmem>>, vector<1x16xf32>,
    %swap3A_367 = arith.constant 7 : i32
    %swap3A_368 = arith.index_cast %swap3A_367 : i32 to index
    %swap3A_369 = arith.constant 80 : index
    %swap3A_370 = tpu.vector_load %arg9[%swap3A_368, %swap3A_369] {strides = array<i32>} : memref<16x128xf32, #tpu.memory_space<vmem>>, vector<1x16xf32>,
    %swap3A_371 = vector.shape_cast %swap3A_370 : vector<1x16xf32> to vector<16xf32>
    %swap3A_372 = vector.shape_cast %broadcast_in_dim3A_1 : vector<16xf32> to vector<1x16xf32>
    tpu.vector_store %arg9[%swap3A_368, %swap3A_369], %swap3A_372 {strides = array<i32>} : memref<16x128xf32, #tpu.memory_space<vmem>>, vector<1x16xf32>,
    %swap3A_373 = arith.constant 7 : i32
    %swap3A_374 = arith.index_cast %swap3A_373 : i32 to index
    %swap3A_375 = arith.constant 96 : index
    %swap3A_376 = tpu.vector_load %arg9[%swap3A_374, %swap3A_375] {strides = array<i32>} : memref<16x128xf32, #tpu.memory_space<vmem>>, vector<1x16xf32>,
    %swap3A_377 = vector.shape_cast %swap3A_376 : vector<1x16xf32> to vector<16xf32>
    %swap3A_378 = vector.shape_cast %broadcast_in_dim3A_1 : vector<16xf32> to vector<1x16xf32>
    tpu.vector_store %arg9[%swap3A_374, %swap3A_375], %swap3A_378 {strides = array<i32>} : memref<16x128xf32, #tpu.memory_space<vmem>>, vector<1x16xf32>,
    %swap3A_379 = arith.constant 7 : i32
    %swap3A_380 = arith.index_cast %swap3A_379 : i32 to index
    %swap3A_381 = arith.constant 112 : index
    %swap3A_382 = tpu.vector_load %arg9[%swap3A_380, %swap3A_381] {strides = array<i32>} : memref<16x128xf32, #tpu.memory_space<vmem>>, vector<1x16xf32>,
    %swap3A_383 = vector.shape_cast %swap3A_382 : vector<1x16xf32> to vector<16xf32>
    %swap3A_384 = vector.shape_cast %broadcast_in_dim3A_1 : vector<16xf32> to vector<1x16xf32>
    tpu.vector_store %arg9[%swap3A_380, %swap3A_381], %swap3A_384 {strides = array<i32>} : memref<16x128xf32, #tpu.memory_space<vmem>>, vector<1x16xf32>,
    %swap3A_385 = arith.constant 8 : i32
    %swap3A_386 = arith.index_cast %swap3A_385 : i32 to index
    %swap3A_387 = arith.constant 0 : index
    %swap3A_388 = tpu.vector_load %arg9[%swap3A_386, %swap3A_387] {strides = array<i32>} : memref<16x128xf32, #tpu.memory_space<vmem>>, vector<1x16xf32>,
    %swap3A_389 = vector.shape_cast %swap3A_388 : vector<1x16xf32> to vector<16xf32>
    %swap3A_390 = vector.shape_cast %broadcast_in_dim3A_1 : vector<16xf32> to vector<1x16xf32>
    tpu.vector_store %arg9[%swap3A_386, %swap3A_387], %swap3A_390 {strides = array<i32>} : memref<16x128xf32, #tpu.memory_space<vmem>>, vector<1x16xf32>,
    %swap3A_391 = arith.constant 8 : i32
    %swap3A_392 = arith.index_cast %swap3A_391 : i32 to index
    %swap3A_393 = arith.constant 16 : index
    %swap3A_394 = tpu.vector_load %arg9[%swap3A_392, %swap3A_393] {strides = array<i32>} : memref<16x128xf32, #tpu.memory_space<vmem>>, vector<1x16xf32>,
    %swap3A_395 = vector.shape_cast %swap3A_394 : vector<1x16xf32> to vector<16xf32>
    %swap3A_396 = vector.shape_cast %broadcast_in_dim3A_1 : vector<16xf32> to vector<1x16xf32>
    tpu.vector_store %arg9[%swap3A_392, %swap3A_393], %swap3A_396 {strides = array<i32>} : memref<16x128xf32, #tpu.memory_space<vmem>>, vector<1x16xf32>,
    %swap3A_397 = arith.constant 8 : i32
    %swap3A_398 = arith.index_cast %swap3A_397 : i32 to index
    %swap3A_399 = arith.constant 32 : index
    %swap3A_400 = tpu.vector_load %arg9[%swap3A_398, %swap3A_399] {strides = array<i32>} : memref<16x128xf32, #tpu.memory_space<vmem>>, vector<1x16xf32>,
    %swap3A_401 = vector.shape_cast %swap3A_400 : vector<1x16xf32> to vector<16xf32>
    %swap3A_402 = vector.shape_cast %broadcast_in_dim3A_1 : vector<16xf32> to vector<1x16xf32>
    tpu.vector_store %arg9[%swap3A_398, %swap3A_399], %swap3A_402 {strides = array<i32>} : memref<16x128xf32, #tpu.memory_space<vmem>>, vector<1x16xf32>,
    %swap3A_403 = arith.constant 8 : i32
    %swap3A_404 = arith.index_cast %swap3A_403 : i32 to index
    %swap3A_405 = arith.constant 48 : index
    %swap3A_406 = tpu.vector_load %arg9[%swap3A_404, %swap3A_405] {strides = array<i32>} : memref<16x128xf32, #tpu.memory_space<vmem>>, vector<1x16xf32>,
    %swap3A_407 = vector.shape_cast %swap3A_406 : vector<1x16xf32> to vector<16xf32>
    %swap3A_408 = vector.shape_cast %broadcast_in_dim3A_1 : vector<16xf32> to vector<1x16xf32>
    tpu.vector_store %arg9[%swap3A_404, %swap3A_405], %swap3A_408 {strides = array<i32>} : memref<16x128xf32, #tpu.memory_space<vmem>>, vector<1x16xf32>,
    %swap3A_409 = arith.constant 8 : i32
    %swap3A_410 = arith.index_cast %swap3A_409 : i32 to index
    %swap3A_411 = arith.constant 64 : index
    %swap3A_412 = tpu.vector_load %arg9[%swap3A_410, %swap3A_411] {strides = array<i32>} : memref<16x128xf32, #tpu.memory_space<vmem>>, vector<1x16xf32>,
    %swap3A_413 = vector.shape_cast %swap3A_412 : vector<1x16xf32> to vector<16xf32>
    %swap3A_414 = vector.shape_cast %broadcast_in_dim3A_1 : vector<16xf32> to vector<1x16xf32>
    tpu.vector_store %arg9[%swap3A_410, %swap3A_411], %swap3A_414 {strides = array<i32>} : memref<16x128xf32, #tpu.memory_space<vmem>>, vector<1x16xf32>,
    %swap3A_415 = arith.constant 8 : i32
    %swap3A_416 = arith.index_cast %swap3A_415 : i32 to index
    %swap3A_417 = arith.constant 80 : index
    %swap3A_418 = tpu.vector_load %arg9[%swap3A_416, %swap3A_417] {strides = array<i32>} : memref<16x128xf32, #tpu.memory_space<vmem>>, vector<1x16xf32>,
    %swap3A_419 = vector.shape_cast %swap3A_418 : vector<1x16xf32> to vector<16xf32>
    %swap3A_420 = vector.shape_cast %broadcast_in_dim3A_1 : vector<16xf32> to vector<1x16xf32>
    tpu.vector_store %arg9[%swap3A_416, %swap3A_417], %swap3A_420 {strides = array<i32>} : memref<16x128xf32, #tpu.memory_space<vmem>>, vector<1x16xf32>,
    %swap3A_421 = arith.constant 8 : i32
    %swap3A_422 = arith.index_cast %swap3A_421 : i32 to index
    %swap3A_423 = arith.constant 96 : index
    %swap3A_424 = tpu.vector_load %arg9[%swap3A_422, %swap3A_423] {strides = array<i32>} : memref<16x128xf32, #tpu.memory_space<vmem>>, vector<1x16xf32>,
    %swap3A_425 = vector.shape_cast %swap3A_424 : vector<1x16xf32> to vector<16xf32>
    %swap3A_426 = vector.shape_cast %broadcast_in_dim3A_1 : vector<16xf32> to vector<1x16xf32>
    tpu.vector_store %arg9[%swap3A_422, %swap3A_423], %swap3A_426 {strides = array<i32>} : memref<16x128xf32, #tpu.memory_space<vmem>>, vector<1x16xf32>,
    %swap3A_427 = arith.constant 8 : i32
    %swap3A_428 = arith.index_cast %swap3A_427 : i32 to index
    %swap3A_429 = arith.constant 112 : index
    %swap3A_430 = tpu.vector_load %arg9[%swap3A_428, %swap3A_429] {strides = array<i32>} : memref<16x128xf32, #tpu.memory_space<vmem>>, vector<1x16xf32>,
    %swap3A_431 = vector.shape_cast %swap3A_430 : vector<1x16xf32> to vector<16xf32>
    %swap3A_432 = vector.shape_cast %broadcast_in_dim3A_1 : vector<16xf32> to vector<1x16xf32>
    tpu.vector_store %arg9[%swap3A_428, %swap3A_429], %swap3A_432 {strides = array<i32>} : memref<16x128xf32, #tpu.memory_space<vmem>>, vector<1x16xf32>,
    %swap3A_433 = arith.constant 9 : i32
    %swap3A_434 = arith.index_cast %swap3A_433 : i32 to index
    %swap3A_435 = arith.constant 0 : index
    %swap3A_436 = tpu.vector_load %arg9[%swap3A_434, %swap3A_435] {strides = array<i32>} : memref<16x128xf32, #tpu.memory_space<vmem>>, vector<1x16xf32>,
    %swap3A_437 = vector.shape_cast %swap3A_436 : vector<1x16xf32> to vector<16xf32>
    %swap3A_438 = vector.shape_cast %broadcast_in_dim3A_1 : vector<16xf32> to vector<1x16xf32>
    tpu.vector_store %arg9[%swap3A_434, %swap3A_435], %swap3A_438 {strides = array<i32>} : memref<16x128xf32, #tpu.memory_space<vmem>>, vector<1x16xf32>,
    %swap3A_439 = arith.constant 9 : i32
    %swap3A_440 = arith.index_cast %swap3A_439 : i32 to index
    %swap3A_441 = arith.constant 16 : index
    %swap3A_442 = tpu.vector_load %arg9[%swap3A_440, %swap3A_441] {strides = array<i32>} : memref<16x128xf32, #tpu.memory_space<vmem>>, vector<1x16xf32>,
    %swap3A_443 = vector.shape_cast %swap3A_442 : vector<1x16xf32> to vector<16xf32>
    %swap3A_444 = vector.shape_cast %broadcast_in_dim3A_1 : vector<16xf32> to vector<1x16xf32>
    tpu.vector_store %arg9[%swap3A_440, %swap3A_441], %swap3A_444 {strides = array<i32>} : memref<16x128xf32, #tpu.memory_space<vmem>>, vector<1x16xf32>,
    %swap3A_445 = arith.constant 9 : i32
    %swap3A_446 = arith.index_cast %swap3A_445 : i32 to index
    %swap3A_447 = arith.constant 32 : index
    %swap3A_448 = tpu.vector_load %arg9[%swap3A_446, %swap3A_447] {strides = array<i32>} : memref<16x128xf32, #tpu.memory_space<vmem>>, vector<1x16xf32>,
    %swap3A_449 = vector.shape_cast %swap3A_448 : vector<1x16xf32> to vector<16xf32>
    %swap3A_450 = vector.shape_cast %broadcast_in_dim3A_1 : vector<16xf32> to vector<1x16xf32>
    tpu.vector_store %arg9[%swap3A_446, %swap3A_447], %swap3A_450 {strides = array<i32>} : memref<16x128xf32, #tpu.memory_space<vmem>>, vector<1x16xf32>,
    %swap3A_451 = arith.constant 9 : i32
    %swap3A_452 = arith.index_cast %swap3A_451 : i32 to index
    %swap3A_453 = arith.constant 48 : index
    %swap3A_454 = tpu.vector_load %arg9[%swap3A_452, %swap3A_453] {strides = array<i32>} : memref<16x128xf32, #tpu.memory_space<vmem>>, vector<1x16xf32>,
    %swap3A_455 = vector.shape_cast %swap3A_454 : vector<1x16xf32> to vector<16xf32>
    %swap3A_456 = vector.shape_cast %broadcast_in_dim3A_1 : vector<16xf32> to vector<1x16xf32>
    tpu.vector_store %arg9[%swap3A_452, %swap3A_453], %swap3A_456 {strides = array<i32>} : memref<16x128xf32, #tpu.memory_space<vmem>>, vector<1x16xf32>,
    %swap3A_457 = arith.constant 9 : i32
    %swap3A_458 = arith.index_cast %swap3A_457 : i32 to index
    %swap3A_459 = arith.constant 64 : index
    %swap3A_460 = tpu.vector_load %arg9[%swap3A_458, %swap3A_459] {strides = array<i32>} : memref<16x128xf32, #tpu.memory_space<vmem>>, vector<1x16xf32>,
    %swap3A_461 = vector.shape_cast %swap3A_460 : vector<1x16xf32> to vector<16xf32>
    %swap3A_462 = vector.shape_cast %broadcast_in_dim3A_1 : vector<16xf32> to vector<1x16xf32>
    tpu.vector_store %arg9[%swap3A_458, %swap3A_459], %swap3A_462 {strides = array<i32>} : memref<16x128xf32, #tpu.memory_space<vmem>>, vector<1x16xf32>,
    %swap3A_463 = arith.constant 9 : i32
    %swap3A_464 = arith.index_cast %swap3A_463 : i32 to index
    %swap3A_465 = arith.constant 80 : index
    %swap3A_466 = tpu.vector_load %arg9[%swap3A_464, %swap3A_465] {strides = array<i32>} : memref<16x128xf32, #tpu.memory_space<vmem>>, vector<1x16xf32>,
    %swap3A_467 = vector.shape_cast %swap3A_466 : vector<1x16xf32> to vector<16xf32>
    %swap3A_468 = vector.shape_cast %broadcast_in_dim3A_1 : vector<16xf32> to vector<1x16xf32>
    tpu.vector_store %arg9[%swap3A_464, %swap3A_465], %swap3A_468 {strides = array<i32>} : memref<16x128xf32, #tpu.memory_space<vmem>>, vector<1x16xf32>,
    %swap3A_469 = arith.constant 9 : i32
    %swap3A_470 = arith.index_cast %swap3A_469 : i32 to index
    %swap3A_471 = arith.constant 96 : index
    %swap3A_472 = tpu.vector_load %arg9[%swap3A_470, %swap3A_471] {strides = array<i32>} : memref<16x128xf32, #tpu.memory_space<vmem>>, vector<1x16xf32>,
    %swap3A_473 = vector.shape_cast %swap3A_472 : vector<1x16xf32> to vector<16xf32>
    %swap3A_474 = vector.shape_cast %broadcast_in_dim3A_1 : vector<16xf32> to vector<1x16xf32>
    tpu.vector_store %arg9[%swap3A_470, %swap3A_471], %swap3A_474 {strides = array<i32>} : memref<16x128xf32, #tpu.memory_space<vmem>>, vector<1x16xf32>,
    %swap3A_475 = arith.constant 9 : i32
    %swap3A_476 = arith.index_cast %swap3A_475 : i32 to index
    %swap3A_477 = arith.constant 112 : index
    %swap3A_478 = tpu.vector_load %arg9[%swap3A_476, %swap3A_477] {strides = array<i32>} : memref<16x128xf32, #tpu.memory_space<vmem>>, vector<1x16xf32>,
    %swap3A_479 = vector.shape_cast %swap3A_478 : vector<1x16xf32> to vector<16xf32>
    %swap3A_480 = vector.shape_cast %broadcast_in_dim3A_1 : vector<16xf32> to vector<1x16xf32>
    tpu.vector_store %arg9[%swap3A_476, %swap3A_477], %swap3A_480 {strides = array<i32>} : memref<16x128xf32, #tpu.memory_space<vmem>>, vector<1x16xf32>,
    %swap3A_481 = arith.constant 10 : i32
    %swap3A_482 = arith.index_cast %swap3A_481 : i32 to index
    %swap3A_483 = arith.constant 0 : index
    %swap3A_484 = tpu.vector_load %arg9[%swap3A_482, %swap3A_483] {strides = array<i32>} : memref<16x128xf32, #tpu.memory_space<vmem>>, vector<1x16xf32>,
    %swap3A_485 = vector.shape_cast %swap3A_484 : vector<1x16xf32> to vector<16xf32>
    %swap3A_486 = vector.shape_cast %broadcast_in_dim3A_1 : vector<16xf32> to vector<1x16xf32>
    tpu.vector_store %arg9[%swap3A_482, %swap3A_483], %swap3A_486 {strides = array<i32>} : memref<16x128xf32, #tpu.memory_space<vmem>>, vector<1x16xf32>,
    %swap3A_487 = arith.constant 10 : i32
    %swap3A_488 = arith.index_cast %swap3A_487 : i32 to index
    %swap3A_489 = arith.constant 16 : index
    %swap3A_490 = tpu.vector_load %arg9[%swap3A_488, %swap3A_489] {strides = array<i32>} : memref<16x128xf32, #tpu.memory_space<vmem>>, vector<1x16xf32>,
    %swap3A_491 = vector.shape_cast %swap3A_490 : vector<1x16xf32> to vector<16xf32>
    %swap3A_492 = vector.shape_cast %broadcast_in_dim3A_1 : vector<16xf32> to vector<1x16xf32>
    tpu.vector_store %arg9[%swap3A_488, %swap3A_489], %swap3A_492 {strides = array<i32>} : memref<16x128xf32, #tpu.memory_space<vmem>>, vector<1x16xf32>,
    %swap3A_493 = arith.constant 10 : i32
    %swap3A_494 = arith.index_cast %swap3A_493 : i32 to index
    %swap3A_495 = arith.constant 32 : index
    %swap3A_496 = tpu.vector_load %arg9[%swap3A_494, %swap3A_495] {strides = array<i32>} : memref<16x128xf32, #tpu.memory_space<vmem>>, vector<1x16xf32>,
    %swap3A_497 = vector.shape_cast %swap3A_496 : vector<1x16xf32> to vector<16xf32>
    %swap3A_498 = vector.shape_cast %broadcast_in_dim3A_1 : vector<16xf32> to vector<1x16xf32>
    tpu.vector_store %arg9[%swap3A_494, %swap3A_495], %swap3A_498 {strides = array<i32>} : memref<16x128xf32, #tpu.memory_space<vmem>>, vector<1x16xf32>,
    %swap3A_499 = arith.constant 10 : i32
    %swap3A_500 = arith.index_cast %swap3A_499 : i32 to index
    %swap3A_501 = arith.constant 48 : index
    %swap3A_502 = tpu.vector_load %arg9[%swap3A_500, %swap3A_501] {strides = array<i32>} : memref<16x128xf32, #tpu.memory_space<vmem>>, vector<1x16xf32>,
    %swap3A_503 = vector.shape_cast %swap3A_502 : vector<1x16xf32> to vector<16xf32>
    %swap3A_504 = vector.shape_cast %broadcast_in_dim3A_1 : vector<16xf32> to vector<1x16xf32>
    tpu.vector_store %arg9[%swap3A_500, %swap3A_501], %swap3A_504 {strides = array<i32>} : memref<16x128xf32, #tpu.memory_space<vmem>>, vector<1x16xf32>,
    %swap3A_505 = arith.constant 10 : i32
    %swap3A_506 = arith.index_cast %swap3A_505 : i32 to index
    %swap3A_507 = arith.constant 64 : index
    %swap3A_508 = tpu.vector_load %arg9[%swap3A_506, %swap3A_507] {strides = array<i32>} : memref<16x128xf32, #tpu.memory_space<vmem>>, vector<1x16xf32>,
    %swap3A_509 = vector.shape_cast %swap3A_508 : vector<1x16xf32> to vector<16xf32>
    %swap3A_510 = vector.shape_cast %broadcast_in_dim3A_1 : vector<16xf32> to vector<1x16xf32>
    tpu.vector_store %arg9[%swap3A_506, %swap3A_507], %swap3A_510 {strides = array<i32>} : memref<16x128xf32, #tpu.memory_space<vmem>>, vector<1x16xf32>,
    %swap3A_511 = arith.constant 10 : i32
    %swap3A_512 = arith.index_cast %swap3A_511 : i32 to index
    %swap3A_513 = arith.constant 80 : index
    %swap3A_514 = tpu.vector_load %arg9[%swap3A_512, %swap3A_513] {strides = array<i32>} : memref<16x128xf32, #tpu.memory_space<vmem>>, vector<1x16xf32>,
    %swap3A_515 = vector.shape_cast %swap3A_514 : vector<1x16xf32> to vector<16xf32>
    %swap3A_516 = vector.shape_cast %broadcast_in_dim3A_1 : vector<16xf32> to vector<1x16xf32>
    tpu.vector_store %arg9[%swap3A_512, %swap3A_513], %swap3A_516 {strides = array<i32>} : memref<16x128xf32, #tpu.memory_space<vmem>>, vector<1x16xf32>,
    %swap3A_517 = arith.constant 10 : i32
    %swap3A_518 = arith.index_cast %swap3A_517 : i32 to index
    %swap3A_519 = arith.constant 96 : index
    %swap3A_520 = tpu.vector_load %arg9[%swap3A_518, %swap3A_519] {strides = array<i32>} : memref<16x128xf32, #tpu.memory_space<vmem>>, vector<1x16xf32>,
    %swap3A_521 = vector.shape_cast %swap3A_520 : vector<1x16xf32> to vector<16xf32>
    %swap3A_522 = vector.shape_cast %broadcast_in_dim3A_1 : vector<16xf32> to vector<1x16xf32>
    tpu.vector_store %arg9[%swap3A_518, %swap3A_519], %swap3A_522 {strides = array<i32>} : memref<16x128xf32, #tpu.memory_space<vmem>>, vector<1x16xf32>,
    %swap3A_523 = arith.constant 10 : i32
    %swap3A_524 = arith.index_cast %swap3A_523 : i32 to index
    %swap3A_525 = arith.constant 112 : index
    %swap3A_526 = tpu.vector_load %arg9[%swap3A_524, %swap3A_525] {strides = array<i32>} : memref<16x128xf32, #tpu.memory_space<vmem>>, vector<1x16xf32>,
    %swap3A_527 = vector.shape_cast %swap3A_526 : vector<1x16xf32> to vector<16xf32>
    %swap3A_528 = vector.shape_cast %broadcast_in_dim3A_1 : vector<16xf32> to vector<1x16xf32>
    tpu.vector_store %arg9[%swap3A_524, %swap3A_525], %swap3A_528 {strides = array<i32>} : memref<16x128xf32, #tpu.memory_space<vmem>>, vector<1x16xf32>,
    %swap3A_529 = arith.constant 11 : i32
    %swap3A_530 = arith.index_cast %swap3A_529 : i32 to index
    %swap3A_531 = arith.constant 0 : index
    %swap3A_532 = tpu.vector_load %arg9[%swap3A_530, %swap3A_531] {strides = array<i32>} : memref<16x128xf32, #tpu.memory_space<vmem>>, vector<1x16xf32>,
    %swap3A_533 = vector.shape_cast %swap3A_532 : vector<1x16xf32> to vector<16xf32>
    %swap3A_534 = vector.shape_cast %broadcast_in_dim3A_1 : vector<16xf32> to vector<1x16xf32>
    tpu.vector_store %arg9[%swap3A_530, %swap3A_531], %swap3A_534 {strides = array<i32>} : memref<16x128xf32, #tpu.memory_space<vmem>>, vector<1x16xf32>,
    %swap3A_535 = arith.constant 11 : i32
    %swap3A_536 = arith.index_cast %swap3A_535 : i32 to index
    %swap3A_537 = arith.constant 16 : index
    %swap3A_538 = tpu.vector_load %arg9[%swap3A_536, %swap3A_537] {strides = array<i32>} : memref<16x128xf32, #tpu.memory_space<vmem>>, vector<1x16xf32>,
    %swap3A_539 = vector.shape_cast %swap3A_538 : vector<1x16xf32> to vector<16xf32>
    %swap3A_540 = vector.shape_cast %broadcast_in_dim3A_1 : vector<16xf32> to vector<1x16xf32>
    tpu.vector_store %arg9[%swap3A_536, %swap3A_537], %swap3A_540 {strides = array<i32>} : memref<16x128xf32, #tpu.memory_space<vmem>>, vector<1x16xf32>,
    %swap3A_541 = arith.constant 11 : i32
    %swap3A_542 = arith.index_cast %swap3A_541 : i32 to index
    %swap3A_543 = arith.constant 32 : index
    %swap3A_544 = tpu.vector_load %arg9[%swap3A_542, %swap3A_543] {strides = array<i32>} : memref<16x128xf32, #tpu.memory_space<vmem>>, vector<1x16xf32>,
    %swap3A_545 = vector.shape_cast %swap3A_544 : vector<1x16xf32> to vector<16xf32>
    %swap3A_546 = vector.shape_cast %broadcast_in_dim3A_1 : vector<16xf32> to vector<1x16xf32>
    tpu.vector_store %arg9[%swap3A_542, %swap3A_543], %swap3A_546 {strides = array<i32>} : memref<16x128xf32, #tpu.memory_space<vmem>>, vector<1x16xf32>,
    %swap3A_547 = arith.constant 11 : i32
    %swap3A_548 = arith.index_cast %swap3A_547 : i32 to index
    %swap3A_549 = arith.constant 48 : index
    %swap3A_550 = tpu.vector_load %arg9[%swap3A_548, %swap3A_549] {strides = array<i32>} : memref<16x128xf32, #tpu.memory_space<vmem>>, vector<1x16xf32>,
    %swap3A_551 = vector.shape_cast %swap3A_550 : vector<1x16xf32> to vector<16xf32>
    %swap3A_552 = vector.shape_cast %broadcast_in_dim3A_1 : vector<16xf32> to vector<1x16xf32>
    tpu.vector_store %arg9[%swap3A_548, %swap3A_549], %swap3A_552 {strides = array<i32>} : memref<16x128xf32, #tpu.memory_space<vmem>>, vector<1x16xf32>,
    %swap3A_553 = arith.constant 11 : i32
    %swap3A_554 = arith.index_cast %swap3A_553 : i32 to index
    %swap3A_555 = arith.constant 64 : index
    %swap3A_556 = tpu.vector_load %arg9[%swap3A_554, %swap3A_555] {strides = array<i32>} : memref<16x128xf32, #tpu.memory_space<vmem>>, vector<1x16xf32>,
    %swap3A_557 = vector.shape_cast %swap3A_556 : vector<1x16xf32> to vector<16xf32>
    %swap3A_558 = vector.shape_cast %broadcast_in_dim3A_1 : vector<16xf32> to vector<1x16xf32>
    tpu.vector_store %arg9[%swap3A_554, %swap3A_555], %swap3A_558 {strides = array<i32>} : memref<16x128xf32, #tpu.memory_space<vmem>>, vector<1x16xf32>,
    %swap3A_559 = arith.constant 11 : i32
    %swap3A_560 = arith.index_cast %swap3A_559 : i32 to index
    %swap3A_561 = arith.constant 80 : index
    %swap3A_562 = tpu.vector_load %arg9[%swap3A_560, %swap3A_561] {strides = array<i32>} : memref<16x128xf32, #tpu.memory_space<vmem>>, vector<1x16xf32>,
    %swap3A_563 = vector.shape_cast %swap3A_562 : vector<1x16xf32> to vector<16xf32>
    %swap3A_564 = vector.shape_cast %broadcast_in_dim3A_1 : vector<16xf32> to vector<1x16xf32>
    tpu.vector_store %arg9[%swap3A_560, %swap3A_561], %swap3A_564 {strides = array<i32>} : memref<16x128xf32, #tpu.memory_space<vmem>>, vector<1x16xf32>,
    %swap3A_565 = arith.constant 11 : i32
    %swap3A_566 = arith.index_cast %swap3A_565 : i32 to index
    %swap3A_567 = arith.constant 96 : index
    %swap3A_568 = tpu.vector_load %arg9[%swap3A_566, %swap3A_567] {strides = array<i32>} : memref<16x128xf32, #tpu.memory_space<vmem>>, vector<1x16xf32>,
    %swap3A_569 = vector.shape_cast %swap3A_568 : vector<1x16xf32> to vector<16xf32>
    %swap3A_570 = vector.shape_cast %broadcast_in_dim3A_1 : vector<16xf32> to vector<1x16xf32>
    tpu.vector_store %arg9[%swap3A_566, %swap3A_567], %swap3A_570 {strides = array<i32>} : memref<16x128xf32, #tpu.memory_space<vmem>>, vector<1x16xf32>,
    %swap3A_571 = arith.constant 11 : i32
    %swap3A_572 = arith.index_cast %swap3A_571 : i32 to index
    %swap3A_573 = arith.constant 112 : index
    %swap3A_574 = tpu.vector_load %arg9[%swap3A_572, %swap3A_573] {strides = array<i32>} : memref<16x128xf32, #tpu.memory_space<vmem>>, vector<1x16xf32>,
    %swap3A_575 = vector.shape_cast %swap3A_574 : vector<1x16xf32> to vector<16xf32>
    %swap3A_576 = vector.shape_cast %broadcast_in_dim3A_1 : vector<16xf32> to vector<1x16xf32>
    tpu.vector_store %arg9[%swap3A_572, %swap3A_573], %swap3A_576 {strides = array<i32>} : memref<16x128xf32, #tpu.memory_space<vmem>>, vector<1x16xf32>,
    %swap3A_577 = arith.constant 12 : i32
    %swap3A_578 = arith.index_cast %swap3A_577 : i32 to index
    %swap3A_579 = arith.constant 0 : index
    %swap3A_580 = tpu.vector_load %arg9[%swap3A_578, %swap3A_579] {strides = array<i32>} : memref<16x128xf32, #tpu.memory_space<vmem>>, vector<1x16xf32>,
    %swap3A_581 = vector.shape_cast %swap3A_580 : vector<1x16xf32> to vector<16xf32>
    %swap3A_582 = vector.shape_cast %broadcast_in_dim3A_1 : vector<16xf32> to vector<1x16xf32>
    tpu.vector_store %arg9[%swap3A_578, %swap3A_579], %swap3A_582 {strides = array<i32>} : memref<16x128xf32, #tpu.memory_space<vmem>>, vector<1x16xf32>,
    %swap3A_583 = arith.constant 12 : i32
    %swap3A_584 = arith.index_cast %swap3A_583 : i32 to index
    %swap3A_585 = arith.constant 16 : index
    %swap3A_586 = tpu.vector_load %arg9[%swap3A_584, %swap3A_585] {strides = array<i32>} : memref<16x128xf32, #tpu.memory_space<vmem>>, vector<1x16xf32>,
    %swap3A_587 = vector.shape_cast %swap3A_586 : vector<1x16xf32> to vector<16xf32>
    %swap3A_588 = vector.shape_cast %broadcast_in_dim3A_1 : vector<16xf32> to vector<1x16xf32>
    tpu.vector_store %arg9[%swap3A_584, %swap3A_585], %swap3A_588 {strides = array<i32>} : memref<16x128xf32, #tpu.memory_space<vmem>>, vector<1x16xf32>,
    %swap3A_589 = arith.constant 12 : i32
    %swap3A_590 = arith.index_cast %swap3A_589 : i32 to index
    %swap3A_591 = arith.constant 32 : index
    %swap3A_592 = tpu.vector_load %arg9[%swap3A_590, %swap3A_591] {strides = array<i32>} : memref<16x128xf32, #tpu.memory_space<vmem>>, vector<1x16xf32>,
    %swap3A_593 = vector.shape_cast %swap3A_592 : vector<1x16xf32> to vector<16xf32>
    %swap3A_594 = vector.shape_cast %broadcast_in_dim3A_1 : vector<16xf32> to vector<1x16xf32>
    tpu.vector_store %arg9[%swap3A_590, %swap3A_591], %swap3A_594 {strides = array<i32>} : memref<16x128xf32, #tpu.memory_space<vmem>>, vector<1x16xf32>,
    %swap3A_595 = arith.constant 12 : i32
    %swap3A_596 = arith.index_cast %swap3A_595 : i32 to index
    %swap3A_597 = arith.constant 48 : index
    %swap3A_598 = tpu.vector_load %arg9[%swap3A_596, %swap3A_597] {strides = array<i32>} : memref<16x128xf32, #tpu.memory_space<vmem>>, vector<1x16xf32>,
    %swap3A_599 = vector.shape_cast %swap3A_598 : vector<1x16xf32> to vector<16xf32>
    %swap3A_600 = vector.shape_cast %broadcast_in_dim3A_1 : vector<16xf32> to vector<1x16xf32>
    tpu.vector_store %arg9[%swap3A_596, %swap3A_597], %swap3A_600 {strides = array<i32>} : memref<16x128xf32, #tpu.memory_space<vmem>>, vector<1x16xf32>,
    %swap3A_601 = arith.constant 12 : i32
    %swap3A_602 = arith.index_cast %swap3A_601 : i32 to index
    %swap3A_603 = arith.constant 64 : index
    %swap3A_604 = tpu.vector_load %arg9[%swap3A_602, %swap3A_603] {strides = array<i32>} : memref<16x128xf32, #tpu.memory_space<vmem>>, vector<1x16xf32>,
    %swap3A_605 = vector.shape_cast %swap3A_604 : vector<1x16xf32> to vector<16xf32>
    %swap3A_606 = vector.shape_cast %broadcast_in_dim3A_1 : vector<16xf32> to vector<1x16xf32>
    tpu.vector_store %arg9[%swap3A_602, %swap3A_603], %swap3A_606 {strides = array<i32>} : memref<16x128xf32, #tpu.memory_space<vmem>>, vector<1x16xf32>,
    %swap3A_607 = arith.constant 12 : i32
    %swap3A_608 = arith.index_cast %swap3A_607 : i32 to index
    %swap3A_609 = arith.constant 80 : index
    %swap3A_610 = tpu.vector_load %arg9[%swap3A_608, %swap3A_609] {strides = array<i32>} : memref<16x128xf32, #tpu.memory_space<vmem>>, vector<1x16xf32>,
    %swap3A_611 = vector.shape_cast %swap3A_610 : vector<1x16xf32> to vector<16xf32>
    %swap3A_612 = vector.shape_cast %broadcast_in_dim3A_1 : vector<16xf32> to vector<1x16xf32>
    tpu.vector_store %arg9[%swap3A_608, %swap3A_609], %swap3A_612 {strides = array<i32>} : memref<16x128xf32, #tpu.memory_space<vmem>>, vector<1x16xf32>,
    %swap3A_613 = arith.constant 12 : i32
    %swap3A_614 = arith.index_cast %swap3A_613 : i32 to index
    %swap3A_615 = arith.constant 96 : index
    %swap3A_616 = tpu.vector_load %arg9[%swap3A_614, %swap3A_615] {strides = array<i32>} : memref<16x128xf32, #tpu.memory_space<vmem>>, vector<1x16xf32>,
    %swap3A_617 = vector.shape_cast %swap3A_616 : vector<1x16xf32> to vector<16xf32>
    %swap3A_618 = vector.shape_cast %broadcast_in_dim3A_1 : vector<16xf32> to vector<1x16xf32>
    tpu.vector_store %arg9[%swap3A_614, %swap3A_615], %swap3A_618 {strides = array<i32>} : memref<16x128xf32, #tpu.memory_space<vmem>>, vector<1x16xf32>,
    %swap3A_619 = arith.constant 12 : i32
    %swap3A_620 = arith.index_cast %swap3A_619 : i32 to index
    %swap3A_621 = arith.constant 112 : index
    %swap3A_622 = tpu.vector_load %arg9[%swap3A_620, %swap3A_621] {strides = array<i32>} : memref<16x128xf32, #tpu.memory_space<vmem>>, vector<1x16xf32>,
    %swap3A_623 = vector.shape_cast %swap3A_622 : vector<1x16xf32> to vector<16xf32>
    %swap3A_624 = vector.shape_cast %broadcast_in_dim3A_1 : vector<16xf32> to vector<1x16xf32>
    tpu.vector_store %arg9[%swap3A_620, %swap3A_621], %swap3A_624 {strides = array<i32>} : memref<16x128xf32, #tpu.memory_space<vmem>>, vector<1x16xf32>,
    %swap3A_625 = arith.constant 13 : i32
    %swap3A_626 = arith.index_cast %swap3A_625 : i32 to index
    %swap3A_627 = arith.constant 0 : index
    %swap3A_628 = tpu.vector_load %arg9[%swap3A_626, %swap3A_627] {strides = array<i32>} : memref<16x128xf32, #tpu.memory_space<vmem>>, vector<1x16xf32>,
    %swap3A_629 = vector.shape_cast %swap3A_628 : vector<1x16xf32> to vector<16xf32>
    %swap3A_630 = vector.shape_cast %broadcast_in_dim3A_1 : vector<16xf32> to vector<1x16xf32>
    tpu.vector_store %arg9[%swap3A_626, %swap3A_627], %swap3A_630 {strides = array<i32>} : memref<16x128xf32, #tpu.memory_space<vmem>>, vector<1x16xf32>,
    %swap3A_631 = arith.constant 13 : i32
    %swap3A_632 = arith.index_cast %swap3A_631 : i32 to index
    %swap3A_633 = arith.constant 16 : index
    %swap3A_634 = tpu.vector_load %arg9[%swap3A_632, %swap3A_633] {strides = array<i32>} : memref<16x128xf32, #tpu.memory_space<vmem>>, vector<1x16xf32>,
    %swap3A_635 = vector.shape_cast %swap3A_634 : vector<1x16xf32> to vector<16xf32>
    %swap3A_636 = vector.shape_cast %broadcast_in_dim3A_1 : vector<16xf32> to vector<1x16xf32>
    tpu.vector_store %arg9[%swap3A_632, %swap3A_633], %swap3A_636 {strides = array<i32>} : memref<16x128xf32, #tpu.memory_space<vmem>>, vector<1x16xf32>,
    %swap3A_637 = arith.constant 13 : i32
    %swap3A_638 = arith.index_cast %swap3A_637 : i32 to index
    %swap3A_639 = arith.constant 32 : index
    %swap3A_640 = tpu.vector_load %arg9[%swap3A_638, %swap3A_639] {strides = array<i32>} : memref<16x128xf32, #tpu.memory_space<vmem>>, vector<1x16xf32>,
    %swap3A_641 = vector.shape_cast %swap3A_640 : vector<1x16xf32> to vector<16xf32>
    %swap3A_642 = vector.shape_cast %broadcast_in_dim3A_1 : vector<16xf32> to vector<1x16xf32>
    tpu.vector_store %arg9[%swap3A_638, %swap3A_639], %swap3A_642 {strides = array<i32>} : memref<16x128xf32, #tpu.memory_space<vmem>>, vector<1x16xf32>,
    %swap3A_643 = arith.constant 13 : i32
    %swap3A_644 = arith.index_cast %swap3A_643 : i32 to index
    %swap3A_645 = arith.constant 48 : index
    %swap3A_646 = tpu.vector_load %arg9[%swap3A_644, %swap3A_645] {strides = array<i32>} : memref<16x128xf32, #tpu.memory_space<vmem>>, vector<1x16xf32>,
    %swap3A_647 = vector.shape_cast %swap3A_646 : vector<1x16xf32> to vector<16xf32>
    %swap3A_648 = vector.shape_cast %broadcast_in_dim3A_1 : vector<16xf32> to vector<1x16xf32>
    tpu.vector_store %arg9[%swap3A_644, %swap3A_645], %swap3A_648 {strides = array<i32>} : memref<16x128xf32, #tpu.memory_space<vmem>>, vector<1x16xf32>,
    %swap3A_649 = arith.constant 13 : i32
    %swap3A_650 = arith.index_cast %swap3A_649 : i32 to index
    %swap3A_651 = arith.constant 64 : index
    %swap3A_652 = tpu.vector_load %arg9[%swap3A_650, %swap3A_651] {strides = array<i32>} : memref<16x128xf32, #tpu.memory_space<vmem>>, vector<1x16xf32>,
    %swap3A_653 = vector.shape_cast %swap3A_652 : vector<1x16xf32> to vector<16xf32>
    %swap3A_654 = vector.shape_cast %broadcast_in_dim3A_1 : vector<16xf32> to vector<1x16xf32>
    tpu.vector_store %arg9[%swap3A_650, %swap3A_651], %swap3A_654 {strides = array<i32>} : memref<16x128xf32, #tpu.memory_space<vmem>>, vector<1x16xf32>,
    %swap3A_655 = arith.constant 13 : i32
    %swap3A_656 = arith.index_cast %swap3A_655 : i32 to index
    %swap3A_657 = arith.constant 80 : index
    %swap3A_658 = tpu.vector_load %arg9[%swap3A_656, %swap3A_657] {strides = array<i32>} : memref<16x128xf32, #tpu.memory_space<vmem>>, vector<1x16xf32>,
    %swap3A_659 = vector.shape_cast %swap3A_658 : vector<1x16xf32> to vector<16xf32>
    %swap3A_660 = vector.shape_cast %broadcast_in_dim3A_1 : vector<16xf32> to vector<1x16xf32>
    tpu.vector_store %arg9[%swap3A_656, %swap3A_657], %swap3A_660 {strides = array<i32>} : memref<16x128xf32, #tpu.memory_space<vmem>>, vector<1x16xf32>,
    %swap3A_661 = arith.constant 13 : i32
    %swap3A_662 = arith.index_cast %swap3A_661 : i32 to index
    %swap3A_663 = arith.constant 96 : index
    %swap3A_664 = tpu.vector_load %arg9[%swap3A_662, %swap3A_663] {strides = array<i32>} : memref<16x128xf32, #tpu.memory_space<vmem>>, vector<1x16xf32>,
    %swap3A_665 = vector.shape_cast %swap3A_664 : vector<1x16xf32> to vector<16xf32>
    %swap3A_666 = vector.shape_cast %broadcast_in_dim3A_1 : vector<16xf32> to vector<1x16xf32>
    tpu.vector_store %arg9[%swap3A_662, %swap3A_663], %swap3A_666 {strides = array<i32>} : memref<16x128xf32, #tpu.memory_space<vmem>>, vector<1x16xf32>,
    %swap3A_667 = arith.constant 13 : i32
    %swap3A_668 = arith.index_cast %swap3A_667 : i32 to index
    %swap3A_669 = arith.constant 112 : index
    %swap3A_670 = tpu.vector_load %arg9[%swap3A_668, %swap3A_669] {strides = array<i32>} : memref<16x128xf32, #tpu.memory_space<vmem>>, vector<1x16xf32>,
    %swap3A_671 = vector.shape_cast %swap3A_670 : vector<1x16xf32> to vector<16xf32>
    %swap3A_672 = vector.shape_cast %broadcast_in_dim3A_1 : vector<16xf32> to vector<1x16xf32>
    tpu.vector_store %arg9[%swap3A_668, %swap3A_669], %swap3A_672 {strides = array<i32>} : memref<16x128xf32, #tpu.memory_space<vmem>>, vector<1x16xf32>,
    %swap3A_673 = arith.constant 14 : i32
    %swap3A_674 = arith.index_cast %swap3A_673 : i32 to index
    %swap3A_675 = arith.constant 0 : index
    %swap3A_676 = tpu.vector_load %arg9[%swap3A_674, %swap3A_675] {strides = array<i32>} : memref<16x128xf32, #tpu.memory_space<vmem>>, vector<1x16xf32>,
    %swap3A_677 = vector.shape_cast %swap3A_676 : vector<1x16xf32> to vector<16xf32>
    %swap3A_678 = vector.shape_cast %broadcast_in_dim3A_1 : vector<16xf32> to vector<1x16xf32>
    tpu.vector_store %arg9[%swap3A_674, %swap3A_675], %swap3A_678 {strides = array<i32>} : memref<16x128xf32, #tpu.memory_space<vmem>>, vector<1x16xf32>,
    %swap3A_679 = arith.constant 14 : i32
    %swap3A_680 = arith.index_cast %swap3A_679 : i32 to index
    %swap3A_681 = arith.constant 16 : index
    %swap3A_682 = tpu.vector_load %arg9[%swap3A_680, %swap3A_681] {strides = array<i32>} : memref<16x128xf32, #tpu.memory_space<vmem>>, vector<1x16xf32>,
    %swap3A_683 = vector.shape_cast %swap3A_682 : vector<1x16xf32> to vector<16xf32>
    %swap3A_684 = vector.shape_cast %broadcast_in_dim3A_1 : vector<16xf32> to vector<1x16xf32>
    tpu.vector_store %arg9[%swap3A_680, %swap3A_681], %swap3A_684 {strides = array<i32>} : memref<16x128xf32, #tpu.memory_space<vmem>>, vector<1x16xf32>,
    %swap3A_685 = arith.constant 14 : i32
    %swap3A_686 = arith.index_cast %swap3A_685 : i32 to index
    %swap3A_687 = arith.constant 32 : index
    %swap3A_688 = tpu.vector_load %arg9[%swap3A_686, %swap3A_687] {strides = array<i32>} : memref<16x128xf32, #tpu.memory_space<vmem>>, vector<1x16xf32>,
    %swap3A_689 = vector.shape_cast %swap3A_688 : vector<1x16xf32> to vector<16xf32>
    %swap3A_690 = vector.shape_cast %broadcast_in_dim3A_1 : vector<16xf32> to vector<1x16xf32>
    tpu.vector_store %arg9[%swap3A_686, %swap3A_687], %swap3A_690 {strides = array<i32>} : memref<16x128xf32, #tpu.memory_space<vmem>>, vector<1x16xf32>,
    %swap3A_691 = arith.constant 14 : i32
    %swap3A_692 = arith.index_cast %swap3A_691 : i32 to index
    %swap3A_693 = arith.constant 48 : index
    %swap3A_694 = tpu.vector_load %arg9[%swap3A_692, %swap3A_693] {strides = array<i32>} : memref<16x128xf32, #tpu.memory_space<vmem>>, vector<1x16xf32>,
    %swap3A_695 = vector.shape_cast %swap3A_694 : vector<1x16xf32> to vector<16xf32>
    %swap3A_696 = vector.shape_cast %broadcast_in_dim3A_1 : vector<16xf32> to vector<1x16xf32>
    tpu.vector_store %arg9[%swap3A_692, %swap3A_693], %swap3A_696 {strides = array<i32>} : memref<16x128xf32, #tpu.memory_space<vmem>>, vector<1x16xf32>,
    %swap3A_697 = arith.constant 14 : i32
    %swap3A_698 = arith.index_cast %swap3A_697 : i32 to index
    %swap3A_699 = arith.constant 64 : index
    %swap3A_700 = tpu.vector_load %arg9[%swap3A_698, %swap3A_699] {strides = array<i32>} : memref<16x128xf32, #tpu.memory_space<vmem>>, vector<1x16xf32>,
    %swap3A_701 = vector.shape_cast %swap3A_700 : vector<1x16xf32> to vector<16xf32>
    %swap3A_702 = vector.shape_cast %broadcast_in_dim3A_1 : vector<16xf32> to vector<1x16xf32>
    tpu.vector_store %arg9[%swap3A_698, %swap3A_699], %swap3A_702 {strides = array<i32>} : memref<16x128xf32, #tpu.memory_space<vmem>>, vector<1x16xf32>,
    %swap3A_703 = arith.constant 14 : i32
    %swap3A_704 = arith.index_cast %swap3A_703 : i32 to index
    %swap3A_705 = arith.constant 80 : index
    %swap3A_706 = tpu.vector_load %arg9[%swap3A_704, %swap3A_705] {strides = array<i32>} : memref<16x128xf32, #tpu.memory_space<vmem>>, vector<1x16xf32>,
    %swap3A_707 = vector.shape_cast %swap3A_706 : vector<1x16xf32> to vector<16xf32>
    %swap3A_708 = vector.shape_cast %broadcast_in_dim3A_1 : vector<16xf32> to vector<1x16xf32>
    tpu.vector_store %arg9[%swap3A_704, %swap3A_705], %swap3A_708 {strides = array<i32>} : memref<16x128xf32, #tpu.memory_space<vmem>>, vector<1x16xf32>,
    %swap3A_709 = arith.constant 14 : i32
    %swap3A_710 = arith.index_cast %swap3A_709 : i32 to index
    %swap3A_711 = arith.constant 96 : index
    %swap3A_712 = tpu.vector_load %arg9[%swap3A_710, %swap3A_711] {strides = array<i32>} : memref<16x128xf32, #tpu.memory_space<vmem>>, vector<1x16xf32>,
    %swap3A_713 = vector.shape_cast %swap3A_712 : vector<1x16xf32> to vector<16xf32>
    %swap3A_714 = vector.shape_cast %broadcast_in_dim3A_1 : vector<16xf32> to vector<1x16xf32>
    tpu.vector_store %arg9[%swap3A_710, %swap3A_711], %swap3A_714 {strides = array<i32>} : memref<16x128xf32, #tpu.memory_space<vmem>>, vector<1x16xf32>,
    %swap3A_715 = arith.constant 14 : i32
    %swap3A_716 = arith.index_cast %swap3A_715 : i32 to index
    %swap3A_717 = arith.constant 112 : index
    %swap3A_718 = tpu.vector_load %arg9[%swap3A_716, %swap3A_717] {strides = array<i32>} : memref<16x128xf32, #tpu.memory_space<vmem>>, vector<1x16xf32>,
    %swap3A_719 = vector.shape_cast %swap3A_718 : vector<1x16xf32> to vector<16xf32>
    %swap3A_720 = vector.shape_cast %broadcast_in_dim3A_1 : vector<16xf32> to vector<1x16xf32>
    tpu.vector_store %arg9[%swap3A_716, %swap3A_717], %swap3A_720 {strides = array<i32>} : memref<16x128xf32, #tpu.memory_space<vmem>>, vector<1x16xf32>,
    %swap3A_721 = arith.constant 15 : i32
    %swap3A_722 = arith.index_cast %swap3A_721 : i32 to index
    %swap3A_723 = arith.constant 0 : index
    %swap3A_724 = tpu.vector_load %arg9[%swap3A_722, %swap3A_723] {strides = array<i32>} : memref<16x128xf32, #tpu.memory_space<vmem>>, vector<1x16xf32>,
    %swap3A_725 = vector.shape_cast %swap3A_724 : vector<1x16xf32> to vector<16xf32>
    %swap3A_726 = vector.shape_cast %broadcast_in_dim3A_1 : vector<16xf32> to vector<1x16xf32>
    tpu.vector_store %arg9[%swap3A_722, %swap3A_723], %swap3A_726 {strides = array<i32>} : memref<16x128xf32, #tpu.memory_space<vmem>>, vector<1x16xf32>,
    %swap3A_727 = arith.constant 15 : i32
    %swap3A_728 = arith.index_cast %swap3A_727 : i32 to index
    %swap3A_729 = arith.constant 16 : index
    %swap3A_730 = tpu.vector_load %arg9[%swap3A_728, %swap3A_729] {strides = array<i32>} : memref<16x128xf32, #tpu.memory_space<vmem>>, vector<1x16xf32>,
    %swap3A_731 = vector.shape_cast %swap3A_730 : vector<1x16xf32> to vector<16xf32>
    %swap3A_732 = vector.shape_cast %broadcast_in_dim3A_1 : vector<16xf32> to vector<1x16xf32>
    tpu.vector_store %arg9[%swap3A_728, %swap3A_729], %swap3A_732 {strides = array<i32>} : memref<16x128xf32, #tpu.memory_space<vmem>>, vector<1x16xf32>,
    %swap3A_733 = arith.constant 15 : i32
    %swap3A_734 = arith.index_cast %swap3A_733 : i32 to index
    %swap3A_735 = arith.constant 32 : index
    %swap3A_736 = tpu.vector_load %arg9[%swap3A_734, %swap3A_735] {strides = array<i32>} : memref<16x128xf32, #tpu.memory_space<vmem>>, vector<1x16xf32>,
    %swap3A_737 = vector.shape_cast %swap3A_736 : vector<1x16xf32> to vector<16xf32>
    %swap3A_738 = vector.shape_cast %broadcast_in_dim3A_1 : vector<16xf32> to vector<1x16xf32>
    tpu.vector_store %arg9[%swap3A_734, %swap3A_735], %swap3A_738 {strides = array<i32>} : memref<16x128xf32, #tpu.memory_space<vmem>>, vector<1x16xf32>,
    %swap3A_739 = arith.constant 15 : i32
    %swap3A_740 = arith.index_cast %swap3A_739 : i32 to index
    %swap3A_741 = arith.constant 48 : index
    %swap3A_742 = tpu.vector_load %arg9[%swap3A_740, %swap3A_741] {strides = array<i32>} : memref<16x128xf32, #tpu.memory_space<vmem>>, vector<1x16xf32>,
    %swap3A_743 = vector.shape_cast %swap3A_742 : vector<1x16xf32> to vector<16xf32>
    %swap3A_744 = vector.shape_cast %broadcast_in_dim3A_1 : vector<16xf32> to vector<1x16xf32>
    tpu.vector_store %arg9[%swap3A_740, %swap3A_741], %swap3A_744 {strides = array<i32>} : memref<16x128xf32, #tpu.memory_space<vmem>>, vector<1x16xf32>,
    %swap3A_745 = arith.constant 15 : i32
    %swap3A_746 = arith.index_cast %swap3A_745 : i32 to index
    %swap3A_747 = arith.constant 64 : index
    %swap3A_748 = tpu.vector_load %arg9[%swap3A_746, %swap3A_747] {strides = array<i32>} : memref<16x128xf32, #tpu.memory_space<vmem>>, vector<1x16xf32>,
    %swap3A_749 = vector.shape_cast %swap3A_748 : vector<1x16xf32> to vector<16xf32>
    %swap3A_750 = vector.shape_cast %broadcast_in_dim3A_1 : vector<16xf32> to vector<1x16xf32>
    tpu.vector_store %arg9[%swap3A_746, %swap3A_747], %swap3A_750 {strides = array<i32>} : memref<16x128xf32, #tpu.memory_space<vmem>>, vector<1x16xf32>,
    %swap3A_751 = arith.constant 15 : i32
    %swap3A_752 = arith.index_cast %swap3A_751 : i32 to index
    %swap3A_753 = arith.constant 80 : index
    %swap3A_754 = tpu.vector_load %arg9[%swap3A_752, %swap3A_753] {strides = array<i32>} : memref<16x128xf32, #tpu.memory_space<vmem>>, vector<1x16xf32>,
    %swap3A_755 = vector.shape_cast %swap3A_754 : vector<1x16xf32> to vector<16xf32>
    %swap3A_756 = vector.shape_cast %broadcast_in_dim3A_1 : vector<16xf32> to vector<1x16xf32>
    tpu.vector_store %arg9[%swap3A_752, %swap3A_753], %swap3A_756 {strides = array<i32>} : memref<16x128xf32, #tpu.memory_space<vmem>>, vector<1x16xf32>,
    %swap3A_757 = arith.constant 15 : i32
    %swap3A_758 = arith.index_cast %swap3A_757 : i32 to index
    %swap3A_759 = arith.constant 96 : index
    %swap3A_760 = tpu.vector_load %arg9[%swap3A_758, %swap3A_759] {strides = array<i32>} : memref<16x128xf32, #tpu.memory_space<vmem>>, vector<1x16xf32>,
    %swap3A_761 = vector.shape_cast %swap3A_760 : vector<1x16xf32> to vector<16xf32>
    %swap3A_762 = vector.shape_cast %broadcast_in_dim3A_1 : vector<16xf32> to vector<1x16xf32>
    tpu.vector_store %arg9[%swap3A_758, %swap3A_759], %swap3A_762 {strides = array<i32>} : memref<16x128xf32, #tpu.memory_space<vmem>>, vector<1x16xf32>,
    %swap3A_763 = arith.constant 15 : i32
    %swap3A_764 = arith.index_cast %swap3A_763 : i32 to index
    %swap3A_765 = arith.constant 112 : index
    %swap3A_766 = tpu.vector_load %arg9[%swap3A_764, %swap3A_765] {strides = array<i32>} : memref<16x128xf32, #tpu.memory_space<vmem>>, vector<1x16xf32>,
    %swap3A_767 = vector.shape_cast %swap3A_766 : vector<1x16xf32> to vector<16xf32>
    %swap3A_768 = vector.shape_cast %broadcast_in_dim3A_1 : vector<16xf32> to vector<1x16xf32>
    tpu.vector_store %arg9[%swap3A_764, %swap3A_765], %swap3A_768 {strides = array<i32>} : memref<16x128xf32, #tpu.memory_space<vmem>>, vector<1x16xf32>,
    %scan3A = arith.constant 0 : i32
    %scan3A_769 = arith.constant 0 : i32
    %scan3A_770 = arith.constant 40 : i32
    %scan3A_771 = arith.addi %scan3A_769, %scan3A_770 : i32
    %scan3A_772 = arith.constant 1 : i32
    scf.for %scan3A_883 = %scan3A_769 to %scan3A_771 step %scan3A_772  : i32 {
      %mul3A_884 = arith.constant 640 : i32
      %mul3A_885 = arith.muli %arg1, %mul3A_884 : i32
      %mul3A_886 = arith.constant 16 : i32
      %mul3A_887 = arith.muli %scan3A_883, %mul3A_886 : i32
      %add3A_888 = arith.addi %mul3A_885, %mul3A_887 : i32
      "tpu.region"() ({
        %run_scoped3A = tpu.sem_alloc : memref<!tpu.dma_semaphore, #tpu.memory_space<semaphore_mem>>
        %dma_start3A = arith.constant 0 : i32
        %dma_start3A_889 = tpu.memref_slice %arg10[%add3A_888, %dma_start3A] : memref<10240x128xf32, #tpu.memory_space<vmem_shared>> -> memref<16x128xf32, #tpu.memory_space<vmem_shared>>
        %dma_start3A_890 = arith.constant 0 : i32
        %dma_start3A_891 = tpu.memref_slice %arg10[%add3A_888, %dma_start3A_890] : memref<10240x128xf32, #tpu.memory_space<vmem_shared>> -> memref<16x128xf32, #tpu.memory_space<vmem_shared>>
        tpu.enqueue_dma source(%arg9 : memref<16x128xf32, #tpu.memory_space<vmem>>) target(%dma_start3A_891 : memref<16x128xf32, #tpu.memory_space<vmem_shared>>) target_semaphore(%run_scoped3A : memref<!tpu.dma_semaphore, #tpu.memory_space<semaphore_mem>>)
        %dma_wait3A = arith.constant 0 : i32
        %dma_wait3A_892 = tpu.memref_slice %arg10[%add3A_888, %dma_wait3A] : memref<10240x128xf32, #tpu.memory_space<vmem_shared>> -> memref<16x128xf32, #tpu.memory_space<vmem_shared>>
        %dma_wait3A_893 = arith.constant 0 : i32
        %dma_wait3A_894 = tpu.memref_slice %arg10[%add3A_888, %dma_wait3A_893] : memref<10240x128xf32, #tpu.memory_space<vmem_shared>> -> memref<16x128xf32, #tpu.memory_space<vmem_shared>>
        tpu.wait_dma2 semaphore(%run_scoped3A : memref<!tpu.dma_semaphore, #tpu.memory_space<semaphore_mem>>) src(%arg9 : memref<16x128xf32, #tpu.memory_space<vmem>>) dst(%dma_wait3A_894 : memref<16x128xf32, #tpu.memory_space<vmem_shared>>)
        tpu.yield
      }) : () -> ()
    }
    %scan3A_773 = arith.constant 40 : i32
    %broadcast_in_dim3A_774 = arith.constant 0 : i32
    %broadcast_in_dim3A_775 = vector.broadcast %broadcast_in_dim3A_774 : i32 to vector<16xi32>
    %swap3A_776 = arith.constant 16 : i32
    %swap3A_777 = arith.index_cast %swap3A_776 : i32 to index
    %swap3A_778 = arith.constant 0 : index
    %swap3A_779 = tpu.vector_load %arg6[%swap3A_777, %swap3A_778] {strides = array<i32>} : memref<18x128xi32, #tpu.memory_space<vmem>>, vector<1x16xi32>,
    %swap3A_780 = vector.shape_cast %swap3A_779 : vector<1x16xi32> to vector<16xi32>
    %swap3A_781 = vector.shape_cast %broadcast_in_dim3A_775 : vector<16xi32> to vector<1x16xi32>
    tpu.vector_store %arg6[%swap3A_777, %swap3A_778], %swap3A_781 {strides = array<i32>} : memref<18x128xi32, #tpu.memory_space<vmem>>, vector<1x16xi32>,
    %swap3A_782 = arith.constant 16 : i32
    %swap3A_783 = arith.index_cast %swap3A_782 : i32 to index
    %swap3A_784 = arith.constant 16 : index
    %swap3A_785 = tpu.vector_load %arg6[%swap3A_783, %swap3A_784] {strides = array<i32>} : memref<18x128xi32, #tpu.memory_space<vmem>>, vector<1x16xi32>,
    %swap3A_786 = vector.shape_cast %swap3A_785 : vector<1x16xi32> to vector<16xi32>
    %swap3A_787 = vector.shape_cast %broadcast_in_dim3A_775 : vector<16xi32> to vector<1x16xi32>
    tpu.vector_store %arg6[%swap3A_783, %swap3A_784], %swap3A_787 {strides = array<i32>} : memref<18x128xi32, #tpu.memory_space<vmem>>, vector<1x16xi32>,
    %swap3A_788 = arith.constant 16 : i32
    %swap3A_789 = arith.index_cast %swap3A_788 : i32 to index
    %swap3A_790 = arith.constant 32 : index
    %swap3A_791 = tpu.vector_load %arg6[%swap3A_789, %swap3A_790] {strides = array<i32>} : memref<18x128xi32, #tpu.memory_space<vmem>>, vector<1x16xi32>,
    %swap3A_792 = vector.shape_cast %swap3A_791 : vector<1x16xi32> to vector<16xi32>
    %swap3A_793 = vector.shape_cast %broadcast_in_dim3A_775 : vector<16xi32> to vector<1x16xi32>
    tpu.vector_store %arg6[%swap3A_789, %swap3A_790], %swap3A_793 {strides = array<i32>} : memref<18x128xi32, #tpu.memory_space<vmem>>, vector<1x16xi32>,
    %swap3A_794 = arith.constant 16 : i32
    %swap3A_795 = arith.index_cast %swap3A_794 : i32 to index
    %swap3A_796 = arith.constant 48 : index
    %swap3A_797 = tpu.vector_load %arg6[%swap3A_795, %swap3A_796] {strides = array<i32>} : memref<18x128xi32, #tpu.memory_space<vmem>>, vector<1x16xi32>,
    %swap3A_798 = vector.shape_cast %swap3A_797 : vector<1x16xi32> to vector<16xi32>
    %swap3A_799 = vector.shape_cast %broadcast_in_dim3A_775 : vector<16xi32> to vector<1x16xi32>
    tpu.vector_store %arg6[%swap3A_795, %swap3A_796], %swap3A_799 {strides = array<i32>} : memref<18x128xi32, #tpu.memory_space<vmem>>, vector<1x16xi32>,
    %swap3A_800 = arith.constant 16 : i32
    %swap3A_801 = arith.index_cast %swap3A_800 : i32 to index
    %swap3A_802 = arith.constant 64 : index
    %swap3A_803 = tpu.vector_load %arg6[%swap3A_801, %swap3A_802] {strides = array<i32>} : memref<18x128xi32, #tpu.memory_space<vmem>>, vector<1x16xi32>,
    %swap3A_804 = vector.shape_cast %swap3A_803 : vector<1x16xi32> to vector<16xi32>
    %swap3A_805 = vector.shape_cast %broadcast_in_dim3A_775 : vector<16xi32> to vector<1x16xi32>
    tpu.vector_store %arg6[%swap3A_801, %swap3A_802], %swap3A_805 {strides = array<i32>} : memref<18x128xi32, #tpu.memory_space<vmem>>, vector<1x16xi32>,
    %swap3A_806 = arith.constant 16 : i32
    %swap3A_807 = arith.index_cast %swap3A_806 : i32 to index
    %swap3A_808 = arith.constant 80 : index
    %swap3A_809 = tpu.vector_load %arg6[%swap3A_807, %swap3A_808] {strides = array<i32>} : memref<18x128xi32, #tpu.memory_space<vmem>>, vector<1x16xi32>,
    %swap3A_810 = vector.shape_cast %swap3A_809 : vector<1x16xi32> to vector<16xi32>
    %swap3A_811 = vector.shape_cast %broadcast_in_dim3A_775 : vector<16xi32> to vector<1x16xi32>
    tpu.vector_store %arg6[%swap3A_807, %swap3A_808], %swap3A_811 {strides = array<i32>} : memref<18x128xi32, #tpu.memory_space<vmem>>, vector<1x16xi32>,
    %swap3A_812 = arith.constant 16 : i32
    %swap3A_813 = arith.index_cast %swap3A_812 : i32 to index
    %swap3A_814 = arith.constant 96 : index
    %swap3A_815 = tpu.vector_load %arg6[%swap3A_813, %swap3A_814] {strides = array<i32>} : memref<18x128xi32, #tpu.memory_space<vmem>>, vector<1x16xi32>,
    %swap3A_816 = vector.shape_cast %swap3A_815 : vector<1x16xi32> to vector<16xi32>
    %swap3A_817 = vector.shape_cast %broadcast_in_dim3A_775 : vector<16xi32> to vector<1x16xi32>
    tpu.vector_store %arg6[%swap3A_813, %swap3A_814], %swap3A_817 {strides = array<i32>} : memref<18x128xi32, #tpu.memory_space<vmem>>, vector<1x16xi32>,
    %swap3A_818 = arith.constant 16 : i32
    %swap3A_819 = arith.index_cast %swap3A_818 : i32 to index
    %swap3A_820 = arith.constant 112 : index
    %swap3A_821 = tpu.vector_load %arg6[%swap3A_819, %swap3A_820] {strides = array<i32>} : memref<18x128xi32, #tpu.memory_space<vmem>>, vector<1x16xi32>,
    %swap3A_822 = vector.shape_cast %swap3A_821 : vector<1x16xi32> to vector<16xi32>
    %swap3A_823 = vector.shape_cast %broadcast_in_dim3A_775 : vector<16xi32> to vector<1x16xi32>
    tpu.vector_store %arg6[%swap3A_819, %swap3A_820], %swap3A_823 {strides = array<i32>} : memref<18x128xi32, #tpu.memory_space<vmem>>, vector<1x16xi32>,
    %swap3A_824 = arith.constant 17 : i32
    %swap3A_825 = arith.index_cast %swap3A_824 : i32 to index
    %swap3A_826 = arith.constant 0 : index
    %swap3A_827 = tpu.vector_load %arg6[%swap3A_825, %swap3A_826] {strides = array<i32>} : memref<18x128xi32, #tpu.memory_space<vmem>>, vector<1x16xi32>,
    %swap3A_828 = vector.shape_cast %swap3A_827 : vector<1x16xi32> to vector<16xi32>
    %swap3A_829 = vector.shape_cast %broadcast_in_dim3A_775 : vector<16xi32> to vector<1x16xi32>
    tpu.vector_store %arg6[%swap3A_825, %swap3A_826], %swap3A_829 {strides = array<i32>} : memref<18x128xi32, #tpu.memory_space<vmem>>, vector<1x16xi32>,
    %swap3A_830 = arith.constant 17 : i32
    %swap3A_831 = arith.index_cast %swap3A_830 : i32 to index
    %swap3A_832 = arith.constant 16 : index
    %swap3A_833 = tpu.vector_load %arg6[%swap3A_831, %swap3A_832] {strides = array<i32>} : memref<18x128xi32, #tpu.memory_space<vmem>>, vector<1x16xi32>,
    %swap3A_834 = vector.shape_cast %swap3A_833 : vector<1x16xi32> to vector<16xi32>
    %swap3A_835 = vector.shape_cast %broadcast_in_dim3A_775 : vector<16xi32> to vector<1x16xi32>
    tpu.vector_store %arg6[%swap3A_831, %swap3A_832], %swap3A_835 {strides = array<i32>} : memref<18x128xi32, #tpu.memory_space<vmem>>, vector<1x16xi32>,
    %swap3A_836 = arith.constant 17 : i32
    %swap3A_837 = arith.index_cast %swap3A_836 : i32 to index
    %swap3A_838 = arith.constant 32 : index
    %swap3A_839 = tpu.vector_load %arg6[%swap3A_837, %swap3A_838] {strides = array<i32>} : memref<18x128xi32, #tpu.memory_space<vmem>>, vector<1x16xi32>,
    %swap3A_840 = vector.shape_cast %swap3A_839 : vector<1x16xi32> to vector<16xi32>
    %swap3A_841 = vector.shape_cast %broadcast_in_dim3A_775 : vector<16xi32> to vector<1x16xi32>
    tpu.vector_store %arg6[%swap3A_837, %swap3A_838], %swap3A_841 {strides = array<i32>} : memref<18x128xi32, #tpu.memory_space<vmem>>, vector<1x16xi32>,
    %swap3A_842 = arith.constant 17 : i32
    %swap3A_843 = arith.index_cast %swap3A_842 : i32 to index
    %swap3A_844 = arith.constant 48 : index
    %swap3A_845 = tpu.vector_load %arg6[%swap3A_843, %swap3A_844] {strides = array<i32>} : memref<18x128xi32, #tpu.memory_space<vmem>>, vector<1x16xi32>,
    %swap3A_846 = vector.shape_cast %swap3A_845 : vector<1x16xi32> to vector<16xi32>
    %swap3A_847 = vector.shape_cast %broadcast_in_dim3A_775 : vector<16xi32> to vector<1x16xi32>
    tpu.vector_store %arg6[%swap3A_843, %swap3A_844], %swap3A_847 {strides = array<i32>} : memref<18x128xi32, #tpu.memory_space<vmem>>, vector<1x16xi32>,
    %swap3A_848 = arith.constant 17 : i32
    %swap3A_849 = arith.index_cast %swap3A_848 : i32 to index
    %swap3A_850 = arith.constant 64 : index
    %swap3A_851 = tpu.vector_load %arg6[%swap3A_849, %swap3A_850] {strides = array<i32>} : memref<18x128xi32, #tpu.memory_space<vmem>>, vector<1x16xi32>,
    %swap3A_852 = vector.shape_cast %swap3A_851 : vector<1x16xi32> to vector<16xi32>
    %swap3A_853 = vector.shape_cast %broadcast_in_dim3A_775 : vector<16xi32> to vector<1x16xi32>
    tpu.vector_store %arg6[%swap3A_849, %swap3A_850], %swap3A_853 {strides = array<i32>} : memref<18x128xi32, #tpu.memory_space<vmem>>, vector<1x16xi32>,
    %swap3A_854 = arith.constant 17 : i32
    %swap3A_855 = arith.index_cast %swap3A_854 : i32 to index
    %swap3A_856 = arith.constant 80 : index
    %swap3A_857 = tpu.vector_load %arg6[%swap3A_855, %swap3A_856] {strides = array<i32>} : memref<18x128xi32, #tpu.memory_space<vmem>>, vector<1x16xi32>,
    %swap3A_858 = vector.shape_cast %swap3A_857 : vector<1x16xi32> to vector<16xi32>
    %swap3A_859 = vector.shape_cast %broadcast_in_dim3A_775 : vector<16xi32> to vector<1x16xi32>
    tpu.vector_store %arg6[%swap3A_855, %swap3A_856], %swap3A_859 {strides = array<i32>} : memref<18x128xi32, #tpu.memory_space<vmem>>, vector<1x16xi32>,
    %swap3A_860 = arith.constant 17 : i32
    %swap3A_861 = arith.index_cast %swap3A_860 : i32 to index
    %swap3A_862 = arith.constant 96 : index
    %swap3A_863 = tpu.vector_load %arg6[%swap3A_861, %swap3A_862] {strides = array<i32>} : memref<18x128xi32, #tpu.memory_space<vmem>>, vector<1x16xi32>,
    %swap3A_864 = vector.shape_cast %swap3A_863 : vector<1x16xi32> to vector<16xi32>
    %swap3A_865 = vector.shape_cast %broadcast_in_dim3A_775 : vector<16xi32> to vector<1x16xi32>
    tpu.vector_store %arg6[%swap3A_861, %swap3A_862], %swap3A_865 {strides = array<i32>} : memref<18x128xi32, #tpu.memory_space<vmem>>, vector<1x16xi32>,
    %swap3A_866 = arith.constant 17 : i32
    %swap3A_867 = arith.index_cast %swap3A_866 : i32 to index
    %swap3A_868 = arith.constant 112 : index
    %swap3A_869 = tpu.vector_load %arg6[%swap3A_867, %swap3A_868] {strides = array<i32>} : memref<18x128xi32, #tpu.memory_space<vmem>>, vector<1x16xi32>,
    %swap3A_870 = vector.shape_cast %swap3A_869 : vector<1x16xi32> to vector<16xi32>
    %swap3A_871 = vector.shape_cast %broadcast_in_dim3A_775 : vector<16xi32> to vector<1x16xi32>
    tpu.vector_store %arg6[%swap3A_867, %swap3A_868], %swap3A_871 {strides = array<i32>} : memref<18x128xi32, #tpu.memory_space<vmem>>, vector<1x16xi32>,
    %barrier3A = arith.constant 0 : index
    tpu.barrier barrier_id(%barrier3A)
    %scan3A_872 = arith.constant 0 : i32
    %scan3A_873 = arith.constant 0 : i32
    %scan3A_874 = arith.constant 5 : i32
    %scan3A_875 = arith.addi %scan3A_873, %scan3A_874 : i32
    %scan3A_876 = arith.constant 1 : i32
    scf.for %scan3A_883 = %scan3A_873 to %scan3A_875 step %scan3A_876  : i32 {
      %mul3A_884 = arith.constant 80 : i32
      %mul3A_885 = arith.muli %add3A, %mul3A_884 : i32
      %mul3A_886 = arith.constant 16 : i32
      %mul3A_887 = arith.muli %scan3A_883, %mul3A_886 : i32
      %add3A_888 = arith.addi %mul3A_885, %mul3A_887 : i32
      "tpu.region"() ({
        %run_scoped3A = tpu.sem_alloc : memref<!tpu.dma_semaphore, #tpu.memory_space<semaphore_mem>>
        %dma_start3A_941 = arith.constant 0 : i32
        %dma_start3A_942 = arith.constant 0 : i32
        %dma_start3A_943 = tpu.memref_slice %arg6[%dma_start3A_941, %dma_start3A_942] : memref<18x128xi32, #tpu.memory_space<vmem>> -> memref<16x128xi32, #tpu.memory_space<vmem>>
        %dma_start3A_944 = arith.constant 0 : i32
        %dma_start3A_945 = tpu.memref_slice %arg3[%add3A_888, %dma_start3A_944] : memref<2560x128xi32, #tpu.memory_space<hbm>> -> memref<16x128xi32, #tpu.memory_space<hbm>>
        %dma_start3A_946 = arith.constant 0 : i32
        %dma_start3A_947 = arith.constant 0 : i32
        %dma_start3A_948 = tpu.memref_slice %arg6[%dma_start3A_946, %dma_start3A_947] : memref<18x128xi32, #tpu.memory_space<vmem>> -> memref<16x128xi32, #tpu.memory_space<vmem>>
        %dma_start3A_949 = arith.constant 0 : i32
        %dma_start3A_950 = tpu.memref_slice %arg3[%add3A_888, %dma_start3A_949] : memref<2560x128xi32, #tpu.memory_space<hbm>> -> memref<16x128xi32, #tpu.memory_space<hbm>>
        tpu.enqueue_dma source(%dma_start3A_950 : memref<16x128xi32, #tpu.memory_space<hbm>>) target(%dma_start3A_948 : memref<16x128xi32, #tpu.memory_space<vmem>>) target_semaphore(%run_scoped3A : memref<!tpu.dma_semaphore, #tpu.memory_space<semaphore_mem>>)
        %dma_wait3A_951 = arith.constant 0 : i32
        %dma_wait3A_952 = arith.constant 0 : i32
        %dma_wait3A_953 = tpu.memref_slice %arg6[%dma_wait3A_951, %dma_wait3A_952] : memref<18x128xi32, #tpu.memory_space<vmem>> -> memref<16x128xi32, #tpu.memory_space<vmem>>
        %dma_wait3A_954 = arith.constant 0 : i32
        %dma_wait3A_955 = tpu.memref_slice %arg3[%add3A_888, %dma_wait3A_954] : memref<2560x128xi32, #tpu.memory_space<hbm>> -> memref<16x128xi32, #tpu.memory_space<hbm>>
        %dma_wait3A_956 = arith.constant 0 : i32
        %dma_wait3A_957 = arith.constant 0 : i32
        %dma_wait3A_958 = tpu.memref_slice %arg6[%dma_wait3A_956, %dma_wait3A_957] : memref<18x128xi32, #tpu.memory_space<vmem>> -> memref<16x128xi32, #tpu.memory_space<vmem>>
        %dma_wait3A_959 = arith.constant 0 : i32
        %dma_wait3A_960 = tpu.memref_slice %arg3[%add3A_888, %dma_wait3A_959] : memref<2560x128xi32, #tpu.memory_space<hbm>> -> memref<16x128xi32, #tpu.memory_space<hbm>>
        tpu.wait_dma2 semaphore(%run_scoped3A : memref<!tpu.dma_semaphore, #tpu.memory_space<semaphore_mem>>) src(%dma_wait3A_960 : memref<16x128xi32, #tpu.memory_space<hbm>>) dst(%dma_wait3A_958 : memref<16x128xi32, #tpu.memory_space<vmem>>)
        tpu.yield
      }) : () -> ()
      "tpu.region"() ({
        %run_scoped3A = tpu.sem_alloc : memref<!tpu.dma_semaphore, #tpu.memory_space<semaphore_mem>>
        %dma_start3A_941 = arith.constant 0 : i32
        %dma_start3A_942 = tpu.memref_slice %arg4[%add3A_888, %dma_start3A_941] : memref<2560x128xi32, #tpu.memory_space<hbm>> -> memref<16x128xi32, #tpu.memory_space<hbm>>
        %dma_start3A_943 = arith.constant 0 : i32
        %dma_start3A_944 = tpu.memref_slice %arg4[%add3A_888, %dma_start3A_943] : memref<2560x128xi32, #tpu.memory_space<hbm>> -> memref<16x128xi32, #tpu.memory_space<hbm>>
        tpu.enqueue_dma source(%dma_start3A_944 : memref<16x128xi32, #tpu.memory_space<hbm>>) target(%arg7 : memref<16x128xi32, #tpu.memory_space<vmem>>) target_semaphore(%run_scoped3A : memref<!tpu.dma_semaphore, #tpu.memory_space<semaphore_mem>>)
        %dma_wait3A_945 = arith.constant 0 : i32
        %dma_wait3A_946 = tpu.memref_slice %arg4[%add3A_888, %dma_wait3A_945] : memref<2560x128xi32, #tpu.memory_space<hbm>> -> memref<16x128xi32, #tpu.memory_space<hbm>>
        %dma_wait3A_947 = arith.constant 0 : i32
        %dma_wait3A_948 = tpu.memref_slice %arg4[%add3A_888, %dma_wait3A_947] : memref<2560x128xi32, #tpu.memory_space<hbm>> -> memref<16x128xi32, #tpu.memory_space<hbm>>
        tpu.wait_dma2 semaphore(%run_scoped3A : memref<!tpu.dma_semaphore, #tpu.memory_space<semaphore_mem>>) src(%dma_wait3A_948 : memref<16x128xi32, #tpu.memory_space<hbm>>) dst(%arg7 : memref<16x128xi32, #tpu.memory_space<vmem>>)
        tpu.yield
      }) : () -> ()
      %dma_start3A = arith.constant 0 : i32
      %dma_start3A_889 = arith.constant 0 : i32
      %dma_start3A_890 = arith.constant 0 : i32
      %dma_start3A_891 = arith.constant 0 : i32
      %dma_start3A_892 = tpu.memref_slice %arg8[%dma_start3A_889, %dma_start3A_890, %dma_start3A_891] : memref<2x128x128xf32, #tpu.memory_space<vmem>> -> memref<1x128x128xf32, #tpu.memory_space<vmem>>
      %dma_start3A_893 = tpu.memref_squeeze %dma_start3A_892 : memref<1x128x128xf32, #tpu.memory_space<vmem>> -> memref<128x128xf32, #tpu.memory_space<vmem>>
      %dma_start3A_894 = arith.constant 0 : i32
      %dma_start3A_895 = tpu.memref_slice %arg6[%dma_start3A, %dma_start3A_894] : memref<18x128xi32, #tpu.memory_space<vmem>> -> memref<1x128xi32, #tpu.memory_space<vmem>>
      %dma_start3A_896 = tpu.memref_squeeze %dma_start3A_895 : memref<1x128xi32, #tpu.memory_space<vmem>> -> memref<128xi32, #tpu.memory_space<vmem>>
      %dma_start3A_897 = arith.constant 0 : i32
      %dma_start3A_898 = arith.constant 0 : i32
      %dma_start3A_899 = tpu.memref_slice %arg2[%dma_start3A_897, %dma_start3A_898] : memref<10000x128xf32, #tpu.memory_space<hbm>> -> memref<10000x128xf32, #tpu.memory_space<hbm>>
      tpu.enqueue_indirect_dma source(%dma_start3A_899 : memref<10000x128xf32, #tpu.memory_space<hbm>>) target(%dma_start3A_893 : memref<128x128xf32, #tpu.memory_space<vmem>>) offsets(%dma_start3A_896 : memref<128xi32, #tpu.memory_space<vmem>>) semaphore(%arg11 : memref<!tpu.dma_semaphore, #tpu.memory_space<semaphore_mem>>)
      %dma_start3A_900 = arith.constant 1 : i32
      %dma_start3A_901 = arith.constant 1 : i32
      %dma_start3A_902 = arith.constant 0 : i32
      %dma_start3A_903 = arith.constant 0 : i32
      %dma_start3A_904 = tpu.memref_slice %arg8[%dma_start3A_901, %dma_start3A_902, %dma_start3A_903] : memref<2x128x128xf32, #tpu.memory_space<vmem>> -> memref<1x128x128xf32, #tpu.memory_space<vmem>>
      %dma_start3A_905 = tpu.memref_squeeze %dma_start3A_904 : memref<1x128x128xf32, #tpu.memory_space<vmem>> -> memref<128x128xf32, #tpu.memory_space<vmem>>
      %dma_start3A_906 = arith.constant 0 : i32
      %dma_start3A_907 = tpu.memref_slice %arg6[%dma_start3A_900, %dma_start3A_906] : memref<18x128xi32, #tpu.memory_space<vmem>> -> memref<1x128xi32, #tpu.memory_space<vmem>>
      %dma_start3A_908 = tpu.memref_squeeze %dma_start3A_907 : memref<1x128xi32, #tpu.memory_space<vmem>> -> memref<128xi32, #tpu.memory_space<vmem>>
      %dma_start3A_909 = arith.constant 0 : i32
      %dma_start3A_910 = arith.constant 0 : i32
      %dma_start3A_911 = tpu.memref_slice %arg2[%dma_start3A_909, %dma_start3A_910] : memref<10000x128xf32, #tpu.memory_space<hbm>> -> memref<10000x128xf32, #tpu.memory_space<hbm>>
      tpu.enqueue_indirect_dma source(%dma_start3A_911 : memref<10000x128xf32, #tpu.memory_space<hbm>>) target(%dma_start3A_905 : memref<128x128xf32, #tpu.memory_space<vmem>>) offsets(%dma_start3A_908 : memref<128xi32, #tpu.memory_space<vmem>>) semaphore(%arg12 : memref<!tpu.dma_semaphore, #tpu.memory_space<semaphore_mem>>)
      %scan3A_912 = arith.constant 0 : i32
      %scan3A_913 = arith.constant 0 : i32
      %scan3A_914 = arith.constant 8 : i32
      %scan3A_915 = arith.addi %scan3A_913, %scan3A_914 : i32
      %scan3A_916 = arith.constant 1 : i32
      scf.for %scan3A_941 = %scan3A_913 to %scan3A_915 step %scan3A_916  : i32 {
        %mul3A_942 = arith.constant 2 : i32
        %mul3A_943 = arith.muli %scan3A_941, %mul3A_942 : i32
        %add3A_944 = arith.constant 0 : i32
        %add3A_945 = arith.addi %mul3A_943, %add3A_944 : i32
        %dma_wait3A_946 = arith.constant 0 : i32
        %dma_wait3A_947 = arith.constant 0 : i32
        %dma_wait3A_948 = arith.constant 0 : i32
        %dma_wait3A_949 = tpu.memref_slice %arg8[%dma_wait3A_946, %dma_wait3A_947, %dma_wait3A_948] : memref<2x128x128xf32, #tpu.memory_space<vmem>> -> memref<1x128x128xf32, #tpu.memory_space<vmem>>
        %dma_wait3A_950 = tpu.memref_squeeze %dma_wait3A_949 : memref<1x128x128xf32, #tpu.memory_space<vmem>> -> memref<128x128xf32, #tpu.memory_space<vmem>>
        %dma_wait3A_951 = arith.constant 0 : i32
        %dma_wait3A_952 = tpu.memref_slice %arg6[%add3A_945, %dma_wait3A_951] : memref<18x128xi32, #tpu.memory_space<vmem>> -> memref<1x128xi32, #tpu.memory_space<vmem>>
        %dma_wait3A_953 = tpu.memref_squeeze %dma_wait3A_952 : memref<1x128xi32, #tpu.memory_space<vmem>> -> memref<128xi32, #tpu.memory_space<vmem>>
        %dma_wait3A_954 = arith.constant 0 : i32
        %dma_wait3A_955 = arith.constant 0 : i32
        %dma_wait3A_956 = tpu.memref_slice %arg2[%dma_wait3A_954, %dma_wait3A_955] : memref<10000x128xf32, #tpu.memory_space<hbm>> -> memref<10000x128xf32, #tpu.memory_space<hbm>>
        tpu.wait_indirect_dma semaphore(%arg11 : memref<!tpu.dma_semaphore, #tpu.memory_space<semaphore_mem>>) src(%dma_wait3A_956 : memref<10000x128xf32, #tpu.memory_space<hbm>>) dst(%dma_wait3A_950 : memref<128x128xf32, #tpu.memory_space<vmem>>)
        %run_scoped3A = arith.constant 0 : i32
        "tpu.region"() ({
          %run_scoped3A_999 = tpu.sem_alloc : memref<!tpu.dma_semaphore, #tpu.memory_space<semaphore_mem>>
          %dma_start3A_1000 = arith.constant 0 : i32
          %dma_start3A_1001 = arith.constant 0 : i32
          %dma_start3A_1002 = tpu.memref_slice %arg8[%run_scoped3A, %dma_start3A_1000, %dma_start3A_1001] : memref<2x128x128xf32, #tpu.memory_space<vmem>> -> memref<1x128x128xf32, #tpu.memory_space<vmem>>
          %dma_start3A_1003 = tpu.memref_squeeze %dma_start3A_1002 : memref<1x128x128xf32, #tpu.memory_space<vmem>> -> memref<128x128xf32, #tpu.memory_space<vmem>>
          %dma_start3A_1004 = arith.constant 0 : i32
          %dma_start3A_1005 = tpu.memref_slice %arg7[%add3A_945, %dma_start3A_1004] : memref<16x128xi32, #tpu.memory_space<vmem>> -> memref<1x128xi32, #tpu.memory_space<vmem>>
          %dma_start3A_1006 = tpu.memref_squeeze %dma_start3A_1005 : memref<1x128xi32, #tpu.memory_space<vmem>> -> memref<128xi32, #tpu.memory_space<vmem>>
          %dma_start3A_1007 = arith.constant 0 : i32
          %dma_start3A_1008 = arith.constant 0 : i32
          %dma_start3A_1009 = tpu.memref_slice %arg10[%dma_start3A_1007, %dma_start3A_1008] : memref<10240x128xf32, #tpu.memory_space<vmem_shared>> -> memref<10240x128xf32, #tpu.memory_space<vmem_shared>>
          tpu.enqueue_indirect_dma source(%dma_start3A_1003 : memref<128x128xf32, #tpu.memory_space<vmem>>) target(%dma_start3A_1009 : memref<10240x128xf32, #tpu.memory_space<vmem_shared>>) offsets(%dma_start3A_1006 : memref<128xi32, #tpu.memory_space<vmem>>) semaphore(%run_scoped3A_999 : memref<!tpu.dma_semaphore, #tpu.memory_space<semaphore_mem>>) {add = true}
          %dma_wait3A_1010 = arith.constant 0 : i32
          %dma_wait3A_1011 = arith.constant 0 : i32
          %dma_wait3A_1012 = tpu.memref_slice %arg8[%run_scoped3A, %dma_wait3A_1010, %dma_wait3A_1011] : memref<2x128x128xf32, #tpu.memory_space<vmem>> -> memref<1x128x128xf32, #tpu.memory_space<vmem>>
          %dma_wait3A_1013 = tpu.memref_squeeze %dma_wait3A_1012 : memref<1x128x128xf32, #tpu.memory_space<vmem>> -> memref<128x128xf32, #tpu.memory_space<vmem>>
          %dma_wait3A_1014 = arith.constant 0 : i32
          %dma_wait3A_1015 = tpu.memref_slice %arg7[%add3A_945, %dma_wait3A_1014] : memref<16x128xi32, #tpu.memory_space<vmem>> -> memref<1x128xi32, #tpu.memory_space<vmem>>
          %dma_wait3A_1016 = tpu.memref_squeeze %dma_wait3A_1015 : memref<1x128xi32, #tpu.memory_space<vmem>> -> memref<128xi32, #tpu.memory_space<vmem>>
          %dma_wait3A_1017 = arith.constant 0 : i32
          %dma_wait3A_1018 = arith.constant 0 : i32
          %dma_wait3A_1019 = tpu.memref_slice %arg10[%dma_wait3A_1017, %dma_wait3A_1018] : memref<10240x128xf32, #tpu.memory_space<vmem_shared>> -> memref<10240x128xf32, #tpu.memory_space<vmem_shared>>
          tpu.wait_indirect_dma semaphore(%run_scoped3A_999 : memref<!tpu.dma_semaphore, #tpu.memory_space<semaphore_mem>>) src(%dma_wait3A_1013 : memref<128x128xf32, #tpu.memory_space<vmem>>) dst(%dma_wait3A_1019 : memref<10240x128xf32, #tpu.memory_space<vmem_shared>>)
          tpu.yield
        }) : () -> ()
        %add3A_957 = arith.constant 2 : i32
        %add3A_958 = arith.addi %add3A_945, %add3A_957 : i32
        %dma_start3A_959 = arith.constant 0 : i32
        %dma_start3A_960 = arith.constant 0 : i32
        %dma_start3A_961 = arith.constant 0 : i32
        %dma_start3A_962 = tpu.memref_slice %arg8[%dma_start3A_959, %dma_start3A_960, %dma_start3A_961] : memref<2x128x128xf32, #tpu.memory_space<vmem>> -> memref<1x128x128xf32, #tpu.memory_space<vmem>>
        %dma_start3A_963 = tpu.memref_squeeze %dma_start3A_962 : memref<1x128x128xf32, #tpu.memory_space<vmem>> -> memref<128x128xf32, #tpu.memory_space<vmem>>
        %dma_start3A_964 = arith.constant 0 : i32
        %dma_start3A_965 = tpu.memref_slice %arg6[%add3A_958, %dma_start3A_964] : memref<18x128xi32, #tpu.memory_space<vmem>> -> memref<1x128xi32, #tpu.memory_space<vmem>>
        %dma_start3A_966 = tpu.memref_squeeze %dma_start3A_965 : memref<1x128xi32, #tpu.memory_space<vmem>> -> memref<128xi32, #tpu.memory_space<vmem>>
        %dma_start3A_967 = arith.constant 0 : i32
        %dma_start3A_968 = arith.constant 0 : i32
        %dma_start3A_969 = tpu.memref_slice %arg2[%dma_start3A_967, %dma_start3A_968] : memref<10000x128xf32, #tpu.memory_space<hbm>> -> memref<10000x128xf32, #tpu.memory_space<hbm>>
        tpu.enqueue_indirect_dma source(%dma_start3A_969 : memref<10000x128xf32, #tpu.memory_space<hbm>>) target(%dma_start3A_963 : memref<128x128xf32, #tpu.memory_space<vmem>>) offsets(%dma_start3A_966 : memref<128xi32, #tpu.memory_space<vmem>>) semaphore(%arg11 : memref<!tpu.dma_semaphore, #tpu.memory_space<semaphore_mem>>)
        %mul3A_970 = arith.constant 2 : i32
        %mul3A_971 = arith.muli %scan3A_941, %mul3A_970 : i32
        %add3A_972 = arith.constant 1 : i32
        %add3A_973 = arith.addi %mul3A_971, %add3A_972 : i32
        %dma_wait3A_974 = arith.constant 1 : i32
        %dma_wait3A_975 = arith.constant 0 : i32
        %dma_wait3A_976 = arith.constant 0 : i32
        %dma_wait3A_977 = tpu.memref_slice %arg8[%dma_wait3A_974, %dma_wait3A_975, %dma_wait3A_976] : memref<2x128x128xf32, #tpu.memory_space<vmem>> -> memref<1x128x128xf32, #tpu.memory_space<vmem>>
        %dma_wait3A_978 = tpu.memref_squeeze %dma_wait3A_977 : memref<1x128x128xf32, #tpu.memory_space<vmem>> -> memref<128x128xf32, #tpu.memory_space<vmem>>
        %dma_wait3A_979 = arith.constant 0 : i32
        %dma_wait3A_980 = tpu.memref_slice %arg6[%add3A_973, %dma_wait3A_979] : memref<18x128xi32, #tpu.memory_space<vmem>> -> memref<1x128xi32, #tpu.memory_space<vmem>>
        %dma_wait3A_981 = tpu.memref_squeeze %dma_wait3A_980 : memref<1x128xi32, #tpu.memory_space<vmem>> -> memref<128xi32, #tpu.memory_space<vmem>>
        %dma_wait3A_982 = arith.constant 0 : i32
        %dma_wait3A_983 = arith.constant 0 : i32
        %dma_wait3A_984 = tpu.memref_slice %arg2[%dma_wait3A_982, %dma_wait3A_983] : memref<10000x128xf32, #tpu.memory_space<hbm>> -> memref<10000x128xf32, #tpu.memory_space<hbm>>
        tpu.wait_indirect_dma semaphore(%arg12 : memref<!tpu.dma_semaphore, #tpu.memory_space<semaphore_mem>>) src(%dma_wait3A_984 : memref<10000x128xf32, #tpu.memory_space<hbm>>) dst(%dma_wait3A_978 : memref<128x128xf32, #tpu.memory_space<vmem>>)
        %run_scoped3A_985 = arith.constant 1 : i32
        "tpu.region"() ({
          %run_scoped3A_999 = tpu.sem_alloc : memref<!tpu.dma_semaphore, #tpu.memory_space<semaphore_mem>>
          %dma_start3A_1000 = arith.constant 0 : i32
          %dma_start3A_1001 = arith.constant 0 : i32
          %dma_start3A_1002 = tpu.memref_slice %arg8[%run_scoped3A_985, %dma_start3A_1000, %dma_start3A_1001] : memref<2x128x128xf32, #tpu.memory_space<vmem>> -> memref<1x128x128xf32, #tpu.memory_space<vmem>>
          %dma_start3A_1003 = tpu.memref_squeeze %dma_start3A_1002 : memref<1x128x128xf32, #tpu.memory_space<vmem>> -> memref<128x128xf32, #tpu.memory_space<vmem>>
          %dma_start3A_1004 = arith.constant 0 : i32
          %dma_start3A_1005 = tpu.memref_slice %arg7[%add3A_973, %dma_start3A_1004] : memref<16x128xi32, #tpu.memory_space<vmem>> -> memref<1x128xi32, #tpu.memory_space<vmem>>
          %dma_start3A_1006 = tpu.memref_squeeze %dma_start3A_1005 : memref<1x128xi32, #tpu.memory_space<vmem>> -> memref<128xi32, #tpu.memory_space<vmem>>
          %dma_start3A_1007 = arith.constant 0 : i32
          %dma_start3A_1008 = arith.constant 0 : i32
          %dma_start3A_1009 = tpu.memref_slice %arg10[%dma_start3A_1007, %dma_start3A_1008] : memref<10240x128xf32, #tpu.memory_space<vmem_shared>> -> memref<10240x128xf32, #tpu.memory_space<vmem_shared>>
          tpu.enqueue_indirect_dma source(%dma_start3A_1003 : memref<128x128xf32, #tpu.memory_space<vmem>>) target(%dma_start3A_1009 : memref<10240x128xf32, #tpu.memory_space<vmem_shared>>) offsets(%dma_start3A_1006 : memref<128xi32, #tpu.memory_space<vmem>>) semaphore(%run_scoped3A_999 : memref<!tpu.dma_semaphore, #tpu.memory_space<semaphore_mem>>) {add = true}
          %dma_wait3A_1010 = arith.constant 0 : i32
          %dma_wait3A_1011 = arith.constant 0 : i32
          %dma_wait3A_1012 = tpu.memref_slice %arg8[%run_scoped3A_985, %dma_wait3A_1010, %dma_wait3A_1011] : memref<2x128x128xf32, #tpu.memory_space<vmem>> -> memref<1x128x128xf32, #tpu.memory_space<vmem>>
          %dma_wait3A_1013 = tpu.memref_squeeze %dma_wait3A_1012 : memref<1x128x128xf32, #tpu.memory_space<vmem>> -> memref<128x128xf32, #tpu.memory_space<vmem>>
          %dma_wait3A_1014 = arith.constant 0 : i32
          %dma_wait3A_1015 = tpu.memref_slice %arg7[%add3A_973, %dma_wait3A_1014] : memref<16x128xi32, #tpu.memory_space<vmem>> -> memref<1x128xi32, #tpu.memory_space<vmem>>
          %dma_wait3A_1016 = tpu.memref_squeeze %dma_wait3A_1015 : memref<1x128xi32, #tpu.memory_space<vmem>> -> memref<128xi32, #tpu.memory_space<vmem>>
          %dma_wait3A_1017 = arith.constant 0 : i32
          %dma_wait3A_1018 = arith.constant 0 : i32
          %dma_wait3A_1019 = tpu.memref_slice %arg10[%dma_wait3A_1017, %dma_wait3A_1018] : memref<10240x128xf32, #tpu.memory_space<vmem_shared>> -> memref<10240x128xf32, #tpu.memory_space<vmem_shared>>
          tpu.wait_indirect_dma semaphore(%run_scoped3A_999 : memref<!tpu.dma_semaphore, #tpu.memory_space<semaphore_mem>>) src(%dma_wait3A_1013 : memref<128x128xf32, #tpu.memory_space<vmem>>) dst(%dma_wait3A_1019 : memref<10240x128xf32, #tpu.memory_space<vmem_shared>>)
          tpu.yield
        }) : () -> ()
        %add3A_986 = arith.constant 2 : i32
        %add3A_987 = arith.addi %add3A_973, %add3A_986 : i32
        %dma_start3A_988 = arith.constant 1 : i32
        %dma_start3A_989 = arith.constant 0 : i32
        %dma_start3A_990 = arith.constant 0 : i32
        %dma_start3A_991 = tpu.memref_slice %arg8[%dma_start3A_988, %dma_start3A_989, %dma_start3A_990] : memref<2x128x128xf32, #tpu.memory_space<vmem>> -> memref<1x128x128xf32, #tpu.memory_space<vmem>>
        %dma_start3A_992 = tpu.memref_squeeze %dma_start3A_991 : memref<1x128x128xf32, #tpu.memory_space<vmem>> -> memref<128x128xf32, #tpu.memory_space<vmem>>
        %dma_start3A_993 = arith.constant 0 : i32
        %dma_start3A_994 = tpu.memref_slice %arg6[%add3A_987, %dma_start3A_993] : memref<18x128xi32, #tpu.memory_space<vmem>> -> memref<1x128xi32, #tpu.memory_space<vmem>>
        %dma_start3A_995 = tpu.memref_squeeze %dma_start3A_994 : memref<1x128xi32, #tpu.memory_space<vmem>> -> memref<128xi32, #tpu.memory_space<vmem>>
        %dma_start3A_996 = arith.constant 0 : i32
        %dma_start3A_997 = arith.constant 0 : i32
        %dma_start3A_998 = tpu.memref_slice %arg2[%dma_start3A_996, %dma_start3A_997] : memref<10000x128xf32, #tpu.memory_space<hbm>> -> memref<10000x128xf32, #tpu.memory_space<hbm>>
        tpu.enqueue_indirect_dma source(%dma_start3A_998 : memref<10000x128xf32, #tpu.memory_space<hbm>>) target(%dma_start3A_992 : memref<128x128xf32, #tpu.memory_space<vmem>>) offsets(%dma_start3A_995 : memref<128xi32, #tpu.memory_space<vmem>>) semaphore(%arg12 : memref<!tpu.dma_semaphore, #tpu.memory_space<semaphore_mem>>)
      }
      %scan3A_917 = arith.constant 8 : i32
      %dma_wait3A = arith.constant 16 : i32
      %dma_wait3A_918 = arith.constant 0 : i32
      %dma_wait3A_919 = arith.constant 0 : i32
      %dma_wait3A_920 = arith.constant 0 : i32
      %dma_wait3A_921 = tpu.memref_slice %arg8[%dma_wait3A_918, %dma_wait3A_919, %dma_wait3A_920] : memref<2x128x128xf32, #tpu.memory_space<vmem>> -> memref<1x128x128xf32, #tpu.memory_space<vmem>>
      %dma_wait3A_922 = tpu.memref_squeeze %dma_wait3A_921 : memref<1x128x128xf32, #tpu.memory_space<vmem>> -> memref<128x128xf32, #tpu.memory_space<vmem>>
      %dma_wait3A_923 = arith.constant 0 : i32
      %dma_wait3A_924 = tpu.memref_slice %arg6[%dma_wait3A, %dma_wait3A_923] : memref<18x128xi32, #tpu.memory_space<vmem>> -> memref<1x128xi32, #tpu.memory_space<vmem>>
      %dma_wait3A_925 = tpu.memref_squeeze %dma_wait3A_924 : memref<1x128xi32, #tpu.memory_space<vmem>> -> memref<128xi32, #tpu.memory_space<vmem>>
      %dma_wait3A_926 = arith.constant 0 : i32
      %dma_wait3A_927 = arith.constant 0 : i32
      %dma_wait3A_928 = tpu.memref_slice %arg2[%dma_wait3A_926, %dma_wait3A_927] : memref<10000x128xf32, #tpu.memory_space<hbm>> -> memref<10000x128xf32, #tpu.memory_space<hbm>>
      tpu.wait_indirect_dma semaphore(%arg11 : memref<!tpu.dma_semaphore, #tpu.memory_space<semaphore_mem>>) src(%dma_wait3A_928 : memref<10000x128xf32, #tpu.memory_space<hbm>>) dst(%dma_wait3A_922 : memref<128x128xf32, #tpu.memory_space<vmem>>)
      %dma_wait3A_929 = arith.constant 17 : i32
      %dma_wait3A_930 = arith.constant 1 : i32
      %dma_wait3A_931 = arith.constant 0 : i32
      %dma_wait3A_932 = arith.constant 0 : i32
      %dma_wait3A_933 = tpu.memref_slice %arg8[%dma_wait3A_930, %dma_wait3A_931, %dma_wait3A_932] : memref<2x128x128xf32, #tpu.memory_space<vmem>> -> memref<1x128x128xf32, #tpu.memory_space<vmem>>
      %dma_wait3A_934 = tpu.memref_squeeze %dma_wait3A_933 : memref<1x128x128xf32, #tpu.memory_space<vmem>> -> memref<128x128xf32, #tpu.memory_space<vmem>>
      %dma_wait3A_935 = arith.constant 0 : i32
      %dma_wait3A_936 = tpu.memref_slice %arg6[%dma_wait3A_929, %dma_wait3A_935] : memref<18x128xi32, #tpu.memory_space<vmem>> -> memref<1x128xi32, #tpu.memory_space<vmem>>
      %dma_wait3A_937 = tpu.memref_squeeze %dma_wait3A_936 : memref<1x128xi32, #tpu.memory_space<vmem>> -> memref<128xi32, #tpu.memory_space<vmem>>
      %dma_wait3A_938 = arith.constant 0 : i32
      %dma_wait3A_939 = arith.constant 0 : i32
      %dma_wait3A_940 = tpu.memref_slice %arg2[%dma_wait3A_938, %dma_wait3A_939] : memref<10000x128xf32, #tpu.memory_space<hbm>> -> memref<10000x128xf32, #tpu.memory_space<hbm>>
      tpu.wait_indirect_dma semaphore(%arg12 : memref<!tpu.dma_semaphore, #tpu.memory_space<semaphore_mem>>) src(%dma_wait3A_940 : memref<10000x128xf32, #tpu.memory_space<hbm>>) dst(%dma_wait3A_934 : memref<128x128xf32, #tpu.memory_space<vmem>>)
    }
    %scan3A_877 = arith.constant 5 : i32
    %barrier3A_878 = arith.constant 0 : index
    tpu.barrier barrier_id(%barrier3A_878)
    %mul3A_879 = arith.constant 640 : i32
    %mul3A_880 = arith.muli %arg1, %mul3A_879 : i32
    %mul3A_881 = arith.constant 640 : i32
    %mul3A_882 = arith.muli %arg1, %mul3A_881 : i32
    "tpu.region"() ({
      %run_scoped3A = tpu.sem_alloc : memref<!tpu.dma_semaphore, #tpu.memory_space<semaphore_mem>>
      %dma_start3A = arith.constant 0 : i32
      %dma_start3A_883 = tpu.memref_slice %arg5[%arg0, %mul3A_882, %dma_start3A] : memref<2x10240x128xf32, #tpu.memory_space<hbm>> -> memref<1x640x128xf32, #tpu.memory_space<hbm>>
      %dma_start3A_884 = tpu.memref_squeeze %dma_start3A_883 : memref<1x640x128xf32, #tpu.memory_space<hbm>> -> memref<640x128xf32, #tpu.memory_space<hbm>>
      %dma_start3A_885 = arith.constant 0 : i32
      %dma_start3A_886 = tpu.memref_slice %arg10[%mul3A_880, %dma_start3A_885] : memref<10240x128xf32, #tpu.memory_space<vmem_shared>> -> memref<640x128xf32, #tpu.memory_space<vmem_shared>>
      tpu.enqueue_dma source(%dma_start3A_886 : memref<640x128xf32, #tpu.memory_space<vmem_shared>>) target(%dma_start3A_884 : memref<640x128xf32, #tpu.memory_space<hbm>>) target_semaphore(%run_scoped3A : memref<!tpu.dma_semaphore, #tpu.memory_space<semaphore_mem>>)
      %dma_wait3A = arith.constant 0 : i32
      %dma_wait3A_887 = tpu.memref_slice %arg5[%arg0, %mul3A_882, %dma_wait3A] : memref<2x10240x128xf32, #tpu.memory_space<hbm>> -> memref<1x640x128xf32, #tpu.memory_space<hbm>>
      %dma_wait3A_888 = tpu.memref_squeeze %dma_wait3A_887 : memref<1x640x128xf32, #tpu.memory_space<hbm>> -> memref<640x128xf32, #tpu.memory_space<hbm>>
      %dma_wait3A_889 = arith.constant 0 : i32
      %dma_wait3A_890 = tpu.memref_slice %arg10[%mul3A_880, %dma_wait3A_889] : memref<10240x128xf32, #tpu.memory_space<vmem_shared>> -> memref<640x128xf32, #tpu.memory_space<vmem_shared>>
      tpu.wait_dma2 semaphore(%run_scoped3A : memref<!tpu.dma_semaphore, #tpu.memory_space<semaphore_mem>>) src(%dma_wait3A_890 : memref<640x128xf32, #tpu.memory_space<vmem_shared>>) dst(%dma_wait3A_888 : memref<640x128xf32, #tpu.memory_space<hbm>>)
      tpu.yield
    }) : () -> ()
    return
  }
}

module attributes {stable_mosaic.version = 14 : i64} {
  func.func @body(%arg0: i32, %arg1: memref<2000x128xf32, #tpu.memory_space<vmem>>, %arg2: memref<128x128xf32, #tpu.memory_space<vmem>>, %arg3: memref<2000x128xf32, #tpu.memory_space<vmem>>) attributes {dimension_semantics = [#tpu.dimension_semantics<arbitrary>], iteration_bounds = array<i64: 5>, scalar_prefetch = 0 : i64, scratch_operands = 0 : i64, tpu.core_type = #tpu.core_type<tc>, window_params = [{transform_indices = @transform_0, window_bounds = array<i64: 2000, 128>}, {pipeline_mode = #tpu.pipeline_mode<synchronous>, transform_indices = @transform_1, window_bounds = array<i64: 128, 128>}, {transform_indices = @transform_2, window_bounds = array<i64: 2000, 128>}]} {
    %get3A = arith.constant 0 : index
    %get3A_0 = arith.constant 0 : index
    %get3A_1 = vector.load %arg1[%get3A, %get3A_0] : memref<2000x128xf32, #tpu.memory_space<vmem>>, vector<2000x128xf32>
    %get3A_2 = arith.constant 0 : index
    %get3A_3 = arith.constant 0 : index
    %get3A_4 = vector.load %arg2[%get3A_2, %get3A_3] : memref<128x128xf32, #tpu.memory_space<vmem>>, vector<128x128xf32>
    %dot_general3A = arith.constant dense<0.000000e+00> : vector<2000x128xf32>
    %dot_general3A_5 = tpu.matmul %get3A_1, %get3A_4, %dot_general3A {dimension_numbers = #tpu.dot_dimension_numbers<[1], [0], [0], [1], [0, 0, 1, 1], [], []>, transpose_lhs_hint = false} : vector<2000x128xf32>, vector<128x128xf32>, vector<2000x128xf32> -> vector<2000x128xf32>
    %swap3A = arith.constant 0 : index
    %swap3A_6 = arith.constant 0 : index
    %swap3A_7 = vector.load %arg3[%swap3A, %swap3A_6] : memref<2000x128xf32, #tpu.memory_space<vmem>>, vector<2000x128xf32>
    tpu.vector_store %arg3[%swap3A, %swap3A_6], %dot_general3A_5 {strides = array<i32>} : memref<2000x128xf32, #tpu.memory_space<vmem>>, vector<2000x128xf32>,
    return
  }
  func.func @transform_0(%arg0: i32) -> (i32, i32) {
    %c0_i32 = arith.constant 0 : i32
    %c0_i32_0 = arith.constant 0 : i32
    return %arg0, %c0_i32 : i32, i32
  }
  func.func @transform_1(%arg0: i32) -> (i32, i32) {
    %c0_i32 = arith.constant 0 : i32
    %c0_i32_0 = arith.constant 0 : i32
    %c0_i32_1 = arith.constant 0 : i32
    return %c0_i32, %c0_i32_0 : i32, i32
  }
  func.func @transform_2(%arg0: i32) -> (i32, i32) {
    %c0_i32 = arith.constant 0 : i32
    %c0_i32_0 = arith.constant 0 : i32
    return %arg0, %c0_i32 : i32, i32
  }
}

module attributes {stable_mosaic.version = 14 : i64} {
  func.func @body(%arg0: i32, %arg1: memref<2000x128xf32, #tpu.memory_space<vmem>>, %arg2: memref<2000x2xf32, #tpu.memory_space<vmem>>, %arg3: memref<2000x128xf32, #tpu.memory_space<vmem>>, %arg4: memref<2000x1xf32, #tpu.memory_space<vmem>>) attributes {dimension_semantics = [#tpu.dimension_semantics<arbitrary>], iteration_bounds = array<i64: 5>, scalar_prefetch = 0 : i64, scratch_operands = 0 : i64, tpu.core_type = #tpu.core_type<tc>, window_params = [{transform_indices = @transform_0, window_bounds = array<i64: 2000, 128>}, {transform_indices = @transform_1, window_bounds = array<i64: 2000, 2>}, {transform_indices = @transform_2, window_bounds = array<i64: 2000, 128>}, {transform_indices = @transform_3, window_bounds = array<i64: 2000, 1>}]} {
    %get3A = arith.constant 0 : index
    %get3A_0 = arith.constant 0 : index
    %get3A_1 = vector.load %arg2[%get3A, %get3A_0] : memref<2000x2xf32, #tpu.memory_space<vmem>>, vector<2000x2xf32>
    %slice3A = vector.extract_strided_slice %get3A_1 {offsets = [0, 0], sizes = [2000, 1], strides = [1, 1]} : vector<2000x2xf32> to vector<2000x1xf32>
    %slice3A_2 = vector.extract_strided_slice %get3A_1 {offsets = [0, 1], sizes = [2000, 1], strides = [1, 1]} : vector<2000x2xf32> to vector<2000x1xf32>
    %add3A = arith.addf %slice3A, %slice3A_2 : vector<2000x1xf32>
    %add3A_3 = arith.constant 1.000000e+00 : f32
    %add3A_4 = vector.broadcast %add3A_3 : f32 to vector<2000x1xf32>
    %add3A_5 = arith.addf %add3A, %add3A_4 : vector<2000x1xf32>
    %max3A = arith.constant 1.000000e+00 : f32
    %max3A_6 = vector.broadcast %max3A : f32 to vector<2000x1xf32>
    %max3A_7 = arith.maximumf %add3A_5, %max3A_6 : vector<2000x1xf32>
    %rsqrt3A = math.rsqrt %max3A_7 : vector<2000x1xf32>
    %swap3A = arith.constant 0 : index
    %swap3A_8 = arith.constant 0 : index
    %swap3A_9 = vector.load %arg4[%swap3A, %swap3A_8] : memref<2000x1xf32, #tpu.memory_space<vmem>>, vector<2000x1xf32>
    tpu.vector_store %arg4[%swap3A, %swap3A_8], %rsqrt3A {strides = array<i32>} : memref<2000x1xf32, #tpu.memory_space<vmem>>, vector<2000x1xf32>,
    %get3A_10 = arith.constant 0 : index
    %get3A_11 = arith.constant 0 : index
    %get3A_12 = vector.load %arg1[%get3A_10, %get3A_11] : memref<2000x128xf32, #tpu.memory_space<vmem>>, vector<2000x128xf32>
    %mul3A = vector.broadcast %rsqrt3A : vector<2000x1xf32> to vector<2000x128xf32>
    %mul3A_13 = arith.mulf %mul3A, %get3A_12 : vector<2000x128xf32>
    %swap3A_14 = arith.constant 0 : index
    %swap3A_15 = arith.constant 0 : index
    %swap3A_16 = vector.load %arg3[%swap3A_14, %swap3A_15] : memref<2000x128xf32, #tpu.memory_space<vmem>>, vector<2000x128xf32>
    tpu.vector_store %arg3[%swap3A_14, %swap3A_15], %mul3A_13 {strides = array<i32>} : memref<2000x128xf32, #tpu.memory_space<vmem>>, vector<2000x128xf32>,
    return
  }
  func.func @transform_0(%arg0: i32) -> (i32, i32) {
    %c0_i32 = arith.constant 0 : i32
    %c0_i32_0 = arith.constant 0 : i32
    return %arg0, %c0_i32 : i32, i32
  }
  func.func @transform_1(%arg0: i32) -> (i32, i32) {
    %c0_i32 = arith.constant 0 : i32
    %c0_i32_0 = arith.constant 0 : i32
    return %arg0, %c0_i32 : i32, i32
  }
  func.func @transform_2(%arg0: i32) -> (i32, i32) {
    %c0_i32 = arith.constant 0 : i32
    %c0_i32_0 = arith.constant 0 : i32
    return %arg0, %c0_i32 : i32, i32
  }
  func.func @transform_3(%arg0: i32) -> (i32, i32) {
    %c0_i32 = arith.constant 0 : i32
    %c0_i32_0 = arith.constant 0 : i32
    return %arg0, %c0_i32 : i32, i32
  }
}

module attributes {stable_mosaic.version = 14 : i64} {
  func.func @body(%arg0: i32, %arg1: memref<1x2000x128xf32, #tpu.memory_space<vmem>>, %arg2: memref<1x2000x128xf32, #tpu.memory_space<vmem>>, %arg3: memref<2000x128xf32, #tpu.memory_space<vmem>>, %arg4: memref<2000x1xf32, #tpu.memory_space<vmem>>, %arg5: memref<128xf32, #tpu.memory_space<vmem>>, %arg6: memref<128x128xf32, #tpu.memory_space<vmem>>, %arg7: memref<2000x128xf32, #tpu.memory_space<vmem>>) attributes {dimension_semantics = [#tpu.dimension_semantics<arbitrary>], iteration_bounds = array<i64: 5>, scalar_prefetch = 0 : i64, scratch_operands = 0 : i64, tpu.core_type = #tpu.core_type<tc>, window_params = [{transform_indices = @transform_0, window_bounds = array<i64: 1, 2000, 128>}, {transform_indices = @transform_1, window_bounds = array<i64: 1, 2000, 128>}, {transform_indices = @transform_2, window_bounds = array<i64: 2000, 128>}, {transform_indices = @transform_3, window_bounds = array<i64: 2000, 1>}, {pipeline_mode = #tpu.pipeline_mode<synchronous>, transform_indices = @transform_4, window_bounds = array<i64: 128>}, {pipeline_mode = #tpu.pipeline_mode<synchronous>, transform_indices = @transform_5, window_bounds = array<i64: 128, 128>}, {transform_indices = @transform_6, window_bounds = array<i64: 2000, 128>}]} {
    %get3A = arith.constant 0 : index
    %get3A_0 = arith.constant 0 : index
    %get3A_1 = vector.load %arg4[%get3A, %get3A_0] : memref<2000x1xf32, #tpu.memory_space<vmem>>, vector<2000x1xf32>
    %get3A_2 = arith.constant 0 : index
    %get3A_3 = arith.constant 0 : index
    %get3A_4 = arith.constant 0 : index
    %get3A_5 = vector.load %arg1[%get3A_2, %get3A_3, %get3A_4] : memref<1x2000x128xf32, #tpu.memory_space<vmem>>, vector<1x2000x128xf32>
    %get3A_6 = vector.shape_cast %get3A_5 : vector<1x2000x128xf32> to vector<2000x128xf32>
    %get3A_7 = arith.constant 0 : index
    %get3A_8 = arith.constant 0 : index
    %get3A_9 = arith.constant 0 : index
    %get3A_10 = vector.load %arg2[%get3A_7, %get3A_8, %get3A_9] : memref<1x2000x128xf32, #tpu.memory_space<vmem>>, vector<1x2000x128xf32>
    %get3A_11 = vector.shape_cast %get3A_10 : vector<1x2000x128xf32> to vector<2000x128xf32>
    %add3A = arith.addf %get3A_6, %get3A_11 : vector<2000x128xf32>
    %get3A_12 = arith.constant 0 : index
    %get3A_13 = arith.constant 0 : index
    %get3A_14 = vector.load %arg3[%get3A_12, %get3A_13] : memref<2000x128xf32, #tpu.memory_space<vmem>>, vector<2000x128xf32>
    %add3A_15 = arith.addf %add3A, %get3A_14 : vector<2000x128xf32>
    %mul3A = vector.broadcast %get3A_1 : vector<2000x1xf32> to vector<2000x128xf32>
    %mul3A_16 = arith.mulf %mul3A, %add3A_15 : vector<2000x128xf32>
    %get3A_17 = arith.constant 0 : index
    %get3A_18 = vector.load %arg5[%get3A_17] : memref<128xf32, #tpu.memory_space<vmem>>, vector<128xf32>
    %broadcast_in_dim3A = vector.shape_cast %get3A_18 : vector<128xf32> to vector<1x128xf32>
    %add3A_19 = vector.broadcast %broadcast_in_dim3A : vector<1x128xf32> to vector<2000x128xf32>
    %add3A_20 = arith.addf %mul3A_16, %add3A_19 : vector<2000x128xf32>
    %max3A = arith.constant 0.000000e+00 : f32
    %max3A_21 = vector.broadcast %max3A : f32 to vector<2000x128xf32>
    %max3A_22 = arith.maximumf %add3A_20, %max3A_21 : vector<2000x128xf32>
    %get3A_23 = arith.constant 0 : index
    %get3A_24 = arith.constant 0 : index
    %get3A_25 = vector.load %arg6[%get3A_23, %get3A_24] : memref<128x128xf32, #tpu.memory_space<vmem>>, vector<128x128xf32>
    %dot_general3A = arith.constant dense<0.000000e+00> : vector<2000x128xf32>
    %dot_general3A_26 = tpu.matmul %max3A_22, %get3A_25, %dot_general3A {dimension_numbers = #tpu.dot_dimension_numbers<[1], [0], [0], [1], [0, 0, 1, 1], [], []>, transpose_lhs_hint = false} : vector<2000x128xf32>, vector<128x128xf32>, vector<2000x128xf32> -> vector<2000x128xf32>
    %mul3A_27 = vector.broadcast %get3A_1 : vector<2000x1xf32> to vector<2000x128xf32>
    %mul3A_28 = arith.mulf %mul3A_27, %dot_general3A_26 : vector<2000x128xf32>
    %swap3A = arith.constant 0 : index
    %swap3A_29 = arith.constant 0 : index
    %swap3A_30 = vector.load %arg7[%swap3A, %swap3A_29] : memref<2000x128xf32, #tpu.memory_space<vmem>>, vector<2000x128xf32>
    tpu.vector_store %arg7[%swap3A, %swap3A_29], %mul3A_28 {strides = array<i32>} : memref<2000x128xf32, #tpu.memory_space<vmem>>, vector<2000x128xf32>,
    return
  }
  func.func @transform_0(%arg0: i32) -> (i32, i32, i32) {
    %c0_i32 = arith.constant 0 : i32
    %c0_i32_0 = arith.constant 0 : i32
    %c0_i32_1 = arith.constant 0 : i32
    return %c0_i32, %arg0, %c0_i32_0 : i32, i32, i32
  }
  func.func @transform_1(%arg0: i32) -> (i32, i32, i32) {
    %c1_i32 = arith.constant 1 : i32
    %c0_i32 = arith.constant 0 : i32
    %c0_i32_0 = arith.constant 0 : i32
    return %c1_i32, %arg0, %c0_i32 : i32, i32, i32
  }
  func.func @transform_2(%arg0: i32) -> (i32, i32) {
    %c0_i32 = arith.constant 0 : i32
    %c0_i32_0 = arith.constant 0 : i32
    return %arg0, %c0_i32 : i32, i32
  }
  func.func @transform_3(%arg0: i32) -> (i32, i32) {
    %c0_i32 = arith.constant 0 : i32
    %c0_i32_0 = arith.constant 0 : i32
    return %arg0, %c0_i32 : i32, i32
  }
  func.func @transform_4(%arg0: i32) -> i32 {
    %c0_i32 = arith.constant 0 : i32
    %c0_i32_0 = arith.constant 0 : i32
    return %c0_i32 : i32
  }
  func.func @transform_5(%arg0: i32) -> (i32, i32) {
    %c0_i32 = arith.constant 0 : i32
    %c0_i32_0 = arith.constant 0 : i32
    %c0_i32_1 = arith.constant 0 : i32
    return %c0_i32, %c0_i32_0 : i32, i32
  }
  func.func @transform_6(%arg0: i32) -> (i32, i32) {
    %c0_i32 = arith.constant 0 : i32
    %c0_i32_0 = arith.constant 0 : i32
    return %arg0, %c0_i32 : i32, i32
  }
}

module attributes {stable_mosaic.version = 14 : i64} {
  func.func @body(%arg0: i32, %arg1: memref<1x2000x128xf32, #tpu.memory_space<vmem>>, %arg2: memref<1x2000x128xf32, #tpu.memory_space<vmem>>, %arg3: memref<2000x128xf32, #tpu.memory_space<vmem>>, %arg4: memref<2000x1xf32, #tpu.memory_space<vmem>>, %arg5: memref<128xf32, #tpu.memory_space<vmem>>, %arg6: memref<2000x128xf32, #tpu.memory_space<vmem>>) attributes {dimension_semantics = [#tpu.dimension_semantics<arbitrary>], iteration_bounds = array<i64: 5>, scalar_prefetch = 0 : i64, scratch_operands = 0 : i64, tpu.core_type = #tpu.core_type<tc>, window_params = [{transform_indices = @transform_0, window_bounds = array<i64: 1, 2000, 128>}, {transform_indices = @transform_1, window_bounds = array<i64: 1, 2000, 128>}, {transform_indices = @transform_2, window_bounds = array<i64: 2000, 128>}, {transform_indices = @transform_3, window_bounds = array<i64: 2000, 1>}, {pipeline_mode = #tpu.pipeline_mode<synchronous>, transform_indices = @transform_4, window_bounds = array<i64: 128>}, {transform_indices = @transform_5, window_bounds = array<i64: 2000, 128>}]} {
    %get3A = arith.constant 0 : index
    %get3A_0 = arith.constant 0 : index
    %get3A_1 = vector.load %arg4[%get3A, %get3A_0] : memref<2000x1xf32, #tpu.memory_space<vmem>>, vector<2000x1xf32>
    %get3A_2 = arith.constant 0 : index
    %get3A_3 = arith.constant 0 : index
    %get3A_4 = arith.constant 0 : index
    %get3A_5 = vector.load %arg1[%get3A_2, %get3A_3, %get3A_4] : memref<1x2000x128xf32, #tpu.memory_space<vmem>>, vector<1x2000x128xf32>
    %get3A_6 = vector.shape_cast %get3A_5 : vector<1x2000x128xf32> to vector<2000x128xf32>
    %get3A_7 = arith.constant 0 : index
    %get3A_8 = arith.constant 0 : index
    %get3A_9 = arith.constant 0 : index
    %get3A_10 = vector.load %arg2[%get3A_7, %get3A_8, %get3A_9] : memref<1x2000x128xf32, #tpu.memory_space<vmem>>, vector<1x2000x128xf32>
    %get3A_11 = vector.shape_cast %get3A_10 : vector<1x2000x128xf32> to vector<2000x128xf32>
    %add3A = arith.addf %get3A_6, %get3A_11 : vector<2000x128xf32>
    %get3A_12 = arith.constant 0 : index
    %get3A_13 = arith.constant 0 : index
    %get3A_14 = vector.load %arg3[%get3A_12, %get3A_13] : memref<2000x128xf32, #tpu.memory_space<vmem>>, vector<2000x128xf32>
    %add3A_15 = arith.addf %add3A, %get3A_14 : vector<2000x128xf32>
    %mul3A = vector.broadcast %get3A_1 : vector<2000x1xf32> to vector<2000x128xf32>
    %mul3A_16 = arith.mulf %mul3A, %add3A_15 : vector<2000x128xf32>
    %get3A_17 = arith.constant 0 : index
    %get3A_18 = vector.load %arg5[%get3A_17] : memref<128xf32, #tpu.memory_space<vmem>>, vector<128xf32>
    %broadcast_in_dim3A = vector.shape_cast %get3A_18 : vector<128xf32> to vector<1x128xf32>
    %add3A_19 = vector.broadcast %broadcast_in_dim3A : vector<1x128xf32> to vector<2000x128xf32>
    %add3A_20 = arith.addf %mul3A_16, %add3A_19 : vector<2000x128xf32>
    %swap3A = arith.constant 0 : index
    %swap3A_21 = arith.constant 0 : index
    %swap3A_22 = vector.load %arg6[%swap3A, %swap3A_21] : memref<2000x128xf32, #tpu.memory_space<vmem>>, vector<2000x128xf32>
    tpu.vector_store %arg6[%swap3A, %swap3A_21], %add3A_20 {strides = array<i32>} : memref<2000x128xf32, #tpu.memory_space<vmem>>, vector<2000x128xf32>,
    return
  }
  func.func @transform_0(%arg0: i32) -> (i32, i32, i32) {
    %c0_i32 = arith.constant 0 : i32
    %c0_i32_0 = arith.constant 0 : i32
    %c0_i32_1 = arith.constant 0 : i32
    return %c0_i32, %arg0, %c0_i32_0 : i32, i32, i32
  }
  func.func @transform_1(%arg0: i32) -> (i32, i32, i32) {
    %c1_i32 = arith.constant 1 : i32
    %c0_i32 = arith.constant 0 : i32
    %c0_i32_0 = arith.constant 0 : i32
    return %c1_i32, %arg0, %c0_i32 : i32, i32, i32
  }
  func.func @transform_2(%arg0: i32) -> (i32, i32) {
    %c0_i32 = arith.constant 0 : i32
    %c0_i32_0 = arith.constant 0 : i32
    return %arg0, %c0_i32 : i32, i32
  }
  func.func @transform_3(%arg0: i32) -> (i32, i32) {
    %c0_i32 = arith.constant 0 : i32
    %c0_i32_0 = arith.constant 0 : i32
    return %arg0, %c0_i32 : i32, i32
  }
  func.func @transform_4(%arg0: i32) -> i32 {
    %c0_i32 = arith.constant 0 : i32
    %c0_i32_0 = arith.constant 0 : i32
    return %c0_i32 : i32
  }
  func.func @transform_5(%arg0: i32) -> (i32, i32) {
    %c0_i32 = arith.constant 0 : i32
    %c0_i32_0 = arith.constant 0 : i32
    return %arg0, %c0_i32 : i32, i32
  }
}

</mosaic_0001>

<sc_bundles>
// kernel: kernel.12.cloned.1.call-start
scs
__scs_entry_jumppad:
0x0: {  	(pc) =	sbr.rel $0x88, $3  }
0x1: {  	(tag) =	ssettag $0x0;
	lr =	simm.s32 $0x1  }
0x2: {  	[smem:$0x3F9B] =	sst lr;
	_ =	strace $0xD0000000  }
0x3: {  	_ = 	snop  }
0x4: {  	_ = 	snop  }
0x5: {  	_ = 	snop  }
0x6: {  	_ = 	snop  }
0x7: {  	_ = 	snop  }
__scs_overlays_trampoline_lowered:
0x8: {  	[smem:$0x3FAA] =	sst s0  }
0x9: {  	[smem:$0x3FAB] =	sst s1  }
0xa: {  	[smem:$0x3FAC] =	sst s2  }
0xb: {  	[smem:$0x3FAD] =	sst s3  }
0xc: {  	[smem:$0x3FAE] =	sst s4  }
0xd: {  	[smem:$0x3FAF] =	sst s5  }
0xe: {  	[smem:$0x3FB0] =	sst s6  }
0xf: {  	[smem:$0x3FB1] =	sst s7  }
0x10: {  	[smem:$0x3FB2] =	sst s8  }
0x11: {  	[smem:$0x3FB3] =	sst s9;
	s0 =	simm.s32 @!p0 $0x0  }
0x12: {  	s1 =	sld [smem:$0x3F99];
	s0 =	simm.s32 @p0 $0x1  }
0x13: {  	[smem:$0x3FB4] =	sst s0;
	s0 =	simm.s32 @!p1 $0x0  }
0x14: {  	s2 =	sld [smem:$0x3F98];
	s0 =	simm.s32 @p1 $0x1  }
0x15: {  	[smem:$0x3FB5] =	sst s0;
	s0 =	simm.s32 @!p2 $0x0  }
0x16: {  	s3 =	sld [smem:$0x3FDB];
	s0 =	simm.s32 @p2 $0x1  }
0x17: {  	s4 =	simm.s32 $0x1BF5;
	[smem:$0x3FB7] =	sst s0  }
0x18: {  	s0 =	sld [smem:$0x3F9A];
	_ =	swait.ge [sflag:s4], $0x0  }
0x19: {  	s7 =	sld [smem:$0x3F9B]  }
0x1a: {  	s8 =	sadd.s32 $0xFFFFE003, lr  }
0x1b: {  	s9 =	sadd.s32 $0xFFFFFEF7, lr;
	s5 =	simm.s32 $0xFFFFFFFF;
	p2 =	slt.u32 s8, $0xFFFFF086  }
0x1c: {  	p1 =	slt.u32 s9, $0xF7A;
	s5 =	simm.s32 @!p2 $0x0  }
0x1d: {  	s5 =	simm.s32 @p1 $0x1;
	p0 =	seq.s32 s7, s2  }
0x1e: {  	s7 =	smul.u32 @!p0 $0xF7A, s2;
	p2 =	seq.s32 @!p0 s5, $0x0  }
0x1f: {  	s9 =	smul.u32 $0xF7A, s1;
	s8 =	simm.s32 @!p0 $0x1BF5;
	p2 =	por !p2, p0  }
0x20: {  	[sflag:s8] =	ssyncset.s32 @!p0 $0xFFFFF086;
	s6 =	sadd.s32 @!p0 s3, s7;
	s7 =	simm.s32 @!p0 $0x108  }
0x21: {  	s3 =	sadd.s32 s3, s9;
	s6 =	sadd.s32 @!p0 $0x88, s6;
	s7 =	simm.s32 @p2 $0x1082  }
0x22: {  	[simem:s7], [sflag:s8] =	dma.local @!p0 [hbm:s6], $0xF7A  }
0x23: {  	s9 =	sor.u32 $0xD0000000, s2;
	s6 =	simm.s32 $0x108;
	_ =	swait.ge @!p0 [sflag:s8], $0x0  }
0x24: {  	s3 =	sadd.s32 $0x88, s3;
	s6 =	simm.s32 @!p1 $0x1082;
	[sflag:s4] =	ssyncset.s32 $0xFFFFF086  }
0x25: {  	[simem:s6], [sflag:s4] =	dma.local [hbm:s3], $0xF7A  }
0x26: {  	[smem:$0x3F9B] =	sst s1;
	(tag) =	ssettag s2;
	_ =	strace s9  }
0x27: {  	s1 =	sld [smem:$0x3FAB]  }
0x28: {  	s2 =	sld [smem:$0x3FAC]  }
0x29: {  	s4 =	sld [smem:$0x3FAE]  }
0x2a: {  	p0 =	seq.s32 s5, $0x0;
	s5 =	sld [smem:$0x3FAF]  }
0x2b: {  	s6 =	sld [smem:$0x3FB0]  }
0x2c: {  	s7 =	sld [smem:$0x3FB1]  }
0x2d: {  	s3 =	simm.s32 $0x108;
	s8 =	sld [smem:$0x3FB2]  }
0x2e: {  	s3 =	simm.s32 @!p0 $0x1082;
	s9 =	sld [smem:$0x3FB3]  }
0x2f: {  	lr =	sadd.s32 s0, s3;
	s0 =	sld [smem:$0x3FAA]  }
0x30: {  	s3 =	sld [smem:$0x3FAD]  }
0x31: {  	[smem:$0x3FB6] =	sst s10  }
0x32: {  	s10 =	sld [smem:$0x3FB4];
	_ =	sdelay $0x3  }
0x33: {  	p0 =	seq.s32 s10, $0x1;
	s10 =	sld [smem:$0x3FB6];
	_ =	sdelay $0x3  }
0x34: {  	[smem:$0x3FB6] =	sst s10  }
0x35: {  	s10 =	sld [smem:$0x3FB5];
	_ =	sdelay $0x3  }
0x36: {  	p1 =	seq.s32 s10, $0x1;
	s10 =	sld [smem:$0x3FB6];
	_ =	sdelay $0x3  }
0x37: {  	[smem:$0x3FB6] =	sst s10  }
0x38: {  	s10 =	sld [smem:$0x3FB7]  }
0x39: {  	_ = 	snop;
	(pc) =	sbr.ind lr, $3  }
0x3a: {  	_ = 	snop  }
0x3b: {  	_ = 	snop  }
0x3c: {  	p2 =	seq.s32 s10, $0x1;
	s10 =	sld [smem:$0x3FB6]  }
0x3d: {  	_ =	shalt  }
0x3e: {  	_ =	shalt  }
0x3f: {  	_ =	shalt  }
0x40: {  	_ =	shalt  }
0x41: {  	_ =	shalt  }
0x42: {  	_ =	shalt  }
0x43: {  	_ =	shalt  }
0x44: {  	_ =	shalt  }
0x45: {  	_ =	shalt  }
0x46: {  	_ =	shalt  }
0x47: {  	_ =	shalt  }
0x48: {  	_ =	shalt  }
0x49: {  	_ =	shalt  }
0x4a: {  	_ =	shalt  }
0x4b: {  	_ =	shalt  }
0x4c: {  	_ =	shalt  }
0x4d: {  	_ =	shalt  }
0x4e: {  	_ =	shalt  }
0x4f: {  	_ =	shalt  }
0x50: {  	_ =	shalt  }
0x51: {  	_ =	shalt  }
0x52: {  	_ =	shalt  }
0x53: {  	_ =	shalt  }
0x54: {  	_ =	shalt  }
0x55: {  	_ =	shalt  }
0x56: {  	_ =	shalt  }
0x57: {  	_ =	shalt  }
0x58: {  	_ =	shalt  }
0x59: {  	_ =	shalt  }
0x5a: {  	_ =	shalt  }
0x5b: {  	_ =	shalt  }
0x5c: {  	_ =	shalt  }
0x5d: {  	_ =	shalt  }
0x5e: {  	_ =	shalt  }
0x5f: {  	_ =	shalt  }
0x60: {  	_ =	shalt  }
0x61: {  	_ =	shalt  }
0x62: {  	_ =	shalt  }
0x63: {  	_ =	shalt  }
0x64: {  	_ =	shalt  }
0x65: {  	_ =	shalt  }
0x66: {  	_ =	shalt  }
0x67: {  	_ =	shalt  }
0x68: {  	_ =	shalt  }
0x69: {  	_ =	shalt  }
0x6a: {  	_ =	shalt  }
0x6b: {  	_ =	shalt  }
0x6c: {  	_ =	shalt  }
0x6d: {  	_ =	shalt  }
0x6e: {  	_ =	shalt  }
0x6f: {  	_ =	shalt  }
0x70: {  	_ =	shalt  }
0x71: {  	_ =	shalt  }
0x72: {  	_ =	shalt  }
0x73: {  	_ =	shalt  }
0x74: {  	_ =	shalt  }
0x75: {  	_ =	shalt  }
0x76: {  	_ =	shalt  }
0x77: {  	_ =	shalt  }
0x78: {  	_ =	shalt  }
0x79: {  	_ =	shalt  }
0x7a: {  	_ =	shalt  }
0x7b: {  	_ =	shalt  }
0x7c: {  	_ =	shalt  }
0x7d: {  	_ =	shalt  }
0x7e: {  	_ =	shalt  }
0x7f: {  	_ =	shalt  }
0x80: {  	_ =	shalt  }
0x81: {  	_ =	shalt  }
0x82: {  	_ =	shalt  }
0x83: {  	_ =	shalt  }
0x84: {  	_ =	shalt  }
0x85: {  	_ =	shalt  }
0x86: {  	_ =	shalt  }
0x87: {  	_ =	shalt  }
.Lfunc_end0:
.L_simem_size_0:
called_computation.1_lowered:
.L_overlay_start_0:
0x88: {  	s2 =	sld [smem:$0x3FD9]  }
0x89: {  	s3 =	sld [smem:$0x3FFE];
	_ =	sdelay $0x1  }
0x8a: {  	s1 =	srdreg.scid  }
0x8b: {  	s0 =	sand.u32 $0x1, s1  }
0x8c: {  	s17 =	sshll.u32 s0, $0xA;
	s2 =	sadd.s32 s3, s2  }
0x8d: {  	s2 =	sadd.s32 s2, s17  }
0x8e: {  	[smem:$0x3FC2] =	sst s2  }
0x8f: {  	_ = 	snop  }
0x90: {  	s2 =	sld [smem:$0x3FD0];
	(tm) =	ssettm $0x1  }
0x91: {  	s18 =	sld [smem:$0x3FFB];
	_ =	sdelay $0x3  }
0x92: {  	_ =	strace s18  }
0x93: {  	s3 =	sld [smem:$0x3FFC];
	_ =	sdelay $0x3  }
0x94: {  	_ =	strace s3  }
0x95: {  	s3 =	sld [smem:$0x3FFD];
	_ =	sdelay $0x3  }
0x96: {  	_ =	strace s3  }
0x97: {  	_ =	strace $0x8FFFFFFF  }
0x98: {  	s19 =	sld [smem:$0x3FDB];
	_ =	sdelay $0x1  }
0x99: {  	s4 =	simm.s32 $_scs_section_size  }
0x9a: {  	s5 =	simm.s32 $_size__tile_overlayer_lowered;
	s6 =	simm.s32 $_tile_overlayer_lowered  }
0x9b: {  	s22 =	simm.s32 $0x1BFF;
	s21 =	sshll.u32 s6, $0x1;
	s3 =	sadd.s32 s4, s19  }
0x9c: {  	s7 =	simm.s32 $0x0;
	s20 =	sshll.u32 s5, $0x1;
	s5 =	sadd.s32 s21, s3  }
0x9d: {  	[timem:s7], [sflag:s22] =	dma.local [hbm:s5], s20  }
0x9e: {  	_ =	swait.ge [sflag:s22], s20  }
0x9f: {  	s4 =	ssub.s32 $0x0, s20;
	[sflag:s22] =	ssyncset.done $0x0  }
0xa0: {  	[sflag:s22] =	ssyncadd.s32 s4;
	_ =	sdelay $0x1  }
0xa1: {  	s23 =	simm.s32 $0x1B8B  }
0xa2: {  	_ =	swait.ge [sflag:s23], $0x1  }
0xa3: {  	[sflag:s23] =	ssyncset.done $0x0  }
0xa4: {  	s25 =	simm.s32 $0x1B8E;
	s24 =	sld [smem:$0x3FFE];
	[sflag:s23] =	ssyncadd.s32 $0xFFFFFFFF  }
0xa5: {  	s26 =	simm.s32 $execute0_lowered;
	[smem:$0x3FD2] =	sst s25  }
0xa6: {  	s5 =	sshll.u32 s26, $0x1;
	_ =	strace $0x80000049;
	[dreg:$0x1] =	wrdreg $0xFFFFFFFF  }
0xa7: {  	s28 =	simm.s32 $_size_execute0_lowered;
	s3 =	sadd.s32 s3, s5;
	[dreg:$0x0] =	wrdreg $0x0  }
0xa8: {  	s5 =	sshll.u32 s28, $0x1;
	[dreg:$0x2] =	wrdreg s3  }
0xa9: {  	[dreg:$0x3] =	wrdreg s5  }
0xaa: {  	[dreg:$0x4] =	wrdreg $0xC0  }
0xab: {  	_ =	task [dreg:s7], $0x5FFFF  }
0xac: {  	[dreg:$0x1] =	wrdreg $0xFFFFFFFF  }
0xad: {  	[dreg:$0x0] =	wrdreg $0x60  }
0xae: {  	[dreg:$0x2] =	wrdreg s2  }
0xaf: {  	[dreg:$0x3] =	wrdreg s24  }
0xb0: {  	[dreg:$0x4] =	wrdreg $0x9C000  }
0xb1: {  	[dreg:$0x5] =	wrdreg $0x9  }
0xb2: {  	_ =	task.clear_ibuf [dreg:s7], $0x6FFFF;
	_ =	strace $0x90000049  }
0xb3: {  	s29 =	simm.s32 $0x9;
	_ =	strace $0x8000004B  }
0xb4: {  	_ =	swait.ge [sflag:s29], $0x1  }
0xb5: {  	[sflag:s29] =	ssyncadd.s32 $0xFFFFFFFF  }
0xb6: {  	_ =	strace $0x9000004B  }
0xb7: {  	_ =	sfence  }
0xb8: {  	s30 =	sld [smem:$0x0];
	_ =	sdelay $0x2  }
0xb9: {  	s31 =	sshll.u32 s1, $0xD;
	s1 =	sshrl.u32 s1, $0x2  }
0xba: {  	s3 =	sand.u32 $0x4000, s31;
	s1 =	sadd.s32 s1, s30  }
0xbb: {  	s0 =	sor.u32 s3, s0;
	s1 =	sshll.u32 s1, $0x11  }
0xbc: {  	s0 =	sor.u32 s1, s0  }
0xbd: {  	s0 =	sadd.s32 $0x8F2B, s0  }
0xbe: {  	[sflag:s0] =	ssyncadd.remote.s32 $0x1  }
0xbf: {  	_ =	sfence.sel $0xFFFF  }
0xc0: {  	[dreg:$0x0] =	wrdreg $0xFFFFFFFF;
	(pc) =	sbr.abs _section_cstart, $3  }
0xc1: {  	[dreg:$0x1] =	wrdreg $0xFFFFFFFF  }
0xc2: {  	_ =	task.clear_ibuf [dreg:s7], $0x2FFFF;
	_ =	strace $0x9FFFFFFF  }
0xc3: {  	(tm) =	ssettm $0x7FFFFFFF  }
tec
execute0_lowered:
.L_overlay_start_1:
0x0: {  	(tag) =	ssettag $0x1  }
0x1: {  	s1 =	rddreg [dreg:$0x0]  }
0x2: {  	s0 =	srdreg.scid;
	s5 =	rddreg [dreg:$0x1]  }
0x3: {  	s8 =	stileid.u32;
	s3 =	rddreg [dreg:$0x2];
	s10 =	simm.s32 $0x100  }
0x4: {  	s12 =	simm.s32 $0xC80;
	s14 =	simm.s32 $0x180;
	s15 =	simm.s32 $0xD00  }
0x5: {  	s17 =	simm.s32 $0x200;
	s0 =	sand.u32 $0x1, s0;
	s4 =	smul.u32 $0x2800, s8  }
0x6: {  	s18 =	simm.s32 $0xD80;
	s19 =	simm.s32 $0x280;
	s2 =	smul.u32 $0x28000, s0  }
0x7: {  	s20 =	simm.s32 $0xE00;
	s21 =	simm.s32 $0x300;
	s22 =	simm.s32 $0xE80  }
0x8: {  	s23 =	simm.s32 $0x380;
	s2 =	sadd.s32 s4, s2;
	s4 =	simm.s32 $0x0  }
0x9: {  	s24 =	simm.s32 $0xF00;
	s25 =	simm.s32 $0x400;
	[smem:$0x7FF] =	sst s4  }
0xa: {  	s26 =	simm.s32 $0xF80;
	_ =	strace $0x8000004A;
	[dreg:$0x6] =	wrdreg s10  }
0xb: {  	s28 =	simm.s32 $0x1280;
	s29 =	simm.s32 $0x780;
	[dreg:$0x7] =	wrdreg s12  }
0xc: {  	s6 =	smul.u32 $0x140000, s0;
	s0 =	ssub.s32 $0x2, s0;
	[dreg:$0x8] =	wrdreg s14  }
0xd: {  	s30 =	simm.s32 $0x1300;
	s11 =	sshrl.u32 s0, $0x1;
	[dreg:$0x9] =	wrdreg s15  }
0xe: {  	s31 =	simm.s32 $0x800;
	s0 =	ssub.s32 s0, s11;
	[dreg:$0xa] =	wrdreg s17  }
0xf: {  	s13 =	smul.u32 $0x50000, s8;
	s0 =	smax.u32 s0, $0x1;
	[dreg:$0xb] =	wrdreg s18  }
0x10: {  	s7 =	smul.u32 $0x14000, s8;
	s8 =	simm.s32 $0x9400;
	[dreg:$0x15] =	wrdreg s0  }
0x11: {  	s16 =	sshrl.u32 s13, $0x2;
	s13 =	simm.s32 $0x5400;
	[dreg:$0xc] =	wrdreg s19  }
0x12: {  	s6 =	sadd.s32 s7, s6;
	s11 =	simm.s32 $0x80;
	[dreg:$0xd] =	wrdreg s20  }
0x13: {  	s7 =	simm.s32 $0x0;
	s2 =	sshrl.u32 s2, $0x3;
	[dreg:$0xe] =	wrdreg s21  }
0x14: {  	s6 =	sshrl.u32 s6, $0x3;
	s2 =	sadd.s32 s2, s5;
	[dreg:$0xf] =	wrdreg s22  }
0x15: {  	s6 =	sadd.s32 s6, s5;
	s5 =	sadd.s32 s16, s3;
	[dreg:$0x10] =	wrdreg s23  }
0x16: {  	s10 =	simm.s32 $0xC00;
	s12 =	simm.s32 $0x1400;
	[dreg:$0x11] =	wrdreg s24  }
0x17: {  	[dreg:$0x12] =	wrdreg s25;
	s14 =	simm.s32 $0x1;
	s15 =	simm.s32 $0x2  }
0x18: {  	[dreg:$0x13] =	wrdreg s26;
	s16 =	simm.s32 $0x480;
	s17 =	simm.s32 $0x1000  }
0x19: {  	s18 =	simm.s32 $0x500;
	s19 =	simm.s32 $0x1080;
	s20 =	simm.s32 $0x580  }
0x1a: {  	s21 =	simm.s32 $0x1100;
	s22 =	simm.s32 $0x600;
	s23 =	simm.s32 $0x1180  }
0x1b: {  	s24 =	simm.s32 $0x680;
	s25 =	simm.s32 $0x1200;
	s9 =	sadd.s32 $0xC800, s2  }
0x1c: {  	s26 =	simm.s32 $0x700;
	s2 =	sadd.s32 $0x2800, s2;
	[dreg:$0x4] =	wrdreg s9  }
0x1d: {  	s0 =	simm.s32 $0x880;
	s6 =	sadd.s32 $0x16800, s6;
	[dreg:$0x5] =	wrdreg s2  }
0x1e: {  	v0 =	vimm.f32 $0.0e+00;
	v1 =	vimm.s32 $0x0;
	[dreg:$0x14] =	wrdreg s6;
	s9 =	simm.s32 $0x3;
	s2 =	simm.s32 $0x1380  }
.LBB2_1:
0x1f: {  	[tilespmem:$0x9400] =	vst v0  }
0x20: {  	[tilespmem:$0x9410] =	vst v0  }
0x21: {  	[tilespmem:$0x9420] =	vst v0  }
0x22: {  	[tilespmem:$0x9430] =	vst v0  }
0x23: {  	[tilespmem:$0x9440] =	vst v0  }
0x24: {  	[tilespmem:$0x9450] =	vst v0  }
0x25: {  	[tilespmem:$0x9460] =	vst v0  }
0x26: {  	[tilespmem:$0x9470] =	vst v0  }
0x27: {  	[tilespmem:$0x9480] =	vst v0  }
0x28: {  	[tilespmem:$0x9490] =	vst v0  }
0x29: {  	[tilespmem:$0x94A0] =	vst v0  }
0x2a: {  	[tilespmem:$0x94B0] =	vst v0  }
0x2b: {  	[tilespmem:$0x94C0] =	vst v0  }
0x2c: {  	[tilespmem:$0x94D0] =	vst v0  }
0x2d: {  	[tilespmem:$0x94E0] =	vst v0  }
0x2e: {  	[tilespmem:$0x94F0] =	vst v0  }
0x2f: {  	[tilespmem:$0x9500] =	vst v0  }
0x30: {  	[tilespmem:$0x9510] =	vst v0  }
0x31: {  	[tilespmem:$0x9520] =	vst v0  }
0x32: {  	[tilespmem:$0x9530] =	vst v0  }
0x33: {  	[tilespmem:$0x9540] =	vst v0  }
0x34: {  	[tilespmem:$0x9550] =	vst v0  }
0x35: {  	[tilespmem:$0x9560] =	vst v0  }
0x36: {  	[tilespmem:$0x9570] =	vst v0  }
0x37: {  	[tilespmem:$0x9580] =	vst v0  }
0x38: {  	[tilespmem:$0x9590] =	vst v0  }
0x39: {  	[tilespmem:$0x95A0] =	vst v0  }
0x3a: {  	[tilespmem:$0x95B0] =	vst v0  }
0x3b: {  	[tilespmem:$0x95C0] =	vst v0  }
0x3c: {  	[tilespmem:$0x95D0] =	vst v0  }
0x3d: {  	[tilespmem:$0x95E0] =	vst v0  }
0x3e: {  	[tilespmem:$0x95F0] =	vst v0  }
0x3f: {  	[tilespmem:$0x9600] =	vst v0  }
0x40: {  	[tilespmem:$0x9610] =	vst v0  }
0x41: {  	[tilespmem:$0x9620] =	vst v0  }
0x42: {  	[tilespmem:$0x9630] =	vst v0  }
0x43: {  	[tilespmem:$0x9640] =	vst v0  }
0x44: {  	[tilespmem:$0x9650] =	vst v0  }
0x45: {  	[tilespmem:$0x9660] =	vst v0  }
0x46: {  	[tilespmem:$0x9670] =	vst v0  }
0x47: {  	[tilespmem:$0x9680] =	vst v0  }
0x48: {  	[tilespmem:$0x9690] =	vst v0  }
0x49: {  	[tilespmem:$0x96A0] =	vst v0  }
0x4a: {  	[tilespmem:$0x96B0] =	vst v0  }
0x4b: {  	[tilespmem:$0x96C0] =	vst v0  }
0x4c: {  	[tilespmem:$0x96D0] =	vst v0  }
0x4d: {  	[tilespmem:$0x96E0] =	vst v0  }
0x4e: {  	[tilespmem:$0x96F0] =	vst v0  }
0x4f: {  	[tilespmem:$0x9700] =	vst v0  }
0x50: {  	[tilespmem:$0x9710] =	vst v0  }
0x51: {  	[tilespmem:$0x9720] =	vst v0  }
0x52: {  	[tilespmem:$0x9730] =	vst v0  }
0x53: {  	[tilespmem:$0x9740] =	vst v0  }
0x54: {  	[tilespmem:$0x9750] =	vst v0  }
0x55: {  	[tilespmem:$0x9760] =	vst v0  }
0x56: {  	[tilespmem:$0x9770] =	vst v0  }
0x57: {  	[tilespmem:$0x9780] =	vst v0  }
0x58: {  	[tilespmem:$0x9790] =	vst v0  }
0x59: {  	[tilespmem:$0x97A0] =	vst v0  }
0x5a: {  	[tilespmem:$0x97B0] =	vst v0  }
0x5b: {  	[tilespmem:$0x97C0] =	vst v0  }
0x5c: {  	[tilespmem:$0x97D0] =	vst v0  }
0x5d: {  	[tilespmem:$0x97E0] =	vst v0  }
0x5e: {  	[tilespmem:$0x97F0] =	vst v0  }
0x5f: {  	[tilespmem:$0x9800] =	vst v0  }
0x60: {  	[tilespmem:$0x9810] =	vst v0  }
0x61: {  	[tilespmem:$0x9820] =	vst v0  }
0x62: {  	[tilespmem:$0x9830] =	vst v0  }
0x63: {  	[tilespmem:$0x9840] =	vst v0  }
0x64: {  	[tilespmem:$0x9850] =	vst v0  }
0x65: {  	[tilespmem:$0x9860] =	vst v0  }
0x66: {  	[tilespmem:$0x9870] =	vst v0  }
0x67: {  	[tilespmem:$0x9880] =	vst v0  }
0x68: {  	[tilespmem:$0x9890] =	vst v0  }
0x69: {  	[tilespmem:$0x98A0] =	vst v0  }
0x6a: {  	[tilespmem:$0x98B0] =	vst v0  }
0x6b: {  	[tilespmem:$0x98C0] =	vst v0  }
0x6c: {  	[tilespmem:$0x98D0] =	vst v0  }
0x6d: {  	[tilespmem:$0x98E0] =	vst v0  }
0x6e: {  	[tilespmem:$0x98F0] =	vst v0  }
0x6f: {  	[tilespmem:$0x9900] =	vst v0  }
0x70: {  	[tilespmem:$0x9910] =	vst v0  }
0x71: {  	[tilespmem:$0x9920] =	vst v0  }
0x72: {  	[tilespmem:$0x9930] =	vst v0  }
0x73: {  	[tilespmem:$0x9940] =	vst v0  }
0x74: {  	[tilespmem:$0x9950] =	vst v0  }
0x75: {  	[tilespmem:$0x9960] =	vst v0  }
0x76: {  	[tilespmem:$0x9970] =	vst v0  }
0x77: {  	[tilespmem:$0x9980] =	vst v0  }
0x78: {  	[tilespmem:$0x9990] =	vst v0  }
0x79: {  	[tilespmem:$0x99A0] =	vst v0  }
0x7a: {  	[tilespmem:$0x99B0] =	vst v0  }
0x7b: {  	[tilespmem:$0x99C0] =	vst v0  }
0x7c: {  	[tilespmem:$0x99D0] =	vst v0  }
0x7d: {  	[tilespmem:$0x99E0] =	vst v0  }
0x7e: {  	[tilespmem:$0x99F0] =	vst v0  }
0x7f: {  	[tilespmem:$0x9A00] =	vst v0  }
0x80: {  	[tilespmem:$0x9A10] =	vst v0  }
0x81: {  	[tilespmem:$0x9A20] =	vst v0  }
0x82: {  	[tilespmem:$0x9A30] =	vst v0  }
0x83: {  	[tilespmem:$0x9A40] =	vst v0  }
0x84: {  	[tilespmem:$0x9A50] =	vst v0  }
0x85: {  	[tilespmem:$0x9A60] =	vst v0  }
0x86: {  	[tilespmem:$0x9A70] =	vst v0  }
0x87: {  	[tilespmem:$0x9A80] =	vst v0  }
0x88: {  	[tilespmem:$0x9A90] =	vst v0  }
0x89: {  	[tilespmem:$0x9AA0] =	vst v0  }
0x8a: {  	[tilespmem:$0x9AB0] =	vst v0  }
0x8b: {  	[tilespmem:$0x9AC0] =	vst v0  }
0x8c: {  	[tilespmem:$0x9AD0] =	vst v0  }
0x8d: {  	[tilespmem:$0x9AE0] =	vst v0  }
0x8e: {  	[tilespmem:$0x9AF0] =	vst v0  }
0x8f: {  	[tilespmem:$0x9B00] =	vst v0  }
0x90: {  	[tilespmem:$0x9B10] =	vst v0  }
0x91: {  	[tilespmem:$0x9B20] =	vst v0  }
0x92: {  	[tilespmem:$0x9B30] =	vst v0  }
0x93: {  	[tilespmem:$0x9B40] =	vst v0  }
0x94: {  	[tilespmem:$0x9B50] =	vst v0  }
0x95: {  	[tilespmem:$0x9B60] =	vst v0  }
0x96: {  	[tilespmem:$0x9B70] =	vst v0  }
0x97: {  	[tilespmem:$0x9B80] =	vst v0  }
0x98: {  	[tilespmem:$0x9B90] =	vst v0  }
0x99: {  	[tilespmem:$0x9BA0] =	vst v0  }
0x9a: {  	[tilespmem:$0x9BB0] =	vst v0  }
0x9b: {  	[tilespmem:$0x9BC0] =	vst v0  }
0x9c: {  	[tilespmem:$0x9BD0] =	vst v0  }
0x9d: {  	[tilespmem:$0x9BE0] =	vst v0  }
0x9e: {  	[dreg:$0x16] =	wrdreg s7;
	[tilespmem:$0x9BF0] =	vst v0;
	s6 =	sadd.s32 $0x0, s5  }
0x9f: {  	[spmem:s6] =	stream.linear.scatter [tilespmem:s8], [sflag:$0x3], $0x800, $0x38;
	[tilespmem:$0x1DC00] =	vst v63  }
0xa0: {  	s6 =	simm.s32 $0x2000;
	_ =	swait.ge [sflag:s9], $0x800  }
.LBB2_2:
0xa1: {  	s7 =	sshra.s32 s6, $0x2;
	[sflag:s9] =	ssyncset.done $0x0;
	p0 =	sne.s32 s6, $0x4E000  }
.Ltmp0:
0xa2: {  	s7 =	sadd.s32 s7, s5;
	[sflag:s9] =	ssyncadd.s32 $0xFFFFF800;
	(pc) =	sbr.rel @p0 .LBB2_2-.Ltmp0, $3  }
0xa3: {  	[spmem:s7] =	stream.linear.scatter [tilespmem:s8], [sflag:$0x3], $0x800, $0x38;
	[tilespmem:$0x1DC00] =	vst v63  }
0xa4: {  	s6 =	sadd.s32 $0x2000, s6;
	_ =	sdelay $0x1  }
0xa5: {  	_ =	swait.ge [sflag:s9], $0x800  }
0xa6: {  	[sflag:s9] =	ssyncset.done $0x0  }
0xa7: {  	[sflag:s9] =	ssyncadd.s32 $0xFFFFF800  }
0xa8: {  	[tilespmem:$0x800] =	vst v1  }
0xa9: {  	[tilespmem:$0x810] =	vst v1  }
0xaa: {  	[tilespmem:$0x820] =	vst v1  }
0xab: {  	[tilespmem:$0x830] =	vst v1  }
0xac: {  	[tilespmem:$0x840] =	vst v1  }
0xad: {  	[tilespmem:$0x850] =	vst v1  }
0xae: {  	[tilespmem:$0x860] =	vst v1  }
0xaf: {  	[tilespmem:$0x870] =	vst v1  }
0xb0: {  	[tilespmem:$0x880] =	vst v1  }
0xb1: {  	[tilespmem:$0x890] =	vst v1  }
0xb2: {  	[tilespmem:$0x8A0] =	vst v1  }
0xb3: {  	[tilespmem:$0x8B0] =	vst v1  }
0xb4: {  	[tilespmem:$0x8C0] =	vst v1  }
0xb5: {  	[tilespmem:$0x8D0] =	vst v1  }
0xb6: {  	[tilespmem:$0x8E0] =	vst v1  }
0xb7: {  	[tilespmem:$0x8F0] =	vst v1  }
0xb8: {  	[bflag:$0x0] =	sbarrier.arrive $0xFFFF  }
0xb9: {  	s6 =	rddreg [dreg:$0x5]  }
0xba: {  	s6 =	sadd.s32 $0x0, s6  }
0xbb: {  	[tilespmem:s4], [sflag:$0x3] =	stream.linear.gather [hbm4b:s6+s4], $0x800, $0x38;
	[tilespmem:$0x1DC00] =	vst v63  }
0xbc: {  	_ =	swait.ge [sflag:s9], $0x800  }
0xbd: {  	s8 =	rddreg [dreg:$0x4];
	[sflag:s9] =	ssyncset.done $0x0  }
0xbe: {  	[sflag:s9] =	ssyncadd.s32 $0xFFFFF800;
	s6 =	sadd.s32 $0x0, s8  }
0xbf: {  	[tilespmem:s10], [sflag:$0x3] =	stream.linear.gather [hbm4b:s6+s4], $0x800, $0x38;
	[tilespmem:$0x1DC00] =	vst v63  }
0xc0: {  	_ =	swait.ge [sflag:s9], $0x800  }
0xc1: {  	[sflag:s9] =	ssyncset.done $0x0  }
0xc2: {  	[sflag:s9] =	ssyncadd.s32 $0xFFFFF800  }
0xc3: {  	[tilespmem:s12], [sflag:$0x1] =	stream.indirect.gather [hbm4b:s1+s11], $0x80, s4, s11, $0xb8;
	[tilespmem:$0x1DC00] =	vst v63  }
0xc4: {  	_ = 	snop  }
0xc5: {  	[tilespmem:s13], [sflag:$0x2] =	stream.indirect.gather [hbm4b:s1+s11], $0x80, s11, s11, $0xb8;
	[tilespmem:$0x1DC00] =	vst v63  }
0xc6: {  	_ =	swait.ge [sflag:s14], $0x4000  }
0xc7: {  	[sflag:s14] =	ssyncset.done $0x0  }
0xc8: {  	[sflag:s14] =	ssyncadd.s32 $0xFFFFC000  }
0xc9: {  	[spmem:s3] =	stream.indirect.scatter.add.f32 [tilespmem:s12], [sflag:$0x3], $0x80, s10, s11, $0xb8;
	[tilespmem:$0x1DC00] =	vst v63  }
0xca: {  	_ =	swait.ge [sflag:s9], $0x4000  }
0xcb: {  	[sflag:s9] =	ssyncset.done $0x0  }
0xcc: {  	s7 =	rddreg [dreg:$0x6];
	[sflag:s9] =	ssyncadd.s32 $0xFFFFC000  }
0xcd: {  	[tilespmem:s12], [sflag:$0x1] =	stream.indirect.gather [hbm4b:s1+s11], $0x80, s7, s11, $0xb8;
	[tilespmem:$0x1DC00] =	vst v63  }
0xce: {  	_ =	swait.ge [sflag:s15], $0x4000  }
0xcf: {  	[sflag:s15] =	ssyncset.done $0x0  }
0xd0: {  	s8 =	rddreg [dreg:$0x7];
	[sflag:s15] =	ssyncadd.s32 $0xFFFFC000  }
0xd1: {  	[spmem:s3] =	stream.indirect.scatter.add.f32 [tilespmem:s13], [sflag:$0x3], $0x80, s8, s11, $0xb8;
	[tilespmem:$0x1DC00] =	vst v63  }
0xd2: {  	_ =	swait.ge [sflag:s9], $0x4000  }
0xd3: {  	[sflag:s9] =	ssyncset.done $0x0  }
0xd4: {  	s7 =	rddreg [dreg:$0x8];
	[sflag:s9] =	ssyncadd.s32 $0xFFFFC000  }
0xd5: {  	[tilespmem:s13], [sflag:$0x2] =	stream.indirect.gather [hbm4b:s1+s11], $0x80, s7, s11, $0xb8;
	[tilespmem:$0x1DC00] =	vst v63  }
0xd6: {  	_ =	swait.ge [sflag:s14], $0x4000  }
0xd7: {  	[sflag:s14] =	ssyncset.done $0x0  }
0xd8: {  	s8 =	rddreg [dreg:$0x9];
	[sflag:s14] =	ssyncadd.s32 $0xFFFFC000  }
0xd9: {  	[spmem:s3] =	stream.indirect.scatter.add.f32 [tilespmem:s12], [sflag:$0x3], $0x80, s8, s11, $0xb8;
	[tilespmem:$0x1DC00] =	vst v63  }
0xda: {  	_ =	swait.ge [sflag:s9], $0x4000  }
0xdb: {  	[sflag:s9] =	ssyncset.done $0x0  }
0xdc: {  	s7 =	rddreg [dreg:$0xa];
	[sflag:s9] =	ssyncadd.s32 $0xFFFFC000  }
0xdd: {  	[tilespmem:s12], [sflag:$0x1] =	stream.indirect.gather [hbm4b:s1+s11], $0x80, s7, s11, $0xb8;
	[tilespmem:$0x1DC00] =	vst v63  }
0xde: {  	_ =	swait.ge [sflag:s15], $0x4000  }
0xdf: {  	[sflag:s15] =	ssyncset.done $0x0  }
0xe0: {  	s8 =	rddreg [dreg:$0xb];
	[sflag:s15] =	ssyncadd.s32 $0xFFFFC000  }
0xe1: {  	[spmem:s3] =	stream.indirect.scatter.add.f32 [tilespmem:s13], [sflag:$0x3], $0x80, s8, s11, $0xb8;
	[tilespmem:$0x1DC00] =	vst v63  }
0xe2: {  	_ =	swait.ge [sflag:s9], $0x4000  }
0xe3: {  	[sflag:s9] =	ssyncset.done $0x0  }
0xe4: {  	s7 =	rddreg [dreg:$0xc];
	[sflag:s9] =	ssyncadd.s32 $0xFFFFC000  }
0xe5: {  	[tilespmem:s13], [sflag:$0x2] =	stream.indirect.gather [hbm4b:s1+s11], $0x80, s7, s11, $0xb8;
	[tilespmem:$0x1DC00] =	vst v63  }
0xe6: {  	_ =	swait.ge [sflag:s14], $0x4000  }
0xe7: {  	[sflag:s14] =	ssyncset.done $0x0  }
0xe8: {  	s8 =	rddreg [dreg:$0xd];
	[sflag:s14] =	ssyncadd.s32 $0xFFFFC000  }
0xe9: {  	[spmem:s3] =	stream.indirect.scatter.add.f32 [tilespmem:s12], [sflag:$0x3], $0x80, s8, s11, $0xb8;
	[tilespmem:$0x1DC00] =	vst v63  }
0xea: {  	_ =	swait.ge [sflag:s9], $0x4000  }
0xeb: {  	[sflag:s9] =	ssyncset.done $0x0  }
0xec: {  	s7 =	rddreg [dreg:$0xe];
	[sflag:s9] =	ssyncadd.s32 $0xFFFFC000  }
0xed: {  	[tilespmem:s12], [sflag:$0x1] =	stream.indirect.gather [hbm4b:s1+s11], $0x80, s7, s11, $0xb8;
	[tilespmem:$0x1DC00] =	vst v63  }
0xee: {  	_ =	swait.ge [sflag:s15], $0x4000  }
0xef: {  	[sflag:s15] =	ssyncset.done $0x0  }
0xf0: {  	s8 =	rddreg [dreg:$0xf];
	[sflag:s15] =	ssyncadd.s32 $0xFFFFC000  }
0xf1: {  	[spmem:s3] =	stream.indirect.scatter.add.f32 [tilespmem:s13], [sflag:$0x3], $0x80, s8, s11, $0xb8;
	[tilespmem:$0x1DC00] =	vst v63  }
0xf2: {  	_ =	swait.ge [sflag:s9], $0x4000  }
0xf3: {  	[sflag:s9] =	ssyncset.done $0x0  }
0xf4: {  	s7 =	rddreg [dreg:$0x10];
	[sflag:s9] =	ssyncadd.s32 $0xFFFFC000  }
0xf5: {  	[tilespmem:s13], [sflag:$0x2] =	stream.indirect.gather [hbm4b:s1+s11], $0x80, s7, s11, $0xb8;
	[tilespmem:$0x1DC00] =	vst v63  }
0xf6: {  	_ =	swait.ge [sflag:s14], $0x4000  }
0xf7: {  	[sflag:s14] =	ssyncset.done $0x0  }
0xf8: {  	s8 =	rddreg [dreg:$0x11];
	[sflag:s14] =	ssyncadd.s32 $0xFFFFC000  }
0xf9: {  	[spmem:s3] =	stream.indirect.scatter.add.f32 [tilespmem:s12], [sflag:$0x3], $0x80, s8, s11, $0xb8;
	[tilespmem:$0x1DC00] =	vst v63  }
0xfa: {  	_ =	swait.ge [sflag:s9], $0x4000  }
0xfb: {  	[sflag:s9] =	ssyncset.done $0x0  }
0xfc: {  	s7 =	rddreg [dreg:$0x12];
	[sflag:s9] =	ssyncadd.s32 $0xFFFFC000  }
0xfd: {  	[tilespmem:s12], [sflag:$0x1] =	stream.indirect.gather [hbm4b:s1+s11], $0x80, s7, s11, $0xb8;
	[tilespmem:$0x1DC00] =	vst v63  }
0xfe: {  	_ =	swait.ge [sflag:s15], $0x4000  }
0xff: {  	[sflag:s15] =	ssyncset.done $0x0  }
0x100: {  	s8 =	rddreg [dreg:$0x13];
	[sflag:s15] =	ssyncadd.s32 $0xFFFFC000  }
0x101: {  	[spmem:s3] =	stream.indirect.scatter.add.f32 [tilespmem:s13], [sflag:$0x3], $0x80, s8, s11, $0xb8;
	[tilespmem:$0x1DC00] =	vst v63  }
0x102: {  	_ =	swait.ge [sflag:s9], $0x4000  }
0x103: {  	[sflag:s9] =	ssyncset.done $0x0  }
0x104: {  	[sflag:s9] =	ssyncadd.s32 $0xFFFFC000  }
0x105: {  	[tilespmem:s13], [sflag:$0x2] =	stream.indirect.gather [hbm4b:s1+s11], $0x80, s16, s11, $0xb8;
	[tilespmem:$0x1DC00] =	vst v63  }
0x106: {  	_ =	swait.ge [sflag:s14], $0x4000  }
0x107: {  	[sflag:s14] =	ssyncset.done $0x0  }
0x108: {  	[sflag:s14] =	ssyncadd.s32 $0xFFFFC000  }
0x109: {  	[spmem:s3] =	stream.indirect.scatter.add.f32 [tilespmem:s12], [sflag:$0x3], $0x80, s17, s11, $0xb8;
	[tilespmem:$0x1DC00] =	vst v63  }
0x10a: {  	_ =	swait.ge [sflag:s9], $0x4000  }
0x10b: {  	[sflag:s9] =	ssyncset.done $0x0  }
0x10c: {  	[sflag:s9] =	ssyncadd.s32 $0xFFFFC000  }
0x10d: {  	[tilespmem:s12], [sflag:$0x1] =	stream.indirect.gather [hbm4b:s1+s11], $0x80, s18, s11, $0xb8;
	[tilespmem:$0x1DC00] =	vst v63  }
0x10e: {  	_ =	swait.ge [sflag:s15], $0x4000  }
0x10f: {  	[sflag:s15] =	ssyncset.done $0x0  }
0x110: {  	[sflag:s15] =	ssyncadd.s32 $0xFFFFC000  }
0x111: {  	[spmem:s3] =	stream.indirect.scatter.add.f32 [tilespmem:s13], [sflag:$0x3], $0x80, s19, s11, $0xb8;
	[tilespmem:$0x1DC00] =	vst v63  }
0x112: {  	_ =	swait.ge [sflag:s9], $0x4000  }
0x113: {  	[sflag:s9] =	ssyncset.done $0x0  }
0x114: {  	[sflag:s9] =	ssyncadd.s32 $0xFFFFC000  }
0x115: {  	[tilespmem:s13], [sflag:$0x2] =	stream.indirect.gather [hbm4b:s1+s11], $0x80, s20, s11, $0xb8;
	[tilespmem:$0x1DC00] =	vst v63  }
0x116: {  	_ =	swait.ge [sflag:s14], $0x4000  }
0x117: {  	[sflag:s14] =	ssyncset.done $0x0  }
0x118: {  	[sflag:s14] =	ssyncadd.s32 $0xFFFFC000  }
0x119: {  	[spmem:s3] =	stream.indirect.scatter.add.f32 [tilespmem:s12], [sflag:$0x3], $0x80, s21, s11, $0xb8;
	[tilespmem:$0x1DC00] =	vst v63  }
0x11a: {  	_ =	swait.ge [sflag:s9], $0x4000  }
0x11b: {  	[sflag:s9] =	ssyncset.done $0x0  }
0x11c: {  	[sflag:s9] =	ssyncadd.s32 $0xFFFFC000  }
0x11d: {  	[tilespmem:s12], [sflag:$0x1] =	stream.indirect.gather [hbm4b:s1+s11], $0x80, s22, s11, $0xb8;
	[tilespmem:$0x1DC00] =	vst v63  }
0x11e: {  	_ =	swait.ge [sflag:s15], $0x4000  }
0x11f: {  	[sflag:s15] =	ssyncset.done $0x0  }
0x120: {  	[sflag:s15] =	ssyncadd.s32 $0xFFFFC000  }
0x121: {  	[spmem:s3] =	stream.indirect.scatter.add.f32 [tilespmem:s13], [sflag:$0x3], $0x80, s23, s11, $0xb8;
	[tilespmem:$0x1DC00] =	vst v63  }
0x122: {  	_ =	swait.ge [sflag:s9], $0x4000  }
0x123: {  	[sflag:s9] =	ssyncset.done $0x0  }
0x124: {  	[sflag:s9] =	ssyncadd.s32 $0xFFFFC000  }
0x125: {  	[tilespmem:s13], [sflag:$0x2] =	stream.indirect.gather [hbm4b:s1+s11], $0x80, s24, s11, $0xb8;
	[tilespmem:$0x1DC00] =	vst v63  }
0x126: {  	_ =	swait.ge [sflag:s14], $0x4000  }
0x127: {  	[sflag:s14] =	ssyncset.done $0x0  }
0x128: {  	[sflag:s14] =	ssyncadd.s32 $0xFFFFC000  }
0x129: {  	[spmem:s3] =	stream.indirect.scatter.add.f32 [tilespmem:s12], [sflag:$0x3], $0x80, s25, s11, $0xb8;
	[tilespmem:$0x1DC00] =	vst v63  }
0x12a: {  	_ =	swait.ge [sflag:s9], $0x4000  }
0x12b: {  	[sflag:s9] =	ssyncset.done $0x0  }
0x12c: {  	[sflag:s9] =	ssyncadd.s32 $0xFFFFC000  }
0x12d: {  	[tilespmem:s12], [sflag:$0x1] =	stream.indirect.gather [hbm4b:s1+s11], $0x80, s26, s11, $0xb8;
	[tilespmem:$0x1DC00] =	vst v63  }
0x12e: {  	_ =	swait.ge [sflag:s15], $0x4000  }
0x12f: {  	[sflag:s15] =	ssyncset.done $0x0  }
0x130: {  	[sflag:s15] =	ssyncadd.s32 $0xFFFFC000  }
0x131: {  	[spmem:s3] =	stream.indirect.scatter.add.f32 [tilespmem:s13], [sflag:$0x3], $0x80, s28, s11, $0xb8;
	[tilespmem:$0x1DC00] =	vst v63  }
0x132: {  	_ =	swait.ge [sflag:s9], $0x4000  }
0x133: {  	[sflag:s9] =	ssyncset.done $0x0  }
0x134: {  	[sflag:s9] =	ssyncadd.s32 $0xFFFFC000  }
0x135: {  	[tilespmem:s13], [sflag:$0x2] =	stream.indirect.gather [hbm4b:s1+s11], $0x80, s29, s11, $0xb8;
	[tilespmem:$0x1DC00] =	vst v63  }
0x136: {  	_ =	swait.ge [sflag:s14], $0x4000  }
0x137: {  	[sflag:s14] =	ssyncset.done $0x0  }
0x138: {  	[sflag:s14] =	ssyncadd.s32 $0xFFFFC000  }
0x139: {  	[spmem:s3] =	stream.indirect.scatter.add.f32 [tilespmem:s12], [sflag:$0x3], $0x80, s30, s11, $0xb8;
	[tilespmem:$0x1DC00] =	vst v63  }
0x13a: {  	_ =	swait.ge [sflag:s9], $0x4000  }
0x13b: {  	[sflag:s9] =	ssyncset.done $0x0  }
0x13c: {  	[sflag:s9] =	ssyncadd.s32 $0xFFFFC000  }
0x13d: {  	[tilespmem:s12], [sflag:$0x1] =	stream.indirect.gather [hbm4b:s1+s11], $0x80, s31, s11, $0xb8;
	[tilespmem:$0x1DC00] =	vst v63  }
0x13e: {  	_ =	swait.ge [sflag:s15], $0x4000  }
0x13f: {  	[sflag:s15] =	ssyncset.done $0x0  }
0x140: {  	[sflag:s15] =	ssyncadd.s32 $0xFFFFC000  }
0x141: {  	[spmem:s3] =	stream.indirect.scatter.add.f32 [tilespmem:s13], [sflag:$0x3], $0x80, s2, s11, $0xb8;
	[tilespmem:$0x1DC00] =	vst v63  }
0x142: {  	_ =	swait.ge [sflag:s9], $0x4000  }
0x143: {  	[sflag:s9] =	ssyncset.done $0x0  }
0x144: {  	[sflag:s9] =	ssyncadd.s32 $0xFFFFC000  }
0x145: {  	[tilespmem:s13], [sflag:$0x2] =	stream.indirect.gather [hbm4b:s1+s11], $0x80, s0, s11, $0xb8;
	[tilespmem:$0x1DC00] =	vst v63  }
0x146: {  	_ =	swait.ge [sflag:s14], $0x4000  }
0x147: {  	[sflag:s14] =	ssyncset.done $0x0  }
0x148: {  	[sflag:s14] =	ssyncadd.s32 $0xFFFFC000  }
0x149: {  	s6 =	simm.s32 $0x200;
	_ =	swait.ge [sflag:s15], $0x4000  }
0x14a: {  	s7 =	simm.s32 $0x100;
	s8 =	rddreg [dreg:$0x5];
	[sflag:s15] =	ssyncset.done $0x0  }
.LBB2_4:
0x14b: {  	[sflag:s15] =	ssyncadd.s32 $0xFFFFC000;
	s8 =	sadd.s32 s7, s8  }
0x14c: {  	[tilespmem:s4], [sflag:$0x3] =	stream.linear.gather [hbm4b:s8+s4], $0x800, $0x38;
	[tilespmem:$0x1DC00] =	vst v63  }
0x14d: {  	_ =	swait.ge [sflag:s9], $0x800  }
0x14e: {  	s8 =	rddreg [dreg:$0x4];
	[sflag:s9] =	ssyncset.done $0x0  }
0x14f: {  	[sflag:s9] =	ssyncadd.s32 $0xFFFFF800;
	s8 =	sadd.s32 s7, s8  }
0x150: {  	[tilespmem:s10], [sflag:$0x3] =	stream.linear.gather [hbm4b:s8+s4], $0x800, $0x38;
	[tilespmem:$0x1DC00] =	vst v63  }
0x151: {  	_ =	swait.ge [sflag:s9], $0x800  }
0x152: {  	[sflag:s9] =	ssyncset.done $0x0  }
0x153: {  	[sflag:s9] =	ssyncadd.s32 $0xFFFFF800  }
0x154: {  	[tilespmem:s12], [sflag:$0x1] =	stream.indirect.gather [hbm4b:s1+s11], $0x80, s4, s11, $0xb8;
	[tilespmem:$0x1DC00] =	vst v63  }
0x155: {  	_ = 	snop  }
0x156: {  	[tilespmem:s13], [sflag:$0x2] =	stream.indirect.gather [hbm4b:s1+s11], $0x80, s11, s11, $0xb8;
	[tilespmem:$0x1DC00] =	vst v63  }
0x157: {  	_ =	swait.ge [sflag:s14], $0x4000  }
0x158: {  	[sflag:s14] =	ssyncset.done $0x0  }
0x159: {  	[sflag:s14] =	ssyncadd.s32 $0xFFFFC000  }
0x15a: {  	[spmem:s3] =	stream.indirect.scatter.add.f32 [tilespmem:s12], [sflag:$0x3], $0x80, s10, s11, $0xb8;
	[tilespmem:$0x1DC00] =	vst v63  }
0x15b: {  	_ =	swait.ge [sflag:s9], $0x4000  }
0x15c: {  	[sflag:s9] =	ssyncset.done $0x0  }
0x15d: {  	s8 =	rddreg [dreg:$0x6];
	[sflag:s9] =	ssyncadd.s32 $0xFFFFC000  }
0x15e: {  	[tilespmem:s12], [sflag:$0x1] =	stream.indirect.gather [hbm4b:s1+s11], $0x80, s8, s11, $0xb8;
	[tilespmem:$0x1DC00] =	vst v63  }
0x15f: {  	_ =	swait.ge [sflag:s15], $0x4000  }
0x160: {  	[sflag:s15] =	ssyncset.done $0x0  }
0x161: {  	s8 =	rddreg [dreg:$0x7];
	[sflag:s15] =	ssyncadd.s32 $0xFFFFC000  }
0x162: {  	[spmem:s3] =	stream.indirect.scatter.add.f32 [tilespmem:s13], [sflag:$0x3], $0x80, s8, s11, $0xb8;
	[tilespmem:$0x1DC00] =	vst v63  }
0x163: {  	_ =	swait.ge [sflag:s9], $0x4000  }
0x164: {  	[sflag:s9] =	ssyncset.done $0x0  }
0x165: {  	s8 =	rddreg [dreg:$0x8];
	[sflag:s9] =	ssyncadd.s32 $0xFFFFC000  }
0x166: {  	[tilespmem:s13], [sflag:$0x2] =	stream.indirect.gather [hbm4b:s1+s11], $0x80, s8, s11, $0xb8;
	[tilespmem:$0x1DC00] =	vst v63  }
0x167: {  	_ =	swait.ge [sflag:s14], $0x4000  }
0x168: {  	[sflag:s14] =	ssyncset.done $0x0  }
0x169: {  	s8 =	rddreg [dreg:$0x9];
	[sflag:s14] =	ssyncadd.s32 $0xFFFFC000  }
0x16a: {  	[spmem:s3] =	stream.indirect.scatter.add.f32 [tilespmem:s12], [sflag:$0x3], $0x80, s8, s11, $0xb8;
	[tilespmem:$0x1DC00] =	vst v63  }
0x16b: {  	_ =	swait.ge [sflag:s9], $0x4000  }
0x16c: {  	[sflag:s9] =	ssyncset.done $0x0  }
0x16d: {  	s8 =	rddreg [dreg:$0xa];
	[sflag:s9] =	ssyncadd.s32 $0xFFFFC000  }
0x16e: {  	[tilespmem:s12], [sflag:$0x1] =	stream.indirect.gather [hbm4b:s1+s11], $0x80, s8, s11, $0xb8;
	[tilespmem:$0x1DC00] =	vst v63  }
0x16f: {  	_ =	swait.ge [sflag:s15], $0x4000  }
0x170: {  	[sflag:s15] =	ssyncset.done $0x0  }
0x171: {  	s8 =	rddreg [dreg:$0xb];
	[sflag:s15] =	ssyncadd.s32 $0xFFFFC000  }
0x172: {  	[spmem:s3] =	stream.indirect.scatter.add.f32 [tilespmem:s13], [sflag:$0x3], $0x80, s8, s11, $0xb8;
	[tilespmem:$0x1DC00] =	vst v63  }
0x173: {  	_ =	swait.ge [sflag:s9], $0x4000  }
0x174: {  	[sflag:s9] =	ssyncset.done $0x0  }
0x175: {  	s8 =	rddreg [dreg:$0xc];
	[sflag:s9] =	ssyncadd.s32 $0xFFFFC000  }
0x176: {  	[tilespmem:s13], [sflag:$0x2] =	stream.indirect.gather [hbm4b:s1+s11], $0x80, s8, s11, $0xb8;
	[tilespmem:$0x1DC00] =	vst v63  }
0x177: {  	_ =	swait.ge [sflag:s14], $0x4000  }
0x178: {  	[sflag:s14] =	ssyncset.done $0x0  }
0x179: {  	s8 =	rddreg [dreg:$0xd];
	[sflag:s14] =	ssyncadd.s32 $0xFFFFC000  }
0x17a: {  	[spmem:s3] =	stream.indirect.scatter.add.f32 [tilespmem:s12], [sflag:$0x3], $0x80, s8, s11, $0xb8;
	[tilespmem:$0x1DC00] =	vst v63  }
0x17b: {  	_ =	swait.ge [sflag:s9], $0x4000  }
0x17c: {  	[sflag:s9] =	ssyncset.done $0x0  }
0x17d: {  	s8 =	rddreg [dreg:$0xe];
	[sflag:s9] =	ssyncadd.s32 $0xFFFFC000  }
0x17e: {  	[tilespmem:s12], [sflag:$0x1] =	stream.indirect.gather [hbm4b:s1+s11], $0x80, s8, s11, $0xb8;
	[tilespmem:$0x1DC00] =	vst v63  }
0x17f: {  	_ =	swait.ge [sflag:s15], $0x4000  }
0x180: {  	[sflag:s15] =	ssyncset.done $0x0  }
0x181: {  	s8 =	rddreg [dreg:$0xf];
	[sflag:s15] =	ssyncadd.s32 $0xFFFFC000  }
0x182: {  	[spmem:s3] =	stream.indirect.scatter.add.f32 [tilespmem:s13], [sflag:$0x3], $0x80, s8, s11, $0xb8;
	[tilespmem:$0x1DC00] =	vst v63  }
0x183: {  	_ =	swait.ge [sflag:s9], $0x4000  }
0x184: {  	[sflag:s9] =	ssyncset.done $0x0  }
0x185: {  	s8 =	rddreg [dreg:$0x10];
	[sflag:s9] =	ssyncadd.s32 $0xFFFFC000  }
0x186: {  	[tilespmem:s13], [sflag:$0x2] =	stream.indirect.gather [hbm4b:s1+s11], $0x80, s8, s11, $0xb8;
	[tilespmem:$0x1DC00] =	vst v63  }
0x187: {  	_ =	swait.ge [sflag:s14], $0x4000  }
0x188: {  	[sflag:s14] =	ssyncset.done $0x0  }
0x189: {  	s8 =	rddreg [dreg:$0x11];
	[sflag:s14] =	ssyncadd.s32 $0xFFFFC000  }
0x18a: {  	[spmem:s3] =	stream.indirect.scatter.add.f32 [tilespmem:s12], [sflag:$0x3], $0x80, s8, s11, $0xb8;
	[tilespmem:$0x1DC00] =	vst v63  }
0x18b: {  	_ =	swait.ge [sflag:s9], $0x4000  }
0x18c: {  	[sflag:s9] =	ssyncset.done $0x0  }
0x18d: {  	s8 =	rddreg [dreg:$0x12];
	[sflag:s9] =	ssyncadd.s32 $0xFFFFC000  }
0x18e: {  	[tilespmem:s12], [sflag:$0x1] =	stream.indirect.gather [hbm4b:s1+s11], $0x80, s8, s11, $0xb8;
	[tilespmem:$0x1DC00] =	vst v63  }
0x18f: {  	_ =	swait.ge [sflag:s15], $0x4000  }
0x190: {  	[sflag:s15] =	ssyncset.done $0x0  }
0x191: {  	s8 =	rddreg [dreg:$0x13];
	[sflag:s15] =	ssyncadd.s32 $0xFFFFC000  }
0x192: {  	[spmem:s3] =	stream.indirect.scatter.add.f32 [tilespmem:s13], [sflag:$0x3], $0x80, s8, s11, $0xb8;
	[tilespmem:$0x1DC00] =	vst v63  }
0x193: {  	_ =	swait.ge [sflag:s9], $0x4000  }
0x194: {  	s16 =	smov.u32 s6;
	[sflag:s9] =	ssyncset.done $0x0  }
0x195: {  	s7 =	smov.u32 s16;
	s16 =	simm.s32 $0x480;
	[sflag:s9] =	ssyncadd.s32 $0xFFFFC000  }
0x196: {  	[tilespmem:s13], [sflag:$0x2] =	stream.indirect.gather [hbm4b:s1+s11], $0x80, s16, s11, $0xb8;
	[tilespmem:$0x1DC00] =	vst v63  }
0x197: {  	_ =	swait.ge [sflag:s14], $0x4000  }
0x198: {  	[sflag:s14] =	ssyncset.done $0x0  }
0x199: {  	[sflag:s14] =	ssyncadd.s32 $0xFFFFC000  }
0x19a: {  	[spmem:s3] =	stream.indirect.scatter.add.f32 [tilespmem:s12], [sflag:$0x3], $0x80, s17, s11, $0xb8;
	[tilespmem:$0x1DC00] =	vst v63  }
0x19b: {  	_ =	swait.ge [sflag:s9], $0x4000  }
0x19c: {  	[sflag:s9] =	ssyncset.done $0x0  }
0x19d: {  	[sflag:s9] =	ssyncadd.s32 $0xFFFFC000  }
0x19e: {  	[tilespmem:s12], [sflag:$0x1] =	stream.indirect.gather [hbm4b:s1+s11], $0x80, s18, s11, $0xb8;
	[tilespmem:$0x1DC00] =	vst v63  }
0x19f: {  	_ =	swait.ge [sflag:s15], $0x4000  }
0x1a0: {  	[sflag:s15] =	ssyncset.done $0x0  }
0x1a1: {  	[sflag:s15] =	ssyncadd.s32 $0xFFFFC000  }
0x1a2: {  	[spmem:s3] =	stream.indirect.scatter.add.f32 [tilespmem:s13], [sflag:$0x3], $0x80, s19, s11, $0xb8;
	[tilespmem:$0x1DC00] =	vst v63  }
0x1a3: {  	_ =	swait.ge [sflag:s9], $0x4000  }
0x1a4: {  	[sflag:s9] =	ssyncset.done $0x0  }
0x1a5: {  	[sflag:s9] =	ssyncadd.s32 $0xFFFFC000  }
0x1a6: {  	[tilespmem:s13], [sflag:$0x2] =	stream.indirect.gather [hbm4b:s1+s11], $0x80, s20, s11, $0xb8;
	[tilespmem:$0x1DC00] =	vst v63  }
0x1a7: {  	_ =	swait.ge [sflag:s14], $0x4000  }
0x1a8: {  	[sflag:s14] =	ssyncset.done $0x0  }
0x1a9: {  	[sflag:s14] =	ssyncadd.s32 $0xFFFFC000  }
0x1aa: {  	[spmem:s3] =	stream.indirect.scatter.add.f32 [tilespmem:s12], [sflag:$0x3], $0x80, s21, s11, $0xb8;
	[tilespmem:$0x1DC00] =	vst v63  }
0x1ab: {  	_ =	swait.ge [sflag:s9], $0x4000  }
0x1ac: {  	[sflag:s9] =	ssyncset.done $0x0  }
0x1ad: {  	[sflag:s9] =	ssyncadd.s32 $0xFFFFC000  }
0x1ae: {  	[tilespmem:s12], [sflag:$0x1] =	stream.indirect.gather [hbm4b:s1+s11], $0x80, s22, s11, $0xb8;
	[tilespmem:$0x1DC00] =	vst v63  }
0x1af: {  	_ =	swait.ge [sflag:s15], $0x4000  }
0x1b0: {  	[sflag:s15] =	ssyncset.done $0x0  }
0x1b1: {  	[sflag:s15] =	ssyncadd.s32 $0xFFFFC000  }
0x1b2: {  	[spmem:s3] =	stream.indirect.scatter.add.f32 [tilespmem:s13], [sflag:$0x3], $0x80, s23, s11, $0xb8;
	[tilespmem:$0x1DC00] =	vst v63  }
0x1b3: {  	_ =	swait.ge [sflag:s9], $0x4000  }
0x1b4: {  	[sflag:s9] =	ssyncset.done $0x0  }
0x1b5: {  	[sflag:s9] =	ssyncadd.s32 $0xFFFFC000  }
0x1b6: {  	[tilespmem:s13], [sflag:$0x2] =	stream.indirect.gather [hbm4b:s1+s11], $0x80, s24, s11, $0xb8;
	[tilespmem:$0x1DC00] =	vst v63  }
0x1b7: {  	_ =	swait.ge [sflag:s14], $0x4000  }
0x1b8: {  	[sflag:s14] =	ssyncset.done $0x0  }
0x1b9: {  	[sflag:s14] =	ssyncadd.s32 $0xFFFFC000  }
0x1ba: {  	[spmem:s3] =	stream.indirect.scatter.add.f32 [tilespmem:s12], [sflag:$0x3], $0x80, s25, s11, $0xb8;
	[tilespmem:$0x1DC00] =	vst v63  }
0x1bb: {  	_ =	swait.ge [sflag:s9], $0x4000  }
0x1bc: {  	[sflag:s9] =	ssyncset.done $0x0  }
0x1bd: {  	[sflag:s9] =	ssyncadd.s32 $0xFFFFC000  }
0x1be: {  	[tilespmem:s12], [sflag:$0x1] =	stream.indirect.gather [hbm4b:s1+s11], $0x80, s26, s11, $0xb8;
	[tilespmem:$0x1DC00] =	vst v63  }
0x1bf: {  	_ =	swait.ge [sflag:s15], $0x4000  }
0x1c0: {  	[sflag:s15] =	ssyncset.done $0x0  }
0x1c1: {  	[sflag:s15] =	ssyncadd.s32 $0xFFFFC000  }
0x1c2: {  	[spmem:s3] =	stream.indirect.scatter.add.f32 [tilespmem:s13], [sflag:$0x3], $0x80, s28, s11, $0xb8;
	[tilespmem:$0x1DC00] =	vst v63  }
0x1c3: {  	_ =	swait.ge [sflag:s9], $0x4000  }
0x1c4: {  	[sflag:s9] =	ssyncset.done $0x0  }
0x1c5: {  	[sflag:s9] =	ssyncadd.s32 $0xFFFFC000  }
0x1c6: {  	[tilespmem:s13], [sflag:$0x2] =	stream.indirect.gather [hbm4b:s1+s11], $0x80, s29, s11, $0xb8;
	[tilespmem:$0x1DC00] =	vst v63  }
0x1c7: {  	_ =	swait.ge [sflag:s14], $0x4000  }
0x1c8: {  	[sflag:s14] =	ssyncset.done $0x0  }
0x1c9: {  	[sflag:s14] =	ssyncadd.s32 $0xFFFFC000  }
0x1ca: {  	[spmem:s3] =	stream.indirect.scatter.add.f32 [tilespmem:s12], [sflag:$0x3], $0x80, s30, s11, $0xb8;
	[tilespmem:$0x1DC00] =	vst v63  }
0x1cb: {  	_ =	swait.ge [sflag:s9], $0x4000  }
0x1cc: {  	[sflag:s9] =	ssyncset.done $0x0  }
0x1cd: {  	[sflag:s9] =	ssyncadd.s32 $0xFFFFC000  }
0x1ce: {  	[tilespmem:s12], [sflag:$0x1] =	stream.indirect.gather [hbm4b:s1+s11], $0x80, s31, s11, $0xb8;
	[tilespmem:$0x1DC00] =	vst v63  }
0x1cf: {  	_ =	swait.ge [sflag:s15], $0x4000  }
0x1d0: {  	[sflag:s15] =	ssyncset.done $0x0  }
0x1d1: {  	[sflag:s15] =	ssyncadd.s32 $0xFFFFC000  }
0x1d2: {  	[spmem:s3] =	stream.indirect.scatter.add.f32 [tilespmem:s13], [sflag:$0x3], $0x80, s2, s11, $0xb8;
	[tilespmem:$0x1DC00] =	vst v63  }
0x1d3: {  	_ =	swait.ge [sflag:s9], $0x4000  }
0x1d4: {  	[sflag:s9] =	ssyncset.done $0x0  }
0x1d5: {  	p0 =	sne.s32 s6, $0x400;
	[sflag:s9] =	ssyncadd.s32 $0xFFFFC000  }
0x1d6: {  	[tilespmem:s13], [sflag:$0x2] =	stream.indirect.gather [hbm4b:s1+s11], $0x80, s0, s11, $0xb8;
	[tilespmem:$0x1DC00] =	vst v63  }
.Ltmp1:
0x1d7: {  	_ =	swait.ge [sflag:s14], $0x4000;
	(pc) =	sbr.rel @p0 .LBB2_4-.Ltmp1, $4  }
0x1d8: {  	[sflag:s14] =	ssyncset.done $0x0  }
0x1d9: {  	[sflag:s14] =	ssyncadd.s32 $0xFFFFC000  }
0x1da: {  	_ =	swait.ge [sflag:s15], $0x4000  }
0x1db: {  	s6 =	sadd.s32 $0x100, s6;
	s8 =	rddreg [dreg:$0x5];
	[sflag:s15] =	ssyncset.done $0x0  }
0x1dc: {  	[sflag:s15] =	ssyncadd.s32 $0xFFFFC000;
	s6 =	sadd.s32 s7, s8  }
0x1dd: {  	[tilespmem:s4], [sflag:$0x3] =	stream.linear.gather [hbm4b:s6+s4], $0x800, $0x38;
	[tilespmem:$0x1DC00] =	vst v63  }
0x1de: {  	_ =	swait.ge [sflag:s9], $0x800  }
0x1df: {  	s8 =	rddreg [dreg:$0x4];
	[sflag:s9] =	ssyncset.done $0x0  }
0x1e0: {  	[sflag:s9] =	ssyncadd.s32 $0xFFFFF800;
	s6 =	sadd.s32 s7, s8  }
0x1e1: {  	[tilespmem:s10], [sflag:$0x3] =	stream.linear.gather [hbm4b:s6+s4], $0x800, $0x38;
	[tilespmem:$0x1DC00] =	vst v63  }
0x1e2: {  	_ =	swait.ge [sflag:s9], $0x800  }
0x1e3: {  	[sflag:s9] =	ssyncset.done $0x0  }
0x1e4: {  	[sflag:s9] =	ssyncadd.s32 $0xFFFFF800  }
0x1e5: {  	[tilespmem:s12], [sflag:$0x1] =	stream.indirect.gather [hbm4b:s1+s11], $0x80, s4, s11, $0xb8;
	[tilespmem:$0x1DC00] =	vst v63  }
0x1e6: {  	_ = 	snop  }
0x1e7: {  	[tilespmem:s13], [sflag:$0x2] =	stream.indirect.gather [hbm4b:s1+s11], $0x80, s11, s11, $0xb8;
	[tilespmem:$0x1DC00] =	vst v63  }
0x1e8: {  	_ =	swait.ge [sflag:s14], $0x4000  }
0x1e9: {  	[sflag:s14] =	ssyncset.done $0x0  }
0x1ea: {  	[sflag:s14] =	ssyncadd.s32 $0xFFFFC000  }
0x1eb: {  	[spmem:s3] =	stream.indirect.scatter.add.f32 [tilespmem:s12], [sflag:$0x3], $0x80, s10, s11, $0xb8;
	[tilespmem:$0x1DC00] =	vst v63  }
0x1ec: {  	_ =	swait.ge [sflag:s9], $0x4000  }
0x1ed: {  	[sflag:s9] =	ssyncset.done $0x0  }
0x1ee: {  	s8 =	rddreg [dreg:$0x6];
	[sflag:s9] =	ssyncadd.s32 $0xFFFFC000  }
0x1ef: {  	[tilespmem:s12], [sflag:$0x1] =	stream.indirect.gather [hbm4b:s1+s11], $0x80, s8, s11, $0xb8;
	[tilespmem:$0x1DC00] =	vst v63  }
0x1f0: {  	_ =	swait.ge [sflag:s15], $0x4000  }
0x1f1: {  	[sflag:s15] =	ssyncset.done $0x0  }
0x1f2: {  	s7 =	rddreg [dreg:$0x7];
	[sflag:s15] =	ssyncadd.s32 $0xFFFFC000  }
0x1f3: {  	[spmem:s3] =	stream.indirect.scatter.add.f32 [tilespmem:s13], [sflag:$0x3], $0x80, s7, s11, $0xb8;
	[tilespmem:$0x1DC00] =	vst v63  }
0x1f4: {  	_ =	swait.ge [sflag:s9], $0x4000  }
0x1f5: {  	[sflag:s9] =	ssyncset.done $0x0  }
0x1f6: {  	s8 =	rddreg [dreg:$0x8];
	[sflag:s9] =	ssyncadd.s32 $0xFFFFC000  }
0x1f7: {  	[tilespmem:s13], [sflag:$0x2] =	stream.indirect.gather [hbm4b:s1+s11], $0x80, s8, s11, $0xb8;
	[tilespmem:$0x1DC00] =	vst v63  }
0x1f8: {  	_ =	swait.ge [sflag:s14], $0x4000  }
0x1f9: {  	[sflag:s14] =	ssyncset.done $0x0  }
0x1fa: {  	s7 =	rddreg [dreg:$0x9];
	[sflag:s14] =	ssyncadd.s32 $0xFFFFC000  }
0x1fb: {  	[spmem:s3] =	stream.indirect.scatter.add.f32 [tilespmem:s12], [sflag:$0x3], $0x80, s7, s11, $0xb8;
	[tilespmem:$0x1DC00] =	vst v63  }
0x1fc: {  	_ =	swait.ge [sflag:s9], $0x4000  }
0x1fd: {  	[sflag:s9] =	ssyncset.done $0x0  }
0x1fe: {  	s8 =	rddreg [dreg:$0xa];
	[sflag:s9] =	ssyncadd.s32 $0xFFFFC000  }
0x1ff: {  	[tilespmem:s12], [sflag:$0x1] =	stream.indirect.gather [hbm4b:s1+s11], $0x80, s8, s11, $0xb8;
	[tilespmem:$0x1DC00] =	vst v63  }
0x200: {  	_ =	swait.ge [sflag:s15], $0x4000  }
0x201: {  	[sflag:s15] =	ssyncset.done $0x0  }
0x202: {  	s7 =	rddreg [dreg:$0xb];
	[sflag:s15] =	ssyncadd.s32 $0xFFFFC000  }
0x203: {  	[spmem:s3] =	stream.indirect.scatter.add.f32 [tilespmem:s13], [sflag:$0x3], $0x80, s7, s11, $0xb8;
	[tilespmem:$0x1DC00] =	vst v63  }
0x204: {  	_ =	swait.ge [sflag:s9], $0x4000  }
0x205: {  	[sflag:s9] =	ssyncset.done $0x0  }
0x206: {  	s8 =	rddreg [dreg:$0xc];
	[sflag:s9] =	ssyncadd.s32 $0xFFFFC000  }
0x207: {  	[tilespmem:s13], [sflag:$0x2] =	stream.indirect.gather [hbm4b:s1+s11], $0x80, s8, s11, $0xb8;
	[tilespmem:$0x1DC00] =	vst v63  }
0x208: {  	_ =	swait.ge [sflag:s14], $0x4000  }
0x209: {  	[sflag:s14] =	ssyncset.done $0x0  }
0x20a: {  	s7 =	rddreg [dreg:$0xd];
	[sflag:s14] =	ssyncadd.s32 $0xFFFFC000  }
0x20b: {  	[spmem:s3] =	stream.indirect.scatter.add.f32 [tilespmem:s12], [sflag:$0x3], $0x80, s7, s11, $0xb8;
	[tilespmem:$0x1DC00] =	vst v63  }
0x20c: {  	_ =	swait.ge [sflag:s9], $0x4000  }
0x20d: {  	[sflag:s9] =	ssyncset.done $0x0  }
0x20e: {  	s8 =	rddreg [dreg:$0xe];
	[sflag:s9] =	ssyncadd.s32 $0xFFFFC000  }
0x20f: {  	[tilespmem:s12], [sflag:$0x1] =	stream.indirect.gather [hbm4b:s1+s11], $0x80, s8, s11, $0xb8;
	[tilespmem:$0x1DC00] =	vst v63  }
0x210: {  	_ =	swait.ge [sflag:s15], $0x4000  }
0x211: {  	[sflag:s15] =	ssyncset.done $0x0  }
0x212: {  	s7 =	rddreg [dreg:$0xf];
	[sflag:s15] =	ssyncadd.s32 $0xFFFFC000  }
0x213: {  	[spmem:s3] =	stream.indirect.scatter.add.f32 [tilespmem:s13], [sflag:$0x3], $0x80, s7, s11, $0xb8;
	[tilespmem:$0x1DC00] =	vst v63  }
0x214: {  	_ =	swait.ge [sflag:s9], $0x4000  }
0x215: {  	[sflag:s9] =	ssyncset.done $0x0  }
0x216: {  	s8 =	rddreg [dreg:$0x10];
	[sflag:s9] =	ssyncadd.s32 $0xFFFFC000  }
0x217: {  	[tilespmem:s13], [sflag:$0x2] =	stream.indirect.gather [hbm4b:s1+s11], $0x80, s8, s11, $0xb8;
	[tilespmem:$0x1DC00] =	vst v63  }
0x218: {  	_ =	swait.ge [sflag:s14], $0x4000  }
0x219: {  	[sflag:s14] =	ssyncset.done $0x0  }
0x21a: {  	s7 =	rddreg [dreg:$0x11];
	[sflag:s14] =	ssyncadd.s32 $0xFFFFC000  }
0x21b: {  	[spmem:s3] =	stream.indirect.scatter.add.f32 [tilespmem:s12], [sflag:$0x3], $0x80, s7, s11, $0xb8;
	[tilespmem:$0x1DC00] =	vst v63  }
0x21c: {  	_ =	swait.ge [sflag:s9], $0x4000  }
0x21d: {  	[sflag:s9] =	ssyncset.done $0x0  }
0x21e: {  	s8 =	rddreg [dreg:$0x12];
	[sflag:s9] =	ssyncadd.s32 $0xFFFFC000  }
0x21f: {  	[tilespmem:s12], [sflag:$0x1] =	stream.indirect.gather [hbm4b:s1+s11], $0x80, s8, s11, $0xb8;
	[tilespmem:$0x1DC00] =	vst v63  }
0x220: {  	_ =	swait.ge [sflag:s15], $0x4000  }
0x221: {  	[sflag:s15] =	ssyncset.done $0x0  }
0x222: {  	s7 =	rddreg [dreg:$0x13];
	[sflag:s15] =	ssyncadd.s32 $0xFFFFC000  }
0x223: {  	[spmem:s3] =	stream.indirect.scatter.add.f32 [tilespmem:s13], [sflag:$0x3], $0x80, s7, s11, $0xb8;
	[tilespmem:$0x1DC00] =	vst v63  }
0x224: {  	_ =	swait.ge [sflag:s9], $0x4000  }
0x225: {  	[sflag:s9] =	ssyncset.done $0x0  }
0x226: {  	[sflag:s9] =	ssyncadd.s32 $0xFFFFC000  }
0x227: {  	[tilespmem:s13], [sflag:$0x2] =	stream.indirect.gather [hbm4b:s1+s11], $0x80, s16, s11, $0xb8;
	[tilespmem:$0x1DC00] =	vst v63  }
0x228: {  	_ =	swait.ge [sflag:s14], $0x4000  }
0x229: {  	[sflag:s14] =	ssyncset.done $0x0  }
0x22a: {  	[sflag:s14] =	ssyncadd.s32 $0xFFFFC000  }
0x22b: {  	[spmem:s3] =	stream.indirect.scatter.add.f32 [tilespmem:s12], [sflag:$0x3], $0x80, s17, s11, $0xb8;
	[tilespmem:$0x1DC00] =	vst v63  }
0x22c: {  	_ =	swait.ge [sflag:s9], $0x4000  }
0x22d: {  	[sflag:s9] =	ssyncset.done $0x0  }
0x22e: {  	[sflag:s9] =	ssyncadd.s32 $0xFFFFC000  }
0x22f: {  	[tilespmem:s12], [sflag:$0x1] =	stream.indirect.gather [hbm4b:s1+s11], $0x80, s18, s11, $0xb8;
	[tilespmem:$0x1DC00] =	vst v63  }
0x230: {  	_ =	swait.ge [sflag:s15], $0x4000  }
0x231: {  	[sflag:s15] =	ssyncset.done $0x0  }
0x232: {  	[sflag:s15] =	ssyncadd.s32 $0xFFFFC000  }
0x233: {  	[spmem:s3] =	stream.indirect.scatter.add.f32 [tilespmem:s13], [sflag:$0x3], $0x80, s19, s11, $0xb8;
	[tilespmem:$0x1DC00] =	vst v63  }
0x234: {  	_ =	swait.ge [sflag:s9], $0x4000  }
0x235: {  	[sflag:s9] =	ssyncset.done $0x0  }
0x236: {  	[sflag:s9] =	ssyncadd.s32 $0xFFFFC000  }
0x237: {  	[tilespmem:s13], [sflag:$0x2] =	stream.indirect.gather [hbm4b:s1+s11], $0x80, s20, s11, $0xb8;
	[tilespmem:$0x1DC00] =	vst v63  }
0x238: {  	_ =	swait.ge [sflag:s14], $0x4000  }
0x239: {  	[sflag:s14] =	ssyncset.done $0x0  }
0x23a: {  	[sflag:s14] =	ssyncadd.s32 $0xFFFFC000  }
0x23b: {  	[spmem:s3] =	stream.indirect.scatter.add.f32 [tilespmem:s12], [sflag:$0x3], $0x80, s21, s11, $0xb8;
	[tilespmem:$0x1DC00] =	vst v63  }
0x23c: {  	_ =	swait.ge [sflag:s9], $0x4000  }
0x23d: {  	[sflag:s9] =	ssyncset.done $0x0  }
0x23e: {  	[sflag:s9] =	ssyncadd.s32 $0xFFFFC000  }
0x23f: {  	[tilespmem:s12], [sflag:$0x1] =	stream.indirect.gather [hbm4b:s1+s11], $0x80, s22, s11, $0xb8;
	[tilespmem:$0x1DC00] =	vst v63  }
0x240: {  	_ =	swait.ge [sflag:s15], $0x4000  }
0x241: {  	[sflag:s15] =	ssyncset.done $0x0  }
0x242: {  	[sflag:s15] =	ssyncadd.s32 $0xFFFFC000  }
0x243: {  	[spmem:s3] =	stream.indirect.scatter.add.f32 [tilespmem:s13], [sflag:$0x3], $0x80, s23, s11, $0xb8;
	[tilespmem:$0x1DC00] =	vst v63  }
0x244: {  	_ =	swait.ge [sflag:s9], $0x4000  }
0x245: {  	[sflag:s9] =	ssyncset.done $0x0  }
0x246: {  	[sflag:s9] =	ssyncadd.s32 $0xFFFFC000  }
0x247: {  	[tilespmem:s13], [sflag:$0x2] =	stream.indirect.gather [hbm4b:s1+s11], $0x80, s24, s11, $0xb8;
	[tilespmem:$0x1DC00] =	vst v63  }
0x248: {  	_ =	swait.ge [sflag:s14], $0x4000  }
0x249: {  	[sflag:s14] =	ssyncset.done $0x0  }
0x24a: {  	[sflag:s14] =	ssyncadd.s32 $0xFFFFC000  }
0x24b: {  	[spmem:s3] =	stream.indirect.scatter.add.f32 [tilespmem:s12], [sflag:$0x3], $0x80, s25, s11, $0xb8;
	[tilespmem:$0x1DC00] =	vst v63  }
0x24c: {  	_ =	swait.ge [sflag:s9], $0x4000  }
0x24d: {  	[sflag:s9] =	ssyncset.done $0x0  }
0x24e: {  	[sflag:s9] =	ssyncadd.s32 $0xFFFFC000  }
0x24f: {  	[tilespmem:s12], [sflag:$0x1] =	stream.indirect.gather [hbm4b:s1+s11], $0x80, s26, s11, $0xb8;
	[tilespmem:$0x1DC00] =	vst v63  }
0x250: {  	_ =	swait.ge [sflag:s15], $0x4000  }
0x251: {  	[sflag:s15] =	ssyncset.done $0x0  }
0x252: {  	[sflag:s15] =	ssyncadd.s32 $0xFFFFC000  }
0x253: {  	[spmem:s3] =	stream.indirect.scatter.add.f32 [tilespmem:s13], [sflag:$0x3], $0x80, s28, s11, $0xb8;
	[tilespmem:$0x1DC00] =	vst v63  }
0x254: {  	_ =	swait.ge [sflag:s9], $0x4000  }
0x255: {  	[sflag:s9] =	ssyncset.done $0x0  }
0x256: {  	[sflag:s9] =	ssyncadd.s32 $0xFFFFC000  }
0x257: {  	[tilespmem:s13], [sflag:$0x2] =	stream.indirect.gather [hbm4b:s1+s11], $0x80, s29, s11, $0xb8;
	[tilespmem:$0x1DC00] =	vst v63  }
0x258: {  	_ =	swait.ge [sflag:s14], $0x4000  }
0x259: {  	[sflag:s14] =	ssyncset.done $0x0  }
0x25a: {  	[sflag:s14] =	ssyncadd.s32 $0xFFFFC000  }
0x25b: {  	[spmem:s3] =	stream.indirect.scatter.add.f32 [tilespmem:s12], [sflag:$0x3], $0x80, s30, s11, $0xb8;
	[tilespmem:$0x1DC00] =	vst v63  }
0x25c: {  	_ =	swait.ge [sflag:s9], $0x4000  }
0x25d: {  	[sflag:s9] =	ssyncset.done $0x0  }
0x25e: {  	[sflag:s9] =	ssyncadd.s32 $0xFFFFC000  }
0x25f: {  	[tilespmem:s12], [sflag:$0x1] =	stream.indirect.gather [hbm4b:s1+s11], $0x80, s31, s11, $0xb8;
	[tilespmem:$0x1DC00] =	vst v63  }
0x260: {  	_ =	swait.ge [sflag:s15], $0x4000  }
0x261: {  	[sflag:s15] =	ssyncset.done $0x0  }
0x262: {  	[sflag:s15] =	ssyncadd.s32 $0xFFFFC000  }
0x263: {  	[spmem:s3] =	stream.indirect.scatter.add.f32 [tilespmem:s13], [sflag:$0x3], $0x80, s2, s11, $0xb8;
	[tilespmem:$0x1DC00] =	vst v63  }
0x264: {  	_ =	swait.ge [sflag:s9], $0x4000  }
0x265: {  	[sflag:s9] =	ssyncset.done $0x0  }
0x266: {  	[sflag:s9] =	ssyncadd.s32 $0xFFFFC000  }
0x267: {  	[tilespmem:s13], [sflag:$0x2] =	stream.indirect.gather [hbm4b:s1+s11], $0x80, s0, s11, $0xb8;
	[tilespmem:$0x1DC00] =	vst v63  }
0x268: {  	_ =	swait.ge [sflag:s14], $0x4000  }
0x269: {  	[sflag:s14] =	ssyncset.done $0x0  }
0x26a: {  	[sflag:s14] =	ssyncadd.s32 $0xFFFFC000  }
0x26b: {  	_ =	swait.ge [sflag:s15], $0x4000  }
0x26c: {  	[sflag:s15] =	ssyncset.done $0x0  }
0x26d: {  	s8 =	stileid.u32;
	[sflag:s15] =	ssyncadd.s32 $0xFFFFC000  }
0x26e: {  	s6 =	sshll.u32 s8, $0x6;
	[bflag:$0x0] =	sbarrier.arrive $0xFFFF  }
0x26f: {  	s6 =	sor.u32 $0x1C03, s6;
	s7 =	sshrl.u32 s5, $0x3;
	s8 =	rddreg [dreg:$0x14]  }
0x270: {  	[hbm:s8], [sflag:s6] =	dma.local [spmem:s7], $0x2800  }
0x271: {  	_ =	swait.ge [sflag:s9], $0x2800  }
0x272: {  	s6 =	rddreg [dreg:$0x16]  }
0x273: {  	s8 =	rddreg [dreg:$0x15];
	s7 =	sadd.s32 $0x1, s6  }
0x274: {  	p0 =	sne.s32 s7, s8  }
.Ltmp2:
0x275: {  	_ = 	snop;
	(pc) =	sbr.rel @p0 .LBB2_1-.Ltmp2, $3  }
0x276: {  	_ =	sdelay $0x1  }
0x277: {  	[sflag:s9] =	ssyncset.done $0x0  }
0x278: {  	[sflag:s9] =	ssyncadd.s32 $0xFFFFD800;
	s8 =	simm.s32 $0x9400  }
0x279: {  	_ =	sfence.sel $0x180000  }
0x27a: {  	[bflag:$0x0] =	sbarrier.arrive $0xFFFF  }
0x27b: {  	_ =	strace $0x9000004A  }
0x27c: {  	s0 =	stileid.u32;
	[bflag:$0x2] =	sbarrier.arrive $0xFFFF  }
0x27d: {  	p0 =	sne.s32 s0, $0x0;
	s0 =	rddreg [dreg:$0x3]  }
0x27e: {  	s0 =	sadd.s32 @!p0 $0x100000, s0  }
0x27f: {  	[sflag:s0] =	ssyncadd.tile.s32 @!p0 $0x1;
	_ =	shalt  }
.Lfunc_end2:
_tile_overlayer_lowered:
.L_overlay_start_2:
0x280: {  	(tag) =	ssettag $0x2  }
0x281: {  	s0 =	rddreg [dreg:$0x0];
	s2 =	stileid.u32  }
0x282: {  	s1 =	rddreg [dreg:$0x1];
	p0 =	sne.s32 s2, $0x0  }
0x283: {  	s3 =	rddreg [dreg:$0x2];
	[bflag:$0x3] =	sbarrier.arrive $0xFFFF;
	s2 =	simm.s32 @!p0 $0x1C03  }
0x284: {  	[timem:s3], [sflag:s2] =	dma.local @!p0 [hbm:s0], s1  }
0x285: {  	s0 =	simm.s32 @!p0 $0x3  }
0x286: {  	_ =	swait.ge @!p0 [sflag:s0], s1  }
0x287: {  	s1 =	ssub.s32 @!p0 $0x0, s1;
	[sflag:s0] =	ssyncset.done @!p0 $0x0  }
0x288: {  	[sflag:s0] =	ssyncadd.s32 @!p0 s1  }
0x289: {  	[bflag:$0x3] =	sbarrier.arrive $0xFFFF  }
0x28a: {  	_ =	shalt  }

// kernel: kernel.15.cloned.1.call-start
scs
__scs_entry_jumppad:
0x0: {  	(pc) =	sbr.rel $0x88, $3  }
0x1: {  	(tag) =	ssettag $0x0;
	lr =	simm.s32 $0x1  }
0x2: {  	[smem:$0x3F9B] =	sst lr;
	_ =	strace $0xD0000000  }
0x3: {  	_ = 	snop  }
0x4: {  	_ = 	snop  }
0x5: {  	_ = 	snop  }
0x6: {  	_ = 	snop  }
0x7: {  	_ = 	snop  }
__scs_overlays_trampoline_lowered:
0x8: {  	[smem:$0x3FAA] =	sst s0  }
0x9: {  	[smem:$0x3FAB] =	sst s1  }
0xa: {  	[smem:$0x3FAC] =	sst s2  }
0xb: {  	[smem:$0x3FAD] =	sst s3  }
0xc: {  	[smem:$0x3FAE] =	sst s4  }
0xd: {  	[smem:$0x3FAF] =	sst s5  }
0xe: {  	[smem:$0x3FB0] =	sst s6  }
0xf: {  	[smem:$0x3FB1] =	sst s7  }
0x10: {  	[smem:$0x3FB2] =	sst s8  }
0x11: {  	[smem:$0x3FB3] =	sst s9;
	s0 =	simm.s32 @!p0 $0x0  }
0x12: {  	s1 =	sld [smem:$0x3F99];
	s0 =	simm.s32 @p0 $0x1  }
0x13: {  	[smem:$0x3FB4] =	sst s0;
	s0 =	simm.s32 @!p1 $0x0  }
0x14: {  	s2 =	sld [smem:$0x3F98];
	s0 =	simm.s32 @p1 $0x1  }
0x15: {  	[smem:$0x3FB5] =	sst s0;
	s0 =	simm.s32 @!p2 $0x0  }
0x16: {  	s3 =	sld [smem:$0x3FDB];
	s0 =	simm.s32 @p2 $0x1  }
0x17: {  	s4 =	simm.s32 $0x1BF5;
	[smem:$0x3FB7] =	sst s0  }
0x18: {  	s0 =	sld [smem:$0x3F9A];
	_ =	swait.ge [sflag:s4], $0x0  }
0x19: {  	s7 =	sld [smem:$0x3F9B]  }
0x1a: {  	s8 =	sadd.s32 $0xFFFFE003, lr  }
0x1b: {  	s9 =	sadd.s32 $0xFFFFFEF7, lr;
	s5 =	simm.s32 $0xFFFFFFFF;
	p2 =	slt.u32 s8, $0xFFFFF086  }
0x1c: {  	p1 =	slt.u32 s9, $0xF7A;
	s5 =	simm.s32 @!p2 $0x0  }
0x1d: {  	s5 =	simm.s32 @p1 $0x1;
	p0 =	seq.s32 s7, s2  }
0x1e: {  	s7 =	smul.u32 @!p0 $0xF7A, s2;
	p2 =	seq.s32 @!p0 s5, $0x0  }
0x1f: {  	s9 =	smul.u32 $0xF7A, s1;
	s8 =	simm.s32 @!p0 $0x1BF5;
	p2 =	por !p2, p0  }
0x20: {  	[sflag:s8] =	ssyncset.s32 @!p0 $0xFFFFF086;
	s6 =	sadd.s32 @!p0 s3, s7;
	s7 =	simm.s32 @!p0 $0x108  }
0x21: {  	s3 =	sadd.s32 s3, s9;
	s6 =	sadd.s32 @!p0 $0x88, s6;
	s7 =	simm.s32 @p2 $0x1082  }
0x22: {  	[simem:s7], [sflag:s8] =	dma.local @!p0 [hbm:s6], $0xF7A  }
0x23: {  	s9 =	sor.u32 $0xD0000000, s2;
	s6 =	simm.s32 $0x108;
	_ =	swait.ge @!p0 [sflag:s8], $0x0  }
0x24: {  	s3 =	sadd.s32 $0x88, s3;
	s6 =	simm.s32 @!p1 $0x1082;
	[sflag:s4] =	ssyncset.s32 $0xFFFFF086  }
0x25: {  	[simem:s6], [sflag:s4] =	dma.local [hbm:s3], $0xF7A  }
0x26: {  	[smem:$0x3F9B] =	sst s1;
	(tag) =	ssettag s2;
	_ =	strace s9  }
0x27: {  	s1 =	sld [smem:$0x3FAB]  }
0x28: {  	s2 =	sld [smem:$0x3FAC]  }
0x29: {  	s4 =	sld [smem:$0x3FAE]  }
0x2a: {  	p0 =	seq.s32 s5, $0x0;
	s5 =	sld [smem:$0x3FAF]  }
0x2b: {  	s6 =	sld [smem:$0x3FB0]  }
0x2c: {  	s7 =	sld [smem:$0x3FB1]  }
0x2d: {  	s3 =	simm.s32 $0x108;
	s8 =	sld [smem:$0x3FB2]  }
0x2e: {  	s3 =	simm.s32 @!p0 $0x1082;
	s9 =	sld [smem:$0x3FB3]  }
0x2f: {  	lr =	sadd.s32 s0, s3;
	s0 =	sld [smem:$0x3FAA]  }
0x30: {  	s3 =	sld [smem:$0x3FAD]  }
0x31: {  	[smem:$0x3FB6] =	sst s10  }
0x32: {  	s10 =	sld [smem:$0x3FB4];
	_ =	sdelay $0x3  }
0x33: {  	p0 =	seq.s32 s10, $0x1;
	s10 =	sld [smem:$0x3FB6];
	_ =	sdelay $0x3  }
0x34: {  	[smem:$0x3FB6] =	sst s10  }
0x35: {  	s10 =	sld [smem:$0x3FB5];
	_ =	sdelay $0x3  }
0x36: {  	p1 =	seq.s32 s10, $0x1;
	s10 =	sld [smem:$0x3FB6];
	_ =	sdelay $0x3  }
0x37: {  	[smem:$0x3FB6] =	sst s10  }
0x38: {  	s10 =	sld [smem:$0x3FB7]  }
0x39: {  	_ = 	snop;
	(pc) =	sbr.ind lr, $3  }
0x3a: {  	_ = 	snop  }
0x3b: {  	_ = 	snop  }
0x3c: {  	p2 =	seq.s32 s10, $0x1;
	s10 =	sld [smem:$0x3FB6]  }
0x3d: {  	_ =	shalt  }
0x3e: {  	_ =	shalt  }
0x3f: {  	_ =	shalt  }
0x40: {  	_ =	shalt  }
0x41: {  	_ =	shalt  }
0x42: {  	_ =	shalt  }
0x43: {  	_ =	shalt  }
0x44: {  	_ =	shalt  }
0x45: {  	_ =	shalt  }
0x46: {  	_ =	shalt  }
0x47: {  	_ =	shalt  }
0x48: {  	_ =	shalt  }
0x49: {  	_ =	shalt  }
0x4a: {  	_ =	shalt  }
0x4b: {  	_ =	shalt  }
0x4c: {  	_ =	shalt  }
0x4d: {  	_ =	shalt  }
0x4e: {  	_ =	shalt  }
0x4f: {  	_ =	shalt  }
0x50: {  	_ =	shalt  }
0x51: {  	_ =	shalt  }
0x52: {  	_ =	shalt  }
0x53: {  	_ =	shalt  }
0x54: {  	_ =	shalt  }
0x55: {  	_ =	shalt  }
0x56: {  	_ =	shalt  }
0x57: {  	_ =	shalt  }
0x58: {  	_ =	shalt  }
0x59: {  	_ =	shalt  }
0x5a: {  	_ =	shalt  }
0x5b: {  	_ =	shalt  }
0x5c: {  	_ =	shalt  }
0x5d: {  	_ =	shalt  }
0x5e: {  	_ =	shalt  }
0x5f: {  	_ =	shalt  }
0x60: {  	_ =	shalt  }
0x61: {  	_ =	shalt  }
0x62: {  	_ =	shalt  }
0x63: {  	_ =	shalt  }
0x64: {  	_ =	shalt  }
0x65: {  	_ =	shalt  }
0x66: {  	_ =	shalt  }
0x67: {  	_ =	shalt  }
0x68: {  	_ =	shalt  }
0x69: {  	_ =	shalt  }
0x6a: {  	_ =	shalt  }
0x6b: {  	_ =	shalt  }
0x6c: {  	_ =	shalt  }
0x6d: {  	_ =	shalt  }
0x6e: {  	_ =	shalt  }
0x6f: {  	_ =	shalt  }
0x70: {  	_ =	shalt  }
0x71: {  	_ =	shalt  }
0x72: {  	_ =	shalt  }
0x73: {  	_ =	shalt  }
0x74: {  	_ =	shalt  }
0x75: {  	_ =	shalt  }
0x76: {  	_ =	shalt  }
0x77: {  	_ =	shalt  }
0x78: {  	_ =	shalt  }
0x79: {  	_ =	shalt  }
0x7a: {  	_ =	shalt  }
0x7b: {  	_ =	shalt  }
0x7c: {  	_ =	shalt  }
0x7d: {  	_ =	shalt  }
0x7e: {  	_ =	shalt  }
0x7f: {  	_ =	shalt  }
0x80: {  	_ =	shalt  }
0x81: {  	_ =	shalt  }
0x82: {  	_ =	shalt  }
0x83: {  	_ =	shalt  }
0x84: {  	_ =	shalt  }
0x85: {  	_ =	shalt  }
0x86: {  	_ =	shalt  }
0x87: {  	_ =	shalt  }
.Lfunc_end0:
.L_simem_size_0:
called_computation.2_lowered:
.L_overlay_start_0:
0x88: {  	s2 =	sld [smem:$0x3FD9]  }
0x89: {  	s3 =	sld [smem:$0x3FFE];
	_ =	sdelay $0x1  }
0x8a: {  	s1 =	srdreg.scid  }
0x8b: {  	s0 =	sand.u32 $0x1, s1  }
0x8c: {  	s17 =	sshll.u32 s0, $0xA;
	s2 =	sadd.s32 s3, s2  }
0x8d: {  	s2 =	sadd.s32 s2, s17  }
0x8e: {  	[smem:$0x3FC2] =	sst s2  }
0x8f: {  	_ = 	snop  }
0x90: {  	s2 =	sld [smem:$0x3FD0];
	(tm) =	ssettm $0x1  }
0x91: {  	s18 =	sld [smem:$0x3FFB];
	_ =	sdelay $0x3  }
0x92: {  	_ =	strace s18  }
0x93: {  	s3 =	sld [smem:$0x3FFC];
	_ =	sdelay $0x3  }
0x94: {  	_ =	strace s3  }
0x95: {  	s3 =	sld [smem:$0x3FFD];
	_ =	sdelay $0x3  }
0x96: {  	_ =	strace s3  }
0x97: {  	_ =	strace $0x8FFFFFFF  }
0x98: {  	s19 =	sld [smem:$0x3FDB];
	_ =	sdelay $0x1  }
0x99: {  	s4 =	simm.s32 $_scs_section_size  }
0x9a: {  	s5 =	simm.s32 $_size__tile_overlayer_lowered;
	s6 =	simm.s32 $_tile_overlayer_lowered  }
0x9b: {  	s22 =	simm.s32 $0x1BFF;
	s21 =	sshll.u32 s6, $0x1;
	s3 =	sadd.s32 s4, s19  }
0x9c: {  	s7 =	simm.s32 $0x0;
	s20 =	sshll.u32 s5, $0x1;
	s5 =	sadd.s32 s21, s3  }
0x9d: {  	[timem:s7], [sflag:s22] =	dma.local [hbm:s5], s20  }
0x9e: {  	_ =	swait.ge [sflag:s22], s20  }
0x9f: {  	s4 =	ssub.s32 $0x0, s20;
	[sflag:s22] =	ssyncset.done $0x0  }
0xa0: {  	[sflag:s22] =	ssyncadd.s32 s4;
	_ =	sdelay $0x1  }
0xa1: {  	s23 =	simm.s32 $0x1B8B  }
0xa2: {  	_ =	swait.ge [sflag:s23], $0x1  }
0xa3: {  	[sflag:s23] =	ssyncset.done $0x0  }
0xa4: {  	s25 =	simm.s32 $0x1B8E;
	s24 =	sld [smem:$0x3FFE];
	[sflag:s23] =	ssyncadd.s32 $0xFFFFFFFF  }
0xa5: {  	s26 =	simm.s32 $execute0_lowered;
	[smem:$0x3FD2] =	sst s25  }
0xa6: {  	s5 =	sshll.u32 s26, $0x1;
	_ =	strace $0x8000004C;
	[dreg:$0x1] =	wrdreg $0xFFFFFFFF  }
0xa7: {  	s28 =	simm.s32 $_size_execute0_lowered;
	s3 =	sadd.s32 s3, s5;
	[dreg:$0x0] =	wrdreg $0x0  }
0xa8: {  	s5 =	sshll.u32 s28, $0x1;
	[dreg:$0x2] =	wrdreg s3  }
0xa9: {  	[dreg:$0x3] =	wrdreg s5  }
0xaa: {  	[dreg:$0x4] =	wrdreg $0xC0  }
0xab: {  	_ =	task [dreg:s7], $0x5FFFF  }
0xac: {  	[dreg:$0x1] =	wrdreg $0xFFFFFFFF  }
0xad: {  	[dreg:$0x0] =	wrdreg $0x60  }
0xae: {  	[dreg:$0x2] =	wrdreg s2  }
0xaf: {  	[dreg:$0x3] =	wrdreg s24  }
0xb0: {  	[dreg:$0x4] =	wrdreg $0x9C000  }
0xb1: {  	[dreg:$0x5] =	wrdreg $0x9  }
0xb2: {  	_ =	task.clear_ibuf [dreg:s7], $0x6FFFF;
	_ =	strace $0x9000004C  }
0xb3: {  	s29 =	simm.s32 $0x9;
	_ =	strace $0x8000004E  }
0xb4: {  	_ =	swait.ge [sflag:s29], $0x1  }
0xb5: {  	[sflag:s29] =	ssyncadd.s32 $0xFFFFFFFF  }
0xb6: {  	_ =	strace $0x9000004E  }
0xb7: {  	_ =	sfence  }
0xb8: {  	s30 =	sld [smem:$0x0];
	_ =	sdelay $0x2  }
0xb9: {  	s31 =	sshll.u32 s1, $0xD;
	s1 =	sshrl.u32 s1, $0x2  }
0xba: {  	s3 =	sand.u32 $0x4000, s31;
	s1 =	sadd.s32 s1, s30  }
0xbb: {  	s0 =	sor.u32 s3, s0;
	s1 =	sshll.u32 s1, $0x11  }
0xbc: {  	s0 =	sor.u32 s1, s0  }
0xbd: {  	s0 =	sadd.s32 $0x8F2B, s0  }
0xbe: {  	[sflag:s0] =	ssyncadd.remote.s32 $0x1  }
0xbf: {  	_ =	sfence.sel $0xFFFF  }
0xc0: {  	[dreg:$0x0] =	wrdreg $0xFFFFFFFF;
	(pc) =	sbr.abs _section_cstart, $3  }
0xc1: {  	[dreg:$0x1] =	wrdreg $0xFFFFFFFF  }
0xc2: {  	_ =	task.clear_ibuf [dreg:s7], $0x2FFFF;
	_ =	strace $0x9FFFFFFF  }
0xc3: {  	(tm) =	ssettm $0x7FFFFFFF  }
tec
execute0_lowered:
.L_overlay_start_1:
0x0: {  	(tag) =	ssettag $0x1  }
0x1: {  	s1 =	rddreg [dreg:$0x0]  }
0x2: {  	s0 =	srdreg.scid;
	s5 =	rddreg [dreg:$0x1]  }
0x3: {  	s8 =	stileid.u32;
	s3 =	rddreg [dreg:$0x2];
	s10 =	simm.s32 $0x100  }
0x4: {  	s12 =	simm.s32 $0xC80;
	s14 =	simm.s32 $0x180;
	s15 =	simm.s32 $0xD00  }
0x5: {  	s17 =	simm.s32 $0x200;
	s0 =	sand.u32 $0x1, s0;
	s4 =	smul.u32 $0x2800, s8  }
0x6: {  	s18 =	simm.s32 $0xD80;
	s19 =	simm.s32 $0x280;
	s2 =	smul.u32 $0x28000, s0  }
0x7: {  	s20 =	simm.s32 $0xE00;
	s21 =	simm.s32 $0x300;
	s22 =	simm.s32 $0xE80  }
0x8: {  	s23 =	simm.s32 $0x380;
	s2 =	sadd.s32 s4, s2;
	s4 =	simm.s32 $0x0  }
0x9: {  	s24 =	simm.s32 $0xF00;
	s25 =	simm.s32 $0x400;
	[smem:$0x7FF] =	sst s4  }
0xa: {  	s26 =	simm.s32 $0xF80;
	_ =	strace $0x8000004D;
	[dreg:$0x6] =	wrdreg s10  }
0xb: {  	s28 =	simm.s32 $0x1280;
	s29 =	simm.s32 $0x780;
	[dreg:$0x7] =	wrdreg s12  }
0xc: {  	s6 =	smul.u32 $0x140000, s0;
	s0 =	ssub.s32 $0x2, s0;
	[dreg:$0x8] =	wrdreg s14  }
0xd: {  	s30 =	simm.s32 $0x1300;
	s11 =	sshrl.u32 s0, $0x1;
	[dreg:$0x9] =	wrdreg s15  }
0xe: {  	s31 =	simm.s32 $0x800;
	s0 =	ssub.s32 s0, s11;
	[dreg:$0xa] =	wrdreg s17  }
0xf: {  	s13 =	smul.u32 $0x50000, s8;
	s0 =	smax.u32 s0, $0x1;
	[dreg:$0xb] =	wrdreg s18  }
0x10: {  	s7 =	smul.u32 $0x14000, s8;
	s8 =	simm.s32 $0x9400;
	[dreg:$0x15] =	wrdreg s0  }
0x11: {  	s16 =	sshrl.u32 s13, $0x2;
	s13 =	simm.s32 $0x5400;
	[dreg:$0xc] =	wrdreg s19  }
0x12: {  	s6 =	sadd.s32 s7, s6;
	s11 =	simm.s32 $0x80;
	[dreg:$0xd] =	wrdreg s20  }
0x13: {  	s7 =	simm.s32 $0x0;
	s2 =	sshrl.u32 s2, $0x3;
	[dreg:$0xe] =	wrdreg s21  }
0x14: {  	s6 =	sshrl.u32 s6, $0x3;
	s2 =	sadd.s32 s2, s5;
	[dreg:$0xf] =	wrdreg s22  }
0x15: {  	s6 =	sadd.s32 s6, s5;
	s5 =	sadd.s32 s16, s3;
	[dreg:$0x10] =	wrdreg s23  }
0x16: {  	s10 =	simm.s32 $0xC00;
	s12 =	simm.s32 $0x1400;
	[dreg:$0x11] =	wrdreg s24  }
0x17: {  	[dreg:$0x12] =	wrdreg s25;
	s14 =	simm.s32 $0x1;
	s15 =	simm.s32 $0x2  }
0x18: {  	[dreg:$0x13] =	wrdreg s26;
	s16 =	simm.s32 $0x480;
	s17 =	simm.s32 $0x1000  }
0x19: {  	s18 =	simm.s32 $0x500;
	s19 =	simm.s32 $0x1080;
	s20 =	simm.s32 $0x580  }
0x1a: {  	s21 =	simm.s32 $0x1100;
	s22 =	simm.s32 $0x600;
	s23 =	simm.s32 $0x1180  }
0x1b: {  	s24 =	simm.s32 $0x680;
	s25 =	simm.s32 $0x1200;
	s9 =	sadd.s32 $0xC800, s2  }
0x1c: {  	s26 =	simm.s32 $0x700;
	s2 =	sadd.s32 $0x2800, s2;
	[dreg:$0x4] =	wrdreg s9  }
0x1d: {  	s0 =	simm.s32 $0x880;
	s6 =	sadd.s32 $0x16800, s6;
	[dreg:$0x5] =	wrdreg s2  }
0x1e: {  	v0 =	vimm.f32 $0.0e+00;
	v1 =	vimm.s32 $0x0;
	[dreg:$0x14] =	wrdreg s6;
	s9 =	simm.s32 $0x3;
	s2 =	simm.s32 $0x1380  }
.LBB2_1:
0x1f: {  	[tilespmem:$0x9400] =	vst v0  }
0x20: {  	[tilespmem:$0x9410] =	vst v0  }
0x21: {  	[tilespmem:$0x9420] =	vst v0  }
0x22: {  	[tilespmem:$0x9430] =	vst v0  }
0x23: {  	[tilespmem:$0x9440] =	vst v0  }
0x24: {  	[tilespmem:$0x9450] =	vst v0  }
0x25: {  	[tilespmem:$0x9460] =	vst v0  }
0x26: {  	[tilespmem:$0x9470] =	vst v0  }
0x27: {  	[tilespmem:$0x9480] =	vst v0  }
0x28: {  	[tilespmem:$0x9490] =	vst v0  }
0x29: {  	[tilespmem:$0x94A0] =	vst v0  }
0x2a: {  	[tilespmem:$0x94B0] =	vst v0  }
0x2b: {  	[tilespmem:$0x94C0] =	vst v0  }
0x2c: {  	[tilespmem:$0x94D0] =	vst v0  }
0x2d: {  	[tilespmem:$0x94E0] =	vst v0  }
0x2e: {  	[tilespmem:$0x94F0] =	vst v0  }
0x2f: {  	[tilespmem:$0x9500] =	vst v0  }
0x30: {  	[tilespmem:$0x9510] =	vst v0  }
0x31: {  	[tilespmem:$0x9520] =	vst v0  }
0x32: {  	[tilespmem:$0x9530] =	vst v0  }
0x33: {  	[tilespmem:$0x9540] =	vst v0  }
0x34: {  	[tilespmem:$0x9550] =	vst v0  }
0x35: {  	[tilespmem:$0x9560] =	vst v0  }
0x36: {  	[tilespmem:$0x9570] =	vst v0  }
0x37: {  	[tilespmem:$0x9580] =	vst v0  }
0x38: {  	[tilespmem:$0x9590] =	vst v0  }
0x39: {  	[tilespmem:$0x95A0] =	vst v0  }
0x3a: {  	[tilespmem:$0x95B0] =	vst v0  }
0x3b: {  	[tilespmem:$0x95C0] =	vst v0  }
0x3c: {  	[tilespmem:$0x95D0] =	vst v0  }
0x3d: {  	[tilespmem:$0x95E0] =	vst v0  }
0x3e: {  	[tilespmem:$0x95F0] =	vst v0  }
0x3f: {  	[tilespmem:$0x9600] =	vst v0  }
0x40: {  	[tilespmem:$0x9610] =	vst v0  }
0x41: {  	[tilespmem:$0x9620] =	vst v0  }
0x42: {  	[tilespmem:$0x9630] =	vst v0  }
0x43: {  	[tilespmem:$0x9640] =	vst v0  }
0x44: {  	[tilespmem:$0x9650] =	vst v0  }
0x45: {  	[tilespmem:$0x9660] =	vst v0  }
0x46: {  	[tilespmem:$0x9670] =	vst v0  }
0x47: {  	[tilespmem:$0x9680] =	vst v0  }
0x48: {  	[tilespmem:$0x9690] =	vst v0  }
0x49: {  	[tilespmem:$0x96A0] =	vst v0  }
0x4a: {  	[tilespmem:$0x96B0] =	vst v0  }
0x4b: {  	[tilespmem:$0x96C0] =	vst v0  }
0x4c: {  	[tilespmem:$0x96D0] =	vst v0  }
0x4d: {  	[tilespmem:$0x96E0] =	vst v0  }
0x4e: {  	[tilespmem:$0x96F0] =	vst v0  }
0x4f: {  	[tilespmem:$0x9700] =	vst v0  }
0x50: {  	[tilespmem:$0x9710] =	vst v0  }
0x51: {  	[tilespmem:$0x9720] =	vst v0  }
0x52: {  	[tilespmem:$0x9730] =	vst v0  }
0x53: {  	[tilespmem:$0x9740] =	vst v0  }
0x54: {  	[tilespmem:$0x9750] =	vst v0  }
0x55: {  	[tilespmem:$0x9760] =	vst v0  }
0x56: {  	[tilespmem:$0x9770] =	vst v0  }
0x57: {  	[tilespmem:$0x9780] =	vst v0  }
0x58: {  	[tilespmem:$0x9790] =	vst v0  }
0x59: {  	[tilespmem:$0x97A0] =	vst v0  }
0x5a: {  	[tilespmem:$0x97B0] =	vst v0  }
0x5b: {  	[tilespmem:$0x97C0] =	vst v0  }
0x5c: {  	[tilespmem:$0x97D0] =	vst v0  }
0x5d: {  	[tilespmem:$0x97E0] =	vst v0  }
0x5e: {  	[tilespmem:$0x97F0] =	vst v0  }
0x5f: {  	[tilespmem:$0x9800] =	vst v0  }
0x60: {  	[tilespmem:$0x9810] =	vst v0  }
0x61: {  	[tilespmem:$0x9820] =	vst v0  }
0x62: {  	[tilespmem:$0x9830] =	vst v0  }
0x63: {  	[tilespmem:$0x9840] =	vst v0  }
0x64: {  	[tilespmem:$0x9850] =	vst v0  }
0x65: {  	[tilespmem:$0x9860] =	vst v0  }
0x66: {  	[tilespmem:$0x9870] =	vst v0  }
0x67: {  	[tilespmem:$0x9880] =	vst v0  }
0x68: {  	[tilespmem:$0x9890] =	vst v0  }
0x69: {  	[tilespmem:$0x98A0] =	vst v0  }
0x6a: {  	[tilespmem:$0x98B0] =	vst v0  }
0x6b: {  	[tilespmem:$0x98C0] =	vst v0  }
0x6c: {  	[tilespmem:$0x98D0] =	vst v0  }
0x6d: {  	[tilespmem:$0x98E0] =	vst v0  }
0x6e: {  	[tilespmem:$0x98F0] =	vst v0  }
0x6f: {  	[tilespmem:$0x9900] =	vst v0  }
0x70: {  	[tilespmem:$0x9910] =	vst v0  }
0x71: {  	[tilespmem:$0x9920] =	vst v0  }
0x72: {  	[tilespmem:$0x9930] =	vst v0  }
0x73: {  	[tilespmem:$0x9940] =	vst v0  }
0x74: {  	[tilespmem:$0x9950] =	vst v0  }
0x75: {  	[tilespmem:$0x9960] =	vst v0  }
0x76: {  	[tilespmem:$0x9970] =	vst v0  }
0x77: {  	[tilespmem:$0x9980] =	vst v0  }
0x78: {  	[tilespmem:$0x9990] =	vst v0  }
0x79: {  	[tilespmem:$0x99A0] =	vst v0  }
0x7a: {  	[tilespmem:$0x99B0] =	vst v0  }
0x7b: {  	[tilespmem:$0x99C0] =	vst v0  }
0x7c: {  	[tilespmem:$0x99D0] =	vst v0  }
0x7d: {  	[tilespmem:$0x99E0] =	vst v0  }
0x7e: {  	[tilespmem:$0x99F0] =	vst v0  }
0x7f: {  	[tilespmem:$0x9A00] =	vst v0  }
0x80: {  	[tilespmem:$0x9A10] =	vst v0  }
0x81: {  	[tilespmem:$0x9A20] =	vst v0  }
0x82: {  	[tilespmem:$0x9A30] =	vst v0  }
0x83: {  	[tilespmem:$0x9A40] =	vst v0  }
0x84: {  	[tilespmem:$0x9A50] =	vst v0  }
0x85: {  	[tilespmem:$0x9A60] =	vst v0  }
0x86: {  	[tilespmem:$0x9A70] =	vst v0  }
0x87: {  	[tilespmem:$0x9A80] =	vst v0  }
0x88: {  	[tilespmem:$0x9A90] =	vst v0  }
0x89: {  	[tilespmem:$0x9AA0] =	vst v0  }
0x8a: {  	[tilespmem:$0x9AB0] =	vst v0  }
0x8b: {  	[tilespmem:$0x9AC0] =	vst v0  }
0x8c: {  	[tilespmem:$0x9AD0] =	vst v0  }
0x8d: {  	[tilespmem:$0x9AE0] =	vst v0  }
0x8e: {  	[tilespmem:$0x9AF0] =	vst v0  }
0x8f: {  	[tilespmem:$0x9B00] =	vst v0  }
0x90: {  	[tilespmem:$0x9B10] =	vst v0  }
0x91: {  	[tilespmem:$0x9B20] =	vst v0  }
0x92: {  	[tilespmem:$0x9B30] =	vst v0  }
0x93: {  	[tilespmem:$0x9B40] =	vst v0  }
0x94: {  	[tilespmem:$0x9B50] =	vst v0  }
0x95: {  	[tilespmem:$0x9B60] =	vst v0  }
0x96: {  	[tilespmem:$0x9B70] =	vst v0  }
0x97: {  	[tilespmem:$0x9B80] =	vst v0  }
0x98: {  	[tilespmem:$0x9B90] =	vst v0  }
0x99: {  	[tilespmem:$0x9BA0] =	vst v0  }
0x9a: {  	[tilespmem:$0x9BB0] =	vst v0  }
0x9b: {  	[tilespmem:$0x9BC0] =	vst v0  }
0x9c: {  	[tilespmem:$0x9BD0] =	vst v0  }
0x9d: {  	[tilespmem:$0x9BE0] =	vst v0  }
0x9e: {  	[dreg:$0x16] =	wrdreg s7;
	[tilespmem:$0x9BF0] =	vst v0;
	s6 =	sadd.s32 $0x0, s5  }
0x9f: {  	[spmem:s6] =	stream.linear.scatter [tilespmem:s8], [sflag:$0x3], $0x800, $0x38;
	[tilespmem:$0x1DC00] =	vst v63  }
0xa0: {  	s6 =	simm.s32 $0x2000;
	_ =	swait.ge [sflag:s9], $0x800  }
.LBB2_2:
0xa1: {  	s7 =	sshra.s32 s6, $0x2;
	[sflag:s9] =	ssyncset.done $0x0;
	p0 =	sne.s32 s6, $0x4E000  }
.Ltmp0:
0xa2: {  	s7 =	sadd.s32 s7, s5;
	[sflag:s9] =	ssyncadd.s32 $0xFFFFF800;
	(pc) =	sbr.rel @p0 .LBB2_2-.Ltmp0, $3  }
0xa3: {  	[spmem:s7] =	stream.linear.scatter [tilespmem:s8], [sflag:$0x3], $0x800, $0x38;
	[tilespmem:$0x1DC00] =	vst v63  }
0xa4: {  	s6 =	sadd.s32 $0x2000, s6;
	_ =	sdelay $0x1  }
0xa5: {  	_ =	swait.ge [sflag:s9], $0x800  }
0xa6: {  	[sflag:s9] =	ssyncset.done $0x0  }
0xa7: {  	[sflag:s9] =	ssyncadd.s32 $0xFFFFF800  }
0xa8: {  	[tilespmem:$0x800] =	vst v1  }
0xa9: {  	[tilespmem:$0x810] =	vst v1  }
0xaa: {  	[tilespmem:$0x820] =	vst v1  }
0xab: {  	[tilespmem:$0x830] =	vst v1  }
0xac: {  	[tilespmem:$0x840] =	vst v1  }
0xad: {  	[tilespmem:$0x850] =	vst v1  }
0xae: {  	[tilespmem:$0x860] =	vst v1  }
0xaf: {  	[tilespmem:$0x870] =	vst v1  }
0xb0: {  	[tilespmem:$0x880] =	vst v1  }
0xb1: {  	[tilespmem:$0x890] =	vst v1  }
0xb2: {  	[tilespmem:$0x8A0] =	vst v1  }
0xb3: {  	[tilespmem:$0x8B0] =	vst v1  }
0xb4: {  	[tilespmem:$0x8C0] =	vst v1  }
0xb5: {  	[tilespmem:$0x8D0] =	vst v1  }
0xb6: {  	[tilespmem:$0x8E0] =	vst v1  }
0xb7: {  	[tilespmem:$0x8F0] =	vst v1  }
0xb8: {  	[bflag:$0x0] =	sbarrier.arrive $0xFFFF  }
0xb9: {  	s6 =	rddreg [dreg:$0x5]  }
0xba: {  	s6 =	sadd.s32 $0x0, s6  }
0xbb: {  	[tilespmem:s4], [sflag:$0x3] =	stream.linear.gather [hbm4b:s6+s4], $0x800, $0x38;
	[tilespmem:$0x1DC00] =	vst v63  }
0xbc: {  	_ =	swait.ge [sflag:s9], $0x800  }
0xbd: {  	s8 =	rddreg [dreg:$0x4];
	[sflag:s9] =	ssyncset.done $0x0  }
0xbe: {  	[sflag:s9] =	ssyncadd.s32 $0xFFFFF800;
	s6 =	sadd.s32 $0x0, s8  }
0xbf: {  	[tilespmem:s10], [sflag:$0x3] =	stream.linear.gather [hbm4b:s6+s4], $0x800, $0x38;
	[tilespmem:$0x1DC00] =	vst v63  }
0xc0: {  	_ =	swait.ge [sflag:s9], $0x800  }
0xc1: {  	[sflag:s9] =	ssyncset.done $0x0  }
0xc2: {  	[sflag:s9] =	ssyncadd.s32 $0xFFFFF800  }
0xc3: {  	[tilespmem:s12], [sflag:$0x1] =	stream.indirect.gather [hbm4b:s1+s11], $0x80, s4, s11, $0xb8;
	[tilespmem:$0x1DC00] =	vst v63  }
0xc4: {  	_ = 	snop  }
0xc5: {  	[tilespmem:s13], [sflag:$0x2] =	stream.indirect.gather [hbm4b:s1+s11], $0x80, s11, s11, $0xb8;
	[tilespmem:$0x1DC00] =	vst v63  }
0xc6: {  	_ =	swait.ge [sflag:s14], $0x4000  }
0xc7: {  	[sflag:s14] =	ssyncset.done $0x0  }
0xc8: {  	[sflag:s14] =	ssyncadd.s32 $0xFFFFC000  }
0xc9: {  	[spmem:s3] =	stream.indirect.scatter.add.f32 [tilespmem:s12], [sflag:$0x3], $0x80, s10, s11, $0xb8;
	[tilespmem:$0x1DC00] =	vst v63  }
0xca: {  	_ =	swait.ge [sflag:s9], $0x4000  }
0xcb: {  	[sflag:s9] =	ssyncset.done $0x0  }
0xcc: {  	s7 =	rddreg [dreg:$0x6];
	[sflag:s9] =	ssyncadd.s32 $0xFFFFC000  }
0xcd: {  	[tilespmem:s12], [sflag:$0x1] =	stream.indirect.gather [hbm4b:s1+s11], $0x80, s7, s11, $0xb8;
	[tilespmem:$0x1DC00] =	vst v63  }
0xce: {  	_ =	swait.ge [sflag:s15], $0x4000  }
0xcf: {  	[sflag:s15] =	ssyncset.done $0x0  }
0xd0: {  	s8 =	rddreg [dreg:$0x7];
	[sflag:s15] =	ssyncadd.s32 $0xFFFFC000  }
0xd1: {  	[spmem:s3] =	stream.indirect.scatter.add.f32 [tilespmem:s13], [sflag:$0x3], $0x80, s8, s11, $0xb8;
	[tilespmem:$0x1DC00] =	vst v63  }
0xd2: {  	_ =	swait.ge [sflag:s9], $0x4000  }
0xd3: {  	[sflag:s9] =	ssyncset.done $0x0  }
0xd4: {  	s7 =	rddreg [dreg:$0x8];
	[sflag:s9] =	ssyncadd.s32 $0xFFFFC000  }
0xd5: {  	[tilespmem:s13], [sflag:$0x2] =	stream.indirect.gather [hbm4b:s1+s11], $0x80, s7, s11, $0xb8;
	[tilespmem:$0x1DC00] =	vst v63  }
0xd6: {  	_ =	swait.ge [sflag:s14], $0x4000  }
0xd7: {  	[sflag:s14] =	ssyncset.done $0x0  }
0xd8: {  	s8 =	rddreg [dreg:$0x9];
	[sflag:s14] =	ssyncadd.s32 $0xFFFFC000  }
0xd9: {  	[spmem:s3] =	stream.indirect.scatter.add.f32 [tilespmem:s12], [sflag:$0x3], $0x80, s8, s11, $0xb8;
	[tilespmem:$0x1DC00] =	vst v63  }
0xda: {  	_ =	swait.ge [sflag:s9], $0x4000  }
0xdb: {  	[sflag:s9] =	ssyncset.done $0x0  }
0xdc: {  	s7 =	rddreg [dreg:$0xa];
	[sflag:s9] =	ssyncadd.s32 $0xFFFFC000  }
0xdd: {  	[tilespmem:s12], [sflag:$0x1] =	stream.indirect.gather [hbm4b:s1+s11], $0x80, s7, s11, $0xb8;
	[tilespmem:$0x1DC00] =	vst v63  }
0xde: {  	_ =	swait.ge [sflag:s15], $0x4000  }
0xdf: {  	[sflag:s15] =	ssyncset.done $0x0  }
0xe0: {  	s8 =	rddreg [dreg:$0xb];
	[sflag:s15] =	ssyncadd.s32 $0xFFFFC000  }
0xe1: {  	[spmem:s3] =	stream.indirect.scatter.add.f32 [tilespmem:s13], [sflag:$0x3], $0x80, s8, s11, $0xb8;
	[tilespmem:$0x1DC00] =	vst v63  }
0xe2: {  	_ =	swait.ge [sflag:s9], $0x4000  }
0xe3: {  	[sflag:s9] =	ssyncset.done $0x0  }
0xe4: {  	s7 =	rddreg [dreg:$0xc];
	[sflag:s9] =	ssyncadd.s32 $0xFFFFC000  }
0xe5: {  	[tilespmem:s13], [sflag:$0x2] =	stream.indirect.gather [hbm4b:s1+s11], $0x80, s7, s11, $0xb8;
	[tilespmem:$0x1DC00] =	vst v63  }
0xe6: {  	_ =	swait.ge [sflag:s14], $0x4000  }
0xe7: {  	[sflag:s14] =	ssyncset.done $0x0  }
0xe8: {  	s8 =	rddreg [dreg:$0xd];
	[sflag:s14] =	ssyncadd.s32 $0xFFFFC000  }
0xe9: {  	[spmem:s3] =	stream.indirect.scatter.add.f32 [tilespmem:s12], [sflag:$0x3], $0x80, s8, s11, $0xb8;
	[tilespmem:$0x1DC00] =	vst v63  }
0xea: {  	_ =	swait.ge [sflag:s9], $0x4000  }
0xeb: {  	[sflag:s9] =	ssyncset.done $0x0  }
0xec: {  	s7 =	rddreg [dreg:$0xe];
	[sflag:s9] =	ssyncadd.s32 $0xFFFFC000  }
0xed: {  	[tilespmem:s12], [sflag:$0x1] =	stream.indirect.gather [hbm4b:s1+s11], $0x80, s7, s11, $0xb8;
	[tilespmem:$0x1DC00] =	vst v63  }
0xee: {  	_ =	swait.ge [sflag:s15], $0x4000  }
0xef: {  	[sflag:s15] =	ssyncset.done $0x0  }
0xf0: {  	s8 =	rddreg [dreg:$0xf];
	[sflag:s15] =	ssyncadd.s32 $0xFFFFC000  }
0xf1: {  	[spmem:s3] =	stream.indirect.scatter.add.f32 [tilespmem:s13], [sflag:$0x3], $0x80, s8, s11, $0xb8;
	[tilespmem:$0x1DC00] =	vst v63  }
0xf2: {  	_ =	swait.ge [sflag:s9], $0x4000  }
0xf3: {  	[sflag:s9] =	ssyncset.done $0x0  }
0xf4: {  	s7 =	rddreg [dreg:$0x10];
	[sflag:s9] =	ssyncadd.s32 $0xFFFFC000  }
0xf5: {  	[tilespmem:s13], [sflag:$0x2] =	stream.indirect.gather [hbm4b:s1+s11], $0x80, s7, s11, $0xb8;
	[tilespmem:$0x1DC00] =	vst v63  }
0xf6: {  	_ =	swait.ge [sflag:s14], $0x4000  }
0xf7: {  	[sflag:s14] =	ssyncset.done $0x0  }
0xf8: {  	s8 =	rddreg [dreg:$0x11];
	[sflag:s14] =	ssyncadd.s32 $0xFFFFC000  }
0xf9: {  	[spmem:s3] =	stream.indirect.scatter.add.f32 [tilespmem:s12], [sflag:$0x3], $0x80, s8, s11, $0xb8;
	[tilespmem:$0x1DC00] =	vst v63  }
0xfa: {  	_ =	swait.ge [sflag:s9], $0x4000  }
0xfb: {  	[sflag:s9] =	ssyncset.done $0x0  }
0xfc: {  	s7 =	rddreg [dreg:$0x12];
	[sflag:s9] =	ssyncadd.s32 $0xFFFFC000  }
0xfd: {  	[tilespmem:s12], [sflag:$0x1] =	stream.indirect.gather [hbm4b:s1+s11], $0x80, s7, s11, $0xb8;
	[tilespmem:$0x1DC00] =	vst v63  }
0xfe: {  	_ =	swait.ge [sflag:s15], $0x4000  }
0xff: {  	[sflag:s15] =	ssyncset.done $0x0  }
0x100: {  	s8 =	rddreg [dreg:$0x13];
	[sflag:s15] =	ssyncadd.s32 $0xFFFFC000  }
0x101: {  	[spmem:s3] =	stream.indirect.scatter.add.f32 [tilespmem:s13], [sflag:$0x3], $0x80, s8, s11, $0xb8;
	[tilespmem:$0x1DC00] =	vst v63  }
0x102: {  	_ =	swait.ge [sflag:s9], $0x4000  }
0x103: {  	[sflag:s9] =	ssyncset.done $0x0  }
0x104: {  	[sflag:s9] =	ssyncadd.s32 $0xFFFFC000  }
0x105: {  	[tilespmem:s13], [sflag:$0x2] =	stream.indirect.gather [hbm4b:s1+s11], $0x80, s16, s11, $0xb8;
	[tilespmem:$0x1DC00] =	vst v63  }
0x106: {  	_ =	swait.ge [sflag:s14], $0x4000  }
0x107: {  	[sflag:s14] =	ssyncset.done $0x0  }
0x108: {  	[sflag:s14] =	ssyncadd.s32 $0xFFFFC000  }
0x109: {  	[spmem:s3] =	stream.indirect.scatter.add.f32 [tilespmem:s12], [sflag:$0x3], $0x80, s17, s11, $0xb8;
	[tilespmem:$0x1DC00] =	vst v63  }
0x10a: {  	_ =	swait.ge [sflag:s9], $0x4000  }
0x10b: {  	[sflag:s9] =	ssyncset.done $0x0  }
0x10c: {  	[sflag:s9] =	ssyncadd.s32 $0xFFFFC000  }
0x10d: {  	[tilespmem:s12], [sflag:$0x1] =	stream.indirect.gather [hbm4b:s1+s11], $0x80, s18, s11, $0xb8;
	[tilespmem:$0x1DC00] =	vst v63  }
0x10e: {  	_ =	swait.ge [sflag:s15], $0x4000  }
0x10f: {  	[sflag:s15] =	ssyncset.done $0x0  }
0x110: {  	[sflag:s15] =	ssyncadd.s32 $0xFFFFC000  }
0x111: {  	[spmem:s3] =	stream.indirect.scatter.add.f32 [tilespmem:s13], [sflag:$0x3], $0x80, s19, s11, $0xb8;
	[tilespmem:$0x1DC00] =	vst v63  }
0x112: {  	_ =	swait.ge [sflag:s9], $0x4000  }
0x113: {  	[sflag:s9] =	ssyncset.done $0x0  }
0x114: {  	[sflag:s9] =	ssyncadd.s32 $0xFFFFC000  }
0x115: {  	[tilespmem:s13], [sflag:$0x2] =	stream.indirect.gather [hbm4b:s1+s11], $0x80, s20, s11, $0xb8;
	[tilespmem:$0x1DC00] =	vst v63  }
0x116: {  	_ =	swait.ge [sflag:s14], $0x4000  }
0x117: {  	[sflag:s14] =	ssyncset.done $0x0  }
0x118: {  	[sflag:s14] =	ssyncadd.s32 $0xFFFFC000  }
0x119: {  	[spmem:s3] =	stream.indirect.scatter.add.f32 [tilespmem:s12], [sflag:$0x3], $0x80, s21, s11, $0xb8;
	[tilespmem:$0x1DC00] =	vst v63  }
0x11a: {  	_ =	swait.ge [sflag:s9], $0x4000  }
0x11b: {  	[sflag:s9] =	ssyncset.done $0x0  }
0x11c: {  	[sflag:s9] =	ssyncadd.s32 $0xFFFFC000  }
0x11d: {  	[tilespmem:s12], [sflag:$0x1] =	stream.indirect.gather [hbm4b:s1+s11], $0x80, s22, s11, $0xb8;
	[tilespmem:$0x1DC00] =	vst v63  }
0x11e: {  	_ =	swait.ge [sflag:s15], $0x4000  }
0x11f: {  	[sflag:s15] =	ssyncset.done $0x0  }
0x120: {  	[sflag:s15] =	ssyncadd.s32 $0xFFFFC000  }
0x121: {  	[spmem:s3] =	stream.indirect.scatter.add.f32 [tilespmem:s13], [sflag:$0x3], $0x80, s23, s11, $0xb8;
	[tilespmem:$0x1DC00] =	vst v63  }
0x122: {  	_ =	swait.ge [sflag:s9], $0x4000  }
0x123: {  	[sflag:s9] =	ssyncset.done $0x0  }
0x124: {  	[sflag:s9] =	ssyncadd.s32 $0xFFFFC000  }
0x125: {  	[tilespmem:s13], [sflag:$0x2] =	stream.indirect.gather [hbm4b:s1+s11], $0x80, s24, s11, $0xb8;
	[tilespmem:$0x1DC00] =	vst v63  }
0x126: {  	_ =	swait.ge [sflag:s14], $0x4000  }
0x127: {  	[sflag:s14] =	ssyncset.done $0x0  }
0x128: {  	[sflag:s14] =	ssyncadd.s32 $0xFFFFC000  }
0x129: {  	[spmem:s3] =	stream.indirect.scatter.add.f32 [tilespmem:s12], [sflag:$0x3], $0x80, s25, s11, $0xb8;
	[tilespmem:$0x1DC00] =	vst v63  }
0x12a: {  	_ =	swait.ge [sflag:s9], $0x4000  }
0x12b: {  	[sflag:s9] =	ssyncset.done $0x0  }
0x12c: {  	[sflag:s9] =	ssyncadd.s32 $0xFFFFC000  }
0x12d: {  	[tilespmem:s12], [sflag:$0x1] =	stream.indirect.gather [hbm4b:s1+s11], $0x80, s26, s11, $0xb8;
	[tilespmem:$0x1DC00] =	vst v63  }
0x12e: {  	_ =	swait.ge [sflag:s15], $0x4000  }
0x12f: {  	[sflag:s15] =	ssyncset.done $0x0  }
0x130: {  	[sflag:s15] =	ssyncadd.s32 $0xFFFFC000  }
0x131: {  	[spmem:s3] =	stream.indirect.scatter.add.f32 [tilespmem:s13], [sflag:$0x3], $0x80, s28, s11, $0xb8;
	[tilespmem:$0x1DC00] =	vst v63  }
0x132: {  	_ =	swait.ge [sflag:s9], $0x4000  }
0x133: {  	[sflag:s9] =	ssyncset.done $0x0  }
0x134: {  	[sflag:s9] =	ssyncadd.s32 $0xFFFFC000  }
0x135: {  	[tilespmem:s13], [sflag:$0x2] =	stream.indirect.gather [hbm4b:s1+s11], $0x80, s29, s11, $0xb8;
	[tilespmem:$0x1DC00] =	vst v63  }
0x136: {  	_ =	swait.ge [sflag:s14], $0x4000  }
0x137: {  	[sflag:s14] =	ssyncset.done $0x0  }
0x138: {  	[sflag:s14] =	ssyncadd.s32 $0xFFFFC000  }
0x139: {  	[spmem:s3] =	stream.indirect.scatter.add.f32 [tilespmem:s12], [sflag:$0x3], $0x80, s30, s11, $0xb8;
	[tilespmem:$0x1DC00] =	vst v63  }
0x13a: {  	_ =	swait.ge [sflag:s9], $0x4000  }
0x13b: {  	[sflag:s9] =	ssyncset.done $0x0  }
0x13c: {  	[sflag:s9] =	ssyncadd.s32 $0xFFFFC000  }
0x13d: {  	[tilespmem:s12], [sflag:$0x1] =	stream.indirect.gather [hbm4b:s1+s11], $0x80, s31, s11, $0xb8;
	[tilespmem:$0x1DC00] =	vst v63  }
0x13e: {  	_ =	swait.ge [sflag:s15], $0x4000  }
0x13f: {  	[sflag:s15] =	ssyncset.done $0x0  }
0x140: {  	[sflag:s15] =	ssyncadd.s32 $0xFFFFC000  }
0x141: {  	[spmem:s3] =	stream.indirect.scatter.add.f32 [tilespmem:s13], [sflag:$0x3], $0x80, s2, s11, $0xb8;
	[tilespmem:$0x1DC00] =	vst v63  }
0x142: {  	_ =	swait.ge [sflag:s9], $0x4000  }
0x143: {  	[sflag:s9] =	ssyncset.done $0x0  }
0x144: {  	[sflag:s9] =	ssyncadd.s32 $0xFFFFC000  }
0x145: {  	[tilespmem:s13], [sflag:$0x2] =	stream.indirect.gather [hbm4b:s1+s11], $0x80, s0, s11, $0xb8;
	[tilespmem:$0x1DC00] =	vst v63  }
0x146: {  	_ =	swait.ge [sflag:s14], $0x4000  }
0x147: {  	[sflag:s14] =	ssyncset.done $0x0  }
0x148: {  	[sflag:s14] =	ssyncadd.s32 $0xFFFFC000  }
0x149: {  	s6 =	simm.s32 $0x200;
	_ =	swait.ge [sflag:s15], $0x4000  }
0x14a: {  	s7 =	simm.s32 $0x100;
	s8 =	rddreg [dreg:$0x5];
	[sflag:s15] =	ssyncset.done $0x0  }
.LBB2_4:
0x14b: {  	[sflag:s15] =	ssyncadd.s32 $0xFFFFC000;
	s8 =	sadd.s32 s7, s8  }
0x14c: {  	[tilespmem:s4], [sflag:$0x3] =	stream.linear.gather [hbm4b:s8+s4], $0x800, $0x38;
	[tilespmem:$0x1DC00] =	vst v63  }
0x14d: {  	_ =	swait.ge [sflag:s9], $0x800  }
0x14e: {  	s8 =	rddreg [dreg:$0x4];
	[sflag:s9] =	ssyncset.done $0x0  }
0x14f: {  	[sflag:s9] =	ssyncadd.s32 $0xFFFFF800;
	s8 =	sadd.s32 s7, s8  }
0x150: {  	[tilespmem:s10], [sflag:$0x3] =	stream.linear.gather [hbm4b:s8+s4], $0x800, $0x38;
	[tilespmem:$0x1DC00] =	vst v63  }
0x151: {  	_ =	swait.ge [sflag:s9], $0x800  }
0x152: {  	[sflag:s9] =	ssyncset.done $0x0  }
0x153: {  	[sflag:s9] =	ssyncadd.s32 $0xFFFFF800  }
0x154: {  	[tilespmem:s12], [sflag:$0x1] =	stream.indirect.gather [hbm4b:s1+s11], $0x80, s4, s11, $0xb8;
	[tilespmem:$0x1DC00] =	vst v63  }
0x155: {  	_ = 	snop  }
0x156: {  	[tilespmem:s13], [sflag:$0x2] =	stream.indirect.gather [hbm4b:s1+s11], $0x80, s11, s11, $0xb8;
	[tilespmem:$0x1DC00] =	vst v63  }
0x157: {  	_ =	swait.ge [sflag:s14], $0x4000  }
0x158: {  	[sflag:s14] =	ssyncset.done $0x0  }
0x159: {  	[sflag:s14] =	ssyncadd.s32 $0xFFFFC000  }
0x15a: {  	[spmem:s3] =	stream.indirect.scatter.add.f32 [tilespmem:s12], [sflag:$0x3], $0x80, s10, s11, $0xb8;
	[tilespmem:$0x1DC00] =	vst v63  }
0x15b: {  	_ =	swait.ge [sflag:s9], $0x4000  }
0x15c: {  	[sflag:s9] =	ssyncset.done $0x0  }
0x15d: {  	s8 =	rddreg [dreg:$0x6];
	[sflag:s9] =	ssyncadd.s32 $0xFFFFC000  }
0x15e: {  	[tilespmem:s12], [sflag:$0x1] =	stream.indirect.gather [hbm4b:s1+s11], $0x80, s8, s11, $0xb8;
	[tilespmem:$0x1DC00] =	vst v63  }
0x15f: {  	_ =	swait.ge [sflag:s15], $0x4000  }
0x160: {  	[sflag:s15] =	ssyncset.done $0x0  }
0x161: {  	s8 =	rddreg [dreg:$0x7];
	[sflag:s15] =	ssyncadd.s32 $0xFFFFC000  }
0x162: {  	[spmem:s3] =	stream.indirect.scatter.add.f32 [tilespmem:s13], [sflag:$0x3], $0x80, s8, s11, $0xb8;
	[tilespmem:$0x1DC00] =	vst v63  }
0x163: {  	_ =	swait.ge [sflag:s9], $0x4000  }
0x164: {  	[sflag:s9] =	ssyncset.done $0x0  }
0x165: {  	s8 =	rddreg [dreg:$0x8];
	[sflag:s9] =	ssyncadd.s32 $0xFFFFC000  }
0x166: {  	[tilespmem:s13], [sflag:$0x2] =	stream.indirect.gather [hbm4b:s1+s11], $0x80, s8, s11, $0xb8;
	[tilespmem:$0x1DC00] =	vst v63  }
0x167: {  	_ =	swait.ge [sflag:s14], $0x4000  }
0x168: {  	[sflag:s14] =	ssyncset.done $0x0  }
0x169: {  	s8 =	rddreg [dreg:$0x9];
	[sflag:s14] =	ssyncadd.s32 $0xFFFFC000  }
0x16a: {  	[spmem:s3] =	stream.indirect.scatter.add.f32 [tilespmem:s12], [sflag:$0x3], $0x80, s8, s11, $0xb8;
	[tilespmem:$0x1DC00] =	vst v63  }
0x16b: {  	_ =	swait.ge [sflag:s9], $0x4000  }
0x16c: {  	[sflag:s9] =	ssyncset.done $0x0  }
0x16d: {  	s8 =	rddreg [dreg:$0xa];
	[sflag:s9] =	ssyncadd.s32 $0xFFFFC000  }
0x16e: {  	[tilespmem:s12], [sflag:$0x1] =	stream.indirect.gather [hbm4b:s1+s11], $0x80, s8, s11, $0xb8;
	[tilespmem:$0x1DC00] =	vst v63  }
0x16f: {  	_ =	swait.ge [sflag:s15], $0x4000  }
0x170: {  	[sflag:s15] =	ssyncset.done $0x0  }
0x171: {  	s8 =	rddreg [dreg:$0xb];
	[sflag:s15] =	ssyncadd.s32 $0xFFFFC000  }
0x172: {  	[spmem:s3] =	stream.indirect.scatter.add.f32 [tilespmem:s13], [sflag:$0x3], $0x80, s8, s11, $0xb8;
	[tilespmem:$0x1DC00] =	vst v63  }
0x173: {  	_ =	swait.ge [sflag:s9], $0x4000  }
0x174: {  	[sflag:s9] =	ssyncset.done $0x0  }
0x175: {  	s8 =	rddreg [dreg:$0xc];
	[sflag:s9] =	ssyncadd.s32 $0xFFFFC000  }
0x176: {  	[tilespmem:s13], [sflag:$0x2] =	stream.indirect.gather [hbm4b:s1+s11], $0x80, s8, s11, $0xb8;
	[tilespmem:$0x1DC00] =	vst v63  }
0x177: {  	_ =	swait.ge [sflag:s14], $0x4000  }
0x178: {  	[sflag:s14] =	ssyncset.done $0x0  }
0x179: {  	s8 =	rddreg [dreg:$0xd];
	[sflag:s14] =	ssyncadd.s32 $0xFFFFC000  }
0x17a: {  	[spmem:s3] =	stream.indirect.scatter.add.f32 [tilespmem:s12], [sflag:$0x3], $0x80, s8, s11, $0xb8;
	[tilespmem:$0x1DC00] =	vst v63  }
0x17b: {  	_ =	swait.ge [sflag:s9], $0x4000  }
0x17c: {  	[sflag:s9] =	ssyncset.done $0x0  }
0x17d: {  	s8 =	rddreg [dreg:$0xe];
	[sflag:s9] =	ssyncadd.s32 $0xFFFFC000  }
0x17e: {  	[tilespmem:s12], [sflag:$0x1] =	stream.indirect.gather [hbm4b:s1+s11], $0x80, s8, s11, $0xb8;
	[tilespmem:$0x1DC00] =	vst v63  }
0x17f: {  	_ =	swait.ge [sflag:s15], $0x4000  }
0x180: {  	[sflag:s15] =	ssyncset.done $0x0  }
0x181: {  	s8 =	rddreg [dreg:$0xf];
	[sflag:s15] =	ssyncadd.s32 $0xFFFFC000  }
0x182: {  	[spmem:s3] =	stream.indirect.scatter.add.f32 [tilespmem:s13], [sflag:$0x3], $0x80, s8, s11, $0xb8;
	[tilespmem:$0x1DC00] =	vst v63  }
0x183: {  	_ =	swait.ge [sflag:s9], $0x4000  }
0x184: {  	[sflag:s9] =	ssyncset.done $0x0  }
0x185: {  	s8 =	rddreg [dreg:$0x10];
	[sflag:s9] =	ssyncadd.s32 $0xFFFFC000  }
0x186: {  	[tilespmem:s13], [sflag:$0x2] =	stream.indirect.gather [hbm4b:s1+s11], $0x80, s8, s11, $0xb8;
	[tilespmem:$0x1DC00] =	vst v63  }
0x187: {  	_ =	swait.ge [sflag:s14], $0x4000  }
0x188: {  	[sflag:s14] =	ssyncset.done $0x0  }
0x189: {  	s8 =	rddreg [dreg:$0x11];
	[sflag:s14] =	ssyncadd.s32 $0xFFFFC000  }
0x18a: {  	[spmem:s3] =	stream.indirect.scatter.add.f32 [tilespmem:s12], [sflag:$0x3], $0x80, s8, s11, $0xb8;
	[tilespmem:$0x1DC00] =	vst v63  }
0x18b: {  	_ =	swait.ge [sflag:s9], $0x4000  }
0x18c: {  	[sflag:s9] =	ssyncset.done $0x0  }
0x18d: {  	s8 =	rddreg [dreg:$0x12];
	[sflag:s9] =	ssyncadd.s32 $0xFFFFC000  }
0x18e: {  	[tilespmem:s12], [sflag:$0x1] =	stream.indirect.gather [hbm4b:s1+s11], $0x80, s8, s11, $0xb8;
	[tilespmem:$0x1DC00] =	vst v63  }
0x18f: {  	_ =	swait.ge [sflag:s15], $0x4000  }
0x190: {  	[sflag:s15] =	ssyncset.done $0x0  }
0x191: {  	s8 =	rddreg [dreg:$0x13];
	[sflag:s15] =	ssyncadd.s32 $0xFFFFC000  }
0x192: {  	[spmem:s3] =	stream.indirect.scatter.add.f32 [tilespmem:s13], [sflag:$0x3], $0x80, s8, s11, $0xb8;
	[tilespmem:$0x1DC00] =	vst v63  }
0x193: {  	_ =	swait.ge [sflag:s9], $0x4000  }
0x194: {  	s16 =	smov.u32 s6;
	[sflag:s9] =	ssyncset.done $0x0  }
0x195: {  	s7 =	smov.u32 s16;
	s16 =	simm.s32 $0x480;
	[sflag:s9] =	ssyncadd.s32 $0xFFFFC000  }
0x196: {  	[tilespmem:s13], [sflag:$0x2] =	stream.indirect.gather [hbm4b:s1+s11], $0x80, s16, s11, $0xb8;
	[tilespmem:$0x1DC00] =	vst v63  }
0x197: {  	_ =	swait.ge [sflag:s14], $0x4000  }
0x198: {  	[sflag:s14] =	ssyncset.done $0x0  }
0x199: {  	[sflag:s14] =	ssyncadd.s32 $0xFFFFC000  }
0x19a: {  	[spmem:s3] =	stream.indirect.scatter.add.f32 [tilespmem:s12], [sflag:$0x3], $0x80, s17, s11, $0xb8;
	[tilespmem:$0x1DC00] =	vst v63  }
0x19b: {  	_ =	swait.ge [sflag:s9], $0x4000  }
0x19c: {  	[sflag:s9] =	ssyncset.done $0x0  }
0x19d: {  	[sflag:s9] =	ssyncadd.s32 $0xFFFFC000  }
0x19e: {  	[tilespmem:s12], [sflag:$0x1] =	stream.indirect.gather [hbm4b:s1+s11], $0x80, s18, s11, $0xb8;
	[tilespmem:$0x1DC00] =	vst v63  }
0x19f: {  	_ =	swait.ge [sflag:s15], $0x4000  }
0x1a0: {  	[sflag:s15] =	ssyncset.done $0x0  }
0x1a1: {  	[sflag:s15] =	ssyncadd.s32 $0xFFFFC000  }
0x1a2: {  	[spmem:s3] =	stream.indirect.scatter.add.f32 [tilespmem:s13], [sflag:$0x3], $0x80, s19, s11, $0xb8;
	[tilespmem:$0x1DC00] =	vst v63  }
0x1a3: {  	_ =	swait.ge [sflag:s9], $0x4000  }
0x1a4: {  	[sflag:s9] =	ssyncset.done $0x0  }
0x1a5: {  	[sflag:s9] =	ssyncadd.s32 $0xFFFFC000  }
0x1a6: {  	[tilespmem:s13], [sflag:$0x2] =	stream.indirect.gather [hbm4b:s1+s11], $0x80, s20, s11, $0xb8;
	[tilespmem:$0x1DC00] =	vst v63  }
0x1a7: {  	_ =	swait.ge [sflag:s14], $0x4000  }
0x1a8: {  	[sflag:s14] =	ssyncset.done $0x0  }
0x1a9: {  	[sflag:s14] =	ssyncadd.s32 $0xFFFFC000  }
0x1aa: {  	[spmem:s3] =	stream.indirect.scatter.add.f32 [tilespmem:s12], [sflag:$0x3], $0x80, s21, s11, $0xb8;
	[tilespmem:$0x1DC00] =	vst v63  }
0x1ab: {  	_ =	swait.ge [sflag:s9], $0x4000  }
0x1ac: {  	[sflag:s9] =	ssyncset.done $0x0  }
0x1ad: {  	[sflag:s9] =	ssyncadd.s32 $0xFFFFC000  }
0x1ae: {  	[tilespmem:s12], [sflag:$0x1] =	stream.indirect.gather [hbm4b:s1+s11], $0x80, s22, s11, $0xb8;
	[tilespmem:$0x1DC00] =	vst v63  }
0x1af: {  	_ =	swait.ge [sflag:s15], $0x4000  }
0x1b0: {  	[sflag:s15] =	ssyncset.done $0x0  }
0x1b1: {  	[sflag:s15] =	ssyncadd.s32 $0xFFFFC000  }
0x1b2: {  	[spmem:s3] =	stream.indirect.scatter.add.f32 [tilespmem:s13], [sflag:$0x3], $0x80, s23, s11, $0xb8;
	[tilespmem:$0x1DC00] =	vst v63  }
0x1b3: {  	_ =	swait.ge [sflag:s9], $0x4000  }
0x1b4: {  	[sflag:s9] =	ssyncset.done $0x0  }
0x1b5: {  	[sflag:s9] =	ssyncadd.s32 $0xFFFFC000  }
0x1b6: {  	[tilespmem:s13], [sflag:$0x2] =	stream.indirect.gather [hbm4b:s1+s11], $0x80, s24, s11, $0xb8;
	[tilespmem:$0x1DC00] =	vst v63  }
0x1b7: {  	_ =	swait.ge [sflag:s14], $0x4000  }
0x1b8: {  	[sflag:s14] =	ssyncset.done $0x0  }
0x1b9: {  	[sflag:s14] =	ssyncadd.s32 $0xFFFFC000  }
0x1ba: {  	[spmem:s3] =	stream.indirect.scatter.add.f32 [tilespmem:s12], [sflag:$0x3], $0x80, s25, s11, $0xb8;
	[tilespmem:$0x1DC00] =	vst v63  }
0x1bb: {  	_ =	swait.ge [sflag:s9], $0x4000  }
0x1bc: {  	[sflag:s9] =	ssyncset.done $0x0  }
0x1bd: {  	[sflag:s9] =	ssyncadd.s32 $0xFFFFC000  }
0x1be: {  	[tilespmem:s12], [sflag:$0x1] =	stream.indirect.gather [hbm4b:s1+s11], $0x80, s26, s11, $0xb8;
	[tilespmem:$0x1DC00] =	vst v63  }
0x1bf: {  	_ =	swait.ge [sflag:s15], $0x4000  }
0x1c0: {  	[sflag:s15] =	ssyncset.done $0x0  }
0x1c1: {  	[sflag:s15] =	ssyncadd.s32 $0xFFFFC000  }
0x1c2: {  	[spmem:s3] =	stream.indirect.scatter.add.f32 [tilespmem:s13], [sflag:$0x3], $0x80, s28, s11, $0xb8;
	[tilespmem:$0x1DC00] =	vst v63  }
0x1c3: {  	_ =	swait.ge [sflag:s9], $0x4000  }
0x1c4: {  	[sflag:s9] =	ssyncset.done $0x0  }
0x1c5: {  	[sflag:s9] =	ssyncadd.s32 $0xFFFFC000  }
0x1c6: {  	[tilespmem:s13], [sflag:$0x2] =	stream.indirect.gather [hbm4b:s1+s11], $0x80, s29, s11, $0xb8;
	[tilespmem:$0x1DC00] =	vst v63  }
0x1c7: {  	_ =	swait.ge [sflag:s14], $0x4000  }
0x1c8: {  	[sflag:s14] =	ssyncset.done $0x0  }
0x1c9: {  	[sflag:s14] =	ssyncadd.s32 $0xFFFFC000  }
0x1ca: {  	[spmem:s3] =	stream.indirect.scatter.add.f32 [tilespmem:s12], [sflag:$0x3], $0x80, s30, s11, $0xb8;
	[tilespmem:$0x1DC00] =	vst v63  }
0x1cb: {  	_ =	swait.ge [sflag:s9], $0x4000  }
0x1cc: {  	[sflag:s9] =	ssyncset.done $0x0  }
0x1cd: {  	[sflag:s9] =	ssyncadd.s32 $0xFFFFC000  }
0x1ce: {  	[tilespmem:s12], [sflag:$0x1] =	stream.indirect.gather [hbm4b:s1+s11], $0x80, s31, s11, $0xb8;
	[tilespmem:$0x1DC00] =	vst v63  }
0x1cf: {  	_ =	swait.ge [sflag:s15], $0x4000  }
0x1d0: {  	[sflag:s15] =	ssyncset.done $0x0  }
0x1d1: {  	[sflag:s15] =	ssyncadd.s32 $0xFFFFC000  }
0x1d2: {  	[spmem:s3] =	stream.indirect.scatter.add.f32 [tilespmem:s13], [sflag:$0x3], $0x80, s2, s11, $0xb8;
	[tilespmem:$0x1DC00] =	vst v63  }
0x1d3: {  	_ =	swait.ge [sflag:s9], $0x4000  }
0x1d4: {  	[sflag:s9] =	ssyncset.done $0x0  }
0x1d5: {  	p0 =	sne.s32 s6, $0x400;
	[sflag:s9] =	ssyncadd.s32 $0xFFFFC000  }
0x1d6: {  	[tilespmem:s13], [sflag:$0x2] =	stream.indirect.gather [hbm4b:s1+s11], $0x80, s0, s11, $0xb8;
	[tilespmem:$0x1DC00] =	vst v63  }
.Ltmp1:
0x1d7: {  	_ =	swait.ge [sflag:s14], $0x4000;
	(pc) =	sbr.rel @p0 .LBB2_4-.Ltmp1, $4  }
0x1d8: {  	[sflag:s14] =	ssyncset.done $0x0  }
0x1d9: {  	[sflag:s14] =	ssyncadd.s32 $0xFFFFC000  }
0x1da: {  	_ =	swait.ge [sflag:s15], $0x4000  }
0x1db: {  	s6 =	sadd.s32 $0x100, s6;
	s8 =	rddreg [dreg:$0x5];
	[sflag:s15] =	ssyncset.done $0x0  }
0x1dc: {  	[sflag:s15] =	ssyncadd.s32 $0xFFFFC000;
	s6 =	sadd.s32 s7, s8  }
0x1dd: {  	[tilespmem:s4], [sflag:$0x3] =	stream.linear.gather [hbm4b:s6+s4], $0x800, $0x38;
	[tilespmem:$0x1DC00] =	vst v63  }
0x1de: {  	_ =	swait.ge [sflag:s9], $0x800  }
0x1df: {  	s8 =	rddreg [dreg:$0x4];
	[sflag:s9] =	ssyncset.done $0x0  }
0x1e0: {  	[sflag:s9] =	ssyncadd.s32 $0xFFFFF800;
	s6 =	sadd.s32 s7, s8  }
0x1e1: {  	[tilespmem:s10], [sflag:$0x3] =	stream.linear.gather [hbm4b:s6+s4], $0x800, $0x38;
	[tilespmem:$0x1DC00] =	vst v63  }
0x1e2: {  	_ =	swait.ge [sflag:s9], $0x800  }
0x1e3: {  	[sflag:s9] =	ssyncset.done $0x0  }
0x1e4: {  	[sflag:s9] =	ssyncadd.s32 $0xFFFFF800  }
0x1e5: {  	[tilespmem:s12], [sflag:$0x1] =	stream.indirect.gather [hbm4b:s1+s11], $0x80, s4, s11, $0xb8;
	[tilespmem:$0x1DC00] =	vst v63  }
0x1e6: {  	_ = 	snop  }
0x1e7: {  	[tilespmem:s13], [sflag:$0x2] =	stream.indirect.gather [hbm4b:s1+s11], $0x80, s11, s11, $0xb8;
	[tilespmem:$0x1DC00] =	vst v63  }
0x1e8: {  	_ =	swait.ge [sflag:s14], $0x4000  }
0x1e9: {  	[sflag:s14] =	ssyncset.done $0x0  }
0x1ea: {  	[sflag:s14] =	ssyncadd.s32 $0xFFFFC000  }
0x1eb: {  	[spmem:s3] =	stream.indirect.scatter.add.f32 [tilespmem:s12], [sflag:$0x3], $0x80, s10, s11, $0xb8;
	[tilespmem:$0x1DC00] =	vst v63  }
0x1ec: {  	_ =	swait.ge [sflag:s9], $0x4000  }
0x1ed: {  	[sflag:s9] =	ssyncset.done $0x0  }
0x1ee: {  	s8 =	rddreg [dreg:$0x6];
	[sflag:s9] =	ssyncadd.s32 $0xFFFFC000  }
0x1ef: {  	[tilespmem:s12], [sflag:$0x1] =	stream.indirect.gather [hbm4b:s1+s11], $0x80, s8, s11, $0xb8;
	[tilespmem:$0x1DC00] =	vst v63  }
0x1f0: {  	_ =	swait.ge [sflag:s15], $0x4000  }
0x1f1: {  	[sflag:s15] =	ssyncset.done $0x0  }
0x1f2: {  	s7 =	rddreg [dreg:$0x7];
	[sflag:s15] =	ssyncadd.s32 $0xFFFFC000  }
0x1f3: {  	[spmem:s3] =	stream.indirect.scatter.add.f32 [tilespmem:s13], [sflag:$0x3], $0x80, s7, s11, $0xb8;
	[tilespmem:$0x1DC00] =	vst v63  }
0x1f4: {  	_ =	swait.ge [sflag:s9], $0x4000  }
0x1f5: {  	[sflag:s9] =	ssyncset.done $0x0  }
0x1f6: {  	s8 =	rddreg [dreg:$0x8];
	[sflag:s9] =	ssyncadd.s32 $0xFFFFC000  }
0x1f7: {  	[tilespmem:s13], [sflag:$0x2] =	stream.indirect.gather [hbm4b:s1+s11], $0x80, s8, s11, $0xb8;
	[tilespmem:$0x1DC00] =	vst v63  }
0x1f8: {  	_ =	swait.ge [sflag:s14], $0x4000  }
0x1f9: {  	[sflag:s14] =	ssyncset.done $0x0  }
0x1fa: {  	s7 =	rddreg [dreg:$0x9];
	[sflag:s14] =	ssyncadd.s32 $0xFFFFC000  }
0x1fb: {  	[spmem:s3] =	stream.indirect.scatter.add.f32 [tilespmem:s12], [sflag:$0x3], $0x80, s7, s11, $0xb8;
	[tilespmem:$0x1DC00] =	vst v63  }
0x1fc: {  	_ =	swait.ge [sflag:s9], $0x4000  }
0x1fd: {  	[sflag:s9] =	ssyncset.done $0x0  }
0x1fe: {  	s8 =	rddreg [dreg:$0xa];
	[sflag:s9] =	ssyncadd.s32 $0xFFFFC000  }
0x1ff: {  	[tilespmem:s12], [sflag:$0x1] =	stream.indirect.gather [hbm4b:s1+s11], $0x80, s8, s11, $0xb8;
	[tilespmem:$0x1DC00] =	vst v63  }
0x200: {  	_ =	swait.ge [sflag:s15], $0x4000  }
0x201: {  	[sflag:s15] =	ssyncset.done $0x0  }
0x202: {  	s7 =	rddreg [dreg:$0xb];
	[sflag:s15] =	ssyncadd.s32 $0xFFFFC000  }
0x203: {  	[spmem:s3] =	stream.indirect.scatter.add.f32 [tilespmem:s13], [sflag:$0x3], $0x80, s7, s11, $0xb8;
	[tilespmem:$0x1DC00] =	vst v63  }
0x204: {  	_ =	swait.ge [sflag:s9], $0x4000  }
0x205: {  	[sflag:s9] =	ssyncset.done $0x0  }
0x206: {  	s8 =	rddreg [dreg:$0xc];
	[sflag:s9] =	ssyncadd.s32 $0xFFFFC000  }
0x207: {  	[tilespmem:s13], [sflag:$0x2] =	stream.indirect.gather [hbm4b:s1+s11], $0x80, s8, s11, $0xb8;
	[tilespmem:$0x1DC00] =	vst v63  }
0x208: {  	_ =	swait.ge [sflag:s14], $0x4000  }
0x209: {  	[sflag:s14] =	ssyncset.done $0x0  }
0x20a: {  	s7 =	rddreg [dreg:$0xd];
	[sflag:s14] =	ssyncadd.s32 $0xFFFFC000  }
0x20b: {  	[spmem:s3] =	stream.indirect.scatter.add.f32 [tilespmem:s12], [sflag:$0x3], $0x80, s7, s11, $0xb8;
	[tilespmem:$0x1DC00] =	vst v63  }
0x20c: {  	_ =	swait.ge [sflag:s9], $0x4000  }
0x20d: {  	[sflag:s9] =	ssyncset.done $0x0  }
0x20e: {  	s8 =	rddreg [dreg:$0xe];
	[sflag:s9] =	ssyncadd.s32 $0xFFFFC000  }
0x20f: {  	[tilespmem:s12], [sflag:$0x1] =	stream.indirect.gather [hbm4b:s1+s11], $0x80, s8, s11, $0xb8;
	[tilespmem:$0x1DC00] =	vst v63  }
0x210: {  	_ =	swait.ge [sflag:s15], $0x4000  }
0x211: {  	[sflag:s15] =	ssyncset.done $0x0  }
0x212: {  	s7 =	rddreg [dreg:$0xf];
	[sflag:s15] =	ssyncadd.s32 $0xFFFFC000  }
0x213: {  	[spmem:s3] =	stream.indirect.scatter.add.f32 [tilespmem:s13], [sflag:$0x3], $0x80, s7, s11, $0xb8;
	[tilespmem:$0x1DC00] =	vst v63  }
0x214: {  	_ =	swait.ge [sflag:s9], $0x4000  }
0x215: {  	[sflag:s9] =	ssyncset.done $0x0  }
0x216: {  	s8 =	rddreg [dreg:$0x10];
	[sflag:s9] =	ssyncadd.s32 $0xFFFFC000  }
0x217: {  	[tilespmem:s13], [sflag:$0x2] =	stream.indirect.gather [hbm4b:s1+s11], $0x80, s8, s11, $0xb8;
	[tilespmem:$0x1DC00] =	vst v63  }
0x218: {  	_ =	swait.ge [sflag:s14], $0x4000  }
0x219: {  	[sflag:s14] =	ssyncset.done $0x0  }
0x21a: {  	s7 =	rddreg [dreg:$0x11];
	[sflag:s14] =	ssyncadd.s32 $0xFFFFC000  }
0x21b: {  	[spmem:s3] =	stream.indirect.scatter.add.f32 [tilespmem:s12], [sflag:$0x3], $0x80, s7, s11, $0xb8;
	[tilespmem:$0x1DC00] =	vst v63  }
0x21c: {  	_ =	swait.ge [sflag:s9], $0x4000  }
0x21d: {  	[sflag:s9] =	ssyncset.done $0x0  }
0x21e: {  	s8 =	rddreg [dreg:$0x12];
	[sflag:s9] =	ssyncadd.s32 $0xFFFFC000  }
0x21f: {  	[tilespmem:s12], [sflag:$0x1] =	stream.indirect.gather [hbm4b:s1+s11], $0x80, s8, s11, $0xb8;
	[tilespmem:$0x1DC00] =	vst v63  }
0x220: {  	_ =	swait.ge [sflag:s15], $0x4000  }
0x221: {  	[sflag:s15] =	ssyncset.done $0x0  }
0x222: {  	s7 =	rddreg [dreg:$0x13];
	[sflag:s15] =	ssyncadd.s32 $0xFFFFC000  }
0x223: {  	[spmem:s3] =	stream.indirect.scatter.add.f32 [tilespmem:s13], [sflag:$0x3], $0x80, s7, s11, $0xb8;
	[tilespmem:$0x1DC00] =	vst v63  }
0x224: {  	_ =	swait.ge [sflag:s9], $0x4000  }
0x225: {  	[sflag:s9] =	ssyncset.done $0x0  }
0x226: {  	[sflag:s9] =	ssyncadd.s32 $0xFFFFC000  }
0x227: {  	[tilespmem:s13], [sflag:$0x2] =	stream.indirect.gather [hbm4b:s1+s11], $0x80, s16, s11, $0xb8;
	[tilespmem:$0x1DC00] =	vst v63  }
0x228: {  	_ =	swait.ge [sflag:s14], $0x4000  }
0x229: {  	[sflag:s14] =	ssyncset.done $0x0  }
0x22a: {  	[sflag:s14] =	ssyncadd.s32 $0xFFFFC000  }
0x22b: {  	[spmem:s3] =	stream.indirect.scatter.add.f32 [tilespmem:s12], [sflag:$0x3], $0x80, s17, s11, $0xb8;
	[tilespmem:$0x1DC00] =	vst v63  }
0x22c: {  	_ =	swait.ge [sflag:s9], $0x4000  }
0x22d: {  	[sflag:s9] =	ssyncset.done $0x0  }
0x22e: {  	[sflag:s9] =	ssyncadd.s32 $0xFFFFC000  }
0x22f: {  	[tilespmem:s12], [sflag:$0x1] =	stream.indirect.gather [hbm4b:s1+s11], $0x80, s18, s11, $0xb8;
	[tilespmem:$0x1DC00] =	vst v63  }
0x230: {  	_ =	swait.ge [sflag:s15], $0x4000  }
0x231: {  	[sflag:s15] =	ssyncset.done $0x0  }
0x232: {  	[sflag:s15] =	ssyncadd.s32 $0xFFFFC000  }
0x233: {  	[spmem:s3] =	stream.indirect.scatter.add.f32 [tilespmem:s13], [sflag:$0x3], $0x80, s19, s11, $0xb8;
	[tilespmem:$0x1DC00] =	vst v63  }
0x234: {  	_ =	swait.ge [sflag:s9], $0x4000  }
0x235: {  	[sflag:s9] =	ssyncset.done $0x0  }
0x236: {  	[sflag:s9] =	ssyncadd.s32 $0xFFFFC000  }
0x237: {  	[tilespmem:s13], [sflag:$0x2] =	stream.indirect.gather [hbm4b:s1+s11], $0x80, s20, s11, $0xb8;
	[tilespmem:$0x1DC00] =	vst v63  }
0x238: {  	_ =	swait.ge [sflag:s14], $0x4000  }
0x239: {  	[sflag:s14] =	ssyncset.done $0x0  }
0x23a: {  	[sflag:s14] =	ssyncadd.s32 $0xFFFFC000  }
0x23b: {  	[spmem:s3] =	stream.indirect.scatter.add.f32 [tilespmem:s12], [sflag:$0x3], $0x80, s21, s11, $0xb8;
	[tilespmem:$0x1DC00] =	vst v63  }
0x23c: {  	_ =	swait.ge [sflag:s9], $0x4000  }
0x23d: {  	[sflag:s9] =	ssyncset.done $0x0  }
0x23e: {  	[sflag:s9] =	ssyncadd.s32 $0xFFFFC000  }
0x23f: {  	[tilespmem:s12], [sflag:$0x1] =	stream.indirect.gather [hbm4b:s1+s11], $0x80, s22, s11, $0xb8;
	[tilespmem:$0x1DC00] =	vst v63  }
0x240: {  	_ =	swait.ge [sflag:s15], $0x4000  }
0x241: {  	[sflag:s15] =	ssyncset.done $0x0  }
0x242: {  	[sflag:s15] =	ssyncadd.s32 $0xFFFFC000  }
0x243: {  	[spmem:s3] =	stream.indirect.scatter.add.f32 [tilespmem:s13], [sflag:$0x3], $0x80, s23, s11, $0xb8;
	[tilespmem:$0x1DC00] =	vst v63  }
0x244: {  	_ =	swait.ge [sflag:s9], $0x4000  }
0x245: {  	[sflag:s9] =	ssyncset.done $0x0  }
0x246: {  	[sflag:s9] =	ssyncadd.s32 $0xFFFFC000  }
0x247: {  	[tilespmem:s13], [sflag:$0x2] =	stream.indirect.gather [hbm4b:s1+s11], $0x80, s24, s11, $0xb8;
	[tilespmem:$0x1DC00] =	vst v63  }
0x248: {  	_ =	swait.ge [sflag:s14], $0x4000  }
0x249: {  	[sflag:s14] =	ssyncset.done $0x0  }
0x24a: {  	[sflag:s14] =	ssyncadd.s32 $0xFFFFC000  }
0x24b: {  	[spmem:s3] =	stream.indirect.scatter.add.f32 [tilespmem:s12], [sflag:$0x3], $0x80, s25, s11, $0xb8;
	[tilespmem:$0x1DC00] =	vst v63  }
0x24c: {  	_ =	swait.ge [sflag:s9], $0x4000  }
0x24d: {  	[sflag:s9] =	ssyncset.done $0x0  }
0x24e: {  	[sflag:s9] =	ssyncadd.s32 $0xFFFFC000  }
0x24f: {  	[tilespmem:s12], [sflag:$0x1] =	stream.indirect.gather [hbm4b:s1+s11], $0x80, s26, s11, $0xb8;
	[tilespmem:$0x1DC00] =	vst v63  }
0x250: {  	_ =	swait.ge [sflag:s15], $0x4000  }
0x251: {  	[sflag:s15] =	ssyncset.done $0x0  }
0x252: {  	[sflag:s15] =	ssyncadd.s32 $0xFFFFC000  }
0x253: {  	[spmem:s3] =	stream.indirect.scatter.add.f32 [tilespmem:s13], [sflag:$0x3], $0x80, s28, s11, $0xb8;
	[tilespmem:$0x1DC00] =	vst v63  }
0x254: {  	_ =	swait.ge [sflag:s9], $0x4000  }
0x255: {  	[sflag:s9] =	ssyncset.done $0x0  }
0x256: {  	[sflag:s9] =	ssyncadd.s32 $0xFFFFC000  }
0x257: {  	[tilespmem:s13], [sflag:$0x2] =	stream.indirect.gather [hbm4b:s1+s11], $0x80, s29, s11, $0xb8;
	[tilespmem:$0x1DC00] =	vst v63  }
0x258: {  	_ =	swait.ge [sflag:s14], $0x4000  }
0x259: {  	[sflag:s14] =	ssyncset.done $0x0  }
0x25a: {  	[sflag:s14] =	ssyncadd.s32 $0xFFFFC000  }
0x25b: {  	[spmem:s3] =	stream.indirect.scatter.add.f32 [tilespmem:s12], [sflag:$0x3], $0x80, s30, s11, $0xb8;
	[tilespmem:$0x1DC00] =	vst v63  }
0x25c: {  	_ =	swait.ge [sflag:s9], $0x4000  }
0x25d: {  	[sflag:s9] =	ssyncset.done $0x0  }
0x25e: {  	[sflag:s9] =	ssyncadd.s32 $0xFFFFC000  }
0x25f: {  	[tilespmem:s12], [sflag:$0x1] =	stream.indirect.gather [hbm4b:s1+s11], $0x80, s31, s11, $0xb8;
	[tilespmem:$0x1DC00] =	vst v63  }
0x260: {  	_ =	swait.ge [sflag:s15], $0x4000  }
0x261: {  	[sflag:s15] =	ssyncset.done $0x0  }
0x262: {  	[sflag:s15] =	ssyncadd.s32 $0xFFFFC000  }
0x263: {  	[spmem:s3] =	stream.indirect.scatter.add.f32 [tilespmem:s13], [sflag:$0x3], $0x80, s2, s11, $0xb8;
	[tilespmem:$0x1DC00] =	vst v63  }
0x264: {  	_ =	swait.ge [sflag:s9], $0x4000  }
0x265: {  	[sflag:s9] =	ssyncset.done $0x0  }
0x266: {  	[sflag:s9] =	ssyncadd.s32 $0xFFFFC000  }
0x267: {  	[tilespmem:s13], [sflag:$0x2] =	stream.indirect.gather [hbm4b:s1+s11], $0x80, s0, s11, $0xb8;
	[tilespmem:$0x1DC00] =	vst v63  }
0x268: {  	_ =	swait.ge [sflag:s14], $0x4000  }
0x269: {  	[sflag:s14] =	ssyncset.done $0x0  }
0x26a: {  	[sflag:s14] =	ssyncadd.s32 $0xFFFFC000  }
0x26b: {  	_ =	swait.ge [sflag:s15], $0x4000  }
0x26c: {  	[sflag:s15] =	ssyncset.done $0x0  }
0x26d: {  	s8 =	stileid.u32;
	[sflag:s15] =	ssyncadd.s32 $0xFFFFC000  }
0x26e: {  	s6 =	sshll.u32 s8, $0x6;
	[bflag:$0x0] =	sbarrier.arrive $0xFFFF  }
0x26f: {  	s6 =	sor.u32 $0x1C03, s6;
	s7 =	sshrl.u32 s5, $0x3;
	s8 =	rddreg [dreg:$0x14]  }
0x270: {  	[hbm:s8], [sflag:s6] =	dma.local [spmem:s7], $0x2800  }
0x271: {  	_ =	swait.ge [sflag:s9], $0x2800  }
0x272: {  	s6 =	rddreg [dreg:$0x16]  }
0x273: {  	s8 =	rddreg [dreg:$0x15];
	s7 =	sadd.s32 $0x1, s6  }
0x274: {  	p0 =	sne.s32 s7, s8  }
.Ltmp2:
0x275: {  	_ = 	snop;
	(pc) =	sbr.rel @p0 .LBB2_1-.Ltmp2, $3  }
0x276: {  	_ =	sdelay $0x1  }
0x277: {  	[sflag:s9] =	ssyncset.done $0x0  }
0x278: {  	[sflag:s9] =	ssyncadd.s32 $0xFFFFD800;
	s8 =	simm.s32 $0x9400  }
0x279: {  	_ =	sfence.sel $0x180000  }
0x27a: {  	[bflag:$0x0] =	sbarrier.arrive $0xFFFF  }
0x27b: {  	_ =	strace $0x9000004D  }
0x27c: {  	s0 =	stileid.u32;
	[bflag:$0x2] =	sbarrier.arrive $0xFFFF  }
0x27d: {  	p0 =	sne.s32 s0, $0x0;
	s0 =	rddreg [dreg:$0x3]  }
0x27e: {  	s0 =	sadd.s32 @!p0 $0x100000, s0  }
0x27f: {  	[sflag:s0] =	ssyncadd.tile.s32 @!p0 $0x1;
	_ =	shalt  }
.Lfunc_end2:
_tile_overlayer_lowered:
.L_overlay_start_2:
0x280: {  	(tag) =	ssettag $0x2  }
0x281: {  	s0 =	rddreg [dreg:$0x0];
	s2 =	stileid.u32  }
0x282: {  	s1 =	rddreg [dreg:$0x1];
	p0 =	sne.s32 s2, $0x0  }
0x283: {  	s3 =	rddreg [dreg:$0x2];
	[bflag:$0x3] =	sbarrier.arrive $0xFFFF;
	s2 =	simm.s32 @!p0 $0x1C03  }
0x284: {  	[timem:s3], [sflag:s2] =	dma.local @!p0 [hbm:s0], s1  }
0x285: {  	s0 =	simm.s32 @!p0 $0x3  }
0x286: {  	_ =	swait.ge @!p0 [sflag:s0], s1  }
0x287: {  	s1 =	ssub.s32 @!p0 $0x0, s1;
	[sflag:s0] =	ssyncset.done @!p0 $0x0  }
0x288: {  	[sflag:s0] =	ssyncadd.s32 @!p0 s1  }
0x289: {  	[bflag:$0x3] =	sbarrier.arrive $0xFFFF  }
0x28a: {  	_ =	shalt  }

// kernel: kernel.9.cloned.1.call-start
scs
__scs_entry_jumppad:
0x0: {  	(pc) =	sbr.rel $0x88, $3  }
0x1: {  	(tag) =	ssettag $0x0;
	lr =	simm.s32 $0x1  }
0x2: {  	[smem:$0x3F9B] =	sst lr;
	_ =	strace $0xD0000000  }
0x3: {  	_ = 	snop  }
0x4: {  	_ = 	snop  }
0x5: {  	_ = 	snop  }
0x6: {  	_ = 	snop  }
0x7: {  	_ = 	snop  }
__scs_overlays_trampoline_lowered:
0x8: {  	[smem:$0x3FAA] =	sst s0  }
0x9: {  	[smem:$0x3FAB] =	sst s1  }
0xa: {  	[smem:$0x3FAC] =	sst s2  }
0xb: {  	[smem:$0x3FAD] =	sst s3  }
0xc: {  	[smem:$0x3FAE] =	sst s4  }
0xd: {  	[smem:$0x3FAF] =	sst s5  }
0xe: {  	[smem:$0x3FB0] =	sst s6  }
0xf: {  	[smem:$0x3FB1] =	sst s7  }
0x10: {  	[smem:$0x3FB2] =	sst s8  }
0x11: {  	[smem:$0x3FB3] =	sst s9;
	s0 =	simm.s32 @!p0 $0x0  }
0x12: {  	s1 =	sld [smem:$0x3F99];
	s0 =	simm.s32 @p0 $0x1  }
0x13: {  	[smem:$0x3FB4] =	sst s0;
	s0 =	simm.s32 @!p1 $0x0  }
0x14: {  	s2 =	sld [smem:$0x3F98];
	s0 =	simm.s32 @p1 $0x1  }
0x15: {  	[smem:$0x3FB5] =	sst s0;
	s0 =	simm.s32 @!p2 $0x0  }
0x16: {  	s3 =	sld [smem:$0x3FDB];
	s0 =	simm.s32 @p2 $0x1  }
0x17: {  	s4 =	simm.s32 $0x1BF5;
	[smem:$0x3FB7] =	sst s0  }
0x18: {  	s0 =	sld [smem:$0x3F9A];
	_ =	swait.ge [sflag:s4], $0x0  }
0x19: {  	s7 =	sld [smem:$0x3F9B]  }
0x1a: {  	s8 =	sadd.s32 $0xFFFFE003, lr  }
0x1b: {  	s9 =	sadd.s32 $0xFFFFFEF7, lr;
	s5 =	simm.s32 $0xFFFFFFFF;
	p2 =	slt.u32 s8, $0xFFFFF086  }
0x1c: {  	p1 =	slt.u32 s9, $0xF7A;
	s5 =	simm.s32 @!p2 $0x0  }
0x1d: {  	s5 =	simm.s32 @p1 $0x1;
	p0 =	seq.s32 s7, s2  }
0x1e: {  	s7 =	smul.u32 @!p0 $0xF7A, s2;
	p2 =	seq.s32 @!p0 s5, $0x0  }
0x1f: {  	s9 =	smul.u32 $0xF7A, s1;
	s8 =	simm.s32 @!p0 $0x1BF5;
	p2 =	por !p2, p0  }
0x20: {  	[sflag:s8] =	ssyncset.s32 @!p0 $0xFFFFF086;
	s6 =	sadd.s32 @!p0 s3, s7;
	s7 =	simm.s32 @!p0 $0x108  }
0x21: {  	s3 =	sadd.s32 s3, s9;
	s6 =	sadd.s32 @!p0 $0x88, s6;
	s7 =	simm.s32 @p2 $0x1082  }
0x22: {  	[simem:s7], [sflag:s8] =	dma.local @!p0 [hbm:s6], $0xF7A  }
0x23: {  	s9 =	sor.u32 $0xD0000000, s2;
	s6 =	simm.s32 $0x108;
	_ =	swait.ge @!p0 [sflag:s8], $0x0  }
0x24: {  	s3 =	sadd.s32 $0x88, s3;
	s6 =	simm.s32 @!p1 $0x1082;
	[sflag:s4] =	ssyncset.s32 $0xFFFFF086  }
0x25: {  	[simem:s6], [sflag:s4] =	dma.local [hbm:s3], $0xF7A  }
0x26: {  	[smem:$0x3F9B] =	sst s1;
	(tag) =	ssettag s2;
	_ =	strace s9  }
0x27: {  	s1 =	sld [smem:$0x3FAB]  }
0x28: {  	s2 =	sld [smem:$0x3FAC]  }
0x29: {  	s4 =	sld [smem:$0x3FAE]  }
0x2a: {  	p0 =	seq.s32 s5, $0x0;
	s5 =	sld [smem:$0x3FAF]  }
0x2b: {  	s6 =	sld [smem:$0x3FB0]  }
0x2c: {  	s7 =	sld [smem:$0x3FB1]  }
0x2d: {  	s3 =	simm.s32 $0x108;
	s8 =	sld [smem:$0x3FB2]  }
0x2e: {  	s3 =	simm.s32 @!p0 $0x1082;
	s9 =	sld [smem:$0x3FB3]  }
0x2f: {  	lr =	sadd.s32 s0, s3;
	s0 =	sld [smem:$0x3FAA]  }
0x30: {  	s3 =	sld [smem:$0x3FAD]  }
0x31: {  	[smem:$0x3FB6] =	sst s10  }
0x32: {  	s10 =	sld [smem:$0x3FB4];
	_ =	sdelay $0x3  }
0x33: {  	p0 =	seq.s32 s10, $0x1;
	s10 =	sld [smem:$0x3FB6];
	_ =	sdelay $0x3  }
0x34: {  	[smem:$0x3FB6] =	sst s10  }
0x35: {  	s10 =	sld [smem:$0x3FB5];
	_ =	sdelay $0x3  }
0x36: {  	p1 =	seq.s32 s10, $0x1;
	s10 =	sld [smem:$0x3FB6];
	_ =	sdelay $0x3  }
0x37: {  	[smem:$0x3FB6] =	sst s10  }
0x38: {  	s10 =	sld [smem:$0x3FB7]  }
0x39: {  	_ = 	snop;
	(pc) =	sbr.ind lr, $3  }
0x3a: {  	_ = 	snop  }
0x3b: {  	_ = 	snop  }
0x3c: {  	p2 =	seq.s32 s10, $0x1;
	s10 =	sld [smem:$0x3FB6]  }
0x3d: {  	_ =	shalt  }
0x3e: {  	_ =	shalt  }
0x3f: {  	_ =	shalt  }
0x40: {  	_ =	shalt  }
0x41: {  	_ =	shalt  }
0x42: {  	_ =	shalt  }
0x43: {  	_ =	shalt  }
0x44: {  	_ =	shalt  }
0x45: {  	_ =	shalt  }
0x46: {  	_ =	shalt  }
0x47: {  	_ =	shalt  }
0x48: {  	_ =	shalt  }
0x49: {  	_ =	shalt  }
0x4a: {  	_ =	shalt  }
0x4b: {  	_ =	shalt  }
0x4c: {  	_ =	shalt  }
0x4d: {  	_ =	shalt  }
0x4e: {  	_ =	shalt  }
0x4f: {  	_ =	shalt  }
0x50: {  	_ =	shalt  }
0x51: {  	_ =	shalt  }
0x52: {  	_ =	shalt  }
0x53: {  	_ =	shalt  }
0x54: {  	_ =	shalt  }
0x55: {  	_ =	shalt  }
0x56: {  	_ =	shalt  }
0x57: {  	_ =	shalt  }
0x58: {  	_ =	shalt  }
0x59: {  	_ =	shalt  }
0x5a: {  	_ =	shalt  }
0x5b: {  	_ =	shalt  }
0x5c: {  	_ =	shalt  }
0x5d: {  	_ =	shalt  }
0x5e: {  	_ =	shalt  }
0x5f: {  	_ =	shalt  }
0x60: {  	_ =	shalt  }
0x61: {  	_ =	shalt  }
0x62: {  	_ =	shalt  }
0x63: {  	_ =	shalt  }
0x64: {  	_ =	shalt  }
0x65: {  	_ =	shalt  }
0x66: {  	_ =	shalt  }
0x67: {  	_ =	shalt  }
0x68: {  	_ =	shalt  }
0x69: {  	_ =	shalt  }
0x6a: {  	_ =	shalt  }
0x6b: {  	_ =	shalt  }
0x6c: {  	_ =	shalt  }
0x6d: {  	_ =	shalt  }
0x6e: {  	_ =	shalt  }
0x6f: {  	_ =	shalt  }
0x70: {  	_ =	shalt  }
0x71: {  	_ =	shalt  }
0x72: {  	_ =	shalt  }
0x73: {  	_ =	shalt  }
0x74: {  	_ =	shalt  }
0x75: {  	_ =	shalt  }
0x76: {  	_ =	shalt  }
0x77: {  	_ =	shalt  }
0x78: {  	_ =	shalt  }
0x79: {  	_ =	shalt  }
0x7a: {  	_ =	shalt  }
0x7b: {  	_ =	shalt  }
0x7c: {  	_ =	shalt  }
0x7d: {  	_ =	shalt  }
0x7e: {  	_ =	shalt  }
0x7f: {  	_ =	shalt  }
0x80: {  	_ =	shalt  }
0x81: {  	_ =	shalt  }
0x82: {  	_ =	shalt  }
0x83: {  	_ =	shalt  }
0x84: {  	_ =	shalt  }
0x85: {  	_ =	shalt  }
0x86: {  	_ =	shalt  }
0x87: {  	_ =	shalt  }
.Lfunc_end0:
.L_simem_size_0:
called_computation_lowered:
.L_overlay_start_0:
0x88: {  	s2 =	sld [smem:$0x3FD9]  }
0x89: {  	s3 =	sld [smem:$0x3FFE];
	_ =	sdelay $0x1  }
0x8a: {  	s1 =	srdreg.scid  }
0x8b: {  	s0 =	sand.u32 $0x1, s1  }
0x8c: {  	s17 =	sshll.u32 s0, $0xA;
	s2 =	sadd.s32 s3, s2  }
0x8d: {  	s2 =	sadd.s32 s2, s17  }
0x8e: {  	[smem:$0x3FC2] =	sst s2  }
0x8f: {  	_ = 	snop  }
0x90: {  	s2 =	sld [smem:$0x3FD0];
	(tm) =	ssettm $0x1  }
0x91: {  	s18 =	sld [smem:$0x3FFB];
	_ =	sdelay $0x3  }
0x92: {  	_ =	strace s18  }
0x93: {  	s3 =	sld [smem:$0x3FFC];
	_ =	sdelay $0x3  }
0x94: {  	_ =	strace s3  }
0x95: {  	s3 =	sld [smem:$0x3FFD];
	_ =	sdelay $0x3  }
0x96: {  	_ =	strace s3  }
0x97: {  	_ =	strace $0x8FFFFFFF  }
0x98: {  	s19 =	sld [smem:$0x3FDB];
	_ =	sdelay $0x1  }
0x99: {  	s4 =	simm.s32 $_scs_section_size  }
0x9a: {  	s5 =	simm.s32 $_size__tile_overlayer_lowered;
	s6 =	simm.s32 $_tile_overlayer_lowered  }
0x9b: {  	s22 =	simm.s32 $0x1BFF;
	s21 =	sshll.u32 s6, $0x1;
	s3 =	sadd.s32 s4, s19  }
0x9c: {  	s7 =	simm.s32 $0x0;
	s20 =	sshll.u32 s5, $0x1;
	s5 =	sadd.s32 s21, s3  }
0x9d: {  	[timem:s7], [sflag:s22] =	dma.local [hbm:s5], s20  }
0x9e: {  	_ =	swait.ge [sflag:s22], s20  }
0x9f: {  	s4 =	ssub.s32 $0x0, s20;
	[sflag:s22] =	ssyncset.done $0x0  }
0xa0: {  	[sflag:s22] =	ssyncadd.s32 s4;
	_ =	sdelay $0x1  }
0xa1: {  	s23 =	simm.s32 $0x1B8B  }
0xa2: {  	_ =	swait.ge [sflag:s23], $0x1  }
0xa3: {  	[sflag:s23] =	ssyncset.done $0x0  }
0xa4: {  	s25 =	simm.s32 $0x1B8E;
	s24 =	sld [smem:$0x3FFE];
	[sflag:s23] =	ssyncadd.s32 $0xFFFFFFFF  }
0xa5: {  	s26 =	simm.s32 $execute0_lowered;
	[smem:$0x3FD2] =	sst s25  }
0xa6: {  	s5 =	sshll.u32 s26, $0x1;
	_ =	strace $0x80000046;
	[dreg:$0x1] =	wrdreg $0xFFFFFFFF  }
0xa7: {  	s28 =	simm.s32 $_size_execute0_lowered;
	s3 =	sadd.s32 s3, s5;
	[dreg:$0x0] =	wrdreg $0x0  }
0xa8: {  	s5 =	sshll.u32 s28, $0x1;
	[dreg:$0x2] =	wrdreg s3  }
0xa9: {  	[dreg:$0x3] =	wrdreg s5  }
0xaa: {  	[dreg:$0x4] =	wrdreg $0xC0  }
0xab: {  	_ =	task [dreg:s7], $0x5FFFF  }
0xac: {  	[dreg:$0x1] =	wrdreg $0xFFFFFFFF  }
0xad: {  	[dreg:$0x0] =	wrdreg $0x60  }
0xae: {  	[dreg:$0x2] =	wrdreg s24  }
0xaf: {  	[dreg:$0x3] =	wrdreg s2  }
0xb0: {  	[dreg:$0x4] =	wrdreg $0x2B000  }
0xb1: {  	[dreg:$0x5] =	wrdreg $0x9  }
0xb2: {  	_ =	task.clear_ibuf [dreg:s7], $0x6FFFF;
	_ =	strace $0x90000046  }
0xb3: {  	s29 =	simm.s32 $0x9;
	_ =	strace $0x80000048  }
0xb4: {  	_ =	swait.ge [sflag:s29], $0x1  }
0xb5: {  	[sflag:s29] =	ssyncadd.s32 $0xFFFFFFFF  }
0xb6: {  	_ =	strace $0x90000048  }
0xb7: {  	_ =	sfence  }
0xb8: {  	s30 =	sld [smem:$0x0];
	_ =	sdelay $0x2  }
0xb9: {  	s31 =	sshll.u32 s1, $0xD;
	s1 =	sshrl.u32 s1, $0x2  }
0xba: {  	s3 =	sand.u32 $0x4000, s31;
	s1 =	sadd.s32 s1, s30  }
0xbb: {  	s0 =	sor.u32 s3, s0;
	s1 =	sshll.u32 s1, $0x11  }
0xbc: {  	s0 =	sor.u32 s1, s0  }
0xbd: {  	s0 =	sadd.s32 $0x8F2B, s0  }
0xbe: {  	[sflag:s0] =	ssyncadd.remote.s32 $0x1  }
0xbf: {  	_ =	sfence.sel $0xFFFF  }
0xc0: {  	[dreg:$0x0] =	wrdreg $0xFFFFFFFF;
	(pc) =	sbr.abs _section_cstart, $3  }
0xc1: {  	[dreg:$0x1] =	wrdreg $0xFFFFFFFF  }
0xc2: {  	_ =	task.clear_ibuf [dreg:s7], $0x2FFFF;
	_ =	strace $0x9FFFFFFF  }
0xc3: {  	(tm) =	ssettm $0x7FFFFFFF  }
tec
execute0_lowered:
.L_overlay_start_1:
0x0: {  	(tag) =	ssettag $0x1  }
0x1: {  	s4 =	rddreg [dreg:$0x0]  }
0x2: {  	s0 =	srdreg.scid;
	s6 =	rddreg [dreg:$0x1]  }
0x3: {  	s2 =	rddreg [dreg:$0x2];
	s1 =	stileid.u32  }
0x4: {  	s3 =	simm.s32 $0x0;
	s11 =	simm.s32 $0x2800;
	s12 =	simm.s32 $0x1  }
0x5: {  	s15 =	simm.s32 $0x20;
	s16 =	simm.s32 $0x10;
	s17 =	simm.s32 $0x0  }
0x6: {  	s5 =	sand.u32 $0x1, s0;
	s0 =	rddreg [dreg:$0x3];
	s8 =	smul.u32 $0x500, s1  }
0x7: {  	[smem:$0x7FF] =	sst s3;
	s10 =	smul.u32 $0xA00, s1;
	s13 =	sshll.u32 s1, $0x6  }
0x8: {  	s7 =	sshll.u32 s5, $0x4;
	_ =	strace $0x80000047;
	s9 =	ssub.s32 $0x2, s5  }
0x9: {  	s5 =	sshll.u32 s5, $0x7;
	s13 =	sor.u32 $0x1C02, s13;
	s7 =	sor.u32 s1, s7  }
0xa: {  	s28 =	sshrl.u32 s9, $0x1;
	s5 =	sor.u32 s5, s8;
	s30 =	sshrl.u32 s10, $0x2  }
0xb: {  	s8 =	simm.s32 $0x2880;
	s10 =	simm.s32 $0x80;
	s7 =	smul.u32 $0x500, s7  }
0xc: {  	s29 =	ssub.s32 s9, s28;
	s31 =	sshrl.u32 s5, $0x3;
	s9 =	simm.s32 $0x2  }
0xd: {  	s6 =	sadd.s32 s6, s31;
	s7 =	sadd.s32 s7, s4;
	s4 =	sadd.s32 s30, s2  }
0xe: {  	v0 =	vimm.f32 $0.0e+00;
	v1 =	vimm.f32 $1.000000000e+00;
	s5 =	sadd.s32 $0xC800, s7;
	s7 =	smax.u32 s29, $0x1;
	s14 =	sshrl.u32 s4, $0x3  }
.LBB2_1:
0xf: {  	[tilespmem:$0x2880] =	vst v0  }
0x10: {  	[tilespmem:$0x2890] =	vst v0  }
0x11: {  	[tilespmem:$0x28A0] =	vst v0  }
0x12: {  	[tilespmem:$0x28B0] =	vst v0  }
0x13: {  	[tilespmem:$0x28C0] =	vst v0  }
0x14: {  	[tilespmem:$0x28D0] =	vst v0  }
0x15: {  	[tilespmem:$0x28E0] =	vst v0  }
0x16: {  	[tilespmem:$0x28F0] =	vst v0  }
0x17: {  	[tilespmem:$0x2900] =	vst v0  }
0x18: {  	[tilespmem:$0x2910] =	vst v0  }
0x19: {  	[tilespmem:$0x2920] =	vst v0  }
0x1a: {  	[tilespmem:$0x2930] =	vst v0  }
0x1b: {  	[tilespmem:$0x2940] =	vst v0  }
0x1c: {  	[tilespmem:$0x2950] =	vst v0  }
0x1d: {  	[tilespmem:$0x2960] =	vst v0  }
0x1e: {  	[tilespmem:$0x2970] =	vst v0  }
0x1f: {  	[tilespmem:$0x2980] =	vst v0  }
0x20: {  	[tilespmem:$0x2990] =	vst v0  }
0x21: {  	[tilespmem:$0x29A0] =	vst v0  }
0x22: {  	[tilespmem:$0x29B0] =	vst v0  }
0x23: {  	[tilespmem:$0x29C0] =	vst v0  }
0x24: {  	[tilespmem:$0x29D0] =	vst v0  }
0x25: {  	[tilespmem:$0x29E0] =	vst v0  }
0x26: {  	[tilespmem:$0x29F0] =	vst v0  }
0x27: {  	[tilespmem:$0x2A00] =	vst v0  }
0x28: {  	[tilespmem:$0x2A10] =	vst v0  }
0x29: {  	[tilespmem:$0x2A20] =	vst v0  }
0x2a: {  	[tilespmem:$0x2A30] =	vst v0  }
0x2b: {  	[tilespmem:$0x2A40] =	vst v0  }
0x2c: {  	[tilespmem:$0x2A50] =	vst v0  }
0x2d: {  	[tilespmem:$0x2A60] =	vst v0  }
0x2e: {  	[tilespmem:$0x2A70] =	vst v0  }
0x2f: {  	[tilespmem:$0x2A80] =	vst v0  }
0x30: {  	[tilespmem:$0x2A90] =	vst v0  }
0x31: {  	[tilespmem:$0x2AA0] =	vst v0  }
0x32: {  	[tilespmem:$0x2AB0] =	vst v0  }
0x33: {  	[tilespmem:$0x2AC0] =	vst v0  }
0x34: {  	[tilespmem:$0x2AD0] =	vst v0  }
0x35: {  	[tilespmem:$0x2AE0] =	vst v0  }
0x36: {  	[tilespmem:$0x2AF0] =	vst v0  }
0x37: {  	[tilespmem:$0x2800] =	vst v1  }
0x38: {  	[tilespmem:$0x2810] =	vst v1  }
0x39: {  	[tilespmem:$0x2820] =	vst v1  }
0x3a: {  	[tilespmem:$0x2830] =	vst v1  }
0x3b: {  	[tilespmem:$0x2840] =	vst v1  }
0x3c: {  	[tilespmem:$0x2850] =	vst v1  }
0x3d: {  	[tilespmem:$0x2860] =	vst v1  }
0x3e: {  	[tilespmem:$0x2870] =	vst v1  }
0x3f: {  	[spmem:s4] =	stream.linear.scatter [tilespmem:s8], [sflag:$0x2], $0x280, $0x38;
	[tilespmem:$0x2D80] =	vst v63  }
0x40: {  	_ =	swait.ge [sflag:s9], $0x280  }
0x41: {  	[sflag:s9] =	ssyncset.done $0x0  }
0x42: {  	[sflag:s9] =	ssyncadd.s32 $0xFFFFFD80  }
0x43: {  	[tilespmem:s3], [sflag:$0x2] =	stream.linear.gather [hbm4b:s5+s3], $0x2800, $0x38;
	[tilespmem:$0x2D80] =	vst v63  }
0x44: {  	_ =	swait.ge [sflag:s9], $0x2800  }
0x45: {  	[sflag:s9] =	ssyncset.done $0x0  }
0x46: {  	[sflag:s9] =	ssyncadd.s32 $0xFFFFD800  }
0x47: {  	s18 =	simm.s32 $0x0;
	[bflag:$0x0] =	sbarrier.arrive $0xFFFF  }
0x48: {  	[spmem:s2] =	stream.indirect.scatter.add.f32 [tilespmem:s11], [sflag:$0x1], $0x1, s18, s10, $0xb8;
	[tilespmem:$0x2D80] =	vst v63  }
0x49: {  	s24 =	simm.s32 $0x80  }
0x4a: {  	[spmem:s2] =	stream.indirect.scatter.add.f32 [tilespmem:s11], [sflag:$0x1], $0x1, s24, s10, $0xb8;
	[tilespmem:$0x2D80] =	vst v63  }
0x4b: {  	s25 =	simm.s32 $0x100  }
0x4c: {  	[spmem:s2] =	stream.indirect.scatter.add.f32 [tilespmem:s11], [sflag:$0x1], $0x1, s25, s10, $0xb8;
	[tilespmem:$0x2D80] =	vst v63  }
0x4d: {  	s26 =	simm.s32 $0x180  }
0x4e: {  	[spmem:s2] =	stream.indirect.scatter.add.f32 [tilespmem:s11], [sflag:$0x1], $0x1, s26, s10, $0xb8;
	[tilespmem:$0x2D80] =	vst v63  }
0x4f: {  	s28 =	simm.s32 $0x200  }
0x50: {  	[spmem:s2] =	stream.indirect.scatter.add.f32 [tilespmem:s11], [sflag:$0x1], $0x1, s28, s10, $0xb8;
	[tilespmem:$0x2D80] =	vst v63  }
0x51: {  	s29 =	simm.s32 $0x280  }
0x52: {  	[spmem:s2] =	stream.indirect.scatter.add.f32 [tilespmem:s11], [sflag:$0x1], $0x1, s29, s10, $0xb8;
	[tilespmem:$0x2D80] =	vst v63  }
0x53: {  	s30 =	simm.s32 $0x300  }
0x54: {  	[spmem:s2] =	stream.indirect.scatter.add.f32 [tilespmem:s11], [sflag:$0x1], $0x1, s30, s10, $0xb8;
	[tilespmem:$0x2D80] =	vst v63  }
0x55: {  	s31 =	simm.s32 $0x380  }
0x56: {  	[spmem:s2] =	stream.indirect.scatter.add.f32 [tilespmem:s11], [sflag:$0x1], $0x1, s31, s10, $0xb8;
	[tilespmem:$0x2D80] =	vst v63  }
0x57: {  	_ =	swait.ge [sflag:s12], $0x80  }
0x58: {  	[sflag:s12] =	ssyncset.done $0x0  }
0x59: {  	[sflag:s12] =	ssyncadd.s32 $0xFFFFFF80  }
0x5a: {  	_ =	swait.ge [sflag:s12], $0x80  }
0x5b: {  	[sflag:s12] =	ssyncset.done $0x0  }
0x5c: {  	[sflag:s12] =	ssyncadd.s32 $0xFFFFFF80  }
0x5d: {  	_ =	swait.ge [sflag:s12], $0x80  }
0x5e: {  	[sflag:s12] =	ssyncset.done $0x0  }
0x5f: {  	[sflag:s12] =	ssyncadd.s32 $0xFFFFFF80  }
0x60: {  	_ =	swait.ge [sflag:s12], $0x80  }
0x61: {  	[sflag:s12] =	ssyncset.done $0x0  }
0x62: {  	[sflag:s12] =	ssyncadd.s32 $0xFFFFFF80  }
0x63: {  	_ =	swait.ge [sflag:s12], $0x80  }
0x64: {  	[sflag:s12] =	ssyncset.done $0x0  }
0x65: {  	[sflag:s12] =	ssyncadd.s32 $0xFFFFFF80  }
0x66: {  	_ =	swait.ge [sflag:s12], $0x80  }
0x67: {  	[sflag:s12] =	ssyncset.done $0x0  }
0x68: {  	[sflag:s12] =	ssyncadd.s32 $0xFFFFFF80  }
0x69: {  	_ =	swait.ge [sflag:s12], $0x80  }
0x6a: {  	[sflag:s12] =	ssyncset.done $0x0  }
0x6b: {  	[sflag:s12] =	ssyncadd.s32 $0xFFFFFF80  }
0x6c: {  	_ =	swait.ge [sflag:s12], $0x80  }
0x6d: {  	s20 =	simm.s32 $0x2000;
	s18 =	simm.s32 $0x1000;
	[sflag:s12] =	ssyncset.done $0x0  }
.LBB2_2:
0x6e: {  	s21 =	sshra.s32 s18, $0x2  }
0x6f: {  	[sflag:s12] =	ssyncadd.s32 $0xFFFFFF80;
	s18 =	smov.u32 s20;
	s19 =	sadd.s32 $0x1000, s20  }
0x70: {  	[spmem:s2] =	stream.indirect.scatter.add.f32 [tilespmem:s11], [sflag:$0x1], $0x1, s21, s10, $0xb8;
	[tilespmem:$0x2D80] =	vst v63  }
0x71: {  	p0 =	sne.s32 s20, $0x9000;
	s20 =	sadd.s32 $0x80, s21  }
0x72: {  	[spmem:s2] =	stream.indirect.scatter.add.f32 [tilespmem:s11], [sflag:$0x1], $0x1, s20, s10, $0xb8;
	[tilespmem:$0x2D80] =	vst v63  }
0x73: {  	s20 =	sadd.s32 $0x100, s21  }
0x74: {  	[spmem:s2] =	stream.indirect.scatter.add.f32 [tilespmem:s11], [sflag:$0x1], $0x1, s20, s10, $0xb8;
	[tilespmem:$0x2D80] =	vst v63  }
0x75: {  	s20 =	sadd.s32 $0x180, s21  }
0x76: {  	[spmem:s2] =	stream.indirect.scatter.add.f32 [tilespmem:s11], [sflag:$0x1], $0x1, s20, s10, $0xb8;
	[tilespmem:$0x2D80] =	vst v63  }
0x77: {  	s20 =	sadd.s32 $0x200, s21  }
0x78: {  	[spmem:s2] =	stream.indirect.scatter.add.f32 [tilespmem:s11], [sflag:$0x1], $0x1, s20, s10, $0xb8;
	[tilespmem:$0x2D80] =	vst v63  }
0x79: {  	s20 =	sadd.s32 $0x280, s21  }
0x7a: {  	[spmem:s2] =	stream.indirect.scatter.add.f32 [tilespmem:s11], [sflag:$0x1], $0x1, s20, s10, $0xb8;
	[tilespmem:$0x2D80] =	vst v63  }
0x7b: {  	s20 =	sadd.s32 $0x300, s21  }
0x7c: {  	[spmem:s2] =	stream.indirect.scatter.add.f32 [tilespmem:s11], [sflag:$0x1], $0x1, s20, s10, $0xb8;
	[tilespmem:$0x2D80] =	vst v63  }
0x7d: {  	s20 =	sadd.s32 $0x380, s21  }
0x7e: {  	[spmem:s2] =	stream.indirect.scatter.add.f32 [tilespmem:s11], [sflag:$0x1], $0x1, s20, s10, $0xb8;
	[tilespmem:$0x2D80] =	vst v63  }
0x7f: {  	_ =	swait.ge [sflag:s12], $0x80  }
0x80: {  	[sflag:s12] =	ssyncset.done $0x0  }
0x81: {  	[sflag:s12] =	ssyncadd.s32 $0xFFFFFF80  }
0x82: {  	_ =	swait.ge [sflag:s12], $0x80  }
0x83: {  	[sflag:s12] =	ssyncset.done $0x0  }
0x84: {  	[sflag:s12] =	ssyncadd.s32 $0xFFFFFF80  }
0x85: {  	_ =	swait.ge [sflag:s12], $0x80  }
0x86: {  	[sflag:s12] =	ssyncset.done $0x0  }
0x87: {  	[sflag:s12] =	ssyncadd.s32 $0xFFFFFF80  }
0x88: {  	_ =	swait.ge [sflag:s12], $0x80  }
0x89: {  	[sflag:s12] =	ssyncset.done $0x0  }
0x8a: {  	[sflag:s12] =	ssyncadd.s32 $0xFFFFFF80  }
0x8b: {  	_ =	swait.ge [sflag:s12], $0x80  }
0x8c: {  	[sflag:s12] =	ssyncset.done $0x0  }
0x8d: {  	[sflag:s12] =	ssyncadd.s32 $0xFFFFFF80  }
0x8e: {  	_ =	swait.ge [sflag:s12], $0x80  }
0x8f: {  	[sflag:s12] =	ssyncset.done $0x0  }
0x90: {  	[sflag:s12] =	ssyncadd.s32 $0xFFFFFF80  }
.Ltmp0:
0x91: {  	_ =	swait.ge [sflag:s12], $0x80;
	(pc) =	sbr.rel @p0 .LBB2_2-.Ltmp0, $4  }
0x92: {  	[sflag:s12] =	ssyncset.done $0x0  }
0x93: {  	[sflag:s12] =	ssyncadd.s32 $0xFFFFFF80  }
0x94: {  	_ =	swait.ge [sflag:s12], $0x80  }
0x95: {  	s20 =	smov.u32 s19;
	[sflag:s12] =	ssyncset.done $0x0  }
0x96: {  	s18 =	sshra.s32 s18, $0x2;
	[sflag:s12] =	ssyncadd.s32 $0xFFFFFF80  }
0x97: {  	[spmem:s2] =	stream.indirect.scatter.add.f32 [tilespmem:s11], [sflag:$0x1], $0x1, s18, s10, $0xb8;
	[tilespmem:$0x2D80] =	vst v63  }
0x98: {  	s19 =	sadd.s32 $0x80, s18  }
0x99: {  	[spmem:s2] =	stream.indirect.scatter.add.f32 [tilespmem:s11], [sflag:$0x1], $0x1, s19, s10, $0xb8;
	[tilespmem:$0x2D80] =	vst v63  }
0x9a: {  	s26 =	sadd.s32 $0x100, s18  }
0x9b: {  	[spmem:s2] =	stream.indirect.scatter.add.f32 [tilespmem:s11], [sflag:$0x1], $0x1, s26, s10, $0xb8;
	[tilespmem:$0x2D80] =	vst v63  }
0x9c: {  	s28 =	sadd.s32 $0x180, s18  }
0x9d: {  	[spmem:s2] =	stream.indirect.scatter.add.f32 [tilespmem:s11], [sflag:$0x1], $0x1, s28, s10, $0xb8;
	[tilespmem:$0x2D80] =	vst v63  }
0x9e: {  	s29 =	sadd.s32 $0x200, s18  }
0x9f: {  	[spmem:s2] =	stream.indirect.scatter.add.f32 [tilespmem:s11], [sflag:$0x1], $0x1, s29, s10, $0xb8;
	[tilespmem:$0x2D80] =	vst v63  }
0xa0: {  	s30 =	sadd.s32 $0x280, s18  }
0xa1: {  	[spmem:s2] =	stream.indirect.scatter.add.f32 [tilespmem:s11], [sflag:$0x1], $0x1, s30, s10, $0xb8;
	[tilespmem:$0x2D80] =	vst v63  }
0xa2: {  	s31 =	sadd.s32 $0x300, s18  }
0xa3: {  	[spmem:s2] =	stream.indirect.scatter.add.f32 [tilespmem:s11], [sflag:$0x1], $0x1, s31, s10, $0xb8;
	[tilespmem:$0x2D80] =	vst v63  }
0xa4: {  	s18 =	sadd.s32 $0x380, s18  }
0xa5: {  	[spmem:s2] =	stream.indirect.scatter.add.f32 [tilespmem:s11], [sflag:$0x1], $0x1, s18, s10, $0xb8;
	[tilespmem:$0x2D80] =	vst v63  }
0xa6: {  	_ =	swait.ge [sflag:s12], $0x80  }
0xa7: {  	[sflag:s12] =	ssyncset.done $0x0  }
0xa8: {  	[sflag:s12] =	ssyncadd.s32 $0xFFFFFF80  }
0xa9: {  	_ =	swait.ge [sflag:s12], $0x80  }
0xaa: {  	[sflag:s12] =	ssyncset.done $0x0  }
0xab: {  	[sflag:s12] =	ssyncadd.s32 $0xFFFFFF80  }
0xac: {  	_ =	swait.ge [sflag:s12], $0x80  }
0xad: {  	[sflag:s12] =	ssyncset.done $0x0  }
0xae: {  	[sflag:s12] =	ssyncadd.s32 $0xFFFFFF80  }
0xaf: {  	_ =	swait.ge [sflag:s12], $0x80  }
0xb0: {  	[sflag:s12] =	ssyncset.done $0x0  }
0xb1: {  	[sflag:s12] =	ssyncadd.s32 $0xFFFFFF80  }
0xb2: {  	_ =	swait.ge [sflag:s12], $0x80  }
0xb3: {  	[sflag:s12] =	ssyncset.done $0x0  }
0xb4: {  	[sflag:s12] =	ssyncadd.s32 $0xFFFFFF80  }
0xb5: {  	_ =	swait.ge [sflag:s12], $0x80  }
0xb6: {  	[sflag:s12] =	ssyncset.done $0x0  }
0xb7: {  	[sflag:s12] =	ssyncadd.s32 $0xFFFFFF80  }
0xb8: {  	_ =	swait.ge [sflag:s12], $0x80  }
0xb9: {  	[sflag:s12] =	ssyncset.done $0x0  }
0xba: {  	[sflag:s12] =	ssyncadd.s32 $0xFFFFFF80  }
0xbb: {  	_ =	swait.ge [sflag:s12], $0x80  }
0xbc: {  	s17 =	sadd.s32 $0x1, s17;
	[sflag:s12] =	ssyncset.done $0x0  }
0xbd: {  	p0 =	sne.s32 s17, s7;
	[sflag:s12] =	ssyncadd.s32 $0xFFFFFF80  }
.Ltmp1:
0xbe: {  	[bflag:$0x0] =	sbarrier.arrive $0xFFFF;
	(pc) =	sbr.rel @p0 .LBB2_1-.Ltmp1, $4  }
0xbf: {  	[hbm:s6@s15], [sflag:s13] =	dma.strided [spmem:s14@s16], $0x50, s12, $0x10   }
0xc0: {  	_ =	swait.ge [sflag:s9], $0x50  }
0xc1: {  	[sflag:s9] =	ssyncset.done $0x0  }
0xc2: {  	[sflag:s9] =	ssyncadd.s32 $0xFFFFFFB0  }
0xc3: {  	_ =	sfence.sel $0x180000  }
0xc4: {  	[bflag:$0x0] =	sbarrier.arrive $0xFFFF  }
0xc5: {  	p0 =	sne.s32 s1, $0x0;
	_ =	strace $0x90000047  }
0xc6: {  	s0 =	sadd.s32 @!p0 $0x100000, s0;
	[bflag:$0x2] =	sbarrier.arrive $0xFFFF  }
0xc7: {  	[sflag:s0] =	ssyncadd.tile.s32 @!p0 $0x1;
	_ =	shalt  }
.Lfunc_end2:
_tile_overlayer_lowered:
.L_overlay_start_2:
0xc8: {  	(tag) =	ssettag $0x2  }
0xc9: {  	s0 =	rddreg [dreg:$0x0];
	s2 =	stileid.u32  }
0xca: {  	s1 =	rddreg [dreg:$0x1];
	p0 =	sne.s32 s2, $0x0  }
0xcb: {  	s3 =	rddreg [dreg:$0x2];
	[bflag:$0x3] =	sbarrier.arrive $0xFFFF;
	s2 =	simm.s32 @!p0 $0x1C02  }
0xcc: {  	[timem:s3], [sflag:s2] =	dma.local @!p0 [hbm:s0], s1  }
0xcd: {  	s0 =	simm.s32 @!p0 $0x2  }
0xce: {  	_ =	swait.ge @!p0 [sflag:s0], s1  }
0xcf: {  	s1 =	ssub.s32 @!p0 $0x0, s1;
	[sflag:s0] =	ssyncset.done @!p0 $0x0  }
0xd0: {  	[sflag:s0] =	ssyncadd.s32 @!p0 s1  }
0xd1: {  	[bflag:$0x3] =	sbarrier.arrive $0xFFFF  }
0xd2: {  	_ =	shalt  }

</sc_bundles>
